<compile_context>
chip_gen: v7x
topology: tpu7x:2x2x1
jax: 0.10.2.dev20260603
libtpu: 0.0.44.dev20260713+nightly
codegen_flags: <defaults>
</compile_context>

<pallas_src>
import functools

import jax
import jax.numpy as jnp
from jax import lax
from jax.experimental import pallas as pl
from jax.experimental.pallas import tpu as pltpu
from jax.experimental.pallas import tpu_sc as plsc

NC = 2
NS = 16
NW = NC * NS
CHUNK = 128


def _mesh():
    return plsc.VectorSubcoreMesh(core_axis_name="c", subcore_axis_name="s")


def _sc_degree(dst_idx, npad, nch):
    nr = (-(-npad // CHUNK) + NS * 8 - 1) // (NS * 8) * (NS * 8)
    nrt = nr // NS
    nsup = nch // SUP

    @functools.partial(
        pl.kernel,
        out_type=jax.ShapeDtypeStruct((NC, nr, CHUNK), jnp.float32),
        mesh=_mesh(),
        compiler_params=pltpu.CompilerParams(needs_layout_passes=False),
        scratch_types=[
            pltpu.VMEM((SUP, CHUNK), jnp.int32),
            pltpu.VMEM((nr, CHUNK), jnp.float32),
            pltpu.VMEM((nr,), jnp.int32),
            pltpu.VMEM_SHARED((nr, CHUNK), jnp.float32),
        ],
    )
    def k(dst_hbm, out_hbm, idx_d, hist, rowidx, acc):
        c = lax.axis_index("c")
        s = lax.axis_index("s")
        wid = c * NS + s
        zeros16 = jnp.zeros((16,), jnp.float32)
        ones16 = jnp.ones((16,), jnp.float32)

        def zero_body(i, carry):
            for v in range(CHUNK // 16):
                hist[i, pl.ds(v * 16, 16)] = zeros16
            return carry

        lax.fori_loop(0, nr, zero_body, None)
        for i in range(nr // 16):
            rowidx[pl.ds(i * 16, 16)] = lax.iota(jnp.int32, 16) + i * 16
        rows = pl.ds(s * nrt, nrt)
        pltpu.sync_copy(hist.at[rows], acc.at[rows])
        plsc.subcore_barrier()

        def sup_body(sup, carry):
            pltpu.sync_copy(dst_hbm.at[wid, sup], idx_d)
            for j in range(SUP):
                for v in range(CHUNK // 16):
                    vec = idx_d[j, pl.ds(v * 16, 16)]
                    plsc.addupdate_scatter(
                        hist,
                        [lax.shift_right_logical(vec, 7),
                         lax.bitwise_and(vec, 127)],
                        ones16,
                    )
            return carry

        lax.fori_loop(0, nsup, sup_body, None)
        pltpu.sync_copy(hist, acc.at[rowidx], add=True)
        plsc.subcore_barrier()
        pltpu.sync_copy(acc.at[rows], out_hbm.at[c, rows])

    return k(dst_idx)


SUP = 8


def _sc_aggregate(y, src_idx, dst_idx, zeros_big, npad, nch, d):
    rpt = npad // NS
    npair = nch // (2 * SUP)

    @functools.partial(
        pl.kernel,
        out_type=jax.ShapeDtypeStruct((NC, npad, d), jnp.float32),
        mesh=_mesh(),
        scratch_types=[
            pltpu.VMEM((SUP, CHUNK), jnp.int32),
            pltpu.VMEM((SUP, CHUNK), jnp.int32),
            pltpu.VMEM((SUP, CHUNK), jnp.int32),
            pltpu.VMEM((SUP, CHUNK), jnp.int32),
            pltpu.VMEM((2, CHUNK, d), jnp.float32),
            pltpu.SemaphoreType.DMA((2,)),
            pltpu.SemaphoreType.DMA((2,)),
            pltpu.VMEM_SHARED((npad, d), jnp.float32),
        ],
    )
    def k(y_hbm, src_hbm, dst_hbm, z_hbm, out_hbm,
          idx_s0, idx_d0, idx_s1, idx_d1, buf, gsem, ssem, acc):
        c = lax.axis_index("c")
        s = lax.axis_index("s")
        wid = c * NS + s
        rows = pl.ds(s * rpt, rpt)
        pltpu.sync_copy(z_hbm.at[rows], acc.at[rows])
        plsc.subcore_barrier()

        def chunk(t, k_off, isr, idr, j):
            slot = (k_off + j) % 2
            if k_off + j >= 2:
                pltpu.make_async_copy(
                    buf.at[slot], acc.at[idr.at[j]], ssem.at[slot]
                ).wait()
            else:
                @pl.when(t > 0)
                def _wait_prev():
                    pltpu.make_async_copy(
                        buf.at[slot], acc.at[idr.at[j]], ssem.at[slot]
                    ).wait()
            pltpu.async_copy(y_hbm.at[isr.at[j]], buf.at[slot],
                             gsem.at[slot])
            pltpu.make_async_copy(y_hbm.at[isr.at[j]], buf.at[slot],
                                  gsem.at[slot]).wait()
            pltpu.make_async_copy(
                buf.at[slot], acc.at[idr.at[j]], ssem.at[slot]
            ).start(add=True)

        def pair_body(t, carry):
            sup0 = 2 * t
            pltpu.sync_copy(src_hbm.at[wid, sup0], idx_s0)
            pltpu.sync_copy(dst_hbm.at[wid, sup0], idx_d0)
            for j in range(SUP):
                chunk(t, 0, idx_s0, idx_d0, j)
            pltpu.sync_copy(src_hbm.at[wid, sup0 + 1], idx_s1)
            pltpu.sync_copy(dst_hbm.at[wid, sup0 + 1], idx_d1)
            for j in range(SUP):
                chunk(t, SUP, idx_s1, idx_d1, j)
            return carry

        lax.fori_loop(0, npair, pair_body, None)
        for slot in range(2):
            pltpu.make_async_copy(
                buf.at[slot], acc.at[idx_d1.at[SUP - 2 + slot]],
                ssem.at[slot]
            ).wait()
        plsc.subcore_barrier()
        pltpu.sync_copy(acc.at[rows], out_hbm.at[c, rows])

    return k(y, src_idx, dst_idx, zeros_big)


def _tc_prep(x, w1, degp, n, d):
    r = 2000
    g = n // r

    def body(x_ref, w_ref, dp_ref, y_ref, dinv_ref):
        deg = dp_ref[0] + dp_ref[1]
        dinv = lax.rsqrt(deg + 1.0)
        xw = jnp.dot(x_ref[...], w_ref[...], preferred_element_type=jnp.float32)
        y_ref[...] = xw * dinv
        dinv_ref[...] = dinv

    return pl.pallas_call(
        body,
        grid=(g,),
        in_specs=[
            pl.BlockSpec((r, d), lambda i: (i, 0)),
            pl.BlockSpec((d, d), lambda i: (0, 0)),
            pl.BlockSpec((NC, r, 1), lambda i: (0, i, 0)),
        ],
        out_specs=[
            pl.BlockSpec((r, d), lambda i: (i, 0)),
            pl.BlockSpec((r, 1), lambda i: (i, 0)),
        ],
        out_shape=[
            jax.ShapeDtypeStruct((n, d), jnp.float32),
            jax.ShapeDtypeStruct((n, 1), jnp.float32),
        ],
    )(x, w1, degp)


def _tc_mid(p, y, dinv, b, w, n, d):
    r = 2000
    g = n // r

    def body(p_ref, y_ref, di_ref, b_ref, w_ref, o_ref):
        agg = p_ref[0] + p_ref[1] + y_ref[...]
        h = jnp.maximum(agg * di_ref[...] + b_ref[...], 0.0)
        o_ref[...] = (
            jnp.dot(h, w_ref[...], preferred_element_type=jnp.float32)
            * di_ref[...]
        )

    return pl.pallas_call(
        body,
        grid=(g,),
        in_specs=[
            pl.BlockSpec((NC, r, d), lambda i: (0, i, 0)),
            pl.BlockSpec((r, d), lambda i: (i, 0)),
            pl.BlockSpec((r, 1), lambda i: (i, 0)),
            pl.BlockSpec((1, d), lambda i: (0, 0)),
            pl.BlockSpec((d, d), lambda i: (0, 0)),
        ],
        out_specs=pl.BlockSpec((r, d), lambda i: (i, 0)),
        out_shape=jax.ShapeDtypeStruct((n, d), jnp.float32),
    )(p, y, dinv, b, w)


def _tc_head(q, y, dinv, b, wfc, bfc, n, d, dout):
    r = 2000
    g = n // r

    def body(q_ref, y_ref, di_ref, b_ref, w_ref, bo_ref, o_ref):
        agg = q_ref[0] + q_ref[1] + y_ref[...]
        h = jnp.maximum(agg * di_ref[...] + b_ref[...], 0.0)
        o_ref[...] = (
            jnp.dot(h, w_ref[...], preferred_element_type=jnp.float32)
            + bo_ref[...]
        )

    return pl.pallas_call(
        body,
        grid=(g,),
        in_specs=[
            pl.BlockSpec((NC, r, d), lambda i: (0, i, 0)),
            pl.BlockSpec((r, d), lambda i: (i, 0)),
            pl.BlockSpec((r, 1), lambda i: (i, 0)),
            pl.BlockSpec((1, d), lambda i: (0, 0)),
            pl.BlockSpec((d, dout), lambda i: (0, 0)),
            pl.BlockSpec((1, dout), lambda i: (0, 0)),
        ],
        out_specs=pl.BlockSpec((r, dout), lambda i: (i, 0)),
        out_shape=jax.ShapeDtypeStruct((n, dout), jnp.float32),
    )(q, y, dinv, b, wfc, bfc)


def kernel(x, edge_index, W1, b1, W2, b2, Wfc, bfc):
    n, d = x.shape
    e = edge_index.shape[1]
    dout = Wfc.shape[1]

    rpt = (-(-(n + 1) // NS) + 7) // 8 * 8
    npad = rpt * NS
    nch = (-(-e // (NW * CHUNK)) + 2 * SUP - 1) // (2 * SUP) * (2 * SUP)
    nsup = nch // SUP
    epad = NW * nch * CHUNK

    npads = epad - e
    pad_src = (jnp.arange(npads, dtype=jnp.int32) * 131) % n
    pad_dst = n + jnp.arange(npads, dtype=jnp.int32) % (npad - n)
    src = jnp.concatenate([edge_index[0].astype(jnp.int32), pad_src])
    dstf = jnp.concatenate([edge_index[1].astype(jnp.int32), pad_dst])
    src = src.reshape(NW, nsup, SUP, CHUNK)
    dst = dstf.reshape(NW, nsup, SUP, CHUNK)

    zeros_big = jnp.zeros((npad, d), jnp.float32)

    degp = _sc_degree(dst, npad, nch)
    degp = degp.reshape(NC, -1)[:, :n, None]
    y1, dinv = _tc_prep(x, W1, degp, n, d)
    p = _sc_aggregate(y1, src, dst, zeros_big, npad, nch, d)
    y2 = _tc_mid(p, y1, dinv, b1.reshape(1, d), W2, n, d)
    q = _sc_aggregate(y2, src, dst, zeros_big, npad, nch, d)
    return _tc_head(q, y2, dinv, b2.reshape(1, d), Wfc, bfc.reshape(1, dout),
                    n, d, dout)

# --- scband reference (transcript-rebuilt; emitter-appended) ---
"""Pipeline reference for scband-graph-coloring-net-55327768707307 (READ-ONLY COPY).

The authoritative reference and input builder live on the scoring server;
editing this copy changes nothing except your own understanding.
"""

import jax, jax.numpy as jnp
import numpy as np

N_NODES = 10000
D_IN = 128
D_HID = 128
D_OUT = 10
N_EDGES = 320000


def gcn_conv(x, edge_index, W, b, num_nodes):
    # Faithful GCNConv: add self-loops, symmetric deg^{-1/2} normalization,
    # linear transform, then scatter-add aggregation at destination nodes.
    src = edge_index[0]
    dst = edge_index[1]
    loop = jnp.arange(num_nodes, dtype=edge_index.dtype)
    src = jnp.concatenate([src, loop])
    dst = jnp.concatenate([dst, loop])
    xw = x @ W
    ones = jnp.ones(dst.shape[0], dtype=x.dtype)
    deg = jax.ops.segment_sum(ones, dst, num_segments=num_nodes)
    dinv = jnp.where(deg > 0, deg ** -0.5, 0.0)
    norm = dinv[src] * dinv[dst]
    msg = xw[src] * norm[:, None]
    out = jax.ops.segment_sum(msg, dst, num_segments=num_nodes)
    return out + b


def setup_inputs(seed: int = 0) -> dict:
    key = jax.random.key(seed)
    k1, k2, k3, k4, k5 = jax.random.split(key, 5)
    x = jax.random.normal(k1, (N_NODES, D_IN), dtype=jnp.float32)
    edge_index = jax.random.randint(k2, (2, N_EDGES), 0, N_NODES, dtype=jnp.int64)
    s1 = (1.0 / D_IN) ** 0.5
    s2 = (1.0 / D_HID) ** 0.5
    W1 = jax.random.uniform(k3, (D_IN, D_HID), jnp.float32, -s1, s1)
    b1 = jnp.zeros((D_HID,), jnp.float32)
    W2 = jax.random.uniform(k4, (D_HID, D_HID), jnp.float32, -s2, s2)
    b2 = jnp.zeros((D_HID,), jnp.float32)
    Wfc = jax.random.uniform(k5, (D_HID, D_OUT), jnp.float32, -s2, s2)
    bfc = jnp.zeros((D_OUT,), jnp.float32)
    return {"x": x, "edge_index": edge_index, "W1": W1, "b1": b1,
            "W2": W2, "b2": b2, "Wfc": Wfc, "bfc": bfc}


def reference(x, edge_index, W1, b1, W2, b2, Wfc, bfc):
    num_nodes = x.shape[0]
    h = gcn_conv(x, edge_index, W1, b1, num_nodes)
    h = jax.nn.relu(h)
    h = gcn_conv(h, edge_index, W2, b2, num_nodes)
    h = jax.nn.relu(h)
    out = h @ Wfc + bfc
    return out

if __name__ == "__main__":
    import jax
    _d = setup_inputs()
    print(jax.jit(kernel)(*tuple(_d.values())))

</pallas_src>

<mosaic_0001>
#map = affine_map<(d0, d1) -> (0, 0, 0, 0)>
#map1 = affine_map<(d0, d1) -> (0, 0, 0)>
module attributes {stable_mosaic.version = 14 : i64} {
  func.func @k(%arg0: i32, %arg1: i32, %arg2: memref<32x10x8x128xi32, #tpu.memory_space<hbm>>, %arg3: memref<2x128x128xf32, #tpu.memory_space<hbm>>, %arg4: memref<8x128xi32, #tpu.memory_space<vmem>>, %arg5: memref<128x128xf32, #tpu.memory_space<vmem>>, %arg6: memref<128xi32, #tpu.memory_space<vmem>>, %arg7: memref<128x128xf32, #tpu.memory_space<vmem_shared>>) attributes {dimension_semantics = [#tpu.dimension_semantics<core_parallel>, #tpu.dimension_semantics<subcore_parallel>], iteration_bounds = array<i64: 2, 16>, scalar_prefetch = 0 : i64, scratch_operands = 4 : i64, tpu.core_type = #tpu.core_type<sc_vector_subcore>, window_params = [{transform_indices = #map}, {transform_indices = #map1}]} {
    %mul3A = arith.constant 16 : i32
    %mul3A_0 = arith.muli %arg0, %mul3A : i32
    %add3A = arith.addi %mul3A_0, %arg1 : i32
    %broadcast_in_dim3A = arith.constant 0.000000e+00 : f32
    %broadcast_in_dim3A_1 = vector.broadcast %broadcast_in_dim3A : f32 to vector<16xf32>
    %broadcast_in_dim3A_2 = arith.constant 1.000000e+00 : f32
    %broadcast_in_dim3A_3 = vector.broadcast %broadcast_in_dim3A_2 : f32 to vector<16xf32>
    %scan3A = arith.constant 0 : i32
    %scan3A_4 = arith.constant 128 : i32
    %scan3A_5 = arith.addi %scan3A, %scan3A_4 : i32
    %scan3A_6 = arith.constant 1 : i32
    scf.for %scan3A_62 = %scan3A to %scan3A_5 step %scan3A_6  : i32 {
      %swap3A_63 = arith.index_cast %scan3A_62 : i32 to index
      %swap3A_64 = arith.constant 0 : index
      %swap3A_65 = tpu.vector_load %arg5[%swap3A_63, %swap3A_64] {strides = array<i32>} : memref<128x128xf32, #tpu.memory_space<vmem>>, vector<16xf32>,
      tpu.vector_store %arg5[%swap3A_63, %swap3A_64], %broadcast_in_dim3A_1 {strides = array<i32>} : memref<128x128xf32, #tpu.memory_space<vmem>>, vector<16xf32>,
      %swap3A_66 = arith.index_cast %scan3A_62 : i32 to index
      %swap3A_67 = arith.constant 16 : index
      %swap3A_68 = tpu.vector_load %arg5[%swap3A_66, %swap3A_67] {strides = array<i32>} : memref<128x128xf32, #tpu.memory_space<vmem>>, vector<16xf32>,
      tpu.vector_store %arg5[%swap3A_66, %swap3A_67], %broadcast_in_dim3A_1 {strides = array<i32>} : memref<128x128xf32, #tpu.memory_space<vmem>>, vector<16xf32>,
      %swap3A_69 = arith.index_cast %scan3A_62 : i32 to index
      %swap3A_70 = arith.constant 32 : index
      %swap3A_71 = tpu.vector_load %arg5[%swap3A_69, %swap3A_70] {strides = array<i32>} : memref<128x128xf32, #tpu.memory_space<vmem>>, vector<16xf32>,
      tpu.vector_store %arg5[%swap3A_69, %swap3A_70], %broadcast_in_dim3A_1 {strides = array<i32>} : memref<128x128xf32, #tpu.memory_space<vmem>>, vector<16xf32>,
      %swap3A_72 = arith.index_cast %scan3A_62 : i32 to index
      %swap3A_73 = arith.constant 48 : index
      %swap3A_74 = tpu.vector_load %arg5[%swap3A_72, %swap3A_73] {strides = array<i32>} : memref<128x128xf32, #tpu.memory_space<vmem>>, vector<16xf32>,
      tpu.vector_store %arg5[%swap3A_72, %swap3A_73], %broadcast_in_dim3A_1 {strides = array<i32>} : memref<128x128xf32, #tpu.memory_space<vmem>>, vector<16xf32>,
      %swap3A_75 = arith.index_cast %scan3A_62 : i32 to index
      %swap3A_76 = arith.constant 64 : index
      %swap3A_77 = tpu.vector_load %arg5[%swap3A_75, %swap3A_76] {strides = array<i32>} : memref<128x128xf32, #tpu.memory_space<vmem>>, vector<16xf32>,
      tpu.vector_store %arg5[%swap3A_75, %swap3A_76], %broadcast_in_dim3A_1 {strides = array<i32>} : memref<128x128xf32, #tpu.memory_space<vmem>>, vector<16xf32>,
      %swap3A_78 = arith.index_cast %scan3A_62 : i32 to index
      %swap3A_79 = arith.constant 80 : index
      %swap3A_80 = tpu.vector_load %arg5[%swap3A_78, %swap3A_79] {strides = array<i32>} : memref<128x128xf32, #tpu.memory_space<vmem>>, vector<16xf32>,
      tpu.vector_store %arg5[%swap3A_78, %swap3A_79], %broadcast_in_dim3A_1 {strides = array<i32>} : memref<128x128xf32, #tpu.memory_space<vmem>>, vector<16xf32>,
      %swap3A_81 = arith.index_cast %scan3A_62 : i32 to index
      %swap3A_82 = arith.constant 96 : index
      %swap3A_83 = tpu.vector_load %arg5[%swap3A_81, %swap3A_82] {strides = array<i32>} : memref<128x128xf32, #tpu.memory_space<vmem>>, vector<16xf32>,
      tpu.vector_store %arg5[%swap3A_81, %swap3A_82], %broadcast_in_dim3A_1 {strides = array<i32>} : memref<128x128xf32, #tpu.memory_space<vmem>>, vector<16xf32>,
      %swap3A_84 = arith.index_cast %scan3A_62 : i32 to index
      %swap3A_85 = arith.constant 112 : index
      %swap3A_86 = tpu.vector_load %arg5[%swap3A_84, %swap3A_85] {strides = array<i32>} : memref<128x128xf32, #tpu.memory_space<vmem>>, vector<16xf32>,
      tpu.vector_store %arg5[%swap3A_84, %swap3A_85], %broadcast_in_dim3A_1 {strides = array<i32>} : memref<128x128xf32, #tpu.memory_space<vmem>>, vector<16xf32>,
    }
    %scan3A_7 = arith.constant 128 : i32
    %iota3A = tpu.iota {dimensions = array<i32: 0>} : vector<16xi32>
    %add3A_8 = arith.constant 0 : i32
    %add3A_9 = vector.broadcast %add3A_8 : i32 to vector<16xi32>
    %add3A_10 = arith.addi %iota3A, %add3A_9 : vector<16xi32>
    %swap3A = arith.constant 0 : index
    %swap3A_11 = tpu.vector_load %arg6[%swap3A] {strides = array<i32>} : memref<128xi32, #tpu.memory_space<vmem>>, vector<16xi32>,
    tpu.vector_store %arg6[%swap3A], %add3A_10 {strides = array<i32>} : memref<128xi32, #tpu.memory_space<vmem>>, vector<16xi32>,
    %iota3A_12 = tpu.iota {dimensions = array<i32: 0>} : vector<16xi32>
    %add3A_13 = arith.constant 16 : i32
    %add3A_14 = vector.broadcast %add3A_13 : i32 to vector<16xi32>
    %add3A_15 = arith.addi %iota3A_12, %add3A_14 : vector<16xi32>
    %swap3A_16 = arith.constant 16 : index
    %swap3A_17 = tpu.vector_load %arg6[%swap3A_16] {strides = array<i32>} : memref<128xi32, #tpu.memory_space<vmem>>, vector<16xi32>,
    tpu.vector_store %arg6[%swap3A_16], %add3A_15 {strides = array<i32>} : memref<128xi32, #tpu.memory_space<vmem>>, vector<16xi32>,
    %iota3A_18 = tpu.iota {dimensions = array<i32: 0>} : vector<16xi32>
    %add3A_19 = arith.constant 32 : i32
    %add3A_20 = vector.broadcast %add3A_19 : i32 to vector<16xi32>
    %add3A_21 = arith.addi %iota3A_18, %add3A_20 : vector<16xi32>
    %swap3A_22 = arith.constant 32 : index
    %swap3A_23 = tpu.vector_load %arg6[%swap3A_22] {strides = array<i32>} : memref<128xi32, #tpu.memory_space<vmem>>, vector<16xi32>,
    tpu.vector_store %arg6[%swap3A_22], %add3A_21 {strides = array<i32>} : memref<128xi32, #tpu.memory_space<vmem>>, vector<16xi32>,
    %iota3A_24 = tpu.iota {dimensions = array<i32: 0>} : vector<16xi32>
    %add3A_25 = arith.constant 48 : i32
    %add3A_26 = vector.broadcast %add3A_25 : i32 to vector<16xi32>
    %add3A_27 = arith.addi %iota3A_24, %add3A_26 : vector<16xi32>
    %swap3A_28 = arith.constant 48 : index
    %swap3A_29 = tpu.vector_load %arg6[%swap3A_28] {strides = array<i32>} : memref<128xi32, #tpu.memory_space<vmem>>, vector<16xi32>,
    tpu.vector_store %arg6[%swap3A_28], %add3A_27 {strides = array<i32>} : memref<128xi32, #tpu.memory_space<vmem>>, vector<16xi32>,
    %iota3A_30 = tpu.iota {dimensions = array<i32: 0>} : vector<16xi32>
    %add3A_31 = arith.constant 64 : i32
    %add3A_32 = vector.broadcast %add3A_31 : i32 to vector<16xi32>
    %add3A_33 = arith.addi %iota3A_30, %add3A_32 : vector<16xi32>
    %swap3A_34 = arith.constant 64 : index
    %swap3A_35 = tpu.vector_load %arg6[%swap3A_34] {strides = array<i32>} : memref<128xi32, #tpu.memory_space<vmem>>, vector<16xi32>,
    tpu.vector_store %arg6[%swap3A_34], %add3A_33 {strides = array<i32>} : memref<128xi32, #tpu.memory_space<vmem>>, vector<16xi32>,
    %iota3A_36 = tpu.iota {dimensions = array<i32: 0>} : vector<16xi32>
    %add3A_37 = arith.constant 80 : i32
    %add3A_38 = vector.broadcast %add3A_37 : i32 to vector<16xi32>
    %add3A_39 = arith.addi %iota3A_36, %add3A_38 : vector<16xi32>
    %swap3A_40 = arith.constant 80 : index
    %swap3A_41 = tpu.vector_load %arg6[%swap3A_40] {strides = array<i32>} : memref<128xi32, #tpu.memory_space<vmem>>, vector<16xi32>,
    tpu.vector_store %arg6[%swap3A_40], %add3A_39 {strides = array<i32>} : memref<128xi32, #tpu.memory_space<vmem>>, vector<16xi32>,
    %iota3A_42 = tpu.iota {dimensions = array<i32: 0>} : vector<16xi32>
    %add3A_43 = arith.constant 96 : i32
    %add3A_44 = vector.broadcast %add3A_43 : i32 to vector<16xi32>
    %add3A_45 = arith.addi %iota3A_42, %add3A_44 : vector<16xi32>
    %swap3A_46 = arith.constant 96 : index
    %swap3A_47 = tpu.vector_load %arg6[%swap3A_46] {strides = array<i32>} : memref<128xi32, #tpu.memory_space<vmem>>, vector<16xi32>,
    tpu.vector_store %arg6[%swap3A_46], %add3A_45 {strides = array<i32>} : memref<128xi32, #tpu.memory_space<vmem>>, vector<16xi32>,
    %iota3A_48 = tpu.iota {dimensions = array<i32: 0>} : vector<16xi32>
    %add3A_49 = arith.constant 112 : i32
    %add3A_50 = vector.broadcast %add3A_49 : i32 to vector<16xi32>
    %add3A_51 = arith.addi %iota3A_48, %add3A_50 : vector<16xi32>
    %swap3A_52 = arith.constant 112 : index
    %swap3A_53 = tpu.vector_load %arg6[%swap3A_52] {strides = array<i32>} : memref<128xi32, #tpu.memory_space<vmem>>, vector<16xi32>,
    tpu.vector_store %arg6[%swap3A_52], %add3A_51 {strides = array<i32>} : memref<128xi32, #tpu.memory_space<vmem>>, vector<16xi32>,
    %mul3A_54 = arith.constant 8 : i32
    %mul3A_55 = arith.muli %arg1, %mul3A_54 : i32
    "tpu.region"() ({
      %run_scoped3A = tpu.sem_alloc : memref<!tpu.dma_semaphore, #tpu.memory_space<semaphore_mem>>
      %dma_start3A = arith.constant 0 : i32
      %dma_start3A_62 = tpu.memref_slice %arg5[%mul3A_55, %dma_start3A] : memref<128x128xf32, #tpu.memory_space<vmem>> -> memref<8x128xf32, #tpu.memory_space<vmem>>
      %dma_start3A_63 = arith.constant 0 : i32
      %dma_start3A_64 = tpu.memref_slice %arg7[%mul3A_55, %dma_start3A_63] : memref<128x128xf32, #tpu.memory_space<vmem_shared>> -> memref<8x128xf32, #tpu.memory_space<vmem_shared>>
      %dma_start3A_65 = arith.constant 0 : i32
      %dma_start3A_66 = tpu.memref_slice %arg7[%mul3A_55, %dma_start3A_65] : memref<128x128xf32, #tpu.memory_space<vmem_shared>> -> memref<8x128xf32, #tpu.memory_space<vmem_shared>>
      %dma_start3A_67 = arith.constant 0 : i32
      %dma_start3A_68 = tpu.memref_slice %arg5[%mul3A_55, %dma_start3A_67] : memref<128x128xf32, #tpu.memory_space<vmem>> -> memref<8x128xf32, #tpu.memory_space<vmem>>
      tpu.enqueue_dma source(%dma_start3A_68 : memref<8x128xf32, #tpu.memory_space<vmem>>) target(%dma_start3A_66 : memref<8x128xf32, #tpu.memory_space<vmem_shared>>) target_semaphore(%run_scoped3A : memref<!tpu.dma_semaphore, #tpu.memory_space<semaphore_mem>>)
      %dma_wait3A = arith.constant 0 : i32
      %dma_wait3A_69 = tpu.memref_slice %arg5[%mul3A_55, %dma_wait3A] : memref<128x128xf32, #tpu.memory_space<vmem>> -> memref<8x128xf32, #tpu.memory_space<vmem>>
      %dma_wait3A_70 = arith.constant 0 : i32
      %dma_wait3A_71 = tpu.memref_slice %arg7[%mul3A_55, %dma_wait3A_70] : memref<128x128xf32, #tpu.memory_space<vmem_shared>> -> memref<8x128xf32, #tpu.memory_space<vmem_shared>>
      %dma_wait3A_72 = arith.constant 0 : i32
      %dma_wait3A_73 = tpu.memref_slice %arg7[%mul3A_55, %dma_wait3A_72] : memref<128x128xf32, #tpu.memory_space<vmem_shared>> -> memref<8x128xf32, #tpu.memory_space<vmem_shared>>
      %dma_wait3A_74 = arith.constant 0 : i32
      %dma_wait3A_75 = tpu.memref_slice %arg5[%mul3A_55, %dma_wait3A_74] : memref<128x128xf32, #tpu.memory_space<vmem>> -> memref<8x128xf32, #tpu.memory_space<vmem>>
      tpu.wait_dma2 semaphore(%run_scoped3A : memref<!tpu.dma_semaphore, #tpu.memory_space<semaphore_mem>>) src(%dma_wait3A_75 : memref<8x128xf32, #tpu.memory_space<vmem>>) dst(%dma_wait3A_73 : memref<8x128xf32, #tpu.memory_space<vmem_shared>>)
      tpu.yield
    }) : () -> ()
    %barrier3A = arith.constant 0 : index
    tpu.barrier barrier_id(%barrier3A)
    %scan3A_56 = arith.constant 0 : i32
    %scan3A_57 = arith.constant 10 : i32
    %scan3A_58 = arith.addi %scan3A_56, %scan3A_57 : i32
    %scan3A_59 = arith.constant 1 : i32
    scf.for %scan3A_62 = %scan3A_56 to %scan3A_58 step %scan3A_59  : i32 {
      "tpu.region"() ({
        %run_scoped3A = tpu.sem_alloc : memref<!tpu.dma_semaphore, #tpu.memory_space<semaphore_mem>>
        %dma_start3A = arith.constant 0 : i32
        %dma_start3A_700 = arith.constant 0 : i32
        %dma_start3A_701 = tpu.memref_slice %arg2[%add3A, %scan3A_62, %dma_start3A, %dma_start3A_700] : memref<32x10x8x128xi32, #tpu.memory_space<hbm>> -> memref<1x1x8x128xi32, #tpu.memory_space<hbm>>
        %dma_start3A_702 = tpu.memref_squeeze %dma_start3A_701 : memref<1x1x8x128xi32, #tpu.memory_space<hbm>> -> memref<8x128xi32, #tpu.memory_space<hbm>>
        %dma_start3A_703 = arith.constant 0 : i32
        %dma_start3A_704 = arith.constant 0 : i32
        %dma_start3A_705 = tpu.memref_slice %arg2[%add3A, %scan3A_62, %dma_start3A_703, %dma_start3A_704] : memref<32x10x8x128xi32, #tpu.memory_space<hbm>> -> memref<1x1x8x128xi32, #tpu.memory_space<hbm>>
        %dma_start3A_706 = tpu.memref_squeeze %dma_start3A_705 : memref<1x1x8x128xi32, #tpu.memory_space<hbm>> -> memref<8x128xi32, #tpu.memory_space<hbm>>
        tpu.enqueue_dma source(%dma_start3A_706 : memref<8x128xi32, #tpu.memory_space<hbm>>) target(%arg4 : memref<8x128xi32, #tpu.memory_space<vmem>>) target_semaphore(%run_scoped3A : memref<!tpu.dma_semaphore, #tpu.memory_space<semaphore_mem>>)
        %dma_wait3A = arith.constant 0 : i32
        %dma_wait3A_707 = arith.constant 0 : i32
        %dma_wait3A_708 = tpu.memref_slice %arg2[%add3A, %scan3A_62, %dma_wait3A, %dma_wait3A_707] : memref<32x10x8x128xi32, #tpu.memory_space<hbm>> -> memref<1x1x8x128xi32, #tpu.memory_space<hbm>>
        %dma_wait3A_709 = tpu.memref_squeeze %dma_wait3A_708 : memref<1x1x8x128xi32, #tpu.memory_space<hbm>> -> memref<8x128xi32, #tpu.memory_space<hbm>>
        %dma_wait3A_710 = arith.constant 0 : i32
        %dma_wait3A_711 = arith.constant 0 : i32
        %dma_wait3A_712 = tpu.memref_slice %arg2[%add3A, %scan3A_62, %dma_wait3A_710, %dma_wait3A_711] : memref<32x10x8x128xi32, #tpu.memory_space<hbm>> -> memref<1x1x8x128xi32, #tpu.memory_space<hbm>>
        %dma_wait3A_713 = tpu.memref_squeeze %dma_wait3A_712 : memref<1x1x8x128xi32, #tpu.memory_space<hbm>> -> memref<8x128xi32, #tpu.memory_space<hbm>>
        tpu.wait_dma2 semaphore(%run_scoped3A : memref<!tpu.dma_semaphore, #tpu.memory_space<semaphore_mem>>) src(%dma_wait3A_713 : memref<8x128xi32, #tpu.memory_space<hbm>>) dst(%arg4 : memref<8x128xi32, #tpu.memory_space<vmem>>)
        tpu.yield
      }) : () -> ()
      %get3A = arith.constant 0 : i32
      %get3A_63 = arith.index_cast %get3A : i32 to index
      %get3A_64 = arith.constant 0 : index
      %get3A_65 = tpu.vector_load %arg4[%get3A_63, %get3A_64] {strides = array<i32>} : memref<8x128xi32, #tpu.memory_space<vmem>>, vector<16xi32>,
      %shift_right_logical3A = arith.constant 7 : i32
      %shift_right_logical3A_66 = vector.broadcast %shift_right_logical3A : i32 to vector<16xi32>
      %shift_right_logical3A_67 = arith.shrui %get3A_65, %shift_right_logical3A_66 : vector<16xi32>
      %and3A = arith.constant 127 : i32
      %and3A_68 = vector.broadcast %and3A : i32 to vector<16xi32>
      %and3A_69 = arith.andi %get3A_65, %and3A_68 : vector<16xi32>
      tpu.vector_store_idx %arg5[%shift_right_logical3A_67, %and3A_69], %broadcast_in_dim3A_3 {add = true} : memref<128x128xf32, #tpu.memory_space<vmem>>[vector<16xi32>, vector<16xi32>], vector<16xf32>,
      %get3A_70 = arith.constant 0 : i32
      %get3A_71 = arith.index_cast %get3A_70 : i32 to index
      %get3A_72 = arith.constant 16 : index
      %get3A_73 = tpu.vector_load %arg4[%get3A_71, %get3A_72] {strides = array<i32>} : memref<8x128xi32, #tpu.memory_space<vmem>>, vector<16xi32>,
      %shift_right_logical3A_74 = arith.constant 7 : i32
      %shift_right_logical3A_75 = vector.broadcast %shift_right_logical3A_74 : i32 to vector<16xi32>
      %shift_right_logical3A_76 = arith.shrui %get3A_73, %shift_right_logical3A_75 : vector<16xi32>
      %and3A_77 = arith.constant 127 : i32
      %and3A_78 = vector.broadcast %and3A_77 : i32 to vector<16xi32>
      %and3A_79 = arith.andi %get3A_73, %and3A_78 : vector<16xi32>
      tpu.vector_store_idx %arg5[%shift_right_logical3A_76, %and3A_79], %broadcast_in_dim3A_3 {add = true} : memref<128x128xf32, #tpu.memory_space<vmem>>[vector<16xi32>, vector<16xi32>], vector<16xf32>,
      %get3A_80 = arith.constant 0 : i32
      %get3A_81 = arith.index_cast %get3A_80 : i32 to index
      %get3A_82 = arith.constant 32 : index
      %get3A_83 = tpu.vector_load %arg4[%get3A_81, %get3A_82] {strides = array<i32>} : memref<8x128xi32, #tpu.memory_space<vmem>>, vector<16xi32>,
      %shift_right_logical3A_84 = arith.constant 7 : i32
      %shift_right_logical3A_85 = vector.broadcast %shift_right_logical3A_84 : i32 to vector<16xi32>
      %shift_right_logical3A_86 = arith.shrui %get3A_83, %shift_right_logical3A_85 : vector<16xi32>
      %and3A_87 = arith.constant 127 : i32
      %and3A_88 = vector.broadcast %and3A_87 : i32 to vector<16xi32>
      %and3A_89 = arith.andi %get3A_83, %and3A_88 : vector<16xi32>
      tpu.vector_store_idx %arg5[%shift_right_logical3A_86, %and3A_89], %broadcast_in_dim3A_3 {add = true} : memref<128x128xf32, #tpu.memory_space<vmem>>[vector<16xi32>, vector<16xi32>], vector<16xf32>,
      %get3A_90 = arith.constant 0 : i32
      %get3A_91 = arith.index_cast %get3A_90 : i32 to index
      %get3A_92 = arith.constant 48 : index
      %get3A_93 = tpu.vector_load %arg4[%get3A_91, %get3A_92] {strides = array<i32>} : memref<8x128xi32, #tpu.memory_space<vmem>>, vector<16xi32>,
      %shift_right_logical3A_94 = arith.constant 7 : i32
      %shift_right_logical3A_95 = vector.broadcast %shift_right_logical3A_94 : i32 to vector<16xi32>
      %shift_right_logical3A_96 = arith.shrui %get3A_93, %shift_right_logical3A_95 : vector<16xi32>
      %and3A_97 = arith.constant 127 : i32
      %and3A_98 = vector.broadcast %and3A_97 : i32 to vector<16xi32>
      %and3A_99 = arith.andi %get3A_93, %and3A_98 : vector<16xi32>
      tpu.vector_store_idx %arg5[%shift_right_logical3A_96, %and3A_99], %broadcast_in_dim3A_3 {add = true} : memref<128x128xf32, #tpu.memory_space<vmem>>[vector<16xi32>, vector<16xi32>], vector<16xf32>,
      %get3A_100 = arith.constant 0 : i32
      %get3A_101 = arith.index_cast %get3A_100 : i32 to index
      %get3A_102 = arith.constant 64 : index
      %get3A_103 = tpu.vector_load %arg4[%get3A_101, %get3A_102] {strides = array<i32>} : memref<8x128xi32, #tpu.memory_space<vmem>>, vector<16xi32>,
      %shift_right_logical3A_104 = arith.constant 7 : i32
      %shift_right_logical3A_105 = vector.broadcast %shift_right_logical3A_104 : i32 to vector<16xi32>
      %shift_right_logical3A_106 = arith.shrui %get3A_103, %shift_right_logical3A_105 : vector<16xi32>
      %and3A_107 = arith.constant 127 : i32
      %and3A_108 = vector.broadcast %and3A_107 : i32 to vector<16xi32>
      %and3A_109 = arith.andi %get3A_103, %and3A_108 : vector<16xi32>
      tpu.vector_store_idx %arg5[%shift_right_logical3A_106, %and3A_109], %broadcast_in_dim3A_3 {add = true} : memref<128x128xf32, #tpu.memory_space<vmem>>[vector<16xi32>, vector<16xi32>], vector<16xf32>,
      %get3A_110 = arith.constant 0 : i32
      %get3A_111 = arith.index_cast %get3A_110 : i32 to index
      %get3A_112 = arith.constant 80 : index
      %get3A_113 = tpu.vector_load %arg4[%get3A_111, %get3A_112] {strides = array<i32>} : memref<8x128xi32, #tpu.memory_space<vmem>>, vector<16xi32>,
      %shift_right_logical3A_114 = arith.constant 7 : i32
      %shift_right_logical3A_115 = vector.broadcast %shift_right_logical3A_114 : i32 to vector<16xi32>
      %shift_right_logical3A_116 = arith.shrui %get3A_113, %shift_right_logical3A_115 : vector<16xi32>
      %and3A_117 = arith.constant 127 : i32
      %and3A_118 = vector.broadcast %and3A_117 : i32 to vector<16xi32>
      %and3A_119 = arith.andi %get3A_113, %and3A_118 : vector<16xi32>
      tpu.vector_store_idx %arg5[%shift_right_logical3A_116, %and3A_119], %broadcast_in_dim3A_3 {add = true} : memref<128x128xf32, #tpu.memory_space<vmem>>[vector<16xi32>, vector<16xi32>], vector<16xf32>,
      %get3A_120 = arith.constant 0 : i32
      %get3A_121 = arith.index_cast %get3A_120 : i32 to index
      %get3A_122 = arith.constant 96 : index
      %get3A_123 = tpu.vector_load %arg4[%get3A_121, %get3A_122] {strides = array<i32>} : memref<8x128xi32, #tpu.memory_space<vmem>>, vector<16xi32>,
      %shift_right_logical3A_124 = arith.constant 7 : i32
      %shift_right_logical3A_125 = vector.broadcast %shift_right_logical3A_124 : i32 to vector<16xi32>
      %shift_right_logical3A_126 = arith.shrui %get3A_123, %shift_right_logical3A_125 : vector<16xi32>
      %and3A_127 = arith.constant 127 : i32
      %and3A_128 = vector.broadcast %and3A_127 : i32 to vector<16xi32>
      %and3A_129 = arith.andi %get3A_123, %and3A_128 : vector<16xi32>
      tpu.vector_store_idx %arg5[%shift_right_logical3A_126, %and3A_129], %broadcast_in_dim3A_3 {add = true} : memref<128x128xf32, #tpu.memory_space<vmem>>[vector<16xi32>, vector<16xi32>], vector<16xf32>,
      %get3A_130 = arith.constant 0 : i32
      %get3A_131 = arith.index_cast %get3A_130 : i32 to index
      %get3A_132 = arith.constant 112 : index
      %get3A_133 = tpu.vector_load %arg4[%get3A_131, %get3A_132] {strides = array<i32>} : memref<8x128xi32, #tpu.memory_space<vmem>>, vector<16xi32>,
      %shift_right_logical3A_134 = arith.constant 7 : i32
      %shift_right_logical3A_135 = vector.broadcast %shift_right_logical3A_134 : i32 to vector<16xi32>
      %shift_right_logical3A_136 = arith.shrui %get3A_133, %shift_right_logical3A_135 : vector<16xi32>
      %and3A_137 = arith.constant 127 : i32
      %and3A_138 = vector.broadcast %and3A_137 : i32 to vector<16xi32>
      %and3A_139 = arith.andi %get3A_133, %and3A_138 : vector<16xi32>
      tpu.vector_store_idx %arg5[%shift_right_logical3A_136, %and3A_139], %broadcast_in_dim3A_3 {add = true} : memref<128x128xf32, #tpu.memory_space<vmem>>[vector<16xi32>, vector<16xi32>], vector<16xf32>,
      %get3A_140 = arith.constant 1 : i32
      %get3A_141 = arith.index_cast %get3A_140 : i32 to index
      %get3A_142 = arith.constant 0 : index
      %get3A_143 = tpu.vector_load %arg4[%get3A_141, %get3A_142] {strides = array<i32>} : memref<8x128xi32, #tpu.memory_space<vmem>>, vector<16xi32>,
      %shift_right_logical3A_144 = arith.constant 7 : i32
      %shift_right_logical3A_145 = vector.broadcast %shift_right_logical3A_144 : i32 to vector<16xi32>
      %shift_right_logical3A_146 = arith.shrui %get3A_143, %shift_right_logical3A_145 : vector<16xi32>
      %and3A_147 = arith.constant 127 : i32
      %and3A_148 = vector.broadcast %and3A_147 : i32 to vector<16xi32>
      %and3A_149 = arith.andi %get3A_143, %and3A_148 : vector<16xi32>
      tpu.vector_store_idx %arg5[%shift_right_logical3A_146, %and3A_149], %broadcast_in_dim3A_3 {add = true} : memref<128x128xf32, #tpu.memory_space<vmem>>[vector<16xi32>, vector<16xi32>], vector<16xf32>,
      %get3A_150 = arith.constant 1 : i32
      %get3A_151 = arith.index_cast %get3A_150 : i32 to index
      %get3A_152 = arith.constant 16 : index
      %get3A_153 = tpu.vector_load %arg4[%get3A_151, %get3A_152] {strides = array<i32>} : memref<8x128xi32, #tpu.memory_space<vmem>>, vector<16xi32>,
      %shift_right_logical3A_154 = arith.constant 7 : i32
      %shift_right_logical3A_155 = vector.broadcast %shift_right_logical3A_154 : i32 to vector<16xi32>
      %shift_right_logical3A_156 = arith.shrui %get3A_153, %shift_right_logical3A_155 : vector<16xi32>
      %and3A_157 = arith.constant 127 : i32
      %and3A_158 = vector.broadcast %and3A_157 : i32 to vector<16xi32>
      %and3A_159 = arith.andi %get3A_153, %and3A_158 : vector<16xi32>
      tpu.vector_store_idx %arg5[%shift_right_logical3A_156, %and3A_159], %broadcast_in_dim3A_3 {add = true} : memref<128x128xf32, #tpu.memory_space<vmem>>[vector<16xi32>, vector<16xi32>], vector<16xf32>,
      %get3A_160 = arith.constant 1 : i32
      %get3A_161 = arith.index_cast %get3A_160 : i32 to index
      %get3A_162 = arith.constant 32 : index
      %get3A_163 = tpu.vector_load %arg4[%get3A_161, %get3A_162] {strides = array<i32>} : memref<8x128xi32, #tpu.memory_space<vmem>>, vector<16xi32>,
      %shift_right_logical3A_164 = arith.constant 7 : i32
      %shift_right_logical3A_165 = vector.broadcast %shift_right_logical3A_164 : i32 to vector<16xi32>
      %shift_right_logical3A_166 = arith.shrui %get3A_163, %shift_right_logical3A_165 : vector<16xi32>
      %and3A_167 = arith.constant 127 : i32
      %and3A_168 = vector.broadcast %and3A_167 : i32 to vector<16xi32>
      %and3A_169 = arith.andi %get3A_163, %and3A_168 : vector<16xi32>
      tpu.vector_store_idx %arg5[%shift_right_logical3A_166, %and3A_169], %broadcast_in_dim3A_3 {add = true} : memref<128x128xf32, #tpu.memory_space<vmem>>[vector<16xi32>, vector<16xi32>], vector<16xf32>,
      %get3A_170 = arith.constant 1 : i32
      %get3A_171 = arith.index_cast %get3A_170 : i32 to index
      %get3A_172 = arith.constant 48 : index
      %get3A_173 = tpu.vector_load %arg4[%get3A_171, %get3A_172] {strides = array<i32>} : memref<8x128xi32, #tpu.memory_space<vmem>>, vector<16xi32>,
      %shift_right_logical3A_174 = arith.constant 7 : i32
      %shift_right_logical3A_175 = vector.broadcast %shift_right_logical3A_174 : i32 to vector<16xi32>
      %shift_right_logical3A_176 = arith.shrui %get3A_173, %shift_right_logical3A_175 : vector<16xi32>
      %and3A_177 = arith.constant 127 : i32
      %and3A_178 = vector.broadcast %and3A_177 : i32 to vector<16xi32>
      %and3A_179 = arith.andi %get3A_173, %and3A_178 : vector<16xi32>
      tpu.vector_store_idx %arg5[%shift_right_logical3A_176, %and3A_179], %broadcast_in_dim3A_3 {add = true} : memref<128x128xf32, #tpu.memory_space<vmem>>[vector<16xi32>, vector<16xi32>], vector<16xf32>,
      %get3A_180 = arith.constant 1 : i32
      %get3A_181 = arith.index_cast %get3A_180 : i32 to index
      %get3A_182 = arith.constant 64 : index
      %get3A_183 = tpu.vector_load %arg4[%get3A_181, %get3A_182] {strides = array<i32>} : memref<8x128xi32, #tpu.memory_space<vmem>>, vector<16xi32>,
      %shift_right_logical3A_184 = arith.constant 7 : i32
      %shift_right_logical3A_185 = vector.broadcast %shift_right_logical3A_184 : i32 to vector<16xi32>
      %shift_right_logical3A_186 = arith.shrui %get3A_183, %shift_right_logical3A_185 : vector<16xi32>
      %and3A_187 = arith.constant 127 : i32
      %and3A_188 = vector.broadcast %and3A_187 : i32 to vector<16xi32>
      %and3A_189 = arith.andi %get3A_183, %and3A_188 : vector<16xi32>
      tpu.vector_store_idx %arg5[%shift_right_logical3A_186, %and3A_189], %broadcast_in_dim3A_3 {add = true} : memref<128x128xf32, #tpu.memory_space<vmem>>[vector<16xi32>, vector<16xi32>], vector<16xf32>,
      %get3A_190 = arith.constant 1 : i32
      %get3A_191 = arith.index_cast %get3A_190 : i32 to index
      %get3A_192 = arith.constant 80 : index
      %get3A_193 = tpu.vector_load %arg4[%get3A_191, %get3A_192] {strides = array<i32>} : memref<8x128xi32, #tpu.memory_space<vmem>>, vector<16xi32>,
      %shift_right_logical3A_194 = arith.constant 7 : i32
      %shift_right_logical3A_195 = vector.broadcast %shift_right_logical3A_194 : i32 to vector<16xi32>
      %shift_right_logical3A_196 = arith.shrui %get3A_193, %shift_right_logical3A_195 : vector<16xi32>
      %and3A_197 = arith.constant 127 : i32
      %and3A_198 = vector.broadcast %and3A_197 : i32 to vector<16xi32>
      %and3A_199 = arith.andi %get3A_193, %and3A_198 : vector<16xi32>
      tpu.vector_store_idx %arg5[%shift_right_logical3A_196, %and3A_199], %broadcast_in_dim3A_3 {add = true} : memref<128x128xf32, #tpu.memory_space<vmem>>[vector<16xi32>, vector<16xi32>], vector<16xf32>,
      %get3A_200 = arith.constant 1 : i32
      %get3A_201 = arith.index_cast %get3A_200 : i32 to index
      %get3A_202 = arith.constant 96 : index
      %get3A_203 = tpu.vector_load %arg4[%get3A_201, %get3A_202] {strides = array<i32>} : memref<8x128xi32, #tpu.memory_space<vmem>>, vector<16xi32>,
      %shift_right_logical3A_204 = arith.constant 7 : i32
      %shift_right_logical3A_205 = vector.broadcast %shift_right_logical3A_204 : i32 to vector<16xi32>
      %shift_right_logical3A_206 = arith.shrui %get3A_203, %shift_right_logical3A_205 : vector<16xi32>
      %and3A_207 = arith.constant 127 : i32
      %and3A_208 = vector.broadcast %and3A_207 : i32 to vector<16xi32>
      %and3A_209 = arith.andi %get3A_203, %and3A_208 : vector<16xi32>
      tpu.vector_store_idx %arg5[%shift_right_logical3A_206, %and3A_209], %broadcast_in_dim3A_3 {add = true} : memref<128x128xf32, #tpu.memory_space<vmem>>[vector<16xi32>, vector<16xi32>], vector<16xf32>,
      %get3A_210 = arith.constant 1 : i32
      %get3A_211 = arith.index_cast %get3A_210 : i32 to index
      %get3A_212 = arith.constant 112 : index
      %get3A_213 = tpu.vector_load %arg4[%get3A_211, %get3A_212] {strides = array<i32>} : memref<8x128xi32, #tpu.memory_space<vmem>>, vector<16xi32>,
      %shift_right_logical3A_214 = arith.constant 7 : i32
      %shift_right_logical3A_215 = vector.broadcast %shift_right_logical3A_214 : i32 to vector<16xi32>
      %shift_right_logical3A_216 = arith.shrui %get3A_213, %shift_right_logical3A_215 : vector<16xi32>
      %and3A_217 = arith.constant 127 : i32
      %and3A_218 = vector.broadcast %and3A_217 : i32 to vector<16xi32>
      %and3A_219 = arith.andi %get3A_213, %and3A_218 : vector<16xi32>
      tpu.vector_store_idx %arg5[%shift_right_logical3A_216, %and3A_219], %broadcast_in_dim3A_3 {add = true} : memref<128x128xf32, #tpu.memory_space<vmem>>[vector<16xi32>, vector<16xi32>], vector<16xf32>,
      %get3A_220 = arith.constant 2 : i32
      %get3A_221 = arith.index_cast %get3A_220 : i32 to index
      %get3A_222 = arith.constant 0 : index
      %get3A_223 = tpu.vector_load %arg4[%get3A_221, %get3A_222] {strides = array<i32>} : memref<8x128xi32, #tpu.memory_space<vmem>>, vector<16xi32>,
      %shift_right_logical3A_224 = arith.constant 7 : i32
      %shift_right_logical3A_225 = vector.broadcast %shift_right_logical3A_224 : i32 to vector<16xi32>
      %shift_right_logical3A_226 = arith.shrui %get3A_223, %shift_right_logical3A_225 : vector<16xi32>
      %and3A_227 = arith.constant 127 : i32
      %and3A_228 = vector.broadcast %and3A_227 : i32 to vector<16xi32>
      %and3A_229 = arith.andi %get3A_223, %and3A_228 : vector<16xi32>
      tpu.vector_store_idx %arg5[%shift_right_logical3A_226, %and3A_229], %broadcast_in_dim3A_3 {add = true} : memref<128x128xf32, #tpu.memory_space<vmem>>[vector<16xi32>, vector<16xi32>], vector<16xf32>,
      %get3A_230 = arith.constant 2 : i32
      %get3A_231 = arith.index_cast %get3A_230 : i32 to index
      %get3A_232 = arith.constant 16 : index
      %get3A_233 = tpu.vector_load %arg4[%get3A_231, %get3A_232] {strides = array<i32>} : memref<8x128xi32, #tpu.memory_space<vmem>>, vector<16xi32>,
      %shift_right_logical3A_234 = arith.constant 7 : i32
      %shift_right_logical3A_235 = vector.broadcast %shift_right_logical3A_234 : i32 to vector<16xi32>
      %shift_right_logical3A_236 = arith.shrui %get3A_233, %shift_right_logical3A_235 : vector<16xi32>
      %and3A_237 = arith.constant 127 : i32
      %and3A_238 = vector.broadcast %and3A_237 : i32 to vector<16xi32>
      %and3A_239 = arith.andi %get3A_233, %and3A_238 : vector<16xi32>
      tpu.vector_store_idx %arg5[%shift_right_logical3A_236, %and3A_239], %broadcast_in_dim3A_3 {add = true} : memref<128x128xf32, #tpu.memory_space<vmem>>[vector<16xi32>, vector<16xi32>], vector<16xf32>,
      %get3A_240 = arith.constant 2 : i32
      %get3A_241 = arith.index_cast %get3A_240 : i32 to index
      %get3A_242 = arith.constant 32 : index
      %get3A_243 = tpu.vector_load %arg4[%get3A_241, %get3A_242] {strides = array<i32>} : memref<8x128xi32, #tpu.memory_space<vmem>>, vector<16xi32>,
      %shift_right_logical3A_244 = arith.constant 7 : i32
      %shift_right_logical3A_245 = vector.broadcast %shift_right_logical3A_244 : i32 to vector<16xi32>
      %shift_right_logical3A_246 = arith.shrui %get3A_243, %shift_right_logical3A_245 : vector<16xi32>
      %and3A_247 = arith.constant 127 : i32
      %and3A_248 = vector.broadcast %and3A_247 : i32 to vector<16xi32>
      %and3A_249 = arith.andi %get3A_243, %and3A_248 : vector<16xi32>
      tpu.vector_store_idx %arg5[%shift_right_logical3A_246, %and3A_249], %broadcast_in_dim3A_3 {add = true} : memref<128x128xf32, #tpu.memory_space<vmem>>[vector<16xi32>, vector<16xi32>], vector<16xf32>,
      %get3A_250 = arith.constant 2 : i32
      %get3A_251 = arith.index_cast %get3A_250 : i32 to index
      %get3A_252 = arith.constant 48 : index
      %get3A_253 = tpu.vector_load %arg4[%get3A_251, %get3A_252] {strides = array<i32>} : memref<8x128xi32, #tpu.memory_space<vmem>>, vector<16xi32>,
      %shift_right_logical3A_254 = arith.constant 7 : i32
      %shift_right_logical3A_255 = vector.broadcast %shift_right_logical3A_254 : i32 to vector<16xi32>
      %shift_right_logical3A_256 = arith.shrui %get3A_253, %shift_right_logical3A_255 : vector<16xi32>
      %and3A_257 = arith.constant 127 : i32
      %and3A_258 = vector.broadcast %and3A_257 : i32 to vector<16xi32>
      %and3A_259 = arith.andi %get3A_253, %and3A_258 : vector<16xi32>
      tpu.vector_store_idx %arg5[%shift_right_logical3A_256, %and3A_259], %broadcast_in_dim3A_3 {add = true} : memref<128x128xf32, #tpu.memory_space<vmem>>[vector<16xi32>, vector<16xi32>], vector<16xf32>,
      %get3A_260 = arith.constant 2 : i32
      %get3A_261 = arith.index_cast %get3A_260 : i32 to index
      %get3A_262 = arith.constant 64 : index
      %get3A_263 = tpu.vector_load %arg4[%get3A_261, %get3A_262] {strides = array<i32>} : memref<8x128xi32, #tpu.memory_space<vmem>>, vector<16xi32>,
      %shift_right_logical3A_264 = arith.constant 7 : i32
      %shift_right_logical3A_265 = vector.broadcast %shift_right_logical3A_264 : i32 to vector<16xi32>
      %shift_right_logical3A_266 = arith.shrui %get3A_263, %shift_right_logical3A_265 : vector<16xi32>
      %and3A_267 = arith.constant 127 : i32
      %and3A_268 = vector.broadcast %and3A_267 : i32 to vector<16xi32>
      %and3A_269 = arith.andi %get3A_263, %and3A_268 : vector<16xi32>
      tpu.vector_store_idx %arg5[%shift_right_logical3A_266, %and3A_269], %broadcast_in_dim3A_3 {add = true} : memref<128x128xf32, #tpu.memory_space<vmem>>[vector<16xi32>, vector<16xi32>], vector<16xf32>,
      %get3A_270 = arith.constant 2 : i32
      %get3A_271 = arith.index_cast %get3A_270 : i32 to index
      %get3A_272 = arith.constant 80 : index
      %get3A_273 = tpu.vector_load %arg4[%get3A_271, %get3A_272] {strides = array<i32>} : memref<8x128xi32, #tpu.memory_space<vmem>>, vector<16xi32>,
      %shift_right_logical3A_274 = arith.constant 7 : i32
      %shift_right_logical3A_275 = vector.broadcast %shift_right_logical3A_274 : i32 to vector<16xi32>
      %shift_right_logical3A_276 = arith.shrui %get3A_273, %shift_right_logical3A_275 : vector<16xi32>
      %and3A_277 = arith.constant 127 : i32
      %and3A_278 = vector.broadcast %and3A_277 : i32 to vector<16xi32>
      %and3A_279 = arith.andi %get3A_273, %and3A_278 : vector<16xi32>
      tpu.vector_store_idx %arg5[%shift_right_logical3A_276, %and3A_279], %broadcast_in_dim3A_3 {add = true} : memref<128x128xf32, #tpu.memory_space<vmem>>[vector<16xi32>, vector<16xi32>], vector<16xf32>,
      %get3A_280 = arith.constant 2 : i32
      %get3A_281 = arith.index_cast %get3A_280 : i32 to index
      %get3A_282 = arith.constant 96 : index
      %get3A_283 = tpu.vector_load %arg4[%get3A_281, %get3A_282] {strides = array<i32>} : memref<8x128xi32, #tpu.memory_space<vmem>>, vector<16xi32>,
      %shift_right_logical3A_284 = arith.constant 7 : i32
      %shift_right_logical3A_285 = vector.broadcast %shift_right_logical3A_284 : i32 to vector<16xi32>
      %shift_right_logical3A_286 = arith.shrui %get3A_283, %shift_right_logical3A_285 : vector<16xi32>
      %and3A_287 = arith.constant 127 : i32
      %and3A_288 = vector.broadcast %and3A_287 : i32 to vector<16xi32>
      %and3A_289 = arith.andi %get3A_283, %and3A_288 : vector<16xi32>
      tpu.vector_store_idx %arg5[%shift_right_logical3A_286, %and3A_289], %broadcast_in_dim3A_3 {add = true} : memref<128x128xf32, #tpu.memory_space<vmem>>[vector<16xi32>, vector<16xi32>], vector<16xf32>,
      %get3A_290 = arith.constant 2 : i32
      %get3A_291 = arith.index_cast %get3A_290 : i32 to index
      %get3A_292 = arith.constant 112 : index
      %get3A_293 = tpu.vector_load %arg4[%get3A_291, %get3A_292] {strides = array<i32>} : memref<8x128xi32, #tpu.memory_space<vmem>>, vector<16xi32>,
      %shift_right_logical3A_294 = arith.constant 7 : i32
      %shift_right_logical3A_295 = vector.broadcast %shift_right_logical3A_294 : i32 to vector<16xi32>
      %shift_right_logical3A_296 = arith.shrui %get3A_293, %shift_right_logical3A_295 : vector<16xi32>
      %and3A_297 = arith.constant 127 : i32
      %and3A_298 = vector.broadcast %and3A_297 : i32 to vector<16xi32>
      %and3A_299 = arith.andi %get3A_293, %and3A_298 : vector<16xi32>
      tpu.vector_store_idx %arg5[%shift_right_logical3A_296, %and3A_299], %broadcast_in_dim3A_3 {add = true} : memref<128x128xf32, #tpu.memory_space<vmem>>[vector<16xi32>, vector<16xi32>], vector<16xf32>,
      %get3A_300 = arith.constant 3 : i32
      %get3A_301 = arith.index_cast %get3A_300 : i32 to index
      %get3A_302 = arith.constant 0 : index
      %get3A_303 = tpu.vector_load %arg4[%get3A_301, %get3A_302] {strides = array<i32>} : memref<8x128xi32, #tpu.memory_space<vmem>>, vector<16xi32>,
      %shift_right_logical3A_304 = arith.constant 7 : i32
      %shift_right_logical3A_305 = vector.broadcast %shift_right_logical3A_304 : i32 to vector<16xi32>
      %shift_right_logical3A_306 = arith.shrui %get3A_303, %shift_right_logical3A_305 : vector<16xi32>
      %and3A_307 = arith.constant 127 : i32
      %and3A_308 = vector.broadcast %and3A_307 : i32 to vector<16xi32>
      %and3A_309 = arith.andi %get3A_303, %and3A_308 : vector<16xi32>
      tpu.vector_store_idx %arg5[%shift_right_logical3A_306, %and3A_309], %broadcast_in_dim3A_3 {add = true} : memref<128x128xf32, #tpu.memory_space<vmem>>[vector<16xi32>, vector<16xi32>], vector<16xf32>,
      %get3A_310 = arith.constant 3 : i32
      %get3A_311 = arith.index_cast %get3A_310 : i32 to index
      %get3A_312 = arith.constant 16 : index
      %get3A_313 = tpu.vector_load %arg4[%get3A_311, %get3A_312] {strides = array<i32>} : memref<8x128xi32, #tpu.memory_space<vmem>>, vector<16xi32>,
      %shift_right_logical3A_314 = arith.constant 7 : i32
      %shift_right_logical3A_315 = vector.broadcast %shift_right_logical3A_314 : i32 to vector<16xi32>
      %shift_right_logical3A_316 = arith.shrui %get3A_313, %shift_right_logical3A_315 : vector<16xi32>
      %and3A_317 = arith.constant 127 : i32
      %and3A_318 = vector.broadcast %and3A_317 : i32 to vector<16xi32>
      %and3A_319 = arith.andi %get3A_313, %and3A_318 : vector<16xi32>
      tpu.vector_store_idx %arg5[%shift_right_logical3A_316, %and3A_319], %broadcast_in_dim3A_3 {add = true} : memref<128x128xf32, #tpu.memory_space<vmem>>[vector<16xi32>, vector<16xi32>], vector<16xf32>,
      %get3A_320 = arith.constant 3 : i32
      %get3A_321 = arith.index_cast %get3A_320 : i32 to index
      %get3A_322 = arith.constant 32 : index
      %get3A_323 = tpu.vector_load %arg4[%get3A_321, %get3A_322] {strides = array<i32>} : memref<8x128xi32, #tpu.memory_space<vmem>>, vector<16xi32>,
      %shift_right_logical3A_324 = arith.constant 7 : i32
      %shift_right_logical3A_325 = vector.broadcast %shift_right_logical3A_324 : i32 to vector<16xi32>
      %shift_right_logical3A_326 = arith.shrui %get3A_323, %shift_right_logical3A_325 : vector<16xi32>
      %and3A_327 = arith.constant 127 : i32
      %and3A_328 = vector.broadcast %and3A_327 : i32 to vector<16xi32>
      %and3A_329 = arith.andi %get3A_323, %and3A_328 : vector<16xi32>
      tpu.vector_store_idx %arg5[%shift_right_logical3A_326, %and3A_329], %broadcast_in_dim3A_3 {add = true} : memref<128x128xf32, #tpu.memory_space<vmem>>[vector<16xi32>, vector<16xi32>], vector<16xf32>,
      %get3A_330 = arith.constant 3 : i32
      %get3A_331 = arith.index_cast %get3A_330 : i32 to index
      %get3A_332 = arith.constant 48 : index
      %get3A_333 = tpu.vector_load %arg4[%get3A_331, %get3A_332] {strides = array<i32>} : memref<8x128xi32, #tpu.memory_space<vmem>>, vector<16xi32>,
      %shift_right_logical3A_334 = arith.constant 7 : i32
      %shift_right_logical3A_335 = vector.broadcast %shift_right_logical3A_334 : i32 to vector<16xi32>
      %shift_right_logical3A_336 = arith.shrui %get3A_333, %shift_right_logical3A_335 : vector<16xi32>
      %and3A_337 = arith.constant 127 : i32
      %and3A_338 = vector.broadcast %and3A_337 : i32 to vector<16xi32>
      %and3A_339 = arith.andi %get3A_333, %and3A_338 : vector<16xi32>
      tpu.vector_store_idx %arg5[%shift_right_logical3A_336, %and3A_339], %broadcast_in_dim3A_3 {add = true} : memref<128x128xf32, #tpu.memory_space<vmem>>[vector<16xi32>, vector<16xi32>], vector<16xf32>,
      %get3A_340 = arith.constant 3 : i32
      %get3A_341 = arith.index_cast %get3A_340 : i32 to index
      %get3A_342 = arith.constant 64 : index
      %get3A_343 = tpu.vector_load %arg4[%get3A_341, %get3A_342] {strides = array<i32>} : memref<8x128xi32, #tpu.memory_space<vmem>>, vector<16xi32>,
      %shift_right_logical3A_344 = arith.constant 7 : i32
      %shift_right_logical3A_345 = vector.broadcast %shift_right_logical3A_344 : i32 to vector<16xi32>
      %shift_right_logical3A_346 = arith.shrui %get3A_343, %shift_right_logical3A_345 : vector<16xi32>
      %and3A_347 = arith.constant 127 : i32
      %and3A_348 = vector.broadcast %and3A_347 : i32 to vector<16xi32>
      %and3A_349 = arith.andi %get3A_343, %and3A_348 : vector<16xi32>
      tpu.vector_store_idx %arg5[%shift_right_logical3A_346, %and3A_349], %broadcast_in_dim3A_3 {add = true} : memref<128x128xf32, #tpu.memory_space<vmem>>[vector<16xi32>, vector<16xi32>], vector<16xf32>,
      %get3A_350 = arith.constant 3 : i32
      %get3A_351 = arith.index_cast %get3A_350 : i32 to index
      %get3A_352 = arith.constant 80 : index
      %get3A_353 = tpu.vector_load %arg4[%get3A_351, %get3A_352] {strides = array<i32>} : memref<8x128xi32, #tpu.memory_space<vmem>>, vector<16xi32>,
      %shift_right_logical3A_354 = arith.constant 7 : i32
      %shift_right_logical3A_355 = vector.broadcast %shift_right_logical3A_354 : i32 to vector<16xi32>
      %shift_right_logical3A_356 = arith.shrui %get3A_353, %shift_right_logical3A_355 : vector<16xi32>
      %and3A_357 = arith.constant 127 : i32
      %and3A_358 = vector.broadcast %and3A_357 : i32 to vector<16xi32>
      %and3A_359 = arith.andi %get3A_353, %and3A_358 : vector<16xi32>
      tpu.vector_store_idx %arg5[%shift_right_logical3A_356, %and3A_359], %broadcast_in_dim3A_3 {add = true} : memref<128x128xf32, #tpu.memory_space<vmem>>[vector<16xi32>, vector<16xi32>], vector<16xf32>,
      %get3A_360 = arith.constant 3 : i32
      %get3A_361 = arith.index_cast %get3A_360 : i32 to index
      %get3A_362 = arith.constant 96 : index
      %get3A_363 = tpu.vector_load %arg4[%get3A_361, %get3A_362] {strides = array<i32>} : memref<8x128xi32, #tpu.memory_space<vmem>>, vector<16xi32>,
      %shift_right_logical3A_364 = arith.constant 7 : i32
      %shift_right_logical3A_365 = vector.broadcast %shift_right_logical3A_364 : i32 to vector<16xi32>
      %shift_right_logical3A_366 = arith.shrui %get3A_363, %shift_right_logical3A_365 : vector<16xi32>
      %and3A_367 = arith.constant 127 : i32
      %and3A_368 = vector.broadcast %and3A_367 : i32 to vector<16xi32>
      %and3A_369 = arith.andi %get3A_363, %and3A_368 : vector<16xi32>
      tpu.vector_store_idx %arg5[%shift_right_logical3A_366, %and3A_369], %broadcast_in_dim3A_3 {add = true} : memref<128x128xf32, #tpu.memory_space<vmem>>[vector<16xi32>, vector<16xi32>], vector<16xf32>,
      %get3A_370 = arith.constant 3 : i32
      %get3A_371 = arith.index_cast %get3A_370 : i32 to index
      %get3A_372 = arith.constant 112 : index
      %get3A_373 = tpu.vector_load %arg4[%get3A_371, %get3A_372] {strides = array<i32>} : memref<8x128xi32, #tpu.memory_space<vmem>>, vector<16xi32>,
      %shift_right_logical3A_374 = arith.constant 7 : i32
      %shift_right_logical3A_375 = vector.broadcast %shift_right_logical3A_374 : i32 to vector<16xi32>
      %shift_right_logical3A_376 = arith.shrui %get3A_373, %shift_right_logical3A_375 : vector<16xi32>
      %and3A_377 = arith.constant 127 : i32
      %and3A_378 = vector.broadcast %and3A_377 : i32 to vector<16xi32>
      %and3A_379 = arith.andi %get3A_373, %and3A_378 : vector<16xi32>
      tpu.vector_store_idx %arg5[%shift_right_logical3A_376, %and3A_379], %broadcast_in_dim3A_3 {add = true} : memref<128x128xf32, #tpu.memory_space<vmem>>[vector<16xi32>, vector<16xi32>], vector<16xf32>,
      %get3A_380 = arith.constant 4 : i32
      %get3A_381 = arith.index_cast %get3A_380 : i32 to index
      %get3A_382 = arith.constant 0 : index
      %get3A_383 = tpu.vector_load %arg4[%get3A_381, %get3A_382] {strides = array<i32>} : memref<8x128xi32, #tpu.memory_space<vmem>>, vector<16xi32>,
      %shift_right_logical3A_384 = arith.constant 7 : i32
      %shift_right_logical3A_385 = vector.broadcast %shift_right_logical3A_384 : i32 to vector<16xi32>
      %shift_right_logical3A_386 = arith.shrui %get3A_383, %shift_right_logical3A_385 : vector<16xi32>
      %and3A_387 = arith.constant 127 : i32
      %and3A_388 = vector.broadcast %and3A_387 : i32 to vector<16xi32>
      %and3A_389 = arith.andi %get3A_383, %and3A_388 : vector<16xi32>
      tpu.vector_store_idx %arg5[%shift_right_logical3A_386, %and3A_389], %broadcast_in_dim3A_3 {add = true} : memref<128x128xf32, #tpu.memory_space<vmem>>[vector<16xi32>, vector<16xi32>], vector<16xf32>,
      %get3A_390 = arith.constant 4 : i32
      %get3A_391 = arith.index_cast %get3A_390 : i32 to index
      %get3A_392 = arith.constant 16 : index
      %get3A_393 = tpu.vector_load %arg4[%get3A_391, %get3A_392] {strides = array<i32>} : memref<8x128xi32, #tpu.memory_space<vmem>>, vector<16xi32>,
      %shift_right_logical3A_394 = arith.constant 7 : i32
      %shift_right_logical3A_395 = vector.broadcast %shift_right_logical3A_394 : i32 to vector<16xi32>
      %shift_right_logical3A_396 = arith.shrui %get3A_393, %shift_right_logical3A_395 : vector<16xi32>
      %and3A_397 = arith.constant 127 : i32
      %and3A_398 = vector.broadcast %and3A_397 : i32 to vector<16xi32>
      %and3A_399 = arith.andi %get3A_393, %and3A_398 : vector<16xi32>
      tpu.vector_store_idx %arg5[%shift_right_logical3A_396, %and3A_399], %broadcast_in_dim3A_3 {add = true} : memref<128x128xf32, #tpu.memory_space<vmem>>[vector<16xi32>, vector<16xi32>], vector<16xf32>,
      %get3A_400 = arith.constant 4 : i32
      %get3A_401 = arith.index_cast %get3A_400 : i32 to index
      %get3A_402 = arith.constant 32 : index
      %get3A_403 = tpu.vector_load %arg4[%get3A_401, %get3A_402] {strides = array<i32>} : memref<8x128xi32, #tpu.memory_space<vmem>>, vector<16xi32>,
      %shift_right_logical3A_404 = arith.constant 7 : i32
      %shift_right_logical3A_405 = vector.broadcast %shift_right_logical3A_404 : i32 to vector<16xi32>
      %shift_right_logical3A_406 = arith.shrui %get3A_403, %shift_right_logical3A_405 : vector<16xi32>
      %and3A_407 = arith.constant 127 : i32
      %and3A_408 = vector.broadcast %and3A_407 : i32 to vector<16xi32>
      %and3A_409 = arith.andi %get3A_403, %and3A_408 : vector<16xi32>
      tpu.vector_store_idx %arg5[%shift_right_logical3A_406, %and3A_409], %broadcast_in_dim3A_3 {add = true} : memref<128x128xf32, #tpu.memory_space<vmem>>[vector<16xi32>, vector<16xi32>], vector<16xf32>,
      %get3A_410 = arith.constant 4 : i32
      %get3A_411 = arith.index_cast %get3A_410 : i32 to index
      %get3A_412 = arith.constant 48 : index
      %get3A_413 = tpu.vector_load %arg4[%get3A_411, %get3A_412] {strides = array<i32>} : memref<8x128xi32, #tpu.memory_space<vmem>>, vector<16xi32>,
      %shift_right_logical3A_414 = arith.constant 7 : i32
      %shift_right_logical3A_415 = vector.broadcast %shift_right_logical3A_414 : i32 to vector<16xi32>
      %shift_right_logical3A_416 = arith.shrui %get3A_413, %shift_right_logical3A_415 : vector<16xi32>
      %and3A_417 = arith.constant 127 : i32
      %and3A_418 = vector.broadcast %and3A_417 : i32 to vector<16xi32>
      %and3A_419 = arith.andi %get3A_413, %and3A_418 : vector<16xi32>
      tpu.vector_store_idx %arg5[%shift_right_logical3A_416, %and3A_419], %broadcast_in_dim3A_3 {add = true} : memref<128x128xf32, #tpu.memory_space<vmem>>[vector<16xi32>, vector<16xi32>], vector<16xf32>,
      %get3A_420 = arith.constant 4 : i32
      %get3A_421 = arith.index_cast %get3A_420 : i32 to index
      %get3A_422 = arith.constant 64 : index
      %get3A_423 = tpu.vector_load %arg4[%get3A_421, %get3A_422] {strides = array<i32>} : memref<8x128xi32, #tpu.memory_space<vmem>>, vector<16xi32>,
      %shift_right_logical3A_424 = arith.constant 7 : i32
      %shift_right_logical3A_425 = vector.broadcast %shift_right_logical3A_424 : i32 to vector<16xi32>
      %shift_right_logical3A_426 = arith.shrui %get3A_423, %shift_right_logical3A_425 : vector<16xi32>
      %and3A_427 = arith.constant 127 : i32
      %and3A_428 = vector.broadcast %and3A_427 : i32 to vector<16xi32>
      %and3A_429 = arith.andi %get3A_423, %and3A_428 : vector<16xi32>
      tpu.vector_store_idx %arg5[%shift_right_logical3A_426, %and3A_429], %broadcast_in_dim3A_3 {add = true} : memref<128x128xf32, #tpu.memory_space<vmem>>[vector<16xi32>, vector<16xi32>], vector<16xf32>,
      %get3A_430 = arith.constant 4 : i32
      %get3A_431 = arith.index_cast %get3A_430 : i32 to index
      %get3A_432 = arith.constant 80 : index
      %get3A_433 = tpu.vector_load %arg4[%get3A_431, %get3A_432] {strides = array<i32>} : memref<8x128xi32, #tpu.memory_space<vmem>>, vector<16xi32>,
      %shift_right_logical3A_434 = arith.constant 7 : i32
      %shift_right_logical3A_435 = vector.broadcast %shift_right_logical3A_434 : i32 to vector<16xi32>
      %shift_right_logical3A_436 = arith.shrui %get3A_433, %shift_right_logical3A_435 : vector<16xi32>
      %and3A_437 = arith.constant 127 : i32
      %and3A_438 = vector.broadcast %and3A_437 : i32 to vector<16xi32>
      %and3A_439 = arith.andi %get3A_433, %and3A_438 : vector<16xi32>
      tpu.vector_store_idx %arg5[%shift_right_logical3A_436, %and3A_439], %broadcast_in_dim3A_3 {add = true} : memref<128x128xf32, #tpu.memory_space<vmem>>[vector<16xi32>, vector<16xi32>], vector<16xf32>,
      %get3A_440 = arith.constant 4 : i32
      %get3A_441 = arith.index_cast %get3A_440 : i32 to index
      %get3A_442 = arith.constant 96 : index
      %get3A_443 = tpu.vector_load %arg4[%get3A_441, %get3A_442] {strides = array<i32>} : memref<8x128xi32, #tpu.memory_space<vmem>>, vector<16xi32>,
      %shift_right_logical3A_444 = arith.constant 7 : i32
      %shift_right_logical3A_445 = vector.broadcast %shift_right_logical3A_444 : i32 to vector<16xi32>
      %shift_right_logical3A_446 = arith.shrui %get3A_443, %shift_right_logical3A_445 : vector<16xi32>
      %and3A_447 = arith.constant 127 : i32
      %and3A_448 = vector.broadcast %and3A_447 : i32 to vector<16xi32>
      %and3A_449 = arith.andi %get3A_443, %and3A_448 : vector<16xi32>
      tpu.vector_store_idx %arg5[%shift_right_logical3A_446, %and3A_449], %broadcast_in_dim3A_3 {add = true} : memref<128x128xf32, #tpu.memory_space<vmem>>[vector<16xi32>, vector<16xi32>], vector<16xf32>,
      %get3A_450 = arith.constant 4 : i32
      %get3A_451 = arith.index_cast %get3A_450 : i32 to index
      %get3A_452 = arith.constant 112 : index
      %get3A_453 = tpu.vector_load %arg4[%get3A_451, %get3A_452] {strides = array<i32>} : memref<8x128xi32, #tpu.memory_space<vmem>>, vector<16xi32>,
      %shift_right_logical3A_454 = arith.constant 7 : i32
      %shift_right_logical3A_455 = vector.broadcast %shift_right_logical3A_454 : i32 to vector<16xi32>
      %shift_right_logical3A_456 = arith.shrui %get3A_453, %shift_right_logical3A_455 : vector<16xi32>
      %and3A_457 = arith.constant 127 : i32
      %and3A_458 = vector.broadcast %and3A_457 : i32 to vector<16xi32>
      %and3A_459 = arith.andi %get3A_453, %and3A_458 : vector<16xi32>
      tpu.vector_store_idx %arg5[%shift_right_logical3A_456, %and3A_459], %broadcast_in_dim3A_3 {add = true} : memref<128x128xf32, #tpu.memory_space<vmem>>[vector<16xi32>, vector<16xi32>], vector<16xf32>,
      %get3A_460 = arith.constant 5 : i32
      %get3A_461 = arith.index_cast %get3A_460 : i32 to index
      %get3A_462 = arith.constant 0 : index
      %get3A_463 = tpu.vector_load %arg4[%get3A_461, %get3A_462] {strides = array<i32>} : memref<8x128xi32, #tpu.memory_space<vmem>>, vector<16xi32>,
      %shift_right_logical3A_464 = arith.constant 7 : i32
      %shift_right_logical3A_465 = vector.broadcast %shift_right_logical3A_464 : i32 to vector<16xi32>
      %shift_right_logical3A_466 = arith.shrui %get3A_463, %shift_right_logical3A_465 : vector<16xi32>
      %and3A_467 = arith.constant 127 : i32
      %and3A_468 = vector.broadcast %and3A_467 : i32 to vector<16xi32>
      %and3A_469 = arith.andi %get3A_463, %and3A_468 : vector<16xi32>
      tpu.vector_store_idx %arg5[%shift_right_logical3A_466, %and3A_469], %broadcast_in_dim3A_3 {add = true} : memref<128x128xf32, #tpu.memory_space<vmem>>[vector<16xi32>, vector<16xi32>], vector<16xf32>,
      %get3A_470 = arith.constant 5 : i32
      %get3A_471 = arith.index_cast %get3A_470 : i32 to index
      %get3A_472 = arith.constant 16 : index
      %get3A_473 = tpu.vector_load %arg4[%get3A_471, %get3A_472] {strides = array<i32>} : memref<8x128xi32, #tpu.memory_space<vmem>>, vector<16xi32>,
      %shift_right_logical3A_474 = arith.constant 7 : i32
      %shift_right_logical3A_475 = vector.broadcast %shift_right_logical3A_474 : i32 to vector<16xi32>
      %shift_right_logical3A_476 = arith.shrui %get3A_473, %shift_right_logical3A_475 : vector<16xi32>
      %and3A_477 = arith.constant 127 : i32
      %and3A_478 = vector.broadcast %and3A_477 : i32 to vector<16xi32>
      %and3A_479 = arith.andi %get3A_473, %and3A_478 : vector<16xi32>
      tpu.vector_store_idx %arg5[%shift_right_logical3A_476, %and3A_479], %broadcast_in_dim3A_3 {add = true} : memref<128x128xf32, #tpu.memory_space<vmem>>[vector<16xi32>, vector<16xi32>], vector<16xf32>,
      %get3A_480 = arith.constant 5 : i32
      %get3A_481 = arith.index_cast %get3A_480 : i32 to index
      %get3A_482 = arith.constant 32 : index
      %get3A_483 = tpu.vector_load %arg4[%get3A_481, %get3A_482] {strides = array<i32>} : memref<8x128xi32, #tpu.memory_space<vmem>>, vector<16xi32>,
      %shift_right_logical3A_484 = arith.constant 7 : i32
      %shift_right_logical3A_485 = vector.broadcast %shift_right_logical3A_484 : i32 to vector<16xi32>
      %shift_right_logical3A_486 = arith.shrui %get3A_483, %shift_right_logical3A_485 : vector<16xi32>
      %and3A_487 = arith.constant 127 : i32
      %and3A_488 = vector.broadcast %and3A_487 : i32 to vector<16xi32>
      %and3A_489 = arith.andi %get3A_483, %and3A_488 : vector<16xi32>
      tpu.vector_store_idx %arg5[%shift_right_logical3A_486, %and3A_489], %broadcast_in_dim3A_3 {add = true} : memref<128x128xf32, #tpu.memory_space<vmem>>[vector<16xi32>, vector<16xi32>], vector<16xf32>,
      %get3A_490 = arith.constant 5 : i32
      %get3A_491 = arith.index_cast %get3A_490 : i32 to index
      %get3A_492 = arith.constant 48 : index
      %get3A_493 = tpu.vector_load %arg4[%get3A_491, %get3A_492] {strides = array<i32>} : memref<8x128xi32, #tpu.memory_space<vmem>>, vector<16xi32>,
      %shift_right_logical3A_494 = arith.constant 7 : i32
      %shift_right_logical3A_495 = vector.broadcast %shift_right_logical3A_494 : i32 to vector<16xi32>
      %shift_right_logical3A_496 = arith.shrui %get3A_493, %shift_right_logical3A_495 : vector<16xi32>
      %and3A_497 = arith.constant 127 : i32
      %and3A_498 = vector.broadcast %and3A_497 : i32 to vector<16xi32>
      %and3A_499 = arith.andi %get3A_493, %and3A_498 : vector<16xi32>
      tpu.vector_store_idx %arg5[%shift_right_logical3A_496, %and3A_499], %broadcast_in_dim3A_3 {add = true} : memref<128x128xf32, #tpu.memory_space<vmem>>[vector<16xi32>, vector<16xi32>], vector<16xf32>,
      %get3A_500 = arith.constant 5 : i32
      %get3A_501 = arith.index_cast %get3A_500 : i32 to index
      %get3A_502 = arith.constant 64 : index
      %get3A_503 = tpu.vector_load %arg4[%get3A_501, %get3A_502] {strides = array<i32>} : memref<8x128xi32, #tpu.memory_space<vmem>>, vector<16xi32>,
      %shift_right_logical3A_504 = arith.constant 7 : i32
      %shift_right_logical3A_505 = vector.broadcast %shift_right_logical3A_504 : i32 to vector<16xi32>
      %shift_right_logical3A_506 = arith.shrui %get3A_503, %shift_right_logical3A_505 : vector<16xi32>
      %and3A_507 = arith.constant 127 : i32
      %and3A_508 = vector.broadcast %and3A_507 : i32 to vector<16xi32>
      %and3A_509 = arith.andi %get3A_503, %and3A_508 : vector<16xi32>
      tpu.vector_store_idx %arg5[%shift_right_logical3A_506, %and3A_509], %broadcast_in_dim3A_3 {add = true} : memref<128x128xf32, #tpu.memory_space<vmem>>[vector<16xi32>, vector<16xi32>], vector<16xf32>,
      %get3A_510 = arith.constant 5 : i32
      %get3A_511 = arith.index_cast %get3A_510 : i32 to index
      %get3A_512 = arith.constant 80 : index
      %get3A_513 = tpu.vector_load %arg4[%get3A_511, %get3A_512] {strides = array<i32>} : memref<8x128xi32, #tpu.memory_space<vmem>>, vector<16xi32>,
      %shift_right_logical3A_514 = arith.constant 7 : i32
      %shift_right_logical3A_515 = vector.broadcast %shift_right_logical3A_514 : i32 to vector<16xi32>
      %shift_right_logical3A_516 = arith.shrui %get3A_513, %shift_right_logical3A_515 : vector<16xi32>
      %and3A_517 = arith.constant 127 : i32
      %and3A_518 = vector.broadcast %and3A_517 : i32 to vector<16xi32>
      %and3A_519 = arith.andi %get3A_513, %and3A_518 : vector<16xi32>
      tpu.vector_store_idx %arg5[%shift_right_logical3A_516, %and3A_519], %broadcast_in_dim3A_3 {add = true} : memref<128x128xf32, #tpu.memory_space<vmem>>[vector<16xi32>, vector<16xi32>], vector<16xf32>,
      %get3A_520 = arith.constant 5 : i32
      %get3A_521 = arith.index_cast %get3A_520 : i32 to index
      %get3A_522 = arith.constant 96 : index
      %get3A_523 = tpu.vector_load %arg4[%get3A_521, %get3A_522] {strides = array<i32>} : memref<8x128xi32, #tpu.memory_space<vmem>>, vector<16xi32>,
      %shift_right_logical3A_524 = arith.constant 7 : i32
      %shift_right_logical3A_525 = vector.broadcast %shift_right_logical3A_524 : i32 to vector<16xi32>
      %shift_right_logical3A_526 = arith.shrui %get3A_523, %shift_right_logical3A_525 : vector<16xi32>
      %and3A_527 = arith.constant 127 : i32
      %and3A_528 = vector.broadcast %and3A_527 : i32 to vector<16xi32>
      %and3A_529 = arith.andi %get3A_523, %and3A_528 : vector<16xi32>
      tpu.vector_store_idx %arg5[%shift_right_logical3A_526, %and3A_529], %broadcast_in_dim3A_3 {add = true} : memref<128x128xf32, #tpu.memory_space<vmem>>[vector<16xi32>, vector<16xi32>], vector<16xf32>,
      %get3A_530 = arith.constant 5 : i32
      %get3A_531 = arith.index_cast %get3A_530 : i32 to index
      %get3A_532 = arith.constant 112 : index
      %get3A_533 = tpu.vector_load %arg4[%get3A_531, %get3A_532] {strides = array<i32>} : memref<8x128xi32, #tpu.memory_space<vmem>>, vector<16xi32>,
      %shift_right_logical3A_534 = arith.constant 7 : i32
      %shift_right_logical3A_535 = vector.broadcast %shift_right_logical3A_534 : i32 to vector<16xi32>
      %shift_right_logical3A_536 = arith.shrui %get3A_533, %shift_right_logical3A_535 : vector<16xi32>
      %and3A_537 = arith.constant 127 : i32
      %and3A_538 = vector.broadcast %and3A_537 : i32 to vector<16xi32>
      %and3A_539 = arith.andi %get3A_533, %and3A_538 : vector<16xi32>
      tpu.vector_store_idx %arg5[%shift_right_logical3A_536, %and3A_539], %broadcast_in_dim3A_3 {add = true} : memref<128x128xf32, #tpu.memory_space<vmem>>[vector<16xi32>, vector<16xi32>], vector<16xf32>,
      %get3A_540 = arith.constant 6 : i32
      %get3A_541 = arith.index_cast %get3A_540 : i32 to index
      %get3A_542 = arith.constant 0 : index
      %get3A_543 = tpu.vector_load %arg4[%get3A_541, %get3A_542] {strides = array<i32>} : memref<8x128xi32, #tpu.memory_space<vmem>>, vector<16xi32>,
      %shift_right_logical3A_544 = arith.constant 7 : i32
      %shift_right_logical3A_545 = vector.broadcast %shift_right_logical3A_544 : i32 to vector<16xi32>
      %shift_right_logical3A_546 = arith.shrui %get3A_543, %shift_right_logical3A_545 : vector<16xi32>
      %and3A_547 = arith.constant 127 : i32
      %and3A_548 = vector.broadcast %and3A_547 : i32 to vector<16xi32>
      %and3A_549 = arith.andi %get3A_543, %and3A_548 : vector<16xi32>
      tpu.vector_store_idx %arg5[%shift_right_logical3A_546, %and3A_549], %broadcast_in_dim3A_3 {add = true} : memref<128x128xf32, #tpu.memory_space<vmem>>[vector<16xi32>, vector<16xi32>], vector<16xf32>,
      %get3A_550 = arith.constant 6 : i32
      %get3A_551 = arith.index_cast %get3A_550 : i32 to index
      %get3A_552 = arith.constant 16 : index
      %get3A_553 = tpu.vector_load %arg4[%get3A_551, %get3A_552] {strides = array<i32>} : memref<8x128xi32, #tpu.memory_space<vmem>>, vector<16xi32>,
      %shift_right_logical3A_554 = arith.constant 7 : i32
      %shift_right_logical3A_555 = vector.broadcast %shift_right_logical3A_554 : i32 to vector<16xi32>
      %shift_right_logical3A_556 = arith.shrui %get3A_553, %shift_right_logical3A_555 : vector<16xi32>
      %and3A_557 = arith.constant 127 : i32
      %and3A_558 = vector.broadcast %and3A_557 : i32 to vector<16xi32>
      %and3A_559 = arith.andi %get3A_553, %and3A_558 : vector<16xi32>
      tpu.vector_store_idx %arg5[%shift_right_logical3A_556, %and3A_559], %broadcast_in_dim3A_3 {add = true} : memref<128x128xf32, #tpu.memory_space<vmem>>[vector<16xi32>, vector<16xi32>], vector<16xf32>,
      %get3A_560 = arith.constant 6 : i32
      %get3A_561 = arith.index_cast %get3A_560 : i32 to index
      %get3A_562 = arith.constant 32 : index
      %get3A_563 = tpu.vector_load %arg4[%get3A_561, %get3A_562] {strides = array<i32>} : memref<8x128xi32, #tpu.memory_space<vmem>>, vector<16xi32>,
      %shift_right_logical3A_564 = arith.constant 7 : i32
      %shift_right_logical3A_565 = vector.broadcast %shift_right_logical3A_564 : i32 to vector<16xi32>
      %shift_right_logical3A_566 = arith.shrui %get3A_563, %shift_right_logical3A_565 : vector<16xi32>
      %and3A_567 = arith.constant 127 : i32
      %and3A_568 = vector.broadcast %and3A_567 : i32 to vector<16xi32>
      %and3A_569 = arith.andi %get3A_563, %and3A_568 : vector<16xi32>
      tpu.vector_store_idx %arg5[%shift_right_logical3A_566, %and3A_569], %broadcast_in_dim3A_3 {add = true} : memref<128x128xf32, #tpu.memory_space<vmem>>[vector<16xi32>, vector<16xi32>], vector<16xf32>,
      %get3A_570 = arith.constant 6 : i32
      %get3A_571 = arith.index_cast %get3A_570 : i32 to index
      %get3A_572 = arith.constant 48 : index
      %get3A_573 = tpu.vector_load %arg4[%get3A_571, %get3A_572] {strides = array<i32>} : memref<8x128xi32, #tpu.memory_space<vmem>>, vector<16xi32>,
      %shift_right_logical3A_574 = arith.constant 7 : i32
      %shift_right_logical3A_575 = vector.broadcast %shift_right_logical3A_574 : i32 to vector<16xi32>
      %shift_right_logical3A_576 = arith.shrui %get3A_573, %shift_right_logical3A_575 : vector<16xi32>
      %and3A_577 = arith.constant 127 : i32
      %and3A_578 = vector.broadcast %and3A_577 : i32 to vector<16xi32>
      %and3A_579 = arith.andi %get3A_573, %and3A_578 : vector<16xi32>
      tpu.vector_store_idx %arg5[%shift_right_logical3A_576, %and3A_579], %broadcast_in_dim3A_3 {add = true} : memref<128x128xf32, #tpu.memory_space<vmem>>[vector<16xi32>, vector<16xi32>], vector<16xf32>,
      %get3A_580 = arith.constant 6 : i32
      %get3A_581 = arith.index_cast %get3A_580 : i32 to index
      %get3A_582 = arith.constant 64 : index
      %get3A_583 = tpu.vector_load %arg4[%get3A_581, %get3A_582] {strides = array<i32>} : memref<8x128xi32, #tpu.memory_space<vmem>>, vector<16xi32>,
      %shift_right_logical3A_584 = arith.constant 7 : i32
      %shift_right_logical3A_585 = vector.broadcast %shift_right_logical3A_584 : i32 to vector<16xi32>
      %shift_right_logical3A_586 = arith.shrui %get3A_583, %shift_right_logical3A_585 : vector<16xi32>
      %and3A_587 = arith.constant 127 : i32
      %and3A_588 = vector.broadcast %and3A_587 : i32 to vector<16xi32>
      %and3A_589 = arith.andi %get3A_583, %and3A_588 : vector<16xi32>
      tpu.vector_store_idx %arg5[%shift_right_logical3A_586, %and3A_589], %broadcast_in_dim3A_3 {add = true} : memref<128x128xf32, #tpu.memory_space<vmem>>[vector<16xi32>, vector<16xi32>], vector<16xf32>,
      %get3A_590 = arith.constant 6 : i32
      %get3A_591 = arith.index_cast %get3A_590 : i32 to index
      %get3A_592 = arith.constant 80 : index
      %get3A_593 = tpu.vector_load %arg4[%get3A_591, %get3A_592] {strides = array<i32>} : memref<8x128xi32, #tpu.memory_space<vmem>>, vector<16xi32>,
      %shift_right_logical3A_594 = arith.constant 7 : i32
      %shift_right_logical3A_595 = vector.broadcast %shift_right_logical3A_594 : i32 to vector<16xi32>
      %shift_right_logical3A_596 = arith.shrui %get3A_593, %shift_right_logical3A_595 : vector<16xi32>
      %and3A_597 = arith.constant 127 : i32
      %and3A_598 = vector.broadcast %and3A_597 : i32 to vector<16xi32>
      %and3A_599 = arith.andi %get3A_593, %and3A_598 : vector<16xi32>
      tpu.vector_store_idx %arg5[%shift_right_logical3A_596, %and3A_599], %broadcast_in_dim3A_3 {add = true} : memref<128x128xf32, #tpu.memory_space<vmem>>[vector<16xi32>, vector<16xi32>], vector<16xf32>,
      %get3A_600 = arith.constant 6 : i32
      %get3A_601 = arith.index_cast %get3A_600 : i32 to index
      %get3A_602 = arith.constant 96 : index
      %get3A_603 = tpu.vector_load %arg4[%get3A_601, %get3A_602] {strides = array<i32>} : memref<8x128xi32, #tpu.memory_space<vmem>>, vector<16xi32>,
      %shift_right_logical3A_604 = arith.constant 7 : i32
      %shift_right_logical3A_605 = vector.broadcast %shift_right_logical3A_604 : i32 to vector<16xi32>
      %shift_right_logical3A_606 = arith.shrui %get3A_603, %shift_right_logical3A_605 : vector<16xi32>
      %and3A_607 = arith.constant 127 : i32
      %and3A_608 = vector.broadcast %and3A_607 : i32 to vector<16xi32>
      %and3A_609 = arith.andi %get3A_603, %and3A_608 : vector<16xi32>
      tpu.vector_store_idx %arg5[%shift_right_logical3A_606, %and3A_609], %broadcast_in_dim3A_3 {add = true} : memref<128x128xf32, #tpu.memory_space<vmem>>[vector<16xi32>, vector<16xi32>], vector<16xf32>,
      %get3A_610 = arith.constant 6 : i32
      %get3A_611 = arith.index_cast %get3A_610 : i32 to index
      %get3A_612 = arith.constant 112 : index
      %get3A_613 = tpu.vector_load %arg4[%get3A_611, %get3A_612] {strides = array<i32>} : memref<8x128xi32, #tpu.memory_space<vmem>>, vector<16xi32>,
      %shift_right_logical3A_614 = arith.constant 7 : i32
      %shift_right_logical3A_615 = vector.broadcast %shift_right_logical3A_614 : i32 to vector<16xi32>
      %shift_right_logical3A_616 = arith.shrui %get3A_613, %shift_right_logical3A_615 : vector<16xi32>
      %and3A_617 = arith.constant 127 : i32
      %and3A_618 = vector.broadcast %and3A_617 : i32 to vector<16xi32>
      %and3A_619 = arith.andi %get3A_613, %and3A_618 : vector<16xi32>
      tpu.vector_store_idx %arg5[%shift_right_logical3A_616, %and3A_619], %broadcast_in_dim3A_3 {add = true} : memref<128x128xf32, #tpu.memory_space<vmem>>[vector<16xi32>, vector<16xi32>], vector<16xf32>,
      %get3A_620 = arith.constant 7 : i32
      %get3A_621 = arith.index_cast %get3A_620 : i32 to index
      %get3A_622 = arith.constant 0 : index
      %get3A_623 = tpu.vector_load %arg4[%get3A_621, %get3A_622] {strides = array<i32>} : memref<8x128xi32, #tpu.memory_space<vmem>>, vector<16xi32>,
      %shift_right_logical3A_624 = arith.constant 7 : i32
      %shift_right_logical3A_625 = vector.broadcast %shift_right_logical3A_624 : i32 to vector<16xi32>
      %shift_right_logical3A_626 = arith.shrui %get3A_623, %shift_right_logical3A_625 : vector<16xi32>
      %and3A_627 = arith.constant 127 : i32
      %and3A_628 = vector.broadcast %and3A_627 : i32 to vector<16xi32>
      %and3A_629 = arith.andi %get3A_623, %and3A_628 : vector<16xi32>
      tpu.vector_store_idx %arg5[%shift_right_logical3A_626, %and3A_629], %broadcast_in_dim3A_3 {add = true} : memref<128x128xf32, #tpu.memory_space<vmem>>[vector<16xi32>, vector<16xi32>], vector<16xf32>,
      %get3A_630 = arith.constant 7 : i32
      %get3A_631 = arith.index_cast %get3A_630 : i32 to index
      %get3A_632 = arith.constant 16 : index
      %get3A_633 = tpu.vector_load %arg4[%get3A_631, %get3A_632] {strides = array<i32>} : memref<8x128xi32, #tpu.memory_space<vmem>>, vector<16xi32>,
      %shift_right_logical3A_634 = arith.constant 7 : i32
      %shift_right_logical3A_635 = vector.broadcast %shift_right_logical3A_634 : i32 to vector<16xi32>
      %shift_right_logical3A_636 = arith.shrui %get3A_633, %shift_right_logical3A_635 : vector<16xi32>
      %and3A_637 = arith.constant 127 : i32
      %and3A_638 = vector.broadcast %and3A_637 : i32 to vector<16xi32>
      %and3A_639 = arith.andi %get3A_633, %and3A_638 : vector<16xi32>
      tpu.vector_store_idx %arg5[%shift_right_logical3A_636, %and3A_639], %broadcast_in_dim3A_3 {add = true} : memref<128x128xf32, #tpu.memory_space<vmem>>[vector<16xi32>, vector<16xi32>], vector<16xf32>,
      %get3A_640 = arith.constant 7 : i32
      %get3A_641 = arith.index_cast %get3A_640 : i32 to index
      %get3A_642 = arith.constant 32 : index
      %get3A_643 = tpu.vector_load %arg4[%get3A_641, %get3A_642] {strides = array<i32>} : memref<8x128xi32, #tpu.memory_space<vmem>>, vector<16xi32>,
      %shift_right_logical3A_644 = arith.constant 7 : i32
      %shift_right_logical3A_645 = vector.broadcast %shift_right_logical3A_644 : i32 to vector<16xi32>
      %shift_right_logical3A_646 = arith.shrui %get3A_643, %shift_right_logical3A_645 : vector<16xi32>
      %and3A_647 = arith.constant 127 : i32
      %and3A_648 = vector.broadcast %and3A_647 : i32 to vector<16xi32>
      %and3A_649 = arith.andi %get3A_643, %and3A_648 : vector<16xi32>
      tpu.vector_store_idx %arg5[%shift_right_logical3A_646, %and3A_649], %broadcast_in_dim3A_3 {add = true} : memref<128x128xf32, #tpu.memory_space<vmem>>[vector<16xi32>, vector<16xi32>], vector<16xf32>,
      %get3A_650 = arith.constant 7 : i32
      %get3A_651 = arith.index_cast %get3A_650 : i32 to index
      %get3A_652 = arith.constant 48 : index
      %get3A_653 = tpu.vector_load %arg4[%get3A_651, %get3A_652] {strides = array<i32>} : memref<8x128xi32, #tpu.memory_space<vmem>>, vector<16xi32>,
      %shift_right_logical3A_654 = arith.constant 7 : i32
      %shift_right_logical3A_655 = vector.broadcast %shift_right_logical3A_654 : i32 to vector<16xi32>
      %shift_right_logical3A_656 = arith.shrui %get3A_653, %shift_right_logical3A_655 : vector<16xi32>
      %and3A_657 = arith.constant 127 : i32
      %and3A_658 = vector.broadcast %and3A_657 : i32 to vector<16xi32>
      %and3A_659 = arith.andi %get3A_653, %and3A_658 : vector<16xi32>
      tpu.vector_store_idx %arg5[%shift_right_logical3A_656, %and3A_659], %broadcast_in_dim3A_3 {add = true} : memref<128x128xf32, #tpu.memory_space<vmem>>[vector<16xi32>, vector<16xi32>], vector<16xf32>,
      %get3A_660 = arith.constant 7 : i32
      %get3A_661 = arith.index_cast %get3A_660 : i32 to index
      %get3A_662 = arith.constant 64 : index
      %get3A_663 = tpu.vector_load %arg4[%get3A_661, %get3A_662] {strides = array<i32>} : memref<8x128xi32, #tpu.memory_space<vmem>>, vector<16xi32>,
      %shift_right_logical3A_664 = arith.constant 7 : i32
      %shift_right_logical3A_665 = vector.broadcast %shift_right_logical3A_664 : i32 to vector<16xi32>
      %shift_right_logical3A_666 = arith.shrui %get3A_663, %shift_right_logical3A_665 : vector<16xi32>
      %and3A_667 = arith.constant 127 : i32
      %and3A_668 = vector.broadcast %and3A_667 : i32 to vector<16xi32>
      %and3A_669 = arith.andi %get3A_663, %and3A_668 : vector<16xi32>
      tpu.vector_store_idx %arg5[%shift_right_logical3A_666, %and3A_669], %broadcast_in_dim3A_3 {add = true} : memref<128x128xf32, #tpu.memory_space<vmem>>[vector<16xi32>, vector<16xi32>], vector<16xf32>,
      %get3A_670 = arith.constant 7 : i32
      %get3A_671 = arith.index_cast %get3A_670 : i32 to index
      %get3A_672 = arith.constant 80 : index
      %get3A_673 = tpu.vector_load %arg4[%get3A_671, %get3A_672] {strides = array<i32>} : memref<8x128xi32, #tpu.memory_space<vmem>>, vector<16xi32>,
      %shift_right_logical3A_674 = arith.constant 7 : i32
      %shift_right_logical3A_675 = vector.broadcast %shift_right_logical3A_674 : i32 to vector<16xi32>
      %shift_right_logical3A_676 = arith.shrui %get3A_673, %shift_right_logical3A_675 : vector<16xi32>
      %and3A_677 = arith.constant 127 : i32
      %and3A_678 = vector.broadcast %and3A_677 : i32 to vector<16xi32>
      %and3A_679 = arith.andi %get3A_673, %and3A_678 : vector<16xi32>
      tpu.vector_store_idx %arg5[%shift_right_logical3A_676, %and3A_679], %broadcast_in_dim3A_3 {add = true} : memref<128x128xf32, #tpu.memory_space<vmem>>[vector<16xi32>, vector<16xi32>], vector<16xf32>,
      %get3A_680 = arith.constant 7 : i32
      %get3A_681 = arith.index_cast %get3A_680 : i32 to index
      %get3A_682 = arith.constant 96 : index
      %get3A_683 = tpu.vector_load %arg4[%get3A_681, %get3A_682] {strides = array<i32>} : memref<8x128xi32, #tpu.memory_space<vmem>>, vector<16xi32>,
      %shift_right_logical3A_684 = arith.constant 7 : i32
      %shift_right_logical3A_685 = vector.broadcast %shift_right_logical3A_684 : i32 to vector<16xi32>
      %shift_right_logical3A_686 = arith.shrui %get3A_683, %shift_right_logical3A_685 : vector<16xi32>
      %and3A_687 = arith.constant 127 : i32
      %and3A_688 = vector.broadcast %and3A_687 : i32 to vector<16xi32>
      %and3A_689 = arith.andi %get3A_683, %and3A_688 : vector<16xi32>
      tpu.vector_store_idx %arg5[%shift_right_logical3A_686, %and3A_689], %broadcast_in_dim3A_3 {add = true} : memref<128x128xf32, #tpu.memory_space<vmem>>[vector<16xi32>, vector<16xi32>], vector<16xf32>,
      %get3A_690 = arith.constant 7 : i32
      %get3A_691 = arith.index_cast %get3A_690 : i32 to index
      %get3A_692 = arith.constant 112 : index
      %get3A_693 = tpu.vector_load %arg4[%get3A_691, %get3A_692] {strides = array<i32>} : memref<8x128xi32, #tpu.memory_space<vmem>>, vector<16xi32>,
      %shift_right_logical3A_694 = arith.constant 7 : i32
      %shift_right_logical3A_695 = vector.broadcast %shift_right_logical3A_694 : i32 to vector<16xi32>
      %shift_right_logical3A_696 = arith.shrui %get3A_693, %shift_right_logical3A_695 : vector<16xi32>
      %and3A_697 = arith.constant 127 : i32
      %and3A_698 = vector.broadcast %and3A_697 : i32 to vector<16xi32>
      %and3A_699 = arith.andi %get3A_693, %and3A_698 : vector<16xi32>
      tpu.vector_store_idx %arg5[%shift_right_logical3A_696, %and3A_699], %broadcast_in_dim3A_3 {add = true} : memref<128x128xf32, #tpu.memory_space<vmem>>[vector<16xi32>, vector<16xi32>], vector<16xf32>,
    }
    %scan3A_60 = arith.constant 10 : i32
    "tpu.region"() ({
      %run_scoped3A = tpu.sem_alloc : memref<!tpu.dma_semaphore, #tpu.memory_space<semaphore_mem>>
      %dma_start3A = arith.constant 0 : i32
      %dma_start3A_62 = arith.constant 0 : i32
      %dma_start3A_63 = tpu.memref_slice %arg7[%dma_start3A, %dma_start3A_62] : memref<128x128xf32, #tpu.memory_space<vmem_shared>> -> memref<128x128xf32, #tpu.memory_space<vmem_shared>>
      tpu.enqueue_indirect_dma source(%arg5 : memref<128x128xf32, #tpu.memory_space<vmem>>) target(%dma_start3A_63 : memref<128x128xf32, #tpu.memory_space<vmem_shared>>) offsets(%arg6 : memref<128xi32, #tpu.memory_space<vmem>>) semaphore(%run_scoped3A : memref<!tpu.dma_semaphore, #tpu.memory_space<semaphore_mem>>) {add = true}
      %dma_wait3A = arith.constant 0 : i32
      %dma_wait3A_64 = arith.constant 0 : i32
      %dma_wait3A_65 = tpu.memref_slice %arg7[%dma_wait3A, %dma_wait3A_64] : memref<128x128xf32, #tpu.memory_space<vmem_shared>> -> memref<128x128xf32, #tpu.memory_space<vmem_shared>>
      tpu.wait_indirect_dma semaphore(%run_scoped3A : memref<!tpu.dma_semaphore, #tpu.memory_space<semaphore_mem>>) src(%arg5 : memref<128x128xf32, #tpu.memory_space<vmem>>) dst(%dma_wait3A_65 : memref<128x128xf32, #tpu.memory_space<vmem_shared>>)
      tpu.yield
    }) : () -> ()
    %barrier3A_61 = arith.constant 0 : index
    tpu.barrier barrier_id(%barrier3A_61)
    "tpu.region"() ({
      %run_scoped3A = tpu.sem_alloc : memref<!tpu.dma_semaphore, #tpu.memory_space<semaphore_mem>>
      %dma_start3A = arith.constant 0 : i32
      %dma_start3A_62 = tpu.memref_slice %arg3[%arg0, %mul3A_55, %dma_start3A] : memref<2x128x128xf32, #tpu.memory_space<hbm>> -> memref<1x8x128xf32, #tpu.memory_space<hbm>>
      %dma_start3A_63 = tpu.memref_squeeze %dma_start3A_62 : memref<1x8x128xf32, #tpu.memory_space<hbm>> -> memref<8x128xf32, #tpu.memory_space<hbm>>
      %dma_start3A_64 = arith.constant 0 : i32
      %dma_start3A_65 = tpu.memref_slice %arg7[%mul3A_55, %dma_start3A_64] : memref<128x128xf32, #tpu.memory_space<vmem_shared>> -> memref<8x128xf32, #tpu.memory_space<vmem_shared>>
      tpu.enqueue_dma source(%dma_start3A_65 : memref<8x128xf32, #tpu.memory_space<vmem_shared>>) target(%dma_start3A_63 : memref<8x128xf32, #tpu.memory_space<hbm>>) target_semaphore(%run_scoped3A : memref<!tpu.dma_semaphore, #tpu.memory_space<semaphore_mem>>)
      %dma_wait3A = arith.constant 0 : i32
      %dma_wait3A_66 = tpu.memref_slice %arg3[%arg0, %mul3A_55, %dma_wait3A] : memref<2x128x128xf32, #tpu.memory_space<hbm>> -> memref<1x8x128xf32, #tpu.memory_space<hbm>>
      %dma_wait3A_67 = tpu.memref_squeeze %dma_wait3A_66 : memref<1x8x128xf32, #tpu.memory_space<hbm>> -> memref<8x128xf32, #tpu.memory_space<hbm>>
      %dma_wait3A_68 = arith.constant 0 : i32
      %dma_wait3A_69 = tpu.memref_slice %arg7[%mul3A_55, %dma_wait3A_68] : memref<128x128xf32, #tpu.memory_space<vmem_shared>> -> memref<8x128xf32, #tpu.memory_space<vmem_shared>>
      tpu.wait_dma2 semaphore(%run_scoped3A : memref<!tpu.dma_semaphore, #tpu.memory_space<semaphore_mem>>) src(%dma_wait3A_69 : memref<8x128xf32, #tpu.memory_space<vmem_shared>>) dst(%dma_wait3A_67 : memref<8x128xf32, #tpu.memory_space<hbm>>)
      tpu.yield
    }) : () -> ()
    return
  }
}

#map = affine_map<(d0, d1) -> (0, 0)>
#map1 = affine_map<(d0, d1) -> (0, 0, 0, 0)>
#map2 = affine_map<(d0, d1) -> (0, 0, 0)>
module attributes {stable_mosaic.version = 14 : i64} {
  func.func @k(%arg0: i32, %arg1: i32, %arg2: memref<10000x128xf32, #tpu.memory_space<hbm>>, %arg3: memref<32x10x8x128xi32, #tpu.memory_space<hbm>>, %arg4: memref<32x10x8x128xi32, #tpu.memory_space<hbm>>, %arg5: memref<10112x128xf32, #tpu.memory_space<hbm>>, %arg6: memref<2x10112x128xf32, #tpu.memory_space<hbm>>, %arg7: memref<8x128xi32, #tpu.memory_space<vmem>>, %arg8: memref<8x128xi32, #tpu.memory_space<vmem>>, %arg9: memref<8x128xi32, #tpu.memory_space<vmem>>, %arg10: memref<8x128xi32, #tpu.memory_space<vmem>>, %arg11: memref<2x128x128xf32, #tpu.memory_space<vmem>>, %arg12: memref<2x!tpu.dma_semaphore, #tpu.memory_space<semaphore_mem>>, %arg13: memref<2x!tpu.dma_semaphore, #tpu.memory_space<semaphore_mem>>, %arg14: memref<10112x128xf32, #tpu.memory_space<vmem_shared>>) attributes {dimension_semantics = [#tpu.dimension_semantics<core_parallel>, #tpu.dimension_semantics<subcore_parallel>], iteration_bounds = array<i64: 2, 16>, scalar_prefetch = 0 : i64, scratch_operands = 8 : i64, tpu.core_type = #tpu.core_type<sc_vector_subcore>, window_params = [{transform_indices = #map}, {transform_indices = #map1}, {transform_indices = #map1}, {transform_indices = #map}, {transform_indices = #map2}]} {
    %mul3A = arith.constant 16 : i32
    %mul3A_0 = arith.muli %arg0, %mul3A : i32
    %add3A = arith.addi %mul3A_0, %arg1 : i32
    %mul3A_1 = arith.constant 632 : i32
    %mul3A_2 = arith.muli %arg1, %mul3A_1 : i32
    "tpu.region"() ({
      %run_scoped3A = tpu.sem_alloc : memref<!tpu.dma_semaphore, #tpu.memory_space<semaphore_mem>>
      %dma_start3A = arith.constant 0 : i32
      %dma_start3A_37 = tpu.memref_slice %arg14[%mul3A_2, %dma_start3A] : memref<10112x128xf32, #tpu.memory_space<vmem_shared>> -> memref<632x128xf32, #tpu.memory_space<vmem_shared>>
      %dma_start3A_38 = arith.constant 0 : i32
      %dma_start3A_39 = tpu.memref_slice %arg5[%mul3A_2, %dma_start3A_38] : memref<10112x128xf32, #tpu.memory_space<hbm>> -> memref<632x128xf32, #tpu.memory_space<hbm>>
      tpu.enqueue_dma source(%dma_start3A_39 : memref<632x128xf32, #tpu.memory_space<hbm>>) target(%dma_start3A_37 : memref<632x128xf32, #tpu.memory_space<vmem_shared>>) target_semaphore(%run_scoped3A : memref<!tpu.dma_semaphore, #tpu.memory_space<semaphore_mem>>)
      %dma_wait3A_40 = arith.constant 0 : i32
      %dma_wait3A_41 = tpu.memref_slice %arg14[%mul3A_2, %dma_wait3A_40] : memref<10112x128xf32, #tpu.memory_space<vmem_shared>> -> memref<632x128xf32, #tpu.memory_space<vmem_shared>>
      %dma_wait3A_42 = arith.constant 0 : i32
      %dma_wait3A_43 = tpu.memref_slice %arg5[%mul3A_2, %dma_wait3A_42] : memref<10112x128xf32, #tpu.memory_space<hbm>> -> memref<632x128xf32, #tpu.memory_space<hbm>>
      tpu.wait_dma2 semaphore(%run_scoped3A : memref<!tpu.dma_semaphore, #tpu.memory_space<semaphore_mem>>) src(%dma_wait3A_43 : memref<632x128xf32, #tpu.memory_space<hbm>>) dst(%dma_wait3A_41 : memref<632x128xf32, #tpu.memory_space<vmem_shared>>)
      tpu.yield
    }) : () -> ()
    %barrier3A = arith.constant 0 : index
    tpu.barrier barrier_id(%barrier3A)
    %scan3A = arith.constant 0 : i32
    %scan3A_3 = arith.constant 5 : i32
    %scan3A_4 = arith.addi %scan3A, %scan3A_3 : i32
    %scan3A_5 = arith.constant 1 : i32
    scf.for %scan3A_37 = %scan3A to %scan3A_4 step %scan3A_5  : i32 {
      %mul3A_38 = arith.constant 2 : i32
      %mul3A_39 = arith.muli %mul3A_38, %scan3A_37 : i32
      "tpu.region"() ({
        %run_scoped3A = tpu.sem_alloc : memref<!tpu.dma_semaphore, #tpu.memory_space<semaphore_mem>>
        %dma_start3A_980 = arith.constant 0 : i32
        %dma_start3A_981 = arith.constant 0 : i32
        %dma_start3A_982 = tpu.memref_slice %arg3[%add3A, %mul3A_39, %dma_start3A_980, %dma_start3A_981] : memref<32x10x8x128xi32, #tpu.memory_space<hbm>> -> memref<1x1x8x128xi32, #tpu.memory_space<hbm>>
        %dma_start3A_983 = tpu.memref_squeeze %dma_start3A_982 : memref<1x1x8x128xi32, #tpu.memory_space<hbm>> -> memref<8x128xi32, #tpu.memory_space<hbm>>
        %dma_start3A_984 = arith.constant 0 : i32
        %dma_start3A_985 = arith.constant 0 : i32
        %dma_start3A_986 = tpu.memref_slice %arg3[%add3A, %mul3A_39, %dma_start3A_984, %dma_start3A_985] : memref<32x10x8x128xi32, #tpu.memory_space<hbm>> -> memref<1x1x8x128xi32, #tpu.memory_space<hbm>>
        %dma_start3A_987 = tpu.memref_squeeze %dma_start3A_986 : memref<1x1x8x128xi32, #tpu.memory_space<hbm>> -> memref<8x128xi32, #tpu.memory_space<hbm>>
        tpu.enqueue_dma source(%dma_start3A_987 : memref<8x128xi32, #tpu.memory_space<hbm>>) target(%arg7 : memref<8x128xi32, #tpu.memory_space<vmem>>) target_semaphore(%run_scoped3A : memref<!tpu.dma_semaphore, #tpu.memory_space<semaphore_mem>>)
        %dma_wait3A_988 = arith.constant 0 : i32
        %dma_wait3A_989 = arith.constant 0 : i32
        %dma_wait3A_990 = tpu.memref_slice %arg3[%add3A, %mul3A_39, %dma_wait3A_988, %dma_wait3A_989] : memref<32x10x8x128xi32, #tpu.memory_space<hbm>> -> memref<1x1x8x128xi32, #tpu.memory_space<hbm>>
        %dma_wait3A_991 = tpu.memref_squeeze %dma_wait3A_990 : memref<1x1x8x128xi32, #tpu.memory_space<hbm>> -> memref<8x128xi32, #tpu.memory_space<hbm>>
        %dma_wait3A_992 = arith.constant 0 : i32
        %dma_wait3A_993 = arith.constant 0 : i32
        %dma_wait3A_994 = tpu.memref_slice %arg3[%add3A, %mul3A_39, %dma_wait3A_992, %dma_wait3A_993] : memref<32x10x8x128xi32, #tpu.memory_space<hbm>> -> memref<1x1x8x128xi32, #tpu.memory_space<hbm>>
        %dma_wait3A_995 = tpu.memref_squeeze %dma_wait3A_994 : memref<1x1x8x128xi32, #tpu.memory_space<hbm>> -> memref<8x128xi32, #tpu.memory_space<hbm>>
        tpu.wait_dma2 semaphore(%run_scoped3A : memref<!tpu.dma_semaphore, #tpu.memory_space<semaphore_mem>>) src(%dma_wait3A_995 : memref<8x128xi32, #tpu.memory_space<hbm>>) dst(%arg7 : memref<8x128xi32, #tpu.memory_space<vmem>>)
        tpu.yield
      }) : () -> ()
      "tpu.region"() ({
        %run_scoped3A = tpu.sem_alloc : memref<!tpu.dma_semaphore, #tpu.memory_space<semaphore_mem>>
        %dma_start3A_980 = arith.constant 0 : i32
        %dma_start3A_981 = arith.constant 0 : i32
        %dma_start3A_982 = tpu.memref_slice %arg4[%add3A, %mul3A_39, %dma_start3A_980, %dma_start3A_981] : memref<32x10x8x128xi32, #tpu.memory_space<hbm>> -> memref<1x1x8x128xi32, #tpu.memory_space<hbm>>
        %dma_start3A_983 = tpu.memref_squeeze %dma_start3A_982 : memref<1x1x8x128xi32, #tpu.memory_space<hbm>> -> memref<8x128xi32, #tpu.memory_space<hbm>>
        %dma_start3A_984 = arith.constant 0 : i32
        %dma_start3A_985 = arith.constant 0 : i32
        %dma_start3A_986 = tpu.memref_slice %arg4[%add3A, %mul3A_39, %dma_start3A_984, %dma_start3A_985] : memref<32x10x8x128xi32, #tpu.memory_space<hbm>> -> memref<1x1x8x128xi32, #tpu.memory_space<hbm>>
        %dma_start3A_987 = tpu.memref_squeeze %dma_start3A_986 : memref<1x1x8x128xi32, #tpu.memory_space<hbm>> -> memref<8x128xi32, #tpu.memory_space<hbm>>
        tpu.enqueue_dma source(%dma_start3A_987 : memref<8x128xi32, #tpu.memory_space<hbm>>) target(%arg8 : memref<8x128xi32, #tpu.memory_space<vmem>>) target_semaphore(%run_scoped3A : memref<!tpu.dma_semaphore, #tpu.memory_space<semaphore_mem>>)
        %dma_wait3A_988 = arith.constant 0 : i32
        %dma_wait3A_989 = arith.constant 0 : i32
        %dma_wait3A_990 = tpu.memref_slice %arg4[%add3A, %mul3A_39, %dma_wait3A_988, %dma_wait3A_989] : memref<32x10x8x128xi32, #tpu.memory_space<hbm>> -> memref<1x1x8x128xi32, #tpu.memory_space<hbm>>
        %dma_wait3A_991 = tpu.memref_squeeze %dma_wait3A_990 : memref<1x1x8x128xi32, #tpu.memory_space<hbm>> -> memref<8x128xi32, #tpu.memory_space<hbm>>
        %dma_wait3A_992 = arith.constant 0 : i32
        %dma_wait3A_993 = arith.constant 0 : i32
        %dma_wait3A_994 = tpu.memref_slice %arg4[%add3A, %mul3A_39, %dma_wait3A_992, %dma_wait3A_993] : memref<32x10x8x128xi32, #tpu.memory_space<hbm>> -> memref<1x1x8x128xi32, #tpu.memory_space<hbm>>
        %dma_wait3A_995 = tpu.memref_squeeze %dma_wait3A_994 : memref<1x1x8x128xi32, #tpu.memory_space<hbm>> -> memref<8x128xi32, #tpu.memory_space<hbm>>
        tpu.wait_dma2 semaphore(%run_scoped3A : memref<!tpu.dma_semaphore, #tpu.memory_space<semaphore_mem>>) src(%dma_wait3A_995 : memref<8x128xi32, #tpu.memory_space<hbm>>) dst(%arg8 : memref<8x128xi32, #tpu.memory_space<vmem>>)
        tpu.yield
      }) : () -> ()
      %gt3A = arith.constant 0 : i32
      %gt3A_40 = arith.cmpi sgt, %scan3A_37, %gt3A : i32
      %convert_element_type3A = arith.extui %gt3A_40 : i1 to i32
      %cond3A = arith.constant 0 : i32
      %cond3A_41 = arith.cmpi ne, %convert_element_type3A, %cond3A : i32
      scf.if %cond3A_41 {
        %dma_wait3A_980 = arith.constant 0 : i32
        %dma_wait3A_981 = arith.constant 0 : i32
        %dma_wait3A_982 = arith.constant 0 : i32
        %dma_wait3A_983 = arith.constant 0 : i32
        %dma_wait3A_984 = arith.constant 0 : i32
        %dma_wait3A_985 = tpu.memref_slice %arg11[%dma_wait3A_980, %dma_wait3A_983, %dma_wait3A_984] : memref<2x128x128xf32, #tpu.memory_space<vmem>> -> memref<1x128x128xf32, #tpu.memory_space<vmem>>
        %dma_wait3A_986 = tpu.memref_squeeze %dma_wait3A_985 : memref<1x128x128xf32, #tpu.memory_space<vmem>> -> memref<128x128xf32, #tpu.memory_space<vmem>>
        %dma_wait3A_987 = arith.constant 0 : i32
        %dma_wait3A_988 = tpu.memref_slice %arg8[%dma_wait3A_981, %dma_wait3A_987] : memref<8x128xi32, #tpu.memory_space<vmem>> -> memref<1x128xi32, #tpu.memory_space<vmem>>
        %dma_wait3A_989 = tpu.memref_squeeze %dma_wait3A_988 : memref<1x128xi32, #tpu.memory_space<vmem>> -> memref<128xi32, #tpu.memory_space<vmem>>
        %dma_wait3A_990 = arith.constant 0 : i32
        %dma_wait3A_991 = arith.constant 0 : i32
        %dma_wait3A_992 = tpu.memref_slice %arg14[%dma_wait3A_990, %dma_wait3A_991] : memref<10112x128xf32, #tpu.memory_space<vmem_shared>> -> memref<10112x128xf32, #tpu.memory_space<vmem_shared>>
        %dma_wait3A_993 = tpu.memref_slice %arg13[%dma_wait3A_982] : memref<2x!tpu.dma_semaphore, #tpu.memory_space<semaphore_mem>> -> memref<1x!tpu.dma_semaphore, #tpu.memory_space<semaphore_mem>>
        %dma_wait3A_994 = tpu.memref_squeeze %dma_wait3A_993 : memref<1x!tpu.dma_semaphore, #tpu.memory_space<semaphore_mem>> -> memref<!tpu.dma_semaphore, #tpu.memory_space<semaphore_mem>>
        tpu.wait_indirect_dma semaphore(%dma_wait3A_994 : memref<!tpu.dma_semaphore, #tpu.memory_space<semaphore_mem>>) src(%dma_wait3A_986 : memref<128x128xf32, #tpu.memory_space<vmem>>) dst(%dma_wait3A_992 : memref<10112x128xf32, #tpu.memory_space<vmem_shared>>)
      } else {
      }
      %dma_start3A = arith.constant 0 : i32
      %dma_start3A_42 = arith.constant 0 : i32
      %dma_start3A_43 = arith.constant 0 : i32
      %dma_start3A_44 = arith.constant 0 : i32
      %dma_start3A_45 = arith.constant 0 : i32
      %dma_start3A_46 = tpu.memref_slice %arg11[%dma_start3A_42, %dma_start3A_44, %dma_start3A_45] : memref<2x128x128xf32, #tpu.memory_space<vmem>> -> memref<1x128x128xf32, #tpu.memory_space<vmem>>
      %dma_start3A_47 = tpu.memref_squeeze %dma_start3A_46 : memref<1x128x128xf32, #tpu.memory_space<vmem>> -> memref<128x128xf32, #tpu.memory_space<vmem>>
      %dma_start3A_48 = arith.constant 0 : i32
      %dma_start3A_49 = tpu.memref_slice %arg7[%dma_start3A, %dma_start3A_48] : memref<8x128xi32, #tpu.memory_space<vmem>> -> memref<1x128xi32, #tpu.memory_space<vmem>>
      %dma_start3A_50 = tpu.memref_squeeze %dma_start3A_49 : memref<1x128xi32, #tpu.memory_space<vmem>> -> memref<128xi32, #tpu.memory_space<vmem>>
      %dma_start3A_51 = arith.constant 0 : i32
      %dma_start3A_52 = arith.constant 0 : i32
      %dma_start3A_53 = tpu.memref_slice %arg2[%dma_start3A_51, %dma_start3A_52] : memref<10000x128xf32, #tpu.memory_space<hbm>> -> memref<10000x128xf32, #tpu.memory_space<hbm>>
      %dma_start3A_54 = tpu.memref_slice %arg12[%dma_start3A_43] : memref<2x!tpu.dma_semaphore, #tpu.memory_space<semaphore_mem>> -> memref<1x!tpu.dma_semaphore, #tpu.memory_space<semaphore_mem>>
      %dma_start3A_55 = tpu.memref_squeeze %dma_start3A_54 : memref<1x!tpu.dma_semaphore, #tpu.memory_space<semaphore_mem>> -> memref<!tpu.dma_semaphore, #tpu.memory_space<semaphore_mem>>
      tpu.enqueue_indirect_dma source(%dma_start3A_53 : memref<10000x128xf32, #tpu.memory_space<hbm>>) target(%dma_start3A_47 : memref<128x128xf32, #tpu.memory_space<vmem>>) offsets(%dma_start3A_50 : memref<128xi32, #tpu.memory_space<vmem>>) semaphore(%dma_start3A_55 : memref<!tpu.dma_semaphore, #tpu.memory_space<semaphore_mem>>)
      %dma_wait3A_56 = arith.constant 0 : i32
      %dma_wait3A_57 = arith.constant 0 : i32
      %dma_wait3A_58 = arith.constant 0 : i32
      %dma_wait3A_59 = arith.constant 0 : i32
      %dma_wait3A_60 = arith.constant 0 : i32
      %dma_wait3A_61 = tpu.memref_slice %arg11[%dma_wait3A_57, %dma_wait3A_59, %dma_wait3A_60] : memref<2x128x128xf32, #tpu.memory_space<vmem>> -> memref<1x128x128xf32, #tpu.memory_space<vmem>>
      %dma_wait3A_62 = tpu.memref_squeeze %dma_wait3A_61 : memref<1x128x128xf32, #tpu.memory_space<vmem>> -> memref<128x128xf32, #tpu.memory_space<vmem>>
      %dma_wait3A_63 = arith.constant 0 : i32
      %dma_wait3A_64 = tpu.memref_slice %arg7[%dma_wait3A_56, %dma_wait3A_63] : memref<8x128xi32, #tpu.memory_space<vmem>> -> memref<1x128xi32, #tpu.memory_space<vmem>>
      %dma_wait3A_65 = tpu.memref_squeeze %dma_wait3A_64 : memref<1x128xi32, #tpu.memory_space<vmem>> -> memref<128xi32, #tpu.memory_space<vmem>>
      %dma_wait3A_66 = arith.constant 0 : i32
      %dma_wait3A_67 = arith.constant 0 : i32
      %dma_wait3A_68 = tpu.memref_slice %arg2[%dma_wait3A_66, %dma_wait3A_67] : memref<10000x128xf32, #tpu.memory_space<hbm>> -> memref<10000x128xf32, #tpu.memory_space<hbm>>
      %dma_wait3A_69 = tpu.memref_slice %arg12[%dma_wait3A_58] : memref<2x!tpu.dma_semaphore, #tpu.memory_space<semaphore_mem>> -> memref<1x!tpu.dma_semaphore, #tpu.memory_space<semaphore_mem>>
      %dma_wait3A_70 = tpu.memref_squeeze %dma_wait3A_69 : memref<1x!tpu.dma_semaphore, #tpu.memory_space<semaphore_mem>> -> memref<!tpu.dma_semaphore, #tpu.memory_space<semaphore_mem>>
      tpu.wait_indirect_dma semaphore(%dma_wait3A_70 : memref<!tpu.dma_semaphore, #tpu.memory_space<semaphore_mem>>) src(%dma_wait3A_68 : memref<10000x128xf32, #tpu.memory_space<hbm>>) dst(%dma_wait3A_62 : memref<128x128xf32, #tpu.memory_space<vmem>>)
      %dma_start3A_71 = arith.constant 0 : i32
      %dma_start3A_72 = arith.constant 0 : i32
      %dma_start3A_73 = arith.constant 0 : i32
      %dma_start3A_74 = arith.constant 0 : i32
      %dma_start3A_75 = arith.constant 0 : i32
      %dma_start3A_76 = tpu.memref_slice %arg11[%dma_start3A_71, %dma_start3A_74, %dma_start3A_75] : memref<2x128x128xf32, #tpu.memory_space<vmem>> -> memref<1x128x128xf32, #tpu.memory_space<vmem>>
      %dma_start3A_77 = tpu.memref_squeeze %dma_start3A_76 : memref<1x128x128xf32, #tpu.memory_space<vmem>> -> memref<128x128xf32, #tpu.memory_space<vmem>>
      %dma_start3A_78 = arith.constant 0 : i32
      %dma_start3A_79 = tpu.memref_slice %arg8[%dma_start3A_72, %dma_start3A_78] : memref<8x128xi32, #tpu.memory_space<vmem>> -> memref<1x128xi32, #tpu.memory_space<vmem>>
      %dma_start3A_80 = tpu.memref_squeeze %dma_start3A_79 : memref<1x128xi32, #tpu.memory_space<vmem>> -> memref<128xi32, #tpu.memory_space<vmem>>
      %dma_start3A_81 = arith.constant 0 : i32
      %dma_start3A_82 = arith.constant 0 : i32
      %dma_start3A_83 = tpu.memref_slice %arg14[%dma_start3A_81, %dma_start3A_82] : memref<10112x128xf32, #tpu.memory_space<vmem_shared>> -> memref<10112x128xf32, #tpu.memory_space<vmem_shared>>
      %dma_start3A_84 = tpu.memref_slice %arg13[%dma_start3A_73] : memref<2x!tpu.dma_semaphore, #tpu.memory_space<semaphore_mem>> -> memref<1x!tpu.dma_semaphore, #tpu.memory_space<semaphore_mem>>
      %dma_start3A_85 = tpu.memref_squeeze %dma_start3A_84 : memref<1x!tpu.dma_semaphore, #tpu.memory_space<semaphore_mem>> -> memref<!tpu.dma_semaphore, #tpu.memory_space<semaphore_mem>>
      tpu.enqueue_indirect_dma source(%dma_start3A_77 : memref<128x128xf32, #tpu.memory_space<vmem>>) target(%dma_start3A_83 : memref<10112x128xf32, #tpu.memory_space<vmem_shared>>) offsets(%dma_start3A_80 : memref<128xi32, #tpu.memory_space<vmem>>) semaphore(%dma_start3A_85 : memref<!tpu.dma_semaphore, #tpu.memory_space<semaphore_mem>>) {add = true}
      %gt3A_86 = arith.constant 0 : i32
      %gt3A_87 = arith.cmpi sgt, %scan3A_37, %gt3A_86 : i32
      %convert_element_type3A_88 = arith.extui %gt3A_87 : i1 to i32
      %cond3A_89 = arith.constant 0 : i32
      %cond3A_90 = arith.cmpi ne, %convert_element_type3A_88, %cond3A_89 : i32
      scf.if %cond3A_90 {
        %dma_wait3A_980 = arith.constant 1 : i32
        %dma_wait3A_981 = arith.constant 1 : i32
        %dma_wait3A_982 = arith.constant 1 : i32
        %dma_wait3A_983 = arith.constant 0 : i32
        %dma_wait3A_984 = arith.constant 0 : i32
        %dma_wait3A_985 = tpu.memref_slice %arg11[%dma_wait3A_980, %dma_wait3A_983, %dma_wait3A_984] : memref<2x128x128xf32, #tpu.memory_space<vmem>> -> memref<1x128x128xf32, #tpu.memory_space<vmem>>
        %dma_wait3A_986 = tpu.memref_squeeze %dma_wait3A_985 : memref<1x128x128xf32, #tpu.memory_space<vmem>> -> memref<128x128xf32, #tpu.memory_space<vmem>>
        %dma_wait3A_987 = arith.constant 0 : i32
        %dma_wait3A_988 = tpu.memref_slice %arg8[%dma_wait3A_981, %dma_wait3A_987] : memref<8x128xi32, #tpu.memory_space<vmem>> -> memref<1x128xi32, #tpu.memory_space<vmem>>
        %dma_wait3A_989 = tpu.memref_squeeze %dma_wait3A_988 : memref<1x128xi32, #tpu.memory_space<vmem>> -> memref<128xi32, #tpu.memory_space<vmem>>
        %dma_wait3A_990 = arith.constant 0 : i32
        %dma_wait3A_991 = arith.constant 0 : i32
        %dma_wait3A_992 = tpu.memref_slice %arg14[%dma_wait3A_990, %dma_wait3A_991] : memref<10112x128xf32, #tpu.memory_space<vmem_shared>> -> memref<10112x128xf32, #tpu.memory_space<vmem_shared>>
        %dma_wait3A_993 = tpu.memref_slice %arg13[%dma_wait3A_982] : memref<2x!tpu.dma_semaphore, #tpu.memory_space<semaphore_mem>> -> memref<1x!tpu.dma_semaphore, #tpu.memory_space<semaphore_mem>>
        %dma_wait3A_994 = tpu.memref_squeeze %dma_wait3A_993 : memref<1x!tpu.dma_semaphore, #tpu.memory_space<semaphore_mem>> -> memref<!tpu.dma_semaphore, #tpu.memory_space<semaphore_mem>>
        tpu.wait_indirect_dma semaphore(%dma_wait3A_994 : memref<!tpu.dma_semaphore, #tpu.memory_space<semaphore_mem>>) src(%dma_wait3A_986 : memref<128x128xf32, #tpu.memory_space<vmem>>) dst(%dma_wait3A_992 : memref<10112x128xf32, #tpu.memory_space<vmem_shared>>)
      } else {
      }
      %dma_start3A_91 = arith.constant 1 : i32
      %dma_start3A_92 = arith.constant 1 : i32
      %dma_start3A_93 = arith.constant 1 : i32
      %dma_start3A_94 = arith.constant 0 : i32
      %dma_start3A_95 = arith.constant 0 : i32
      %dma_start3A_96 = tpu.memref_slice %arg11[%dma_start3A_92, %dma_start3A_94, %dma_start3A_95] : memref<2x128x128xf32, #tpu.memory_space<vmem>> -> memref<1x128x128xf32, #tpu.memory_space<vmem>>
      %dma_start3A_97 = tpu.memref_squeeze %dma_start3A_96 : memref<1x128x128xf32, #tpu.memory_space<vmem>> -> memref<128x128xf32, #tpu.memory_space<vmem>>
      %dma_start3A_98 = arith.constant 0 : i32
      %dma_start3A_99 = tpu.memref_slice %arg7[%dma_start3A_91, %dma_start3A_98] : memref<8x128xi32, #tpu.memory_space<vmem>> -> memref<1x128xi32, #tpu.memory_space<vmem>>
      %dma_start3A_100 = tpu.memref_squeeze %dma_start3A_99 : memref<1x128xi32, #tpu.memory_space<vmem>> -> memref<128xi32, #tpu.memory_space<vmem>>
      %dma_start3A_101 = arith.constant 0 : i32
      %dma_start3A_102 = arith.constant 0 : i32
      %dma_start3A_103 = tpu.memref_slice %arg2[%dma_start3A_101, %dma_start3A_102] : memref<10000x128xf32, #tpu.memory_space<hbm>> -> memref<10000x128xf32, #tpu.memory_space<hbm>>
      %dma_start3A_104 = tpu.memref_slice %arg12[%dma_start3A_93] : memref<2x!tpu.dma_semaphore, #tpu.memory_space<semaphore_mem>> -> memref<1x!tpu.dma_semaphore, #tpu.memory_space<semaphore_mem>>
      %dma_start3A_105 = tpu.memref_squeeze %dma_start3A_104 : memref<1x!tpu.dma_semaphore, #tpu.memory_space<semaphore_mem>> -> memref<!tpu.dma_semaphore, #tpu.memory_space<semaphore_mem>>
      tpu.enqueue_indirect_dma source(%dma_start3A_103 : memref<10000x128xf32, #tpu.memory_space<hbm>>) target(%dma_start3A_97 : memref<128x128xf32, #tpu.memory_space<vmem>>) offsets(%dma_start3A_100 : memref<128xi32, #tpu.memory_space<vmem>>) semaphore(%dma_start3A_105 : memref<!tpu.dma_semaphore, #tpu.memory_space<semaphore_mem>>)
      %dma_wait3A_106 = arith.constant 1 : i32
      %dma_wait3A_107 = arith.constant 1 : i32
      %dma_wait3A_108 = arith.constant 1 : i32
      %dma_wait3A_109 = arith.constant 0 : i32
      %dma_wait3A_110 = arith.constant 0 : i32
      %dma_wait3A_111 = tpu.memref_slice %arg11[%dma_wait3A_107, %dma_wait3A_109, %dma_wait3A_110] : memref<2x128x128xf32, #tpu.memory_space<vmem>> -> memref<1x128x128xf32, #tpu.memory_space<vmem>>
      %dma_wait3A_112 = tpu.memref_squeeze %dma_wait3A_111 : memref<1x128x128xf32, #tpu.memory_space<vmem>> -> memref<128x128xf32, #tpu.memory_space<vmem>>
      %dma_wait3A_113 = arith.constant 0 : i32
      %dma_wait3A_114 = tpu.memref_slice %arg7[%dma_wait3A_106, %dma_wait3A_113] : memref<8x128xi32, #tpu.memory_space<vmem>> -> memref<1x128xi32, #tpu.memory_space<vmem>>
      %dma_wait3A_115 = tpu.memref_squeeze %dma_wait3A_114 : memref<1x128xi32, #tpu.memory_space<vmem>> -> memref<128xi32, #tpu.memory_space<vmem>>
      %dma_wait3A_116 = arith.constant 0 : i32
      %dma_wait3A_117 = arith.constant 0 : i32
      %dma_wait3A_118 = tpu.memref_slice %arg2[%dma_wait3A_116, %dma_wait3A_117] : memref<10000x128xf32, #tpu.memory_space<hbm>> -> memref<10000x128xf32, #tpu.memory_space<hbm>>
      %dma_wait3A_119 = tpu.memref_slice %arg12[%dma_wait3A_108] : memref<2x!tpu.dma_semaphore, #tpu.memory_space<semaphore_mem>> -> memref<1x!tpu.dma_semaphore, #tpu.memory_space<semaphore_mem>>
      %dma_wait3A_120 = tpu.memref_squeeze %dma_wait3A_119 : memref<1x!tpu.dma_semaphore, #tpu.memory_space<semaphore_mem>> -> memref<!tpu.dma_semaphore, #tpu.memory_space<semaphore_mem>>
      tpu.wait_indirect_dma semaphore(%dma_wait3A_120 : memref<!tpu.dma_semaphore, #tpu.memory_space<semaphore_mem>>) src(%dma_wait3A_118 : memref<10000x128xf32, #tpu.memory_space<hbm>>) dst(%dma_wait3A_112 : memref<128x128xf32, #tpu.memory_space<vmem>>)
      %dma_start3A_121 = arith.constant 1 : i32
      %dma_start3A_122 = arith.constant 1 : i32
      %dma_start3A_123 = arith.constant 1 : i32
      %dma_start3A_124 = arith.constant 0 : i32
      %dma_start3A_125 = arith.constant 0 : i32
      %dma_start3A_126 = tpu.memref_slice %arg11[%dma_start3A_121, %dma_start3A_124, %dma_start3A_125] : memref<2x128x128xf32, #tpu.memory_space<vmem>> -> memref<1x128x128xf32, #tpu.memory_space<vmem>>
      %dma_start3A_127 = tpu.memref_squeeze %dma_start3A_126 : memref<1x128x128xf32, #tpu.memory_space<vmem>> -> memref<128x128xf32, #tpu.memory_space<vmem>>
      %dma_start3A_128 = arith.constant 0 : i32
      %dma_start3A_129 = tpu.memref_slice %arg8[%dma_start3A_122, %dma_start3A_128] : memref<8x128xi32, #tpu.memory_space<vmem>> -> memref<1x128xi32, #tpu.memory_space<vmem>>
      %dma_start3A_130 = tpu.memref_squeeze %dma_start3A_129 : memref<1x128xi32, #tpu.memory_space<vmem>> -> memref<128xi32, #tpu.memory_space<vmem>>
      %dma_start3A_131 = arith.constant 0 : i32
      %dma_start3A_132 = arith.constant 0 : i32
      %dma_start3A_133 = tpu.memref_slice %arg14[%dma_start3A_131, %dma_start3A_132] : memref<10112x128xf32, #tpu.memory_space<vmem_shared>> -> memref<10112x128xf32, #tpu.memory_space<vmem_shared>>
      %dma_start3A_134 = tpu.memref_slice %arg13[%dma_start3A_123] : memref<2x!tpu.dma_semaphore, #tpu.memory_space<semaphore_mem>> -> memref<1x!tpu.dma_semaphore, #tpu.memory_space<semaphore_mem>>
      %dma_start3A_135 = tpu.memref_squeeze %dma_start3A_134 : memref<1x!tpu.dma_semaphore, #tpu.memory_space<semaphore_mem>> -> memref<!tpu.dma_semaphore, #tpu.memory_space<semaphore_mem>>
      tpu.enqueue_indirect_dma source(%dma_start3A_127 : memref<128x128xf32, #tpu.memory_space<vmem>>) target(%dma_start3A_133 : memref<10112x128xf32, #tpu.memory_space<vmem_shared>>) offsets(%dma_start3A_130 : memref<128xi32, #tpu.memory_space<vmem>>) semaphore(%dma_start3A_135 : memref<!tpu.dma_semaphore, #tpu.memory_space<semaphore_mem>>) {add = true}
      %dma_wait3A_136 = arith.constant 0 : i32
      %dma_wait3A_137 = arith.constant 2 : i32
      %dma_wait3A_138 = arith.constant 0 : i32
      %dma_wait3A_139 = arith.constant 0 : i32
      %dma_wait3A_140 = arith.constant 0 : i32
      %dma_wait3A_141 = tpu.memref_slice %arg11[%dma_wait3A_136, %dma_wait3A_139, %dma_wait3A_140] : memref<2x128x128xf32, #tpu.memory_space<vmem>> -> memref<1x128x128xf32, #tpu.memory_space<vmem>>
      %dma_wait3A_142 = tpu.memref_squeeze %dma_wait3A_141 : memref<1x128x128xf32, #tpu.memory_space<vmem>> -> memref<128x128xf32, #tpu.memory_space<vmem>>
      %dma_wait3A_143 = arith.constant 0 : i32
      %dma_wait3A_144 = tpu.memref_slice %arg8[%dma_wait3A_137, %dma_wait3A_143] : memref<8x128xi32, #tpu.memory_space<vmem>> -> memref<1x128xi32, #tpu.memory_space<vmem>>
      %dma_wait3A_145 = tpu.memref_squeeze %dma_wait3A_144 : memref<1x128xi32, #tpu.memory_space<vmem>> -> memref<128xi32, #tpu.memory_space<vmem>>
      %dma_wait3A_146 = arith.constant 0 : i32
      %dma_wait3A_147 = arith.constant 0 : i32
      %dma_wait3A_148 = tpu.memref_slice %arg14[%dma_wait3A_146, %dma_wait3A_147] : memref<10112x128xf32, #tpu.memory_space<vmem_shared>> -> memref<10112x128xf32, #tpu.memory_space<vmem_shared>>
      %dma_wait3A_149 = tpu.memref_slice %arg13[%dma_wait3A_138] : memref<2x!tpu.dma_semaphore, #tpu.memory_space<semaphore_mem>> -> memref<1x!tpu.dma_semaphore, #tpu.memory_space<semaphore_mem>>
      %dma_wait3A_150 = tpu.memref_squeeze %dma_wait3A_149 : memref<1x!tpu.dma_semaphore, #tpu.memory_space<semaphore_mem>> -> memref<!tpu.dma_semaphore, #tpu.memory_space<semaphore_mem>>
      tpu.wait_indirect_dma semaphore(%dma_wait3A_150 : memref<!tpu.dma_semaphore, #tpu.memory_space<semaphore_mem>>) src(%dma_wait3A_142 : memref<128x128xf32, #tpu.memory_space<vmem>>) dst(%dma_wait3A_148 : memref<10112x128xf32, #tpu.memory_space<vmem_shared>>)
      %dma_start3A_151 = arith.constant 2 : i32
      %dma_start3A_152 = arith.constant 0 : i32
      %dma_start3A_153 = arith.constant 0 : i32
      %dma_start3A_154 = arith.constant 0 : i32
      %dma_start3A_155 = arith.constant 0 : i32
      %dma_start3A_156 = tpu.memref_slice %arg11[%dma_start3A_152, %dma_start3A_154, %dma_start3A_155] : memref<2x128x128xf32, #tpu.memory_space<vmem>> -> memref<1x128x128xf32, #tpu.memory_space<vmem>>
      %dma_start3A_157 = tpu.memref_squeeze %dma_start3A_156 : memref<1x128x128xf32, #tpu.memory_space<vmem>> -> memref<128x128xf32, #tpu.memory_space<vmem>>
      %dma_start3A_158 = arith.constant 0 : i32
      %dma_start3A_159 = tpu.memref_slice %arg7[%dma_start3A_151, %dma_start3A_158] : memref<8x128xi32, #tpu.memory_space<vmem>> -> memref<1x128xi32, #tpu.memory_space<vmem>>
      %dma_start3A_160 = tpu.memref_squeeze %dma_start3A_159 : memref<1x128xi32, #tpu.memory_space<vmem>> -> memref<128xi32, #tpu.memory_space<vmem>>
      %dma_start3A_161 = arith.constant 0 : i32
      %dma_start3A_162 = arith.constant 0 : i32
      %dma_start3A_163 = tpu.memref_slice %arg2[%dma_start3A_161, %dma_start3A_162] : memref<10000x128xf32, #tpu.memory_space<hbm>> -> memref<10000x128xf32, #tpu.memory_space<hbm>>
      %dma_start3A_164 = tpu.memref_slice %arg12[%dma_start3A_153] : memref<2x!tpu.dma_semaphore, #tpu.memory_space<semaphore_mem>> -> memref<1x!tpu.dma_semaphore, #tpu.memory_space<semaphore_mem>>
      %dma_start3A_165 = tpu.memref_squeeze %dma_start3A_164 : memref<1x!tpu.dma_semaphore, #tpu.memory_space<semaphore_mem>> -> memref<!tpu.dma_semaphore, #tpu.memory_space<semaphore_mem>>
      tpu.enqueue_indirect_dma source(%dma_start3A_163 : memref<10000x128xf32, #tpu.memory_space<hbm>>) target(%dma_start3A_157 : memref<128x128xf32, #tpu.memory_space<vmem>>) offsets(%dma_start3A_160 : memref<128xi32, #tpu.memory_space<vmem>>) semaphore(%dma_start3A_165 : memref<!tpu.dma_semaphore, #tpu.memory_space<semaphore_mem>>)
      %dma_wait3A_166 = arith.constant 2 : i32
      %dma_wait3A_167 = arith.constant 0 : i32
      %dma_wait3A_168 = arith.constant 0 : i32
      %dma_wait3A_169 = arith.constant 0 : i32
      %dma_wait3A_170 = arith.constant 0 : i32
      %dma_wait3A_171 = tpu.memref_slice %arg11[%dma_wait3A_167, %dma_wait3A_169, %dma_wait3A_170] : memref<2x128x128xf32, #tpu.memory_space<vmem>> -> memref<1x128x128xf32, #tpu.memory_space<vmem>>
      %dma_wait3A_172 = tpu.memref_squeeze %dma_wait3A_171 : memref<1x128x128xf32, #tpu.memory_space<vmem>> -> memref<128x128xf32, #tpu.memory_space<vmem>>
      %dma_wait3A_173 = arith.constant 0 : i32
      %dma_wait3A_174 = tpu.memref_slice %arg7[%dma_wait3A_166, %dma_wait3A_173] : memref<8x128xi32, #tpu.memory_space<vmem>> -> memref<1x128xi32, #tpu.memory_space<vmem>>
      %dma_wait3A_175 = tpu.memref_squeeze %dma_wait3A_174 : memref<1x128xi32, #tpu.memory_space<vmem>> -> memref<128xi32, #tpu.memory_space<vmem>>
      %dma_wait3A_176 = arith.constant 0 : i32
      %dma_wait3A_177 = arith.constant 0 : i32
      %dma_wait3A_178 = tpu.memref_slice %arg2[%dma_wait3A_176, %dma_wait3A_177] : memref<10000x128xf32, #tpu.memory_space<hbm>> -> memref<10000x128xf32, #tpu.memory_space<hbm>>
      %dma_wait3A_179 = tpu.memref_slice %arg12[%dma_wait3A_168] : memref<2x!tpu.dma_semaphore, #tpu.memory_space<semaphore_mem>> -> memref<1x!tpu.dma_semaphore, #tpu.memory_space<semaphore_mem>>
      %dma_wait3A_180 = tpu.memref_squeeze %dma_wait3A_179 : memref<1x!tpu.dma_semaphore, #tpu.memory_space<semaphore_mem>> -> memref<!tpu.dma_semaphore, #tpu.memory_space<semaphore_mem>>
      tpu.wait_indirect_dma semaphore(%dma_wait3A_180 : memref<!tpu.dma_semaphore, #tpu.memory_space<semaphore_mem>>) src(%dma_wait3A_178 : memref<10000x128xf32, #tpu.memory_space<hbm>>) dst(%dma_wait3A_172 : memref<128x128xf32, #tpu.memory_space<vmem>>)
      %dma_start3A_181 = arith.constant 0 : i32
      %dma_start3A_182 = arith.constant 2 : i32
      %dma_start3A_183 = arith.constant 0 : i32
      %dma_start3A_184 = arith.constant 0 : i32
      %dma_start3A_185 = arith.constant 0 : i32
      %dma_start3A_186 = tpu.memref_slice %arg11[%dma_start3A_181, %dma_start3A_184, %dma_start3A_185] : memref<2x128x128xf32, #tpu.memory_space<vmem>> -> memref<1x128x128xf32, #tpu.memory_space<vmem>>
      %dma_start3A_187 = tpu.memref_squeeze %dma_start3A_186 : memref<1x128x128xf32, #tpu.memory_space<vmem>> -> memref<128x128xf32, #tpu.memory_space<vmem>>
      %dma_start3A_188 = arith.constant 0 : i32
      %dma_start3A_189 = tpu.memref_slice %arg8[%dma_start3A_182, %dma_start3A_188] : memref<8x128xi32, #tpu.memory_space<vmem>> -> memref<1x128xi32, #tpu.memory_space<vmem>>
      %dma_start3A_190 = tpu.memref_squeeze %dma_start3A_189 : memref<1x128xi32, #tpu.memory_space<vmem>> -> memref<128xi32, #tpu.memory_space<vmem>>
      %dma_start3A_191 = arith.constant 0 : i32
      %dma_start3A_192 = arith.constant 0 : i32
      %dma_start3A_193 = tpu.memref_slice %arg14[%dma_start3A_191, %dma_start3A_192] : memref<10112x128xf32, #tpu.memory_space<vmem_shared>> -> memref<10112x128xf32, #tpu.memory_space<vmem_shared>>
      %dma_start3A_194 = tpu.memref_slice %arg13[%dma_start3A_183] : memref<2x!tpu.dma_semaphore, #tpu.memory_space<semaphore_mem>> -> memref<1x!tpu.dma_semaphore, #tpu.memory_space<semaphore_mem>>
      %dma_start3A_195 = tpu.memref_squeeze %dma_start3A_194 : memref<1x!tpu.dma_semaphore, #tpu.memory_space<semaphore_mem>> -> memref<!tpu.dma_semaphore, #tpu.memory_space<semaphore_mem>>
      tpu.enqueue_indirect_dma source(%dma_start3A_187 : memref<128x128xf32, #tpu.memory_space<vmem>>) target(%dma_start3A_193 : memref<10112x128xf32, #tpu.memory_space<vmem_shared>>) offsets(%dma_start3A_190 : memref<128xi32, #tpu.memory_space<vmem>>) semaphore(%dma_start3A_195 : memref<!tpu.dma_semaphore, #tpu.memory_space<semaphore_mem>>) {add = true}
      %dma_wait3A_196 = arith.constant 1 : i32
      %dma_wait3A_197 = arith.constant 3 : i32
      %dma_wait3A_198 = arith.constant 1 : i32
      %dma_wait3A_199 = arith.constant 0 : i32
      %dma_wait3A_200 = arith.constant 0 : i32
      %dma_wait3A_201 = tpu.memref_slice %arg11[%dma_wait3A_196, %dma_wait3A_199, %dma_wait3A_200] : memref<2x128x128xf32, #tpu.memory_space<vmem>> -> memref<1x128x128xf32, #tpu.memory_space<vmem>>
      %dma_wait3A_202 = tpu.memref_squeeze %dma_wait3A_201 : memref<1x128x128xf32, #tpu.memory_space<vmem>> -> memref<128x128xf32, #tpu.memory_space<vmem>>
      %dma_wait3A_203 = arith.constant 0 : i32
      %dma_wait3A_204 = tpu.memref_slice %arg8[%dma_wait3A_197, %dma_wait3A_203] : memref<8x128xi32, #tpu.memory_space<vmem>> -> memref<1x128xi32, #tpu.memory_space<vmem>>
      %dma_wait3A_205 = tpu.memref_squeeze %dma_wait3A_204 : memref<1x128xi32, #tpu.memory_space<vmem>> -> memref<128xi32, #tpu.memory_space<vmem>>
      %dma_wait3A_206 = arith.constant 0 : i32
      %dma_wait3A_207 = arith.constant 0 : i32
      %dma_wait3A_208 = tpu.memref_slice %arg14[%dma_wait3A_206, %dma_wait3A_207] : memref<10112x128xf32, #tpu.memory_space<vmem_shared>> -> memref<10112x128xf32, #tpu.memory_space<vmem_shared>>
      %dma_wait3A_209 = tpu.memref_slice %arg13[%dma_wait3A_198] : memref<2x!tpu.dma_semaphore, #tpu.memory_space<semaphore_mem>> -> memref<1x!tpu.dma_semaphore, #tpu.memory_space<semaphore_mem>>
      %dma_wait3A_210 = tpu.memref_squeeze %dma_wait3A_209 : memref<1x!tpu.dma_semaphore, #tpu.memory_space<semaphore_mem>> -> memref<!tpu.dma_semaphore, #tpu.memory_space<semaphore_mem>>
      tpu.wait_indirect_dma semaphore(%dma_wait3A_210 : memref<!tpu.dma_semaphore, #tpu.memory_space<semaphore_mem>>) src(%dma_wait3A_202 : memref<128x128xf32, #tpu.memory_space<vmem>>) dst(%dma_wait3A_208 : memref<10112x128xf32, #tpu.memory_space<vmem_shared>>)
      %dma_start3A_211 = arith.constant 3 : i32
      %dma_start3A_212 = arith.constant 1 : i32
      %dma_start3A_213 = arith.constant 1 : i32
      %dma_start3A_214 = arith.constant 0 : i32
      %dma_start3A_215 = arith.constant 0 : i32
      %dma_start3A_216 = tpu.memref_slice %arg11[%dma_start3A_212, %dma_start3A_214, %dma_start3A_215] : memref<2x128x128xf32, #tpu.memory_space<vmem>> -> memref<1x128x128xf32, #tpu.memory_space<vmem>>
      %dma_start3A_217 = tpu.memref_squeeze %dma_start3A_216 : memref<1x128x128xf32, #tpu.memory_space<vmem>> -> memref<128x128xf32, #tpu.memory_space<vmem>>
      %dma_start3A_218 = arith.constant 0 : i32
      %dma_start3A_219 = tpu.memref_slice %arg7[%dma_start3A_211, %dma_start3A_218] : memref<8x128xi32, #tpu.memory_space<vmem>> -> memref<1x128xi32, #tpu.memory_space<vmem>>
      %dma_start3A_220 = tpu.memref_squeeze %dma_start3A_219 : memref<1x128xi32, #tpu.memory_space<vmem>> -> memref<128xi32, #tpu.memory_space<vmem>>
      %dma_start3A_221 = arith.constant 0 : i32
      %dma_start3A_222 = arith.constant 0 : i32
      %dma_start3A_223 = tpu.memref_slice %arg2[%dma_start3A_221, %dma_start3A_222] : memref<10000x128xf32, #tpu.memory_space<hbm>> -> memref<10000x128xf32, #tpu.memory_space<hbm>>
      %dma_start3A_224 = tpu.memref_slice %arg12[%dma_start3A_213] : memref<2x!tpu.dma_semaphore, #tpu.memory_space<semaphore_mem>> -> memref<1x!tpu.dma_semaphore, #tpu.memory_space<semaphore_mem>>
      %dma_start3A_225 = tpu.memref_squeeze %dma_start3A_224 : memref<1x!tpu.dma_semaphore, #tpu.memory_space<semaphore_mem>> -> memref<!tpu.dma_semaphore, #tpu.memory_space<semaphore_mem>>
      tpu.enqueue_indirect_dma source(%dma_start3A_223 : memref<10000x128xf32, #tpu.memory_space<hbm>>) target(%dma_start3A_217 : memref<128x128xf32, #tpu.memory_space<vmem>>) offsets(%dma_start3A_220 : memref<128xi32, #tpu.memory_space<vmem>>) semaphore(%dma_start3A_225 : memref<!tpu.dma_semaphore, #tpu.memory_space<semaphore_mem>>)
      %dma_wait3A_226 = arith.constant 3 : i32
      %dma_wait3A_227 = arith.constant 1 : i32
      %dma_wait3A_228 = arith.constant 1 : i32
      %dma_wait3A_229 = arith.constant 0 : i32
      %dma_wait3A_230 = arith.constant 0 : i32
      %dma_wait3A_231 = tpu.memref_slice %arg11[%dma_wait3A_227, %dma_wait3A_229, %dma_wait3A_230] : memref<2x128x128xf32, #tpu.memory_space<vmem>> -> memref<1x128x128xf32, #tpu.memory_space<vmem>>
      %dma_wait3A_232 = tpu.memref_squeeze %dma_wait3A_231 : memref<1x128x128xf32, #tpu.memory_space<vmem>> -> memref<128x128xf32, #tpu.memory_space<vmem>>
      %dma_wait3A_233 = arith.constant 0 : i32
      %dma_wait3A_234 = tpu.memref_slice %arg7[%dma_wait3A_226, %dma_wait3A_233] : memref<8x128xi32, #tpu.memory_space<vmem>> -> memref<1x128xi32, #tpu.memory_space<vmem>>
      %dma_wait3A_235 = tpu.memref_squeeze %dma_wait3A_234 : memref<1x128xi32, #tpu.memory_space<vmem>> -> memref<128xi32, #tpu.memory_space<vmem>>
      %dma_wait3A_236 = arith.constant 0 : i32
      %dma_wait3A_237 = arith.constant 0 : i32
      %dma_wait3A_238 = tpu.memref_slice %arg2[%dma_wait3A_236, %dma_wait3A_237] : memref<10000x128xf32, #tpu.memory_space<hbm>> -> memref<10000x128xf32, #tpu.memory_space<hbm>>
      %dma_wait3A_239 = tpu.memref_slice %arg12[%dma_wait3A_228] : memref<2x!tpu.dma_semaphore, #tpu.memory_space<semaphore_mem>> -> memref<1x!tpu.dma_semaphore, #tpu.memory_space<semaphore_mem>>
      %dma_wait3A_240 = tpu.memref_squeeze %dma_wait3A_239 : memref<1x!tpu.dma_semaphore, #tpu.memory_space<semaphore_mem>> -> memref<!tpu.dma_semaphore, #tpu.memory_space<semaphore_mem>>
      tpu.wait_indirect_dma semaphore(%dma_wait3A_240 : memref<!tpu.dma_semaphore, #tpu.memory_space<semaphore_mem>>) src(%dma_wait3A_238 : memref<10000x128xf32, #tpu.memory_space<hbm>>) dst(%dma_wait3A_232 : memref<128x128xf32, #tpu.memory_space<vmem>>)
      %dma_start3A_241 = arith.constant 1 : i32
      %dma_start3A_242 = arith.constant 3 : i32
      %dma_start3A_243 = arith.constant 1 : i32
      %dma_start3A_244 = arith.constant 0 : i32
      %dma_start3A_245 = arith.constant 0 : i32
      %dma_start3A_246 = tpu.memref_slice %arg11[%dma_start3A_241, %dma_start3A_244, %dma_start3A_245] : memref<2x128x128xf32, #tpu.memory_space<vmem>> -> memref<1x128x128xf32, #tpu.memory_space<vmem>>
      %dma_start3A_247 = tpu.memref_squeeze %dma_start3A_246 : memref<1x128x128xf32, #tpu.memory_space<vmem>> -> memref<128x128xf32, #tpu.memory_space<vmem>>
      %dma_start3A_248 = arith.constant 0 : i32
      %dma_start3A_249 = tpu.memref_slice %arg8[%dma_start3A_242, %dma_start3A_248] : memref<8x128xi32, #tpu.memory_space<vmem>> -> memref<1x128xi32, #tpu.memory_space<vmem>>
      %dma_start3A_250 = tpu.memref_squeeze %dma_start3A_249 : memref<1x128xi32, #tpu.memory_space<vmem>> -> memref<128xi32, #tpu.memory_space<vmem>>
      %dma_start3A_251 = arith.constant 0 : i32
      %dma_start3A_252 = arith.constant 0 : i32
      %dma_start3A_253 = tpu.memref_slice %arg14[%dma_start3A_251, %dma_start3A_252] : memref<10112x128xf32, #tpu.memory_space<vmem_shared>> -> memref<10112x128xf32, #tpu.memory_space<vmem_shared>>
      %dma_start3A_254 = tpu.memref_slice %arg13[%dma_start3A_243] : memref<2x!tpu.dma_semaphore, #tpu.memory_space<semaphore_mem>> -> memref<1x!tpu.dma_semaphore, #tpu.memory_space<semaphore_mem>>
      %dma_start3A_255 = tpu.memref_squeeze %dma_start3A_254 : memref<1x!tpu.dma_semaphore, #tpu.memory_space<semaphore_mem>> -> memref<!tpu.dma_semaphore, #tpu.memory_space<semaphore_mem>>
      tpu.enqueue_indirect_dma source(%dma_start3A_247 : memref<128x128xf32, #tpu.memory_space<vmem>>) target(%dma_start3A_253 : memref<10112x128xf32, #tpu.memory_space<vmem_shared>>) offsets(%dma_start3A_250 : memref<128xi32, #tpu.memory_space<vmem>>) semaphore(%dma_start3A_255 : memref<!tpu.dma_semaphore, #tpu.memory_space<semaphore_mem>>) {add = true}
      %dma_wait3A_256 = arith.constant 0 : i32
      %dma_wait3A_257 = arith.constant 4 : i32
      %dma_wait3A_258 = arith.constant 0 : i32
      %dma_wait3A_259 = arith.constant 0 : i32
      %dma_wait3A_260 = arith.constant 0 : i32
      %dma_wait3A_261 = tpu.memref_slice %arg11[%dma_wait3A_256, %dma_wait3A_259, %dma_wait3A_260] : memref<2x128x128xf32, #tpu.memory_space<vmem>> -> memref<1x128x128xf32, #tpu.memory_space<vmem>>
      %dma_wait3A_262 = tpu.memref_squeeze %dma_wait3A_261 : memref<1x128x128xf32, #tpu.memory_space<vmem>> -> memref<128x128xf32, #tpu.memory_space<vmem>>
      %dma_wait3A_263 = arith.constant 0 : i32
      %dma_wait3A_264 = tpu.memref_slice %arg8[%dma_wait3A_257, %dma_wait3A_263] : memref<8x128xi32, #tpu.memory_space<vmem>> -> memref<1x128xi32, #tpu.memory_space<vmem>>
      %dma_wait3A_265 = tpu.memref_squeeze %dma_wait3A_264 : memref<1x128xi32, #tpu.memory_space<vmem>> -> memref<128xi32, #tpu.memory_space<vmem>>
      %dma_wait3A_266 = arith.constant 0 : i32
      %dma_wait3A_267 = arith.constant 0 : i32
      %dma_wait3A_268 = tpu.memref_slice %arg14[%dma_wait3A_266, %dma_wait3A_267] : memref<10112x128xf32, #tpu.memory_space<vmem_shared>> -> memref<10112x128xf32, #tpu.memory_space<vmem_shared>>
      %dma_wait3A_269 = tpu.memref_slice %arg13[%dma_wait3A_258] : memref<2x!tpu.dma_semaphore, #tpu.memory_space<semaphore_mem>> -> memref<1x!tpu.dma_semaphore, #tpu.memory_space<semaphore_mem>>
      %dma_wait3A_270 = tpu.memref_squeeze %dma_wait3A_269 : memref<1x!tpu.dma_semaphore, #tpu.memory_space<semaphore_mem>> -> memref<!tpu.dma_semaphore, #tpu.memory_space<semaphore_mem>>
      tpu.wait_indirect_dma semaphore(%dma_wait3A_270 : memref<!tpu.dma_semaphore, #tpu.memory_space<semaphore_mem>>) src(%dma_wait3A_262 : memref<128x128xf32, #tpu.memory_space<vmem>>) dst(%dma_wait3A_268 : memref<10112x128xf32, #tpu.memory_space<vmem_shared>>)
      %dma_start3A_271 = arith.constant 4 : i32
      %dma_start3A_272 = arith.constant 0 : i32
      %dma_start3A_273 = arith.constant 0 : i32
      %dma_start3A_274 = arith.constant 0 : i32
      %dma_start3A_275 = arith.constant 0 : i32
      %dma_start3A_276 = tpu.memref_slice %arg11[%dma_start3A_272, %dma_start3A_274, %dma_start3A_275] : memref<2x128x128xf32, #tpu.memory_space<vmem>> -> memref<1x128x128xf32, #tpu.memory_space<vmem>>
      %dma_start3A_277 = tpu.memref_squeeze %dma_start3A_276 : memref<1x128x128xf32, #tpu.memory_space<vmem>> -> memref<128x128xf32, #tpu.memory_space<vmem>>
      %dma_start3A_278 = arith.constant 0 : i32
      %dma_start3A_279 = tpu.memref_slice %arg7[%dma_start3A_271, %dma_start3A_278] : memref<8x128xi32, #tpu.memory_space<vmem>> -> memref<1x128xi32, #tpu.memory_space<vmem>>
      %dma_start3A_280 = tpu.memref_squeeze %dma_start3A_279 : memref<1x128xi32, #tpu.memory_space<vmem>> -> memref<128xi32, #tpu.memory_space<vmem>>
      %dma_start3A_281 = arith.constant 0 : i32
      %dma_start3A_282 = arith.constant 0 : i32
      %dma_start3A_283 = tpu.memref_slice %arg2[%dma_start3A_281, %dma_start3A_282] : memref<10000x128xf32, #tpu.memory_space<hbm>> -> memref<10000x128xf32, #tpu.memory_space<hbm>>
      %dma_start3A_284 = tpu.memref_slice %arg12[%dma_start3A_273] : memref<2x!tpu.dma_semaphore, #tpu.memory_space<semaphore_mem>> -> memref<1x!tpu.dma_semaphore, #tpu.memory_space<semaphore_mem>>
      %dma_start3A_285 = tpu.memref_squeeze %dma_start3A_284 : memref<1x!tpu.dma_semaphore, #tpu.memory_space<semaphore_mem>> -> memref<!tpu.dma_semaphore, #tpu.memory_space<semaphore_mem>>
      tpu.enqueue_indirect_dma source(%dma_start3A_283 : memref<10000x128xf32, #tpu.memory_space<hbm>>) target(%dma_start3A_277 : memref<128x128xf32, #tpu.memory_space<vmem>>) offsets(%dma_start3A_280 : memref<128xi32, #tpu.memory_space<vmem>>) semaphore(%dma_start3A_285 : memref<!tpu.dma_semaphore, #tpu.memory_space<semaphore_mem>>)
      %dma_wait3A_286 = arith.constant 4 : i32
      %dma_wait3A_287 = arith.constant 0 : i32
      %dma_wait3A_288 = arith.constant 0 : i32
      %dma_wait3A_289 = arith.constant 0 : i32
      %dma_wait3A_290 = arith.constant 0 : i32
      %dma_wait3A_291 = tpu.memref_slice %arg11[%dma_wait3A_287, %dma_wait3A_289, %dma_wait3A_290] : memref<2x128x128xf32, #tpu.memory_space<vmem>> -> memref<1x128x128xf32, #tpu.memory_space<vmem>>
      %dma_wait3A_292 = tpu.memref_squeeze %dma_wait3A_291 : memref<1x128x128xf32, #tpu.memory_space<vmem>> -> memref<128x128xf32, #tpu.memory_space<vmem>>
      %dma_wait3A_293 = arith.constant 0 : i32
      %dma_wait3A_294 = tpu.memref_slice %arg7[%dma_wait3A_286, %dma_wait3A_293] : memref<8x128xi32, #tpu.memory_space<vmem>> -> memref<1x128xi32, #tpu.memory_space<vmem>>
      %dma_wait3A_295 = tpu.memref_squeeze %dma_wait3A_294 : memref<1x128xi32, #tpu.memory_space<vmem>> -> memref<128xi32, #tpu.memory_space<vmem>>
      %dma_wait3A_296 = arith.constant 0 : i32
      %dma_wait3A_297 = arith.constant 0 : i32
      %dma_wait3A_298 = tpu.memref_slice %arg2[%dma_wait3A_296, %dma_wait3A_297] : memref<10000x128xf32, #tpu.memory_space<hbm>> -> memref<10000x128xf32, #tpu.memory_space<hbm>>
      %dma_wait3A_299 = tpu.memref_slice %arg12[%dma_wait3A_288] : memref<2x!tpu.dma_semaphore, #tpu.memory_space<semaphore_mem>> -> memref<1x!tpu.dma_semaphore, #tpu.memory_space<semaphore_mem>>
      %dma_wait3A_300 = tpu.memref_squeeze %dma_wait3A_299 : memref<1x!tpu.dma_semaphore, #tpu.memory_space<semaphore_mem>> -> memref<!tpu.dma_semaphore, #tpu.memory_space<semaphore_mem>>
      tpu.wait_indirect_dma semaphore(%dma_wait3A_300 : memref<!tpu.dma_semaphore, #tpu.memory_space<semaphore_mem>>) src(%dma_wait3A_298 : memref<10000x128xf32, #tpu.memory_space<hbm>>) dst(%dma_wait3A_292 : memref<128x128xf32, #tpu.memory_space<vmem>>)
      %dma_start3A_301 = arith.constant 0 : i32
      %dma_start3A_302 = arith.constant 4 : i32
      %dma_start3A_303 = arith.constant 0 : i32
      %dma_start3A_304 = arith.constant 0 : i32
      %dma_start3A_305 = arith.constant 0 : i32
      %dma_start3A_306 = tpu.memref_slice %arg11[%dma_start3A_301, %dma_start3A_304, %dma_start3A_305] : memref<2x128x128xf32, #tpu.memory_space<vmem>> -> memref<1x128x128xf32, #tpu.memory_space<vmem>>
      %dma_start3A_307 = tpu.memref_squeeze %dma_start3A_306 : memref<1x128x128xf32, #tpu.memory_space<vmem>> -> memref<128x128xf32, #tpu.memory_space<vmem>>
      %dma_start3A_308 = arith.constant 0 : i32
      %dma_start3A_309 = tpu.memref_slice %arg8[%dma_start3A_302, %dma_start3A_308] : memref<8x128xi32, #tpu.memory_space<vmem>> -> memref<1x128xi32, #tpu.memory_space<vmem>>
      %dma_start3A_310 = tpu.memref_squeeze %dma_start3A_309 : memref<1x128xi32, #tpu.memory_space<vmem>> -> memref<128xi32, #tpu.memory_space<vmem>>
      %dma_start3A_311 = arith.constant 0 : i32
      %dma_start3A_312 = arith.constant 0 : i32
      %dma_start3A_313 = tpu.memref_slice %arg14[%dma_start3A_311, %dma_start3A_312] : memref<10112x128xf32, #tpu.memory_space<vmem_shared>> -> memref<10112x128xf32, #tpu.memory_space<vmem_shared>>
      %dma_start3A_314 = tpu.memref_slice %arg13[%dma_start3A_303] : memref<2x!tpu.dma_semaphore, #tpu.memory_space<semaphore_mem>> -> memref<1x!tpu.dma_semaphore, #tpu.memory_space<semaphore_mem>>
      %dma_start3A_315 = tpu.memref_squeeze %dma_start3A_314 : memref<1x!tpu.dma_semaphore, #tpu.memory_space<semaphore_mem>> -> memref<!tpu.dma_semaphore, #tpu.memory_space<semaphore_mem>>
      tpu.enqueue_indirect_dma source(%dma_start3A_307 : memref<128x128xf32, #tpu.memory_space<vmem>>) target(%dma_start3A_313 : memref<10112x128xf32, #tpu.memory_space<vmem_shared>>) offsets(%dma_start3A_310 : memref<128xi32, #tpu.memory_space<vmem>>) semaphore(%dma_start3A_315 : memref<!tpu.dma_semaphore, #tpu.memory_space<semaphore_mem>>) {add = true}
      %dma_wait3A_316 = arith.constant 1 : i32
      %dma_wait3A_317 = arith.constant 5 : i32
      %dma_wait3A_318 = arith.constant 1 : i32
      %dma_wait3A_319 = arith.constant 0 : i32
      %dma_wait3A_320 = arith.constant 0 : i32
      %dma_wait3A_321 = tpu.memref_slice %arg11[%dma_wait3A_316, %dma_wait3A_319, %dma_wait3A_320] : memref<2x128x128xf32, #tpu.memory_space<vmem>> -> memref<1x128x128xf32, #tpu.memory_space<vmem>>
      %dma_wait3A_322 = tpu.memref_squeeze %dma_wait3A_321 : memref<1x128x128xf32, #tpu.memory_space<vmem>> -> memref<128x128xf32, #tpu.memory_space<vmem>>
      %dma_wait3A_323 = arith.constant 0 : i32
      %dma_wait3A_324 = tpu.memref_slice %arg8[%dma_wait3A_317, %dma_wait3A_323] : memref<8x128xi32, #tpu.memory_space<vmem>> -> memref<1x128xi32, #tpu.memory_space<vmem>>
      %dma_wait3A_325 = tpu.memref_squeeze %dma_wait3A_324 : memref<1x128xi32, #tpu.memory_space<vmem>> -> memref<128xi32, #tpu.memory_space<vmem>>
      %dma_wait3A_326 = arith.constant 0 : i32
      %dma_wait3A_327 = arith.constant 0 : i32
      %dma_wait3A_328 = tpu.memref_slice %arg14[%dma_wait3A_326, %dma_wait3A_327] : memref<10112x128xf32, #tpu.memory_space<vmem_shared>> -> memref<10112x128xf32, #tpu.memory_space<vmem_shared>>
      %dma_wait3A_329 = tpu.memref_slice %arg13[%dma_wait3A_318] : memref<2x!tpu.dma_semaphore, #tpu.memory_space<semaphore_mem>> -> memref<1x!tpu.dma_semaphore, #tpu.memory_space<semaphore_mem>>
      %dma_wait3A_330 = tpu.memref_squeeze %dma_wait3A_329 : memref<1x!tpu.dma_semaphore, #tpu.memory_space<semaphore_mem>> -> memref<!tpu.dma_semaphore, #tpu.memory_space<semaphore_mem>>
      tpu.wait_indirect_dma semaphore(%dma_wait3A_330 : memref<!tpu.dma_semaphore, #tpu.memory_space<semaphore_mem>>) src(%dma_wait3A_322 : memref<128x128xf32, #tpu.memory_space<vmem>>) dst(%dma_wait3A_328 : memref<10112x128xf32, #tpu.memory_space<vmem_shared>>)
      %dma_start3A_331 = arith.constant 5 : i32
      %dma_start3A_332 = arith.constant 1 : i32
      %dma_start3A_333 = arith.constant 1 : i32
      %dma_start3A_334 = arith.constant 0 : i32
      %dma_start3A_335 = arith.constant 0 : i32
      %dma_start3A_336 = tpu.memref_slice %arg11[%dma_start3A_332, %dma_start3A_334, %dma_start3A_335] : memref<2x128x128xf32, #tpu.memory_space<vmem>> -> memref<1x128x128xf32, #tpu.memory_space<vmem>>
      %dma_start3A_337 = tpu.memref_squeeze %dma_start3A_336 : memref<1x128x128xf32, #tpu.memory_space<vmem>> -> memref<128x128xf32, #tpu.memory_space<vmem>>
      %dma_start3A_338 = arith.constant 0 : i32
      %dma_start3A_339 = tpu.memref_slice %arg7[%dma_start3A_331, %dma_start3A_338] : memref<8x128xi32, #tpu.memory_space<vmem>> -> memref<1x128xi32, #tpu.memory_space<vmem>>
      %dma_start3A_340 = tpu.memref_squeeze %dma_start3A_339 : memref<1x128xi32, #tpu.memory_space<vmem>> -> memref<128xi32, #tpu.memory_space<vmem>>
      %dma_start3A_341 = arith.constant 0 : i32
      %dma_start3A_342 = arith.constant 0 : i32
      %dma_start3A_343 = tpu.memref_slice %arg2[%dma_start3A_341, %dma_start3A_342] : memref<10000x128xf32, #tpu.memory_space<hbm>> -> memref<10000x128xf32, #tpu.memory_space<hbm>>
      %dma_start3A_344 = tpu.memref_slice %arg12[%dma_start3A_333] : memref<2x!tpu.dma_semaphore, #tpu.memory_space<semaphore_mem>> -> memref<1x!tpu.dma_semaphore, #tpu.memory_space<semaphore_mem>>
      %dma_start3A_345 = tpu.memref_squeeze %dma_start3A_344 : memref<1x!tpu.dma_semaphore, #tpu.memory_space<semaphore_mem>> -> memref<!tpu.dma_semaphore, #tpu.memory_space<semaphore_mem>>
      tpu.enqueue_indirect_dma source(%dma_start3A_343 : memref<10000x128xf32, #tpu.memory_space<hbm>>) target(%dma_start3A_337 : memref<128x128xf32, #tpu.memory_space<vmem>>) offsets(%dma_start3A_340 : memref<128xi32, #tpu.memory_space<vmem>>) semaphore(%dma_start3A_345 : memref<!tpu.dma_semaphore, #tpu.memory_space<semaphore_mem>>)
      %dma_wait3A_346 = arith.constant 5 : i32
      %dma_wait3A_347 = arith.constant 1 : i32
      %dma_wait3A_348 = arith.constant 1 : i32
      %dma_wait3A_349 = arith.constant 0 : i32
      %dma_wait3A_350 = arith.constant 0 : i32
      %dma_wait3A_351 = tpu.memref_slice %arg11[%dma_wait3A_347, %dma_wait3A_349, %dma_wait3A_350] : memref<2x128x128xf32, #tpu.memory_space<vmem>> -> memref<1x128x128xf32, #tpu.memory_space<vmem>>
      %dma_wait3A_352 = tpu.memref_squeeze %dma_wait3A_351 : memref<1x128x128xf32, #tpu.memory_space<vmem>> -> memref<128x128xf32, #tpu.memory_space<vmem>>
      %dma_wait3A_353 = arith.constant 0 : i32
      %dma_wait3A_354 = tpu.memref_slice %arg7[%dma_wait3A_346, %dma_wait3A_353] : memref<8x128xi32, #tpu.memory_space<vmem>> -> memref<1x128xi32, #tpu.memory_space<vmem>>
      %dma_wait3A_355 = tpu.memref_squeeze %dma_wait3A_354 : memref<1x128xi32, #tpu.memory_space<vmem>> -> memref<128xi32, #tpu.memory_space<vmem>>
      %dma_wait3A_356 = arith.constant 0 : i32
      %dma_wait3A_357 = arith.constant 0 : i32
      %dma_wait3A_358 = tpu.memref_slice %arg2[%dma_wait3A_356, %dma_wait3A_357] : memref<10000x128xf32, #tpu.memory_space<hbm>> -> memref<10000x128xf32, #tpu.memory_space<hbm>>
      %dma_wait3A_359 = tpu.memref_slice %arg12[%dma_wait3A_348] : memref<2x!tpu.dma_semaphore, #tpu.memory_space<semaphore_mem>> -> memref<1x!tpu.dma_semaphore, #tpu.memory_space<semaphore_mem>>
      %dma_wait3A_360 = tpu.memref_squeeze %dma_wait3A_359 : memref<1x!tpu.dma_semaphore, #tpu.memory_space<semaphore_mem>> -> memref<!tpu.dma_semaphore, #tpu.memory_space<semaphore_mem>>
      tpu.wait_indirect_dma semaphore(%dma_wait3A_360 : memref<!tpu.dma_semaphore, #tpu.memory_space<semaphore_mem>>) src(%dma_wait3A_358 : memref<10000x128xf32, #tpu.memory_space<hbm>>) dst(%dma_wait3A_352 : memref<128x128xf32, #tpu.memory_space<vmem>>)
      %dma_start3A_361 = arith.constant 1 : i32
      %dma_start3A_362 = arith.constant 5 : i32
      %dma_start3A_363 = arith.constant 1 : i32
      %dma_start3A_364 = arith.constant 0 : i32
      %dma_start3A_365 = arith.constant 0 : i32
      %dma_start3A_366 = tpu.memref_slice %arg11[%dma_start3A_361, %dma_start3A_364, %dma_start3A_365] : memref<2x128x128xf32, #tpu.memory_space<vmem>> -> memref<1x128x128xf32, #tpu.memory_space<vmem>>
      %dma_start3A_367 = tpu.memref_squeeze %dma_start3A_366 : memref<1x128x128xf32, #tpu.memory_space<vmem>> -> memref<128x128xf32, #tpu.memory_space<vmem>>
      %dma_start3A_368 = arith.constant 0 : i32
      %dma_start3A_369 = tpu.memref_slice %arg8[%dma_start3A_362, %dma_start3A_368] : memref<8x128xi32, #tpu.memory_space<vmem>> -> memref<1x128xi32, #tpu.memory_space<vmem>>
      %dma_start3A_370 = tpu.memref_squeeze %dma_start3A_369 : memref<1x128xi32, #tpu.memory_space<vmem>> -> memref<128xi32, #tpu.memory_space<vmem>>
      %dma_start3A_371 = arith.constant 0 : i32
      %dma_start3A_372 = arith.constant 0 : i32
      %dma_start3A_373 = tpu.memref_slice %arg14[%dma_start3A_371, %dma_start3A_372] : memref<10112x128xf32, #tpu.memory_space<vmem_shared>> -> memref<10112x128xf32, #tpu.memory_space<vmem_shared>>
      %dma_start3A_374 = tpu.memref_slice %arg13[%dma_start3A_363] : memref<2x!tpu.dma_semaphore, #tpu.memory_space<semaphore_mem>> -> memref<1x!tpu.dma_semaphore, #tpu.memory_space<semaphore_mem>>
      %dma_start3A_375 = tpu.memref_squeeze %dma_start3A_374 : memref<1x!tpu.dma_semaphore, #tpu.memory_space<semaphore_mem>> -> memref<!tpu.dma_semaphore, #tpu.memory_space<semaphore_mem>>
      tpu.enqueue_indirect_dma source(%dma_start3A_367 : memref<128x128xf32, #tpu.memory_space<vmem>>) target(%dma_start3A_373 : memref<10112x128xf32, #tpu.memory_space<vmem_shared>>) offsets(%dma_start3A_370 : memref<128xi32, #tpu.memory_space<vmem>>) semaphore(%dma_start3A_375 : memref<!tpu.dma_semaphore, #tpu.memory_space<semaphore_mem>>) {add = true}
      %dma_wait3A_376 = arith.constant 0 : i32
      %dma_wait3A_377 = arith.constant 6 : i32
      %dma_wait3A_378 = arith.constant 0 : i32
      %dma_wait3A_379 = arith.constant 0 : i32
      %dma_wait3A_380 = arith.constant 0 : i32
      %dma_wait3A_381 = tpu.memref_slice %arg11[%dma_wait3A_376, %dma_wait3A_379, %dma_wait3A_380] : memref<2x128x128xf32, #tpu.memory_space<vmem>> -> memref<1x128x128xf32, #tpu.memory_space<vmem>>
      %dma_wait3A_382 = tpu.memref_squeeze %dma_wait3A_381 : memref<1x128x128xf32, #tpu.memory_space<vmem>> -> memref<128x128xf32, #tpu.memory_space<vmem>>
      %dma_wait3A_383 = arith.constant 0 : i32
      %dma_wait3A_384 = tpu.memref_slice %arg8[%dma_wait3A_377, %dma_wait3A_383] : memref<8x128xi32, #tpu.memory_space<vmem>> -> memref<1x128xi32, #tpu.memory_space<vmem>>
      %dma_wait3A_385 = tpu.memref_squeeze %dma_wait3A_384 : memref<1x128xi32, #tpu.memory_space<vmem>> -> memref<128xi32, #tpu.memory_space<vmem>>
      %dma_wait3A_386 = arith.constant 0 : i32
      %dma_wait3A_387 = arith.constant 0 : i32
      %dma_wait3A_388 = tpu.memref_slice %arg14[%dma_wait3A_386, %dma_wait3A_387] : memref<10112x128xf32, #tpu.memory_space<vmem_shared>> -> memref<10112x128xf32, #tpu.memory_space<vmem_shared>>
      %dma_wait3A_389 = tpu.memref_slice %arg13[%dma_wait3A_378] : memref<2x!tpu.dma_semaphore, #tpu.memory_space<semaphore_mem>> -> memref<1x!tpu.dma_semaphore, #tpu.memory_space<semaphore_mem>>
      %dma_wait3A_390 = tpu.memref_squeeze %dma_wait3A_389 : memref<1x!tpu.dma_semaphore, #tpu.memory_space<semaphore_mem>> -> memref<!tpu.dma_semaphore, #tpu.memory_space<semaphore_mem>>
      tpu.wait_indirect_dma semaphore(%dma_wait3A_390 : memref<!tpu.dma_semaphore, #tpu.memory_space<semaphore_mem>>) src(%dma_wait3A_382 : memref<128x128xf32, #tpu.memory_space<vmem>>) dst(%dma_wait3A_388 : memref<10112x128xf32, #tpu.memory_space<vmem_shared>>)
      %dma_start3A_391 = arith.constant 6 : i32
      %dma_start3A_392 = arith.constant 0 : i32
      %dma_start3A_393 = arith.constant 0 : i32
      %dma_start3A_394 = arith.constant 0 : i32
      %dma_start3A_395 = arith.constant 0 : i32
      %dma_start3A_396 = tpu.memref_slice %arg11[%dma_start3A_392, %dma_start3A_394, %dma_start3A_395] : memref<2x128x128xf32, #tpu.memory_space<vmem>> -> memref<1x128x128xf32, #tpu.memory_space<vmem>>
      %dma_start3A_397 = tpu.memref_squeeze %dma_start3A_396 : memref<1x128x128xf32, #tpu.memory_space<vmem>> -> memref<128x128xf32, #tpu.memory_space<vmem>>
      %dma_start3A_398 = arith.constant 0 : i32
      %dma_start3A_399 = tpu.memref_slice %arg7[%dma_start3A_391, %dma_start3A_398] : memref<8x128xi32, #tpu.memory_space<vmem>> -> memref<1x128xi32, #tpu.memory_space<vmem>>
      %dma_start3A_400 = tpu.memref_squeeze %dma_start3A_399 : memref<1x128xi32, #tpu.memory_space<vmem>> -> memref<128xi32, #tpu.memory_space<vmem>>
      %dma_start3A_401 = arith.constant 0 : i32
      %dma_start3A_402 = arith.constant 0 : i32
      %dma_start3A_403 = tpu.memref_slice %arg2[%dma_start3A_401, %dma_start3A_402] : memref<10000x128xf32, #tpu.memory_space<hbm>> -> memref<10000x128xf32, #tpu.memory_space<hbm>>
      %dma_start3A_404 = tpu.memref_slice %arg12[%dma_start3A_393] : memref<2x!tpu.dma_semaphore, #tpu.memory_space<semaphore_mem>> -> memref<1x!tpu.dma_semaphore, #tpu.memory_space<semaphore_mem>>
      %dma_start3A_405 = tpu.memref_squeeze %dma_start3A_404 : memref<1x!tpu.dma_semaphore, #tpu.memory_space<semaphore_mem>> -> memref<!tpu.dma_semaphore, #tpu.memory_space<semaphore_mem>>
      tpu.enqueue_indirect_dma source(%dma_start3A_403 : memref<10000x128xf32, #tpu.memory_space<hbm>>) target(%dma_start3A_397 : memref<128x128xf32, #tpu.memory_space<vmem>>) offsets(%dma_start3A_400 : memref<128xi32, #tpu.memory_space<vmem>>) semaphore(%dma_start3A_405 : memref<!tpu.dma_semaphore, #tpu.memory_space<semaphore_mem>>)
      %dma_wait3A_406 = arith.constant 6 : i32
      %dma_wait3A_407 = arith.constant 0 : i32
      %dma_wait3A_408 = arith.constant 0 : i32
      %dma_wait3A_409 = arith.constant 0 : i32
      %dma_wait3A_410 = arith.constant 0 : i32
      %dma_wait3A_411 = tpu.memref_slice %arg11[%dma_wait3A_407, %dma_wait3A_409, %dma_wait3A_410] : memref<2x128x128xf32, #tpu.memory_space<vmem>> -> memref<1x128x128xf32, #tpu.memory_space<vmem>>
      %dma_wait3A_412 = tpu.memref_squeeze %dma_wait3A_411 : memref<1x128x128xf32, #tpu.memory_space<vmem>> -> memref<128x128xf32, #tpu.memory_space<vmem>>
      %dma_wait3A_413 = arith.constant 0 : i32
      %dma_wait3A_414 = tpu.memref_slice %arg7[%dma_wait3A_406, %dma_wait3A_413] : memref<8x128xi32, #tpu.memory_space<vmem>> -> memref<1x128xi32, #tpu.memory_space<vmem>>
      %dma_wait3A_415 = tpu.memref_squeeze %dma_wait3A_414 : memref<1x128xi32, #tpu.memory_space<vmem>> -> memref<128xi32, #tpu.memory_space<vmem>>
      %dma_wait3A_416 = arith.constant 0 : i32
      %dma_wait3A_417 = arith.constant 0 : i32
      %dma_wait3A_418 = tpu.memref_slice %arg2[%dma_wait3A_416, %dma_wait3A_417] : memref<10000x128xf32, #tpu.memory_space<hbm>> -> memref<10000x128xf32, #tpu.memory_space<hbm>>
      %dma_wait3A_419 = tpu.memref_slice %arg12[%dma_wait3A_408] : memref<2x!tpu.dma_semaphore, #tpu.memory_space<semaphore_mem>> -> memref<1x!tpu.dma_semaphore, #tpu.memory_space<semaphore_mem>>
      %dma_wait3A_420 = tpu.memref_squeeze %dma_wait3A_419 : memref<1x!tpu.dma_semaphore, #tpu.memory_space<semaphore_mem>> -> memref<!tpu.dma_semaphore, #tpu.memory_space<semaphore_mem>>
      tpu.wait_indirect_dma semaphore(%dma_wait3A_420 : memref<!tpu.dma_semaphore, #tpu.memory_space<semaphore_mem>>) src(%dma_wait3A_418 : memref<10000x128xf32, #tpu.memory_space<hbm>>) dst(%dma_wait3A_412 : memref<128x128xf32, #tpu.memory_space<vmem>>)
      %dma_start3A_421 = arith.constant 0 : i32
      %dma_start3A_422 = arith.constant 6 : i32
      %dma_start3A_423 = arith.constant 0 : i32
      %dma_start3A_424 = arith.constant 0 : i32
      %dma_start3A_425 = arith.constant 0 : i32
      %dma_start3A_426 = tpu.memref_slice %arg11[%dma_start3A_421, %dma_start3A_424, %dma_start3A_425] : memref<2x128x128xf32, #tpu.memory_space<vmem>> -> memref<1x128x128xf32, #tpu.memory_space<vmem>>
      %dma_start3A_427 = tpu.memref_squeeze %dma_start3A_426 : memref<1x128x128xf32, #tpu.memory_space<vmem>> -> memref<128x128xf32, #tpu.memory_space<vmem>>
      %dma_start3A_428 = arith.constant 0 : i32
      %dma_start3A_429 = tpu.memref_slice %arg8[%dma_start3A_422, %dma_start3A_428] : memref<8x128xi32, #tpu.memory_space<vmem>> -> memref<1x128xi32, #tpu.memory_space<vmem>>
      %dma_start3A_430 = tpu.memref_squeeze %dma_start3A_429 : memref<1x128xi32, #tpu.memory_space<vmem>> -> memref<128xi32, #tpu.memory_space<vmem>>
      %dma_start3A_431 = arith.constant 0 : i32
      %dma_start3A_432 = arith.constant 0 : i32
      %dma_start3A_433 = tpu.memref_slice %arg14[%dma_start3A_431, %dma_start3A_432] : memref<10112x128xf32, #tpu.memory_space<vmem_shared>> -> memref<10112x128xf32, #tpu.memory_space<vmem_shared>>
      %dma_start3A_434 = tpu.memref_slice %arg13[%dma_start3A_423] : memref<2x!tpu.dma_semaphore, #tpu.memory_space<semaphore_mem>> -> memref<1x!tpu.dma_semaphore, #tpu.memory_space<semaphore_mem>>
      %dma_start3A_435 = tpu.memref_squeeze %dma_start3A_434 : memref<1x!tpu.dma_semaphore, #tpu.memory_space<semaphore_mem>> -> memref<!tpu.dma_semaphore, #tpu.memory_space<semaphore_mem>>
      tpu.enqueue_indirect_dma source(%dma_start3A_427 : memref<128x128xf32, #tpu.memory_space<vmem>>) target(%dma_start3A_433 : memref<10112x128xf32, #tpu.memory_space<vmem_shared>>) offsets(%dma_start3A_430 : memref<128xi32, #tpu.memory_space<vmem>>) semaphore(%dma_start3A_435 : memref<!tpu.dma_semaphore, #tpu.memory_space<semaphore_mem>>) {add = true}
      %dma_wait3A_436 = arith.constant 1 : i32
      %dma_wait3A_437 = arith.constant 7 : i32
      %dma_wait3A_438 = arith.constant 1 : i32
      %dma_wait3A_439 = arith.constant 0 : i32
      %dma_wait3A_440 = arith.constant 0 : i32
      %dma_wait3A_441 = tpu.memref_slice %arg11[%dma_wait3A_436, %dma_wait3A_439, %dma_wait3A_440] : memref<2x128x128xf32, #tpu.memory_space<vmem>> -> memref<1x128x128xf32, #tpu.memory_space<vmem>>
      %dma_wait3A_442 = tpu.memref_squeeze %dma_wait3A_441 : memref<1x128x128xf32, #tpu.memory_space<vmem>> -> memref<128x128xf32, #tpu.memory_space<vmem>>
      %dma_wait3A_443 = arith.constant 0 : i32
      %dma_wait3A_444 = tpu.memref_slice %arg8[%dma_wait3A_437, %dma_wait3A_443] : memref<8x128xi32, #tpu.memory_space<vmem>> -> memref<1x128xi32, #tpu.memory_space<vmem>>
      %dma_wait3A_445 = tpu.memref_squeeze %dma_wait3A_444 : memref<1x128xi32, #tpu.memory_space<vmem>> -> memref<128xi32, #tpu.memory_space<vmem>>
      %dma_wait3A_446 = arith.constant 0 : i32
      %dma_wait3A_447 = arith.constant 0 : i32
      %dma_wait3A_448 = tpu.memref_slice %arg14[%dma_wait3A_446, %dma_wait3A_447] : memref<10112x128xf32, #tpu.memory_space<vmem_shared>> -> memref<10112x128xf32, #tpu.memory_space<vmem_shared>>
      %dma_wait3A_449 = tpu.memref_slice %arg13[%dma_wait3A_438] : memref<2x!tpu.dma_semaphore, #tpu.memory_space<semaphore_mem>> -> memref<1x!tpu.dma_semaphore, #tpu.memory_space<semaphore_mem>>
      %dma_wait3A_450 = tpu.memref_squeeze %dma_wait3A_449 : memref<1x!tpu.dma_semaphore, #tpu.memory_space<semaphore_mem>> -> memref<!tpu.dma_semaphore, #tpu.memory_space<semaphore_mem>>
      tpu.wait_indirect_dma semaphore(%dma_wait3A_450 : memref<!tpu.dma_semaphore, #tpu.memory_space<semaphore_mem>>) src(%dma_wait3A_442 : memref<128x128xf32, #tpu.memory_space<vmem>>) dst(%dma_wait3A_448 : memref<10112x128xf32, #tpu.memory_space<vmem_shared>>)
      %dma_start3A_451 = arith.constant 7 : i32
      %dma_start3A_452 = arith.constant 1 : i32
      %dma_start3A_453 = arith.constant 1 : i32
      %dma_start3A_454 = arith.constant 0 : i32
      %dma_start3A_455 = arith.constant 0 : i32
      %dma_start3A_456 = tpu.memref_slice %arg11[%dma_start3A_452, %dma_start3A_454, %dma_start3A_455] : memref<2x128x128xf32, #tpu.memory_space<vmem>> -> memref<1x128x128xf32, #tpu.memory_space<vmem>>
      %dma_start3A_457 = tpu.memref_squeeze %dma_start3A_456 : memref<1x128x128xf32, #tpu.memory_space<vmem>> -> memref<128x128xf32, #tpu.memory_space<vmem>>
      %dma_start3A_458 = arith.constant 0 : i32
      %dma_start3A_459 = tpu.memref_slice %arg7[%dma_start3A_451, %dma_start3A_458] : memref<8x128xi32, #tpu.memory_space<vmem>> -> memref<1x128xi32, #tpu.memory_space<vmem>>
      %dma_start3A_460 = tpu.memref_squeeze %dma_start3A_459 : memref<1x128xi32, #tpu.memory_space<vmem>> -> memref<128xi32, #tpu.memory_space<vmem>>
      %dma_start3A_461 = arith.constant 0 : i32
      %dma_start3A_462 = arith.constant 0 : i32
      %dma_start3A_463 = tpu.memref_slice %arg2[%dma_start3A_461, %dma_start3A_462] : memref<10000x128xf32, #tpu.memory_space<hbm>> -> memref<10000x128xf32, #tpu.memory_space<hbm>>
      %dma_start3A_464 = tpu.memref_slice %arg12[%dma_start3A_453] : memref<2x!tpu.dma_semaphore, #tpu.memory_space<semaphore_mem>> -> memref<1x!tpu.dma_semaphore, #tpu.memory_space<semaphore_mem>>
      %dma_start3A_465 = tpu.memref_squeeze %dma_start3A_464 : memref<1x!tpu.dma_semaphore, #tpu.memory_space<semaphore_mem>> -> memref<!tpu.dma_semaphore, #tpu.memory_space<semaphore_mem>>
      tpu.enqueue_indirect_dma source(%dma_start3A_463 : memref<10000x128xf32, #tpu.memory_space<hbm>>) target(%dma_start3A_457 : memref<128x128xf32, #tpu.memory_space<vmem>>) offsets(%dma_start3A_460 : memref<128xi32, #tpu.memory_space<vmem>>) semaphore(%dma_start3A_465 : memref<!tpu.dma_semaphore, #tpu.memory_space<semaphore_mem>>)
      %dma_wait3A_466 = arith.constant 7 : i32
      %dma_wait3A_467 = arith.constant 1 : i32
      %dma_wait3A_468 = arith.constant 1 : i32
      %dma_wait3A_469 = arith.constant 0 : i32
      %dma_wait3A_470 = arith.constant 0 : i32
      %dma_wait3A_471 = tpu.memref_slice %arg11[%dma_wait3A_467, %dma_wait3A_469, %dma_wait3A_470] : memref<2x128x128xf32, #tpu.memory_space<vmem>> -> memref<1x128x128xf32, #tpu.memory_space<vmem>>
      %dma_wait3A_472 = tpu.memref_squeeze %dma_wait3A_471 : memref<1x128x128xf32, #tpu.memory_space<vmem>> -> memref<128x128xf32, #tpu.memory_space<vmem>>
      %dma_wait3A_473 = arith.constant 0 : i32
      %dma_wait3A_474 = tpu.memref_slice %arg7[%dma_wait3A_466, %dma_wait3A_473] : memref<8x128xi32, #tpu.memory_space<vmem>> -> memref<1x128xi32, #tpu.memory_space<vmem>>
      %dma_wait3A_475 = tpu.memref_squeeze %dma_wait3A_474 : memref<1x128xi32, #tpu.memory_space<vmem>> -> memref<128xi32, #tpu.memory_space<vmem>>
      %dma_wait3A_476 = arith.constant 0 : i32
      %dma_wait3A_477 = arith.constant 0 : i32
      %dma_wait3A_478 = tpu.memref_slice %arg2[%dma_wait3A_476, %dma_wait3A_477] : memref<10000x128xf32, #tpu.memory_space<hbm>> -> memref<10000x128xf32, #tpu.memory_space<hbm>>
      %dma_wait3A_479 = tpu.memref_slice %arg12[%dma_wait3A_468] : memref<2x!tpu.dma_semaphore, #tpu.memory_space<semaphore_mem>> -> memref<1x!tpu.dma_semaphore, #tpu.memory_space<semaphore_mem>>
      %dma_wait3A_480 = tpu.memref_squeeze %dma_wait3A_479 : memref<1x!tpu.dma_semaphore, #tpu.memory_space<semaphore_mem>> -> memref<!tpu.dma_semaphore, #tpu.memory_space<semaphore_mem>>
      tpu.wait_indirect_dma semaphore(%dma_wait3A_480 : memref<!tpu.dma_semaphore, #tpu.memory_space<semaphore_mem>>) src(%dma_wait3A_478 : memref<10000x128xf32, #tpu.memory_space<hbm>>) dst(%dma_wait3A_472 : memref<128x128xf32, #tpu.memory_space<vmem>>)
      %dma_start3A_481 = arith.constant 1 : i32
      %dma_start3A_482 = arith.constant 7 : i32
      %dma_start3A_483 = arith.constant 1 : i32
      %dma_start3A_484 = arith.constant 0 : i32
      %dma_start3A_485 = arith.constant 0 : i32
      %dma_start3A_486 = tpu.memref_slice %arg11[%dma_start3A_481, %dma_start3A_484, %dma_start3A_485] : memref<2x128x128xf32, #tpu.memory_space<vmem>> -> memref<1x128x128xf32, #tpu.memory_space<vmem>>
      %dma_start3A_487 = tpu.memref_squeeze %dma_start3A_486 : memref<1x128x128xf32, #tpu.memory_space<vmem>> -> memref<128x128xf32, #tpu.memory_space<vmem>>
      %dma_start3A_488 = arith.constant 0 : i32
      %dma_start3A_489 = tpu.memref_slice %arg8[%dma_start3A_482, %dma_start3A_488] : memref<8x128xi32, #tpu.memory_space<vmem>> -> memref<1x128xi32, #tpu.memory_space<vmem>>
      %dma_start3A_490 = tpu.memref_squeeze %dma_start3A_489 : memref<1x128xi32, #tpu.memory_space<vmem>> -> memref<128xi32, #tpu.memory_space<vmem>>
      %dma_start3A_491 = arith.constant 0 : i32
      %dma_start3A_492 = arith.constant 0 : i32
      %dma_start3A_493 = tpu.memref_slice %arg14[%dma_start3A_491, %dma_start3A_492] : memref<10112x128xf32, #tpu.memory_space<vmem_shared>> -> memref<10112x128xf32, #tpu.memory_space<vmem_shared>>
      %dma_start3A_494 = tpu.memref_slice %arg13[%dma_start3A_483] : memref<2x!tpu.dma_semaphore, #tpu.memory_space<semaphore_mem>> -> memref<1x!tpu.dma_semaphore, #tpu.memory_space<semaphore_mem>>
      %dma_start3A_495 = tpu.memref_squeeze %dma_start3A_494 : memref<1x!tpu.dma_semaphore, #tpu.memory_space<semaphore_mem>> -> memref<!tpu.dma_semaphore, #tpu.memory_space<semaphore_mem>>
      tpu.enqueue_indirect_dma source(%dma_start3A_487 : memref<128x128xf32, #tpu.memory_space<vmem>>) target(%dma_start3A_493 : memref<10112x128xf32, #tpu.memory_space<vmem_shared>>) offsets(%dma_start3A_490 : memref<128xi32, #tpu.memory_space<vmem>>) semaphore(%dma_start3A_495 : memref<!tpu.dma_semaphore, #tpu.memory_space<semaphore_mem>>) {add = true}
      %add3A_496 = arith.constant 1 : i32
      %add3A_497 = arith.addi %mul3A_39, %add3A_496 : i32
      "tpu.region"() ({
        %run_scoped3A = tpu.sem_alloc : memref<!tpu.dma_semaphore, #tpu.memory_space<semaphore_mem>>
        %dma_start3A_980 = arith.constant 0 : i32
        %dma_start3A_981 = arith.constant 0 : i32
        %dma_start3A_982 = tpu.memref_slice %arg3[%add3A, %add3A_497, %dma_start3A_980, %dma_start3A_981] : memref<32x10x8x128xi32, #tpu.memory_space<hbm>> -> memref<1x1x8x128xi32, #tpu.memory_space<hbm>>
        %dma_start3A_983 = tpu.memref_squeeze %dma_start3A_982 : memref<1x1x8x128xi32, #tpu.memory_space<hbm>> -> memref<8x128xi32, #tpu.memory_space<hbm>>
        %dma_start3A_984 = arith.constant 0 : i32
        %dma_start3A_985 = arith.constant 0 : i32
        %dma_start3A_986 = tpu.memref_slice %arg3[%add3A, %add3A_497, %dma_start3A_984, %dma_start3A_985] : memref<32x10x8x128xi32, #tpu.memory_space<hbm>> -> memref<1x1x8x128xi32, #tpu.memory_space<hbm>>
        %dma_start3A_987 = tpu.memref_squeeze %dma_start3A_986 : memref<1x1x8x128xi32, #tpu.memory_space<hbm>> -> memref<8x128xi32, #tpu.memory_space<hbm>>
        tpu.enqueue_dma source(%dma_start3A_987 : memref<8x128xi32, #tpu.memory_space<hbm>>) target(%arg9 : memref<8x128xi32, #tpu.memory_space<vmem>>) target_semaphore(%run_scoped3A : memref<!tpu.dma_semaphore, #tpu.memory_space<semaphore_mem>>)
        %dma_wait3A_988 = arith.constant 0 : i32
        %dma_wait3A_989 = arith.constant 0 : i32
        %dma_wait3A_990 = tpu.memref_slice %arg3[%add3A, %add3A_497, %dma_wait3A_988, %dma_wait3A_989] : memref<32x10x8x128xi32, #tpu.memory_space<hbm>> -> memref<1x1x8x128xi32, #tpu.memory_space<hbm>>
        %dma_wait3A_991 = tpu.memref_squeeze %dma_wait3A_990 : memref<1x1x8x128xi32, #tpu.memory_space<hbm>> -> memref<8x128xi32, #tpu.memory_space<hbm>>
        %dma_wait3A_992 = arith.constant 0 : i32
        %dma_wait3A_993 = arith.constant 0 : i32
        %dma_wait3A_994 = tpu.memref_slice %arg3[%add3A, %add3A_497, %dma_wait3A_992, %dma_wait3A_993] : memref<32x10x8x128xi32, #tpu.memory_space<hbm>> -> memref<1x1x8x128xi32, #tpu.memory_space<hbm>>
        %dma_wait3A_995 = tpu.memref_squeeze %dma_wait3A_994 : memref<1x1x8x128xi32, #tpu.memory_space<hbm>> -> memref<8x128xi32, #tpu.memory_space<hbm>>
        tpu.wait_dma2 semaphore(%run_scoped3A : memref<!tpu.dma_semaphore, #tpu.memory_space<semaphore_mem>>) src(%dma_wait3A_995 : memref<8x128xi32, #tpu.memory_space<hbm>>) dst(%arg9 : memref<8x128xi32, #tpu.memory_space<vmem>>)
        tpu.yield
      }) : () -> ()
      %add3A_498 = arith.constant 1 : i32
      %add3A_499 = arith.addi %mul3A_39, %add3A_498 : i32
      "tpu.region"() ({
        %run_scoped3A = tpu.sem_alloc : memref<!tpu.dma_semaphore, #tpu.memory_space<semaphore_mem>>
        %dma_start3A_980 = arith.constant 0 : i32
        %dma_start3A_981 = arith.constant 0 : i32
        %dma_start3A_982 = tpu.memref_slice %arg4[%add3A, %add3A_499, %dma_start3A_980, %dma_start3A_981] : memref<32x10x8x128xi32, #tpu.memory_space<hbm>> -> memref<1x1x8x128xi32, #tpu.memory_space<hbm>>
        %dma_start3A_983 = tpu.memref_squeeze %dma_start3A_982 : memref<1x1x8x128xi32, #tpu.memory_space<hbm>> -> memref<8x128xi32, #tpu.memory_space<hbm>>
        %dma_start3A_984 = arith.constant 0 : i32
        %dma_start3A_985 = arith.constant 0 : i32
        %dma_start3A_986 = tpu.memref_slice %arg4[%add3A, %add3A_499, %dma_start3A_984, %dma_start3A_985] : memref<32x10x8x128xi32, #tpu.memory_space<hbm>> -> memref<1x1x8x128xi32, #tpu.memory_space<hbm>>
        %dma_start3A_987 = tpu.memref_squeeze %dma_start3A_986 : memref<1x1x8x128xi32, #tpu.memory_space<hbm>> -> memref<8x128xi32, #tpu.memory_space<hbm>>
        tpu.enqueue_dma source(%dma_start3A_987 : memref<8x128xi32, #tpu.memory_space<hbm>>) target(%arg10 : memref<8x128xi32, #tpu.memory_space<vmem>>) target_semaphore(%run_scoped3A : memref<!tpu.dma_semaphore, #tpu.memory_space<semaphore_mem>>)
        %dma_wait3A_988 = arith.constant 0 : i32
        %dma_wait3A_989 = arith.constant 0 : i32
        %dma_wait3A_990 = tpu.memref_slice %arg4[%add3A, %add3A_499, %dma_wait3A_988, %dma_wait3A_989] : memref<32x10x8x128xi32, #tpu.memory_space<hbm>> -> memref<1x1x8x128xi32, #tpu.memory_space<hbm>>
        %dma_wait3A_991 = tpu.memref_squeeze %dma_wait3A_990 : memref<1x1x8x128xi32, #tpu.memory_space<hbm>> -> memref<8x128xi32, #tpu.memory_space<hbm>>
        %dma_wait3A_992 = arith.constant 0 : i32
        %dma_wait3A_993 = arith.constant 0 : i32
        %dma_wait3A_994 = tpu.memref_slice %arg4[%add3A, %add3A_499, %dma_wait3A_992, %dma_wait3A_993] : memref<32x10x8x128xi32, #tpu.memory_space<hbm>> -> memref<1x1x8x128xi32, #tpu.memory_space<hbm>>
        %dma_wait3A_995 = tpu.memref_squeeze %dma_wait3A_994 : memref<1x1x8x128xi32, #tpu.memory_space<hbm>> -> memref<8x128xi32, #tpu.memory_space<hbm>>
        tpu.wait_dma2 semaphore(%run_scoped3A : memref<!tpu.dma_semaphore, #tpu.memory_space<semaphore_mem>>) src(%dma_wait3A_995 : memref<8x128xi32, #tpu.memory_space<hbm>>) dst(%arg10 : memref<8x128xi32, #tpu.memory_space<vmem>>)
        tpu.yield
      }) : () -> ()
      %dma_wait3A_500 = arith.constant 0 : i32
      %dma_wait3A_501 = arith.constant 0 : i32
      %dma_wait3A_502 = arith.constant 0 : i32
      %dma_wait3A_503 = arith.constant 0 : i32
      %dma_wait3A_504 = arith.constant 0 : i32
      %dma_wait3A_505 = tpu.memref_slice %arg11[%dma_wait3A_500, %dma_wait3A_503, %dma_wait3A_504] : memref<2x128x128xf32, #tpu.memory_space<vmem>> -> memref<1x128x128xf32, #tpu.memory_space<vmem>>
      %dma_wait3A_506 = tpu.memref_squeeze %dma_wait3A_505 : memref<1x128x128xf32, #tpu.memory_space<vmem>> -> memref<128x128xf32, #tpu.memory_space<vmem>>
      %dma_wait3A_507 = arith.constant 0 : i32
      %dma_wait3A_508 = tpu.memref_slice %arg10[%dma_wait3A_501, %dma_wait3A_507] : memref<8x128xi32, #tpu.memory_space<vmem>> -> memref<1x128xi32, #tpu.memory_space<vmem>>
      %dma_wait3A_509 = tpu.memref_squeeze %dma_wait3A_508 : memref<1x128xi32, #tpu.memory_space<vmem>> -> memref<128xi32, #tpu.memory_space<vmem>>
      %dma_wait3A_510 = arith.constant 0 : i32
      %dma_wait3A_511 = arith.constant 0 : i32
      %dma_wait3A_512 = tpu.memref_slice %arg14[%dma_wait3A_510, %dma_wait3A_511] : memref<10112x128xf32, #tpu.memory_space<vmem_shared>> -> memref<10112x128xf32, #tpu.memory_space<vmem_shared>>
      %dma_wait3A_513 = tpu.memref_slice %arg13[%dma_wait3A_502] : memref<2x!tpu.dma_semaphore, #tpu.memory_space<semaphore_mem>> -> memref<1x!tpu.dma_semaphore, #tpu.memory_space<semaphore_mem>>
      %dma_wait3A_514 = tpu.memref_squeeze %dma_wait3A_513 : memref<1x!tpu.dma_semaphore, #tpu.memory_space<semaphore_mem>> -> memref<!tpu.dma_semaphore, #tpu.memory_space<semaphore_mem>>
      tpu.wait_indirect_dma semaphore(%dma_wait3A_514 : memref<!tpu.dma_semaphore, #tpu.memory_space<semaphore_mem>>) src(%dma_wait3A_506 : memref<128x128xf32, #tpu.memory_space<vmem>>) dst(%dma_wait3A_512 : memref<10112x128xf32, #tpu.memory_space<vmem_shared>>)
      %dma_start3A_515 = arith.constant 0 : i32
      %dma_start3A_516 = arith.constant 0 : i32
      %dma_start3A_517 = arith.constant 0 : i32
      %dma_start3A_518 = arith.constant 0 : i32
      %dma_start3A_519 = arith.constant 0 : i32
      %dma_start3A_520 = tpu.memref_slice %arg11[%dma_start3A_516, %dma_start3A_518, %dma_start3A_519] : memref<2x128x128xf32, #tpu.memory_space<vmem>> -> memref<1x128x128xf32, #tpu.memory_space<vmem>>
      %dma_start3A_521 = tpu.memref_squeeze %dma_start3A_520 : memref<1x128x128xf32, #tpu.memory_space<vmem>> -> memref<128x128xf32, #tpu.memory_space<vmem>>
      %dma_start3A_522 = arith.constant 0 : i32
      %dma_start3A_523 = tpu.memref_slice %arg9[%dma_start3A_515, %dma_start3A_522] : memref<8x128xi32, #tpu.memory_space<vmem>> -> memref<1x128xi32, #tpu.memory_space<vmem>>
      %dma_start3A_524 = tpu.memref_squeeze %dma_start3A_523 : memref<1x128xi32, #tpu.memory_space<vmem>> -> memref<128xi32, #tpu.memory_space<vmem>>
      %dma_start3A_525 = arith.constant 0 : i32
      %dma_start3A_526 = arith.constant 0 : i32
      %dma_start3A_527 = tpu.memref_slice %arg2[%dma_start3A_525, %dma_start3A_526] : memref<10000x128xf32, #tpu.memory_space<hbm>> -> memref<10000x128xf32, #tpu.memory_space<hbm>>
      %dma_start3A_528 = tpu.memref_slice %arg12[%dma_start3A_517] : memref<2x!tpu.dma_semaphore, #tpu.memory_space<semaphore_mem>> -> memref<1x!tpu.dma_semaphore, #tpu.memory_space<semaphore_mem>>
      %dma_start3A_529 = tpu.memref_squeeze %dma_start3A_528 : memref<1x!tpu.dma_semaphore, #tpu.memory_space<semaphore_mem>> -> memref<!tpu.dma_semaphore, #tpu.memory_space<semaphore_mem>>
      tpu.enqueue_indirect_dma source(%dma_start3A_527 : memref<10000x128xf32, #tpu.memory_space<hbm>>) target(%dma_start3A_521 : memref<128x128xf32, #tpu.memory_space<vmem>>) offsets(%dma_start3A_524 : memref<128xi32, #tpu.memory_space<vmem>>) semaphore(%dma_start3A_529 : memref<!tpu.dma_semaphore, #tpu.memory_space<semaphore_mem>>)
      %dma_wait3A_530 = arith.constant 0 : i32
      %dma_wait3A_531 = arith.constant 0 : i32
      %dma_wait3A_532 = arith.constant 0 : i32
      %dma_wait3A_533 = arith.constant 0 : i32
      %dma_wait3A_534 = arith.constant 0 : i32
      %dma_wait3A_535 = tpu.memref_slice %arg11[%dma_wait3A_531, %dma_wait3A_533, %dma_wait3A_534] : memref<2x128x128xf32, #tpu.memory_space<vmem>> -> memref<1x128x128xf32, #tpu.memory_space<vmem>>
      %dma_wait3A_536 = tpu.memref_squeeze %dma_wait3A_535 : memref<1x128x128xf32, #tpu.memory_space<vmem>> -> memref<128x128xf32, #tpu.memory_space<vmem>>
      %dma_wait3A_537 = arith.constant 0 : i32
      %dma_wait3A_538 = tpu.memref_slice %arg9[%dma_wait3A_530, %dma_wait3A_537] : memref<8x128xi32, #tpu.memory_space<vmem>> -> memref<1x128xi32, #tpu.memory_space<vmem>>
      %dma_wait3A_539 = tpu.memref_squeeze %dma_wait3A_538 : memref<1x128xi32, #tpu.memory_space<vmem>> -> memref<128xi32, #tpu.memory_space<vmem>>
      %dma_wait3A_540 = arith.constant 0 : i32
      %dma_wait3A_541 = arith.constant 0 : i32
      %dma_wait3A_542 = tpu.memref_slice %arg2[%dma_wait3A_540, %dma_wait3A_541] : memref<10000x128xf32, #tpu.memory_space<hbm>> -> memref<10000x128xf32, #tpu.memory_space<hbm>>
      %dma_wait3A_543 = tpu.memref_slice %arg12[%dma_wait3A_532] : memref<2x!tpu.dma_semaphore, #tpu.memory_space<semaphore_mem>> -> memref<1x!tpu.dma_semaphore, #tpu.memory_space<semaphore_mem>>
      %dma_wait3A_544 = tpu.memref_squeeze %dma_wait3A_543 : memref<1x!tpu.dma_semaphore, #tpu.memory_space<semaphore_mem>> -> memref<!tpu.dma_semaphore, #tpu.memory_space<semaphore_mem>>
      tpu.wait_indirect_dma semaphore(%dma_wait3A_544 : memref<!tpu.dma_semaphore, #tpu.memory_space<semaphore_mem>>) src(%dma_wait3A_542 : memref<10000x128xf32, #tpu.memory_space<hbm>>) dst(%dma_wait3A_536 : memref<128x128xf32, #tpu.memory_space<vmem>>)
      %dma_start3A_545 = arith.constant 0 : i32
      %dma_start3A_546 = arith.constant 0 : i32
      %dma_start3A_547 = arith.constant 0 : i32
      %dma_start3A_548 = arith.constant 0 : i32
      %dma_start3A_549 = arith.constant 0 : i32
      %dma_start3A_550 = tpu.memref_slice %arg11[%dma_start3A_545, %dma_start3A_548, %dma_start3A_549] : memref<2x128x128xf32, #tpu.memory_space<vmem>> -> memref<1x128x128xf32, #tpu.memory_space<vmem>>
      %dma_start3A_551 = tpu.memref_squeeze %dma_start3A_550 : memref<1x128x128xf32, #tpu.memory_space<vmem>> -> memref<128x128xf32, #tpu.memory_space<vmem>>
      %dma_start3A_552 = arith.constant 0 : i32
      %dma_start3A_553 = tpu.memref_slice %arg10[%dma_start3A_546, %dma_start3A_552] : memref<8x128xi32, #tpu.memory_space<vmem>> -> memref<1x128xi32, #tpu.memory_space<vmem>>
      %dma_start3A_554 = tpu.memref_squeeze %dma_start3A_553 : memref<1x128xi32, #tpu.memory_space<vmem>> -> memref<128xi32, #tpu.memory_space<vmem>>
      %dma_start3A_555 = arith.constant 0 : i32
      %dma_start3A_556 = arith.constant 0 : i32
      %dma_start3A_557 = tpu.memref_slice %arg14[%dma_start3A_555, %dma_start3A_556] : memref<10112x128xf32, #tpu.memory_space<vmem_shared>> -> memref<10112x128xf32, #tpu.memory_space<vmem_shared>>
      %dma_start3A_558 = tpu.memref_slice %arg13[%dma_start3A_547] : memref<2x!tpu.dma_semaphore, #tpu.memory_space<semaphore_mem>> -> memref<1x!tpu.dma_semaphore, #tpu.memory_space<semaphore_mem>>
      %dma_start3A_559 = tpu.memref_squeeze %dma_start3A_558 : memref<1x!tpu.dma_semaphore, #tpu.memory_space<semaphore_mem>> -> memref<!tpu.dma_semaphore, #tpu.memory_space<semaphore_mem>>
      tpu.enqueue_indirect_dma source(%dma_start3A_551 : memref<128x128xf32, #tpu.memory_space<vmem>>) target(%dma_start3A_557 : memref<10112x128xf32, #tpu.memory_space<vmem_shared>>) offsets(%dma_start3A_554 : memref<128xi32, #tpu.memory_space<vmem>>) semaphore(%dma_start3A_559 : memref<!tpu.dma_semaphore, #tpu.memory_space<semaphore_mem>>) {add = true}
      %dma_wait3A_560 = arith.constant 1 : i32
      %dma_wait3A_561 = arith.constant 1 : i32
      %dma_wait3A_562 = arith.constant 1 : i32
      %dma_wait3A_563 = arith.constant 0 : i32
      %dma_wait3A_564 = arith.constant 0 : i32
      %dma_wait3A_565 = tpu.memref_slice %arg11[%dma_wait3A_560, %dma_wait3A_563, %dma_wait3A_564] : memref<2x128x128xf32, #tpu.memory_space<vmem>> -> memref<1x128x128xf32, #tpu.memory_space<vmem>>
      %dma_wait3A_566 = tpu.memref_squeeze %dma_wait3A_565 : memref<1x128x128xf32, #tpu.memory_space<vmem>> -> memref<128x128xf32, #tpu.memory_space<vmem>>
      %dma_wait3A_567 = arith.constant 0 : i32
      %dma_wait3A_568 = tpu.memref_slice %arg10[%dma_wait3A_561, %dma_wait3A_567] : memref<8x128xi32, #tpu.memory_space<vmem>> -> memref<1x128xi32, #tpu.memory_space<vmem>>
      %dma_wait3A_569 = tpu.memref_squeeze %dma_wait3A_568 : memref<1x128xi32, #tpu.memory_space<vmem>> -> memref<128xi32, #tpu.memory_space<vmem>>
      %dma_wait3A_570 = arith.constant 0 : i32
      %dma_wait3A_571 = arith.constant 0 : i32
      %dma_wait3A_572 = tpu.memref_slice %arg14[%dma_wait3A_570, %dma_wait3A_571] : memref<10112x128xf32, #tpu.memory_space<vmem_shared>> -> memref<10112x128xf32, #tpu.memory_space<vmem_shared>>
      %dma_wait3A_573 = tpu.memref_slice %arg13[%dma_wait3A_562] : memref<2x!tpu.dma_semaphore, #tpu.memory_space<semaphore_mem>> -> memref<1x!tpu.dma_semaphore, #tpu.memory_space<semaphore_mem>>
      %dma_wait3A_574 = tpu.memref_squeeze %dma_wait3A_573 : memref<1x!tpu.dma_semaphore, #tpu.memory_space<semaphore_mem>> -> memref<!tpu.dma_semaphore, #tpu.memory_space<semaphore_mem>>
      tpu.wait_indirect_dma semaphore(%dma_wait3A_574 : memref<!tpu.dma_semaphore, #tpu.memory_space<semaphore_mem>>) src(%dma_wait3A_566 : memref<128x128xf32, #tpu.memory_space<vmem>>) dst(%dma_wait3A_572 : memref<10112x128xf32, #tpu.memory_space<vmem_shared>>)
      %dma_start3A_575 = arith.constant 1 : i32
      %dma_start3A_576 = arith.constant 1 : i32
      %dma_start3A_577 = arith.constant 1 : i32
      %dma_start3A_578 = arith.constant 0 : i32
      %dma_start3A_579 = arith.constant 0 : i32
      %dma_start3A_580 = tpu.memref_slice %arg11[%dma_start3A_576, %dma_start3A_578, %dma_start3A_579] : memref<2x128x128xf32, #tpu.memory_space<vmem>> -> memref<1x128x128xf32, #tpu.memory_space<vmem>>
      %dma_start3A_581 = tpu.memref_squeeze %dma_start3A_580 : memref<1x128x128xf32, #tpu.memory_space<vmem>> -> memref<128x128xf32, #tpu.memory_space<vmem>>
      %dma_start3A_582 = arith.constant 0 : i32
      %dma_start3A_583 = tpu.memref_slice %arg9[%dma_start3A_575, %dma_start3A_582] : memref<8x128xi32, #tpu.memory_space<vmem>> -> memref<1x128xi32, #tpu.memory_space<vmem>>
      %dma_start3A_584 = tpu.memref_squeeze %dma_start3A_583 : memref<1x128xi32, #tpu.memory_space<vmem>> -> memref<128xi32, #tpu.memory_space<vmem>>
      %dma_start3A_585 = arith.constant 0 : i32
      %dma_start3A_586 = arith.constant 0 : i32
      %dma_start3A_587 = tpu.memref_slice %arg2[%dma_start3A_585, %dma_start3A_586] : memref<10000x128xf32, #tpu.memory_space<hbm>> -> memref<10000x128xf32, #tpu.memory_space<hbm>>
      %dma_start3A_588 = tpu.memref_slice %arg12[%dma_start3A_577] : memref<2x!tpu.dma_semaphore, #tpu.memory_space<semaphore_mem>> -> memref<1x!tpu.dma_semaphore, #tpu.memory_space<semaphore_mem>>
      %dma_start3A_589 = tpu.memref_squeeze %dma_start3A_588 : memref<1x!tpu.dma_semaphore, #tpu.memory_space<semaphore_mem>> -> memref<!tpu.dma_semaphore, #tpu.memory_space<semaphore_mem>>
      tpu.enqueue_indirect_dma source(%dma_start3A_587 : memref<10000x128xf32, #tpu.memory_space<hbm>>) target(%dma_start3A_581 : memref<128x128xf32, #tpu.memory_space<vmem>>) offsets(%dma_start3A_584 : memref<128xi32, #tpu.memory_space<vmem>>) semaphore(%dma_start3A_589 : memref<!tpu.dma_semaphore, #tpu.memory_space<semaphore_mem>>)
      %dma_wait3A_590 = arith.constant 1 : i32
      %dma_wait3A_591 = arith.constant 1 : i32
      %dma_wait3A_592 = arith.constant 1 : i32
      %dma_wait3A_593 = arith.constant 0 : i32
      %dma_wait3A_594 = arith.constant 0 : i32
      %dma_wait3A_595 = tpu.memref_slice %arg11[%dma_wait3A_591, %dma_wait3A_593, %dma_wait3A_594] : memref<2x128x128xf32, #tpu.memory_space<vmem>> -> memref<1x128x128xf32, #tpu.memory_space<vmem>>
      %dma_wait3A_596 = tpu.memref_squeeze %dma_wait3A_595 : memref<1x128x128xf32, #tpu.memory_space<vmem>> -> memref<128x128xf32, #tpu.memory_space<vmem>>
      %dma_wait3A_597 = arith.constant 0 : i32
      %dma_wait3A_598 = tpu.memref_slice %arg9[%dma_wait3A_590, %dma_wait3A_597] : memref<8x128xi32, #tpu.memory_space<vmem>> -> memref<1x128xi32, #tpu.memory_space<vmem>>
      %dma_wait3A_599 = tpu.memref_squeeze %dma_wait3A_598 : memref<1x128xi32, #tpu.memory_space<vmem>> -> memref<128xi32, #tpu.memory_space<vmem>>
      %dma_wait3A_600 = arith.constant 0 : i32
      %dma_wait3A_601 = arith.constant 0 : i32
      %dma_wait3A_602 = tpu.memref_slice %arg2[%dma_wait3A_600, %dma_wait3A_601] : memref<10000x128xf32, #tpu.memory_space<hbm>> -> memref<10000x128xf32, #tpu.memory_space<hbm>>
      %dma_wait3A_603 = tpu.memref_slice %arg12[%dma_wait3A_592] : memref<2x!tpu.dma_semaphore, #tpu.memory_space<semaphore_mem>> -> memref<1x!tpu.dma_semaphore, #tpu.memory_space<semaphore_mem>>
      %dma_wait3A_604 = tpu.memref_squeeze %dma_wait3A_603 : memref<1x!tpu.dma_semaphore, #tpu.memory_space<semaphore_mem>> -> memref<!tpu.dma_semaphore, #tpu.memory_space<semaphore_mem>>
      tpu.wait_indirect_dma semaphore(%dma_wait3A_604 : memref<!tpu.dma_semaphore, #tpu.memory_space<semaphore_mem>>) src(%dma_wait3A_602 : memref<10000x128xf32, #tpu.memory_space<hbm>>) dst(%dma_wait3A_596 : memref<128x128xf32, #tpu.memory_space<vmem>>)
      %dma_start3A_605 = arith.constant 1 : i32
      %dma_start3A_606 = arith.constant 1 : i32
      %dma_start3A_607 = arith.constant 1 : i32
      %dma_start3A_608 = arith.constant 0 : i32
      %dma_start3A_609 = arith.constant 0 : i32
      %dma_start3A_610 = tpu.memref_slice %arg11[%dma_start3A_605, %dma_start3A_608, %dma_start3A_609] : memref<2x128x128xf32, #tpu.memory_space<vmem>> -> memref<1x128x128xf32, #tpu.memory_space<vmem>>
      %dma_start3A_611 = tpu.memref_squeeze %dma_start3A_610 : memref<1x128x128xf32, #tpu.memory_space<vmem>> -> memref<128x128xf32, #tpu.memory_space<vmem>>
      %dma_start3A_612 = arith.constant 0 : i32
      %dma_start3A_613 = tpu.memref_slice %arg10[%dma_start3A_606, %dma_start3A_612] : memref<8x128xi32, #tpu.memory_space<vmem>> -> memref<1x128xi32, #tpu.memory_space<vmem>>
      %dma_start3A_614 = tpu.memref_squeeze %dma_start3A_613 : memref<1x128xi32, #tpu.memory_space<vmem>> -> memref<128xi32, #tpu.memory_space<vmem>>
      %dma_start3A_615 = arith.constant 0 : i32
      %dma_start3A_616 = arith.constant 0 : i32
      %dma_start3A_617 = tpu.memref_slice %arg14[%dma_start3A_615, %dma_start3A_616] : memref<10112x128xf32, #tpu.memory_space<vmem_shared>> -> memref<10112x128xf32, #tpu.memory_space<vmem_shared>>
      %dma_start3A_618 = tpu.memref_slice %arg13[%dma_start3A_607] : memref<2x!tpu.dma_semaphore, #tpu.memory_space<semaphore_mem>> -> memref<1x!tpu.dma_semaphore, #tpu.memory_space<semaphore_mem>>
      %dma_start3A_619 = tpu.memref_squeeze %dma_start3A_618 : memref<1x!tpu.dma_semaphore, #tpu.memory_space<semaphore_mem>> -> memref<!tpu.dma_semaphore, #tpu.memory_space<semaphore_mem>>
      tpu.enqueue_indirect_dma source(%dma_start3A_611 : memref<128x128xf32, #tpu.memory_space<vmem>>) target(%dma_start3A_617 : memref<10112x128xf32, #tpu.memory_space<vmem_shared>>) offsets(%dma_start3A_614 : memref<128xi32, #tpu.memory_space<vmem>>) semaphore(%dma_start3A_619 : memref<!tpu.dma_semaphore, #tpu.memory_space<semaphore_mem>>) {add = true}
      %dma_wait3A_620 = arith.constant 0 : i32
      %dma_wait3A_621 = arith.constant 2 : i32
      %dma_wait3A_622 = arith.constant 0 : i32
      %dma_wait3A_623 = arith.constant 0 : i32
      %dma_wait3A_624 = arith.constant 0 : i32
      %dma_wait3A_625 = tpu.memref_slice %arg11[%dma_wait3A_620, %dma_wait3A_623, %dma_wait3A_624] : memref<2x128x128xf32, #tpu.memory_space<vmem>> -> memref<1x128x128xf32, #tpu.memory_space<vmem>>
      %dma_wait3A_626 = tpu.memref_squeeze %dma_wait3A_625 : memref<1x128x128xf32, #tpu.memory_space<vmem>> -> memref<128x128xf32, #tpu.memory_space<vmem>>
      %dma_wait3A_627 = arith.constant 0 : i32
      %dma_wait3A_628 = tpu.memref_slice %arg10[%dma_wait3A_621, %dma_wait3A_627] : memref<8x128xi32, #tpu.memory_space<vmem>> -> memref<1x128xi32, #tpu.memory_space<vmem>>
      %dma_wait3A_629 = tpu.memref_squeeze %dma_wait3A_628 : memref<1x128xi32, #tpu.memory_space<vmem>> -> memref<128xi32, #tpu.memory_space<vmem>>
      %dma_wait3A_630 = arith.constant 0 : i32
      %dma_wait3A_631 = arith.constant 0 : i32
      %dma_wait3A_632 = tpu.memref_slice %arg14[%dma_wait3A_630, %dma_wait3A_631] : memref<10112x128xf32, #tpu.memory_space<vmem_shared>> -> memref<10112x128xf32, #tpu.memory_space<vmem_shared>>
      %dma_wait3A_633 = tpu.memref_slice %arg13[%dma_wait3A_622] : memref<2x!tpu.dma_semaphore, #tpu.memory_space<semaphore_mem>> -> memref<1x!tpu.dma_semaphore, #tpu.memory_space<semaphore_mem>>
      %dma_wait3A_634 = tpu.memref_squeeze %dma_wait3A_633 : memref<1x!tpu.dma_semaphore, #tpu.memory_space<semaphore_mem>> -> memref<!tpu.dma_semaphore, #tpu.memory_space<semaphore_mem>>
      tpu.wait_indirect_dma semaphore(%dma_wait3A_634 : memref<!tpu.dma_semaphore, #tpu.memory_space<semaphore_mem>>) src(%dma_wait3A_626 : memref<128x128xf32, #tpu.memory_space<vmem>>) dst(%dma_wait3A_632 : memref<10112x128xf32, #tpu.memory_space<vmem_shared>>)
      %dma_start3A_635 = arith.constant 2 : i32
      %dma_start3A_636 = arith.constant 0 : i32
      %dma_start3A_637 = arith.constant 0 : i32
      %dma_start3A_638 = arith.constant 0 : i32
      %dma_start3A_639 = arith.constant 0 : i32
      %dma_start3A_640 = tpu.memref_slice %arg11[%dma_start3A_636, %dma_start3A_638, %dma_start3A_639] : memref<2x128x128xf32, #tpu.memory_space<vmem>> -> memref<1x128x128xf32, #tpu.memory_space<vmem>>
      %dma_start3A_641 = tpu.memref_squeeze %dma_start3A_640 : memref<1x128x128xf32, #tpu.memory_space<vmem>> -> memref<128x128xf32, #tpu.memory_space<vmem>>
      %dma_start3A_642 = arith.constant 0 : i32
      %dma_start3A_643 = tpu.memref_slice %arg9[%dma_start3A_635, %dma_start3A_642] : memref<8x128xi32, #tpu.memory_space<vmem>> -> memref<1x128xi32, #tpu.memory_space<vmem>>
      %dma_start3A_644 = tpu.memref_squeeze %dma_start3A_643 : memref<1x128xi32, #tpu.memory_space<vmem>> -> memref<128xi32, #tpu.memory_space<vmem>>
      %dma_start3A_645 = arith.constant 0 : i32
      %dma_start3A_646 = arith.constant 0 : i32
      %dma_start3A_647 = tpu.memref_slice %arg2[%dma_start3A_645, %dma_start3A_646] : memref<10000x128xf32, #tpu.memory_space<hbm>> -> memref<10000x128xf32, #tpu.memory_space<hbm>>
      %dma_start3A_648 = tpu.memref_slice %arg12[%dma_start3A_637] : memref<2x!tpu.dma_semaphore, #tpu.memory_space<semaphore_mem>> -> memref<1x!tpu.dma_semaphore, #tpu.memory_space<semaphore_mem>>
      %dma_start3A_649 = tpu.memref_squeeze %dma_start3A_648 : memref<1x!tpu.dma_semaphore, #tpu.memory_space<semaphore_mem>> -> memref<!tpu.dma_semaphore, #tpu.memory_space<semaphore_mem>>
      tpu.enqueue_indirect_dma source(%dma_start3A_647 : memref<10000x128xf32, #tpu.memory_space<hbm>>) target(%dma_start3A_641 : memref<128x128xf32, #tpu.memory_space<vmem>>) offsets(%dma_start3A_644 : memref<128xi32, #tpu.memory_space<vmem>>) semaphore(%dma_start3A_649 : memref<!tpu.dma_semaphore, #tpu.memory_space<semaphore_mem>>)
      %dma_wait3A_650 = arith.constant 2 : i32
      %dma_wait3A_651 = arith.constant 0 : i32
      %dma_wait3A_652 = arith.constant 0 : i32
      %dma_wait3A_653 = arith.constant 0 : i32
      %dma_wait3A_654 = arith.constant 0 : i32
      %dma_wait3A_655 = tpu.memref_slice %arg11[%dma_wait3A_651, %dma_wait3A_653, %dma_wait3A_654] : memref<2x128x128xf32, #tpu.memory_space<vmem>> -> memref<1x128x128xf32, #tpu.memory_space<vmem>>
      %dma_wait3A_656 = tpu.memref_squeeze %dma_wait3A_655 : memref<1x128x128xf32, #tpu.memory_space<vmem>> -> memref<128x128xf32, #tpu.memory_space<vmem>>
      %dma_wait3A_657 = arith.constant 0 : i32
      %dma_wait3A_658 = tpu.memref_slice %arg9[%dma_wait3A_650, %dma_wait3A_657] : memref<8x128xi32, #tpu.memory_space<vmem>> -> memref<1x128xi32, #tpu.memory_space<vmem>>
      %dma_wait3A_659 = tpu.memref_squeeze %dma_wait3A_658 : memref<1x128xi32, #tpu.memory_space<vmem>> -> memref<128xi32, #tpu.memory_space<vmem>>
      %dma_wait3A_660 = arith.constant 0 : i32
      %dma_wait3A_661 = arith.constant 0 : i32
      %dma_wait3A_662 = tpu.memref_slice %arg2[%dma_wait3A_660, %dma_wait3A_661] : memref<10000x128xf32, #tpu.memory_space<hbm>> -> memref<10000x128xf32, #tpu.memory_space<hbm>>
      %dma_wait3A_663 = tpu.memref_slice %arg12[%dma_wait3A_652] : memref<2x!tpu.dma_semaphore, #tpu.memory_space<semaphore_mem>> -> memref<1x!tpu.dma_semaphore, #tpu.memory_space<semaphore_mem>>
      %dma_wait3A_664 = tpu.memref_squeeze %dma_wait3A_663 : memref<1x!tpu.dma_semaphore, #tpu.memory_space<semaphore_mem>> -> memref<!tpu.dma_semaphore, #tpu.memory_space<semaphore_mem>>
      tpu.wait_indirect_dma semaphore(%dma_wait3A_664 : memref<!tpu.dma_semaphore, #tpu.memory_space<semaphore_mem>>) src(%dma_wait3A_662 : memref<10000x128xf32, #tpu.memory_space<hbm>>) dst(%dma_wait3A_656 : memref<128x128xf32, #tpu.memory_space<vmem>>)
      %dma_start3A_665 = arith.constant 0 : i32
      %dma_start3A_666 = arith.constant 2 : i32
      %dma_start3A_667 = arith.constant 0 : i32
      %dma_start3A_668 = arith.constant 0 : i32
      %dma_start3A_669 = arith.constant 0 : i32
      %dma_start3A_670 = tpu.memref_slice %arg11[%dma_start3A_665, %dma_start3A_668, %dma_start3A_669] : memref<2x128x128xf32, #tpu.memory_space<vmem>> -> memref<1x128x128xf32, #tpu.memory_space<vmem>>
      %dma_start3A_671 = tpu.memref_squeeze %dma_start3A_670 : memref<1x128x128xf32, #tpu.memory_space<vmem>> -> memref<128x128xf32, #tpu.memory_space<vmem>>
      %dma_start3A_672 = arith.constant 0 : i32
      %dma_start3A_673 = tpu.memref_slice %arg10[%dma_start3A_666, %dma_start3A_672] : memref<8x128xi32, #tpu.memory_space<vmem>> -> memref<1x128xi32, #tpu.memory_space<vmem>>
      %dma_start3A_674 = tpu.memref_squeeze %dma_start3A_673 : memref<1x128xi32, #tpu.memory_space<vmem>> -> memref<128xi32, #tpu.memory_space<vmem>>
      %dma_start3A_675 = arith.constant 0 : i32
      %dma_start3A_676 = arith.constant 0 : i32
      %dma_start3A_677 = tpu.memref_slice %arg14[%dma_start3A_675, %dma_start3A_676] : memref<10112x128xf32, #tpu.memory_space<vmem_shared>> -> memref<10112x128xf32, #tpu.memory_space<vmem_shared>>
      %dma_start3A_678 = tpu.memref_slice %arg13[%dma_start3A_667] : memref<2x!tpu.dma_semaphore, #tpu.memory_space<semaphore_mem>> -> memref<1x!tpu.dma_semaphore, #tpu.memory_space<semaphore_mem>>
      %dma_start3A_679 = tpu.memref_squeeze %dma_start3A_678 : memref<1x!tpu.dma_semaphore, #tpu.memory_space<semaphore_mem>> -> memref<!tpu.dma_semaphore, #tpu.memory_space<semaphore_mem>>
      tpu.enqueue_indirect_dma source(%dma_start3A_671 : memref<128x128xf32, #tpu.memory_space<vmem>>) target(%dma_start3A_677 : memref<10112x128xf32, #tpu.memory_space<vmem_shared>>) offsets(%dma_start3A_674 : memref<128xi32, #tpu.memory_space<vmem>>) semaphore(%dma_start3A_679 : memref<!tpu.dma_semaphore, #tpu.memory_space<semaphore_mem>>) {add = true}
      %dma_wait3A_680 = arith.constant 1 : i32
      %dma_wait3A_681 = arith.constant 3 : i32
      %dma_wait3A_682 = arith.constant 1 : i32
      %dma_wait3A_683 = arith.constant 0 : i32
      %dma_wait3A_684 = arith.constant 0 : i32
      %dma_wait3A_685 = tpu.memref_slice %arg11[%dma_wait3A_680, %dma_wait3A_683, %dma_wait3A_684] : memref<2x128x128xf32, #tpu.memory_space<vmem>> -> memref<1x128x128xf32, #tpu.memory_space<vmem>>
      %dma_wait3A_686 = tpu.memref_squeeze %dma_wait3A_685 : memref<1x128x128xf32, #tpu.memory_space<vmem>> -> memref<128x128xf32, #tpu.memory_space<vmem>>
      %dma_wait3A_687 = arith.constant 0 : i32
      %dma_wait3A_688 = tpu.memref_slice %arg10[%dma_wait3A_681, %dma_wait3A_687] : memref<8x128xi32, #tpu.memory_space<vmem>> -> memref<1x128xi32, #tpu.memory_space<vmem>>
      %dma_wait3A_689 = tpu.memref_squeeze %dma_wait3A_688 : memref<1x128xi32, #tpu.memory_space<vmem>> -> memref<128xi32, #tpu.memory_space<vmem>>
      %dma_wait3A_690 = arith.constant 0 : i32
      %dma_wait3A_691 = arith.constant 0 : i32
      %dma_wait3A_692 = tpu.memref_slice %arg14[%dma_wait3A_690, %dma_wait3A_691] : memref<10112x128xf32, #tpu.memory_space<vmem_shared>> -> memref<10112x128xf32, #tpu.memory_space<vmem_shared>>
      %dma_wait3A_693 = tpu.memref_slice %arg13[%dma_wait3A_682] : memref<2x!tpu.dma_semaphore, #tpu.memory_space<semaphore_mem>> -> memref<1x!tpu.dma_semaphore, #tpu.memory_space<semaphore_mem>>
      %dma_wait3A_694 = tpu.memref_squeeze %dma_wait3A_693 : memref<1x!tpu.dma_semaphore, #tpu.memory_space<semaphore_mem>> -> memref<!tpu.dma_semaphore, #tpu.memory_space<semaphore_mem>>
      tpu.wait_indirect_dma semaphore(%dma_wait3A_694 : memref<!tpu.dma_semaphore, #tpu.memory_space<semaphore_mem>>) src(%dma_wait3A_686 : memref<128x128xf32, #tpu.memory_space<vmem>>) dst(%dma_wait3A_692 : memref<10112x128xf32, #tpu.memory_space<vmem_shared>>)
      %dma_start3A_695 = arith.constant 3 : i32
      %dma_start3A_696 = arith.constant 1 : i32
      %dma_start3A_697 = arith.constant 1 : i32
      %dma_start3A_698 = arith.constant 0 : i32
      %dma_start3A_699 = arith.constant 0 : i32
      %dma_start3A_700 = tpu.memref_slice %arg11[%dma_start3A_696, %dma_start3A_698, %dma_start3A_699] : memref<2x128x128xf32, #tpu.memory_space<vmem>> -> memref<1x128x128xf32, #tpu.memory_space<vmem>>
      %dma_start3A_701 = tpu.memref_squeeze %dma_start3A_700 : memref<1x128x128xf32, #tpu.memory_space<vmem>> -> memref<128x128xf32, #tpu.memory_space<vmem>>
      %dma_start3A_702 = arith.constant 0 : i32
      %dma_start3A_703 = tpu.memref_slice %arg9[%dma_start3A_695, %dma_start3A_702] : memref<8x128xi32, #tpu.memory_space<vmem>> -> memref<1x128xi32, #tpu.memory_space<vmem>>
      %dma_start3A_704 = tpu.memref_squeeze %dma_start3A_703 : memref<1x128xi32, #tpu.memory_space<vmem>> -> memref<128xi32, #tpu.memory_space<vmem>>
      %dma_start3A_705 = arith.constant 0 : i32
      %dma_start3A_706 = arith.constant 0 : i32
      %dma_start3A_707 = tpu.memref_slice %arg2[%dma_start3A_705, %dma_start3A_706] : memref<10000x128xf32, #tpu.memory_space<hbm>> -> memref<10000x128xf32, #tpu.memory_space<hbm>>
      %dma_start3A_708 = tpu.memref_slice %arg12[%dma_start3A_697] : memref<2x!tpu.dma_semaphore, #tpu.memory_space<semaphore_mem>> -> memref<1x!tpu.dma_semaphore, #tpu.memory_space<semaphore_mem>>
      %dma_start3A_709 = tpu.memref_squeeze %dma_start3A_708 : memref<1x!tpu.dma_semaphore, #tpu.memory_space<semaphore_mem>> -> memref<!tpu.dma_semaphore, #tpu.memory_space<semaphore_mem>>
      tpu.enqueue_indirect_dma source(%dma_start3A_707 : memref<10000x128xf32, #tpu.memory_space<hbm>>) target(%dma_start3A_701 : memref<128x128xf32, #tpu.memory_space<vmem>>) offsets(%dma_start3A_704 : memref<128xi32, #tpu.memory_space<vmem>>) semaphore(%dma_start3A_709 : memref<!tpu.dma_semaphore, #tpu.memory_space<semaphore_mem>>)
      %dma_wait3A_710 = arith.constant 3 : i32
      %dma_wait3A_711 = arith.constant 1 : i32
      %dma_wait3A_712 = arith.constant 1 : i32
      %dma_wait3A_713 = arith.constant 0 : i32
      %dma_wait3A_714 = arith.constant 0 : i32
      %dma_wait3A_715 = tpu.memref_slice %arg11[%dma_wait3A_711, %dma_wait3A_713, %dma_wait3A_714] : memref<2x128x128xf32, #tpu.memory_space<vmem>> -> memref<1x128x128xf32, #tpu.memory_space<vmem>>
      %dma_wait3A_716 = tpu.memref_squeeze %dma_wait3A_715 : memref<1x128x128xf32, #tpu.memory_space<vmem>> -> memref<128x128xf32, #tpu.memory_space<vmem>>
      %dma_wait3A_717 = arith.constant 0 : i32
      %dma_wait3A_718 = tpu.memref_slice %arg9[%dma_wait3A_710, %dma_wait3A_717] : memref<8x128xi32, #tpu.memory_space<vmem>> -> memref<1x128xi32, #tpu.memory_space<vmem>>
      %dma_wait3A_719 = tpu.memref_squeeze %dma_wait3A_718 : memref<1x128xi32, #tpu.memory_space<vmem>> -> memref<128xi32, #tpu.memory_space<vmem>>
      %dma_wait3A_720 = arith.constant 0 : i32
      %dma_wait3A_721 = arith.constant 0 : i32
      %dma_wait3A_722 = tpu.memref_slice %arg2[%dma_wait3A_720, %dma_wait3A_721] : memref<10000x128xf32, #tpu.memory_space<hbm>> -> memref<10000x128xf32, #tpu.memory_space<hbm>>
      %dma_wait3A_723 = tpu.memref_slice %arg12[%dma_wait3A_712] : memref<2x!tpu.dma_semaphore, #tpu.memory_space<semaphore_mem>> -> memref<1x!tpu.dma_semaphore, #tpu.memory_space<semaphore_mem>>
      %dma_wait3A_724 = tpu.memref_squeeze %dma_wait3A_723 : memref<1x!tpu.dma_semaphore, #tpu.memory_space<semaphore_mem>> -> memref<!tpu.dma_semaphore, #tpu.memory_space<semaphore_mem>>
      tpu.wait_indirect_dma semaphore(%dma_wait3A_724 : memref<!tpu.dma_semaphore, #tpu.memory_space<semaphore_mem>>) src(%dma_wait3A_722 : memref<10000x128xf32, #tpu.memory_space<hbm>>) dst(%dma_wait3A_716 : memref<128x128xf32, #tpu.memory_space<vmem>>)
      %dma_start3A_725 = arith.constant 1 : i32
      %dma_start3A_726 = arith.constant 3 : i32
      %dma_start3A_727 = arith.constant 1 : i32
      %dma_start3A_728 = arith.constant 0 : i32
      %dma_start3A_729 = arith.constant 0 : i32
      %dma_start3A_730 = tpu.memref_slice %arg11[%dma_start3A_725, %dma_start3A_728, %dma_start3A_729] : memref<2x128x128xf32, #tpu.memory_space<vmem>> -> memref<1x128x128xf32, #tpu.memory_space<vmem>>
      %dma_start3A_731 = tpu.memref_squeeze %dma_start3A_730 : memref<1x128x128xf32, #tpu.memory_space<vmem>> -> memref<128x128xf32, #tpu.memory_space<vmem>>
      %dma_start3A_732 = arith.constant 0 : i32
      %dma_start3A_733 = tpu.memref_slice %arg10[%dma_start3A_726, %dma_start3A_732] : memref<8x128xi32, #tpu.memory_space<vmem>> -> memref<1x128xi32, #tpu.memory_space<vmem>>
      %dma_start3A_734 = tpu.memref_squeeze %dma_start3A_733 : memref<1x128xi32, #tpu.memory_space<vmem>> -> memref<128xi32, #tpu.memory_space<vmem>>
      %dma_start3A_735 = arith.constant 0 : i32
      %dma_start3A_736 = arith.constant 0 : i32
      %dma_start3A_737 = tpu.memref_slice %arg14[%dma_start3A_735, %dma_start3A_736] : memref<10112x128xf32, #tpu.memory_space<vmem_shared>> -> memref<10112x128xf32, #tpu.memory_space<vmem_shared>>
      %dma_start3A_738 = tpu.memref_slice %arg13[%dma_start3A_727] : memref<2x!tpu.dma_semaphore, #tpu.memory_space<semaphore_mem>> -> memref<1x!tpu.dma_semaphore, #tpu.memory_space<semaphore_mem>>
      %dma_start3A_739 = tpu.memref_squeeze %dma_start3A_738 : memref<1x!tpu.dma_semaphore, #tpu.memory_space<semaphore_mem>> -> memref<!tpu.dma_semaphore, #tpu.memory_space<semaphore_mem>>
      tpu.enqueue_indirect_dma source(%dma_start3A_731 : memref<128x128xf32, #tpu.memory_space<vmem>>) target(%dma_start3A_737 : memref<10112x128xf32, #tpu.memory_space<vmem_shared>>) offsets(%dma_start3A_734 : memref<128xi32, #tpu.memory_space<vmem>>) semaphore(%dma_start3A_739 : memref<!tpu.dma_semaphore, #tpu.memory_space<semaphore_mem>>) {add = true}
      %dma_wait3A_740 = arith.constant 0 : i32
      %dma_wait3A_741 = arith.constant 4 : i32
      %dma_wait3A_742 = arith.constant 0 : i32
      %dma_wait3A_743 = arith.constant 0 : i32
      %dma_wait3A_744 = arith.constant 0 : i32
      %dma_wait3A_745 = tpu.memref_slice %arg11[%dma_wait3A_740, %dma_wait3A_743, %dma_wait3A_744] : memref<2x128x128xf32, #tpu.memory_space<vmem>> -> memref<1x128x128xf32, #tpu.memory_space<vmem>>
      %dma_wait3A_746 = tpu.memref_squeeze %dma_wait3A_745 : memref<1x128x128xf32, #tpu.memory_space<vmem>> -> memref<128x128xf32, #tpu.memory_space<vmem>>
      %dma_wait3A_747 = arith.constant 0 : i32
      %dma_wait3A_748 = tpu.memref_slice %arg10[%dma_wait3A_741, %dma_wait3A_747] : memref<8x128xi32, #tpu.memory_space<vmem>> -> memref<1x128xi32, #tpu.memory_space<vmem>>
      %dma_wait3A_749 = tpu.memref_squeeze %dma_wait3A_748 : memref<1x128xi32, #tpu.memory_space<vmem>> -> memref<128xi32, #tpu.memory_space<vmem>>
      %dma_wait3A_750 = arith.constant 0 : i32
      %dma_wait3A_751 = arith.constant 0 : i32
      %dma_wait3A_752 = tpu.memref_slice %arg14[%dma_wait3A_750, %dma_wait3A_751] : memref<10112x128xf32, #tpu.memory_space<vmem_shared>> -> memref<10112x128xf32, #tpu.memory_space<vmem_shared>>
      %dma_wait3A_753 = tpu.memref_slice %arg13[%dma_wait3A_742] : memref<2x!tpu.dma_semaphore, #tpu.memory_space<semaphore_mem>> -> memref<1x!tpu.dma_semaphore, #tpu.memory_space<semaphore_mem>>
      %dma_wait3A_754 = tpu.memref_squeeze %dma_wait3A_753 : memref<1x!tpu.dma_semaphore, #tpu.memory_space<semaphore_mem>> -> memref<!tpu.dma_semaphore, #tpu.memory_space<semaphore_mem>>
      tpu.wait_indirect_dma semaphore(%dma_wait3A_754 : memref<!tpu.dma_semaphore, #tpu.memory_space<semaphore_mem>>) src(%dma_wait3A_746 : memref<128x128xf32, #tpu.memory_space<vmem>>) dst(%dma_wait3A_752 : memref<10112x128xf32, #tpu.memory_space<vmem_shared>>)
      %dma_start3A_755 = arith.constant 4 : i32
      %dma_start3A_756 = arith.constant 0 : i32
      %dma_start3A_757 = arith.constant 0 : i32
      %dma_start3A_758 = arith.constant 0 : i32
      %dma_start3A_759 = arith.constant 0 : i32
      %dma_start3A_760 = tpu.memref_slice %arg11[%dma_start3A_756, %dma_start3A_758, %dma_start3A_759] : memref<2x128x128xf32, #tpu.memory_space<vmem>> -> memref<1x128x128xf32, #tpu.memory_space<vmem>>
      %dma_start3A_761 = tpu.memref_squeeze %dma_start3A_760 : memref<1x128x128xf32, #tpu.memory_space<vmem>> -> memref<128x128xf32, #tpu.memory_space<vmem>>
      %dma_start3A_762 = arith.constant 0 : i32
      %dma_start3A_763 = tpu.memref_slice %arg9[%dma_start3A_755, %dma_start3A_762] : memref<8x128xi32, #tpu.memory_space<vmem>> -> memref<1x128xi32, #tpu.memory_space<vmem>>
      %dma_start3A_764 = tpu.memref_squeeze %dma_start3A_763 : memref<1x128xi32, #tpu.memory_space<vmem>> -> memref<128xi32, #tpu.memory_space<vmem>>
      %dma_start3A_765 = arith.constant 0 : i32
      %dma_start3A_766 = arith.constant 0 : i32
      %dma_start3A_767 = tpu.memref_slice %arg2[%dma_start3A_765, %dma_start3A_766] : memref<10000x128xf32, #tpu.memory_space<hbm>> -> memref<10000x128xf32, #tpu.memory_space<hbm>>
      %dma_start3A_768 = tpu.memref_slice %arg12[%dma_start3A_757] : memref<2x!tpu.dma_semaphore, #tpu.memory_space<semaphore_mem>> -> memref<1x!tpu.dma_semaphore, #tpu.memory_space<semaphore_mem>>
      %dma_start3A_769 = tpu.memref_squeeze %dma_start3A_768 : memref<1x!tpu.dma_semaphore, #tpu.memory_space<semaphore_mem>> -> memref<!tpu.dma_semaphore, #tpu.memory_space<semaphore_mem>>
      tpu.enqueue_indirect_dma source(%dma_start3A_767 : memref<10000x128xf32, #tpu.memory_space<hbm>>) target(%dma_start3A_761 : memref<128x128xf32, #tpu.memory_space<vmem>>) offsets(%dma_start3A_764 : memref<128xi32, #tpu.memory_space<vmem>>) semaphore(%dma_start3A_769 : memref<!tpu.dma_semaphore, #tpu.memory_space<semaphore_mem>>)
      %dma_wait3A_770 = arith.constant 4 : i32
      %dma_wait3A_771 = arith.constant 0 : i32
      %dma_wait3A_772 = arith.constant 0 : i32
      %dma_wait3A_773 = arith.constant 0 : i32
      %dma_wait3A_774 = arith.constant 0 : i32
      %dma_wait3A_775 = tpu.memref_slice %arg11[%dma_wait3A_771, %dma_wait3A_773, %dma_wait3A_774] : memref<2x128x128xf32, #tpu.memory_space<vmem>> -> memref<1x128x128xf32, #tpu.memory_space<vmem>>
      %dma_wait3A_776 = tpu.memref_squeeze %dma_wait3A_775 : memref<1x128x128xf32, #tpu.memory_space<vmem>> -> memref<128x128xf32, #tpu.memory_space<vmem>>
      %dma_wait3A_777 = arith.constant 0 : i32
      %dma_wait3A_778 = tpu.memref_slice %arg9[%dma_wait3A_770, %dma_wait3A_777] : memref<8x128xi32, #tpu.memory_space<vmem>> -> memref<1x128xi32, #tpu.memory_space<vmem>>
      %dma_wait3A_779 = tpu.memref_squeeze %dma_wait3A_778 : memref<1x128xi32, #tpu.memory_space<vmem>> -> memref<128xi32, #tpu.memory_space<vmem>>
      %dma_wait3A_780 = arith.constant 0 : i32
      %dma_wait3A_781 = arith.constant 0 : i32
      %dma_wait3A_782 = tpu.memref_slice %arg2[%dma_wait3A_780, %dma_wait3A_781] : memref<10000x128xf32, #tpu.memory_space<hbm>> -> memref<10000x128xf32, #tpu.memory_space<hbm>>
      %dma_wait3A_783 = tpu.memref_slice %arg12[%dma_wait3A_772] : memref<2x!tpu.dma_semaphore, #tpu.memory_space<semaphore_mem>> -> memref<1x!tpu.dma_semaphore, #tpu.memory_space<semaphore_mem>>
      %dma_wait3A_784 = tpu.memref_squeeze %dma_wait3A_783 : memref<1x!tpu.dma_semaphore, #tpu.memory_space<semaphore_mem>> -> memref<!tpu.dma_semaphore, #tpu.memory_space<semaphore_mem>>
      tpu.wait_indirect_dma semaphore(%dma_wait3A_784 : memref<!tpu.dma_semaphore, #tpu.memory_space<semaphore_mem>>) src(%dma_wait3A_782 : memref<10000x128xf32, #tpu.memory_space<hbm>>) dst(%dma_wait3A_776 : memref<128x128xf32, #tpu.memory_space<vmem>>)
      %dma_start3A_785 = arith.constant 0 : i32
      %dma_start3A_786 = arith.constant 4 : i32
      %dma_start3A_787 = arith.constant 0 : i32
      %dma_start3A_788 = arith.constant 0 : i32
      %dma_start3A_789 = arith.constant 0 : i32
      %dma_start3A_790 = tpu.memref_slice %arg11[%dma_start3A_785, %dma_start3A_788, %dma_start3A_789] : memref<2x128x128xf32, #tpu.memory_space<vmem>> -> memref<1x128x128xf32, #tpu.memory_space<vmem>>
      %dma_start3A_791 = tpu.memref_squeeze %dma_start3A_790 : memref<1x128x128xf32, #tpu.memory_space<vmem>> -> memref<128x128xf32, #tpu.memory_space<vmem>>
      %dma_start3A_792 = arith.constant 0 : i32
      %dma_start3A_793 = tpu.memref_slice %arg10[%dma_start3A_786, %dma_start3A_792] : memref<8x128xi32, #tpu.memory_space<vmem>> -> memref<1x128xi32, #tpu.memory_space<vmem>>
      %dma_start3A_794 = tpu.memref_squeeze %dma_start3A_793 : memref<1x128xi32, #tpu.memory_space<vmem>> -> memref<128xi32, #tpu.memory_space<vmem>>
      %dma_start3A_795 = arith.constant 0 : i32
      %dma_start3A_796 = arith.constant 0 : i32
      %dma_start3A_797 = tpu.memref_slice %arg14[%dma_start3A_795, %dma_start3A_796] : memref<10112x128xf32, #tpu.memory_space<vmem_shared>> -> memref<10112x128xf32, #tpu.memory_space<vmem_shared>>
      %dma_start3A_798 = tpu.memref_slice %arg13[%dma_start3A_787] : memref<2x!tpu.dma_semaphore, #tpu.memory_space<semaphore_mem>> -> memref<1x!tpu.dma_semaphore, #tpu.memory_space<semaphore_mem>>
      %dma_start3A_799 = tpu.memref_squeeze %dma_start3A_798 : memref<1x!tpu.dma_semaphore, #tpu.memory_space<semaphore_mem>> -> memref<!tpu.dma_semaphore, #tpu.memory_space<semaphore_mem>>
      tpu.enqueue_indirect_dma source(%dma_start3A_791 : memref<128x128xf32, #tpu.memory_space<vmem>>) target(%dma_start3A_797 : memref<10112x128xf32, #tpu.memory_space<vmem_shared>>) offsets(%dma_start3A_794 : memref<128xi32, #tpu.memory_space<vmem>>) semaphore(%dma_start3A_799 : memref<!tpu.dma_semaphore, #tpu.memory_space<semaphore_mem>>) {add = true}
      %dma_wait3A_800 = arith.constant 1 : i32
      %dma_wait3A_801 = arith.constant 5 : i32
      %dma_wait3A_802 = arith.constant 1 : i32
      %dma_wait3A_803 = arith.constant 0 : i32
      %dma_wait3A_804 = arith.constant 0 : i32
      %dma_wait3A_805 = tpu.memref_slice %arg11[%dma_wait3A_800, %dma_wait3A_803, %dma_wait3A_804] : memref<2x128x128xf32, #tpu.memory_space<vmem>> -> memref<1x128x128xf32, #tpu.memory_space<vmem>>
      %dma_wait3A_806 = tpu.memref_squeeze %dma_wait3A_805 : memref<1x128x128xf32, #tpu.memory_space<vmem>> -> memref<128x128xf32, #tpu.memory_space<vmem>>
      %dma_wait3A_807 = arith.constant 0 : i32
      %dma_wait3A_808 = tpu.memref_slice %arg10[%dma_wait3A_801, %dma_wait3A_807] : memref<8x128xi32, #tpu.memory_space<vmem>> -> memref<1x128xi32, #tpu.memory_space<vmem>>
      %dma_wait3A_809 = tpu.memref_squeeze %dma_wait3A_808 : memref<1x128xi32, #tpu.memory_space<vmem>> -> memref<128xi32, #tpu.memory_space<vmem>>
      %dma_wait3A_810 = arith.constant 0 : i32
      %dma_wait3A_811 = arith.constant 0 : i32
      %dma_wait3A_812 = tpu.memref_slice %arg14[%dma_wait3A_810, %dma_wait3A_811] : memref<10112x128xf32, #tpu.memory_space<vmem_shared>> -> memref<10112x128xf32, #tpu.memory_space<vmem_shared>>
      %dma_wait3A_813 = tpu.memref_slice %arg13[%dma_wait3A_802] : memref<2x!tpu.dma_semaphore, #tpu.memory_space<semaphore_mem>> -> memref<1x!tpu.dma_semaphore, #tpu.memory_space<semaphore_mem>>
      %dma_wait3A_814 = tpu.memref_squeeze %dma_wait3A_813 : memref<1x!tpu.dma_semaphore, #tpu.memory_space<semaphore_mem>> -> memref<!tpu.dma_semaphore, #tpu.memory_space<semaphore_mem>>
      tpu.wait_indirect_dma semaphore(%dma_wait3A_814 : memref<!tpu.dma_semaphore, #tpu.memory_space<semaphore_mem>>) src(%dma_wait3A_806 : memref<128x128xf32, #tpu.memory_space<vmem>>) dst(%dma_wait3A_812 : memref<10112x128xf32, #tpu.memory_space<vmem_shared>>)
      %dma_start3A_815 = arith.constant 5 : i32
      %dma_start3A_816 = arith.constant 1 : i32
      %dma_start3A_817 = arith.constant 1 : i32
      %dma_start3A_818 = arith.constant 0 : i32
      %dma_start3A_819 = arith.constant 0 : i32
      %dma_start3A_820 = tpu.memref_slice %arg11[%dma_start3A_816, %dma_start3A_818, %dma_start3A_819] : memref<2x128x128xf32, #tpu.memory_space<vmem>> -> memref<1x128x128xf32, #tpu.memory_space<vmem>>
      %dma_start3A_821 = tpu.memref_squeeze %dma_start3A_820 : memref<1x128x128xf32, #tpu.memory_space<vmem>> -> memref<128x128xf32, #tpu.memory_space<vmem>>
      %dma_start3A_822 = arith.constant 0 : i32
      %dma_start3A_823 = tpu.memref_slice %arg9[%dma_start3A_815, %dma_start3A_822] : memref<8x128xi32, #tpu.memory_space<vmem>> -> memref<1x128xi32, #tpu.memory_space<vmem>>
      %dma_start3A_824 = tpu.memref_squeeze %dma_start3A_823 : memref<1x128xi32, #tpu.memory_space<vmem>> -> memref<128xi32, #tpu.memory_space<vmem>>
      %dma_start3A_825 = arith.constant 0 : i32
      %dma_start3A_826 = arith.constant 0 : i32
      %dma_start3A_827 = tpu.memref_slice %arg2[%dma_start3A_825, %dma_start3A_826] : memref<10000x128xf32, #tpu.memory_space<hbm>> -> memref<10000x128xf32, #tpu.memory_space<hbm>>
      %dma_start3A_828 = tpu.memref_slice %arg12[%dma_start3A_817] : memref<2x!tpu.dma_semaphore, #tpu.memory_space<semaphore_mem>> -> memref<1x!tpu.dma_semaphore, #tpu.memory_space<semaphore_mem>>
      %dma_start3A_829 = tpu.memref_squeeze %dma_start3A_828 : memref<1x!tpu.dma_semaphore, #tpu.memory_space<semaphore_mem>> -> memref<!tpu.dma_semaphore, #tpu.memory_space<semaphore_mem>>
      tpu.enqueue_indirect_dma source(%dma_start3A_827 : memref<10000x128xf32, #tpu.memory_space<hbm>>) target(%dma_start3A_821 : memref<128x128xf32, #tpu.memory_space<vmem>>) offsets(%dma_start3A_824 : memref<128xi32, #tpu.memory_space<vmem>>) semaphore(%dma_start3A_829 : memref<!tpu.dma_semaphore, #tpu.memory_space<semaphore_mem>>)
      %dma_wait3A_830 = arith.constant 5 : i32
      %dma_wait3A_831 = arith.constant 1 : i32
      %dma_wait3A_832 = arith.constant 1 : i32
      %dma_wait3A_833 = arith.constant 0 : i32
      %dma_wait3A_834 = arith.constant 0 : i32
      %dma_wait3A_835 = tpu.memref_slice %arg11[%dma_wait3A_831, %dma_wait3A_833, %dma_wait3A_834] : memref<2x128x128xf32, #tpu.memory_space<vmem>> -> memref<1x128x128xf32, #tpu.memory_space<vmem>>
      %dma_wait3A_836 = tpu.memref_squeeze %dma_wait3A_835 : memref<1x128x128xf32, #tpu.memory_space<vmem>> -> memref<128x128xf32, #tpu.memory_space<vmem>>
      %dma_wait3A_837 = arith.constant 0 : i32
      %dma_wait3A_838 = tpu.memref_slice %arg9[%dma_wait3A_830, %dma_wait3A_837] : memref<8x128xi32, #tpu.memory_space<vmem>> -> memref<1x128xi32, #tpu.memory_space<vmem>>
      %dma_wait3A_839 = tpu.memref_squeeze %dma_wait3A_838 : memref<1x128xi32, #tpu.memory_space<vmem>> -> memref<128xi32, #tpu.memory_space<vmem>>
      %dma_wait3A_840 = arith.constant 0 : i32
      %dma_wait3A_841 = arith.constant 0 : i32
      %dma_wait3A_842 = tpu.memref_slice %arg2[%dma_wait3A_840, %dma_wait3A_841] : memref<10000x128xf32, #tpu.memory_space<hbm>> -> memref<10000x128xf32, #tpu.memory_space<hbm>>
      %dma_wait3A_843 = tpu.memref_slice %arg12[%dma_wait3A_832] : memref<2x!tpu.dma_semaphore, #tpu.memory_space<semaphore_mem>> -> memref<1x!tpu.dma_semaphore, #tpu.memory_space<semaphore_mem>>
      %dma_wait3A_844 = tpu.memref_squeeze %dma_wait3A_843 : memref<1x!tpu.dma_semaphore, #tpu.memory_space<semaphore_mem>> -> memref<!tpu.dma_semaphore, #tpu.memory_space<semaphore_mem>>
      tpu.wait_indirect_dma semaphore(%dma_wait3A_844 : memref<!tpu.dma_semaphore, #tpu.memory_space<semaphore_mem>>) src(%dma_wait3A_842 : memref<10000x128xf32, #tpu.memory_space<hbm>>) dst(%dma_wait3A_836 : memref<128x128xf32, #tpu.memory_space<vmem>>)
      %dma_start3A_845 = arith.constant 1 : i32
      %dma_start3A_846 = arith.constant 5 : i32
      %dma_start3A_847 = arith.constant 1 : i32
      %dma_start3A_848 = arith.constant 0 : i32
      %dma_start3A_849 = arith.constant 0 : i32
      %dma_start3A_850 = tpu.memref_slice %arg11[%dma_start3A_845, %dma_start3A_848, %dma_start3A_849] : memref<2x128x128xf32, #tpu.memory_space<vmem>> -> memref<1x128x128xf32, #tpu.memory_space<vmem>>
      %dma_start3A_851 = tpu.memref_squeeze %dma_start3A_850 : memref<1x128x128xf32, #tpu.memory_space<vmem>> -> memref<128x128xf32, #tpu.memory_space<vmem>>
      %dma_start3A_852 = arith.constant 0 : i32
      %dma_start3A_853 = tpu.memref_slice %arg10[%dma_start3A_846, %dma_start3A_852] : memref<8x128xi32, #tpu.memory_space<vmem>> -> memref<1x128xi32, #tpu.memory_space<vmem>>
      %dma_start3A_854 = tpu.memref_squeeze %dma_start3A_853 : memref<1x128xi32, #tpu.memory_space<vmem>> -> memref<128xi32, #tpu.memory_space<vmem>>
      %dma_start3A_855 = arith.constant 0 : i32
      %dma_start3A_856 = arith.constant 0 : i32
      %dma_start3A_857 = tpu.memref_slice %arg14[%dma_start3A_855, %dma_start3A_856] : memref<10112x128xf32, #tpu.memory_space<vmem_shared>> -> memref<10112x128xf32, #tpu.memory_space<vmem_shared>>
      %dma_start3A_858 = tpu.memref_slice %arg13[%dma_start3A_847] : memref<2x!tpu.dma_semaphore, #tpu.memory_space<semaphore_mem>> -> memref<1x!tpu.dma_semaphore, #tpu.memory_space<semaphore_mem>>
      %dma_start3A_859 = tpu.memref_squeeze %dma_start3A_858 : memref<1x!tpu.dma_semaphore, #tpu.memory_space<semaphore_mem>> -> memref<!tpu.dma_semaphore, #tpu.memory_space<semaphore_mem>>
      tpu.enqueue_indirect_dma source(%dma_start3A_851 : memref<128x128xf32, #tpu.memory_space<vmem>>) target(%dma_start3A_857 : memref<10112x128xf32, #tpu.memory_space<vmem_shared>>) offsets(%dma_start3A_854 : memref<128xi32, #tpu.memory_space<vmem>>) semaphore(%dma_start3A_859 : memref<!tpu.dma_semaphore, #tpu.memory_space<semaphore_mem>>) {add = true}
      %dma_wait3A_860 = arith.constant 0 : i32
      %dma_wait3A_861 = arith.constant 6 : i32
      %dma_wait3A_862 = arith.constant 0 : i32
      %dma_wait3A_863 = arith.constant 0 : i32
      %dma_wait3A_864 = arith.constant 0 : i32
      %dma_wait3A_865 = tpu.memref_slice %arg11[%dma_wait3A_860, %dma_wait3A_863, %dma_wait3A_864] : memref<2x128x128xf32, #tpu.memory_space<vmem>> -> memref<1x128x128xf32, #tpu.memory_space<vmem>>
      %dma_wait3A_866 = tpu.memref_squeeze %dma_wait3A_865 : memref<1x128x128xf32, #tpu.memory_space<vmem>> -> memref<128x128xf32, #tpu.memory_space<vmem>>
      %dma_wait3A_867 = arith.constant 0 : i32
      %dma_wait3A_868 = tpu.memref_slice %arg10[%dma_wait3A_861, %dma_wait3A_867] : memref<8x128xi32, #tpu.memory_space<vmem>> -> memref<1x128xi32, #tpu.memory_space<vmem>>
      %dma_wait3A_869 = tpu.memref_squeeze %dma_wait3A_868 : memref<1x128xi32, #tpu.memory_space<vmem>> -> memref<128xi32, #tpu.memory_space<vmem>>
      %dma_wait3A_870 = arith.constant 0 : i32
      %dma_wait3A_871 = arith.constant 0 : i32
      %dma_wait3A_872 = tpu.memref_slice %arg14[%dma_wait3A_870, %dma_wait3A_871] : memref<10112x128xf32, #tpu.memory_space<vmem_shared>> -> memref<10112x128xf32, #tpu.memory_space<vmem_shared>>
      %dma_wait3A_873 = tpu.memref_slice %arg13[%dma_wait3A_862] : memref<2x!tpu.dma_semaphore, #tpu.memory_space<semaphore_mem>> -> memref<1x!tpu.dma_semaphore, #tpu.memory_space<semaphore_mem>>
      %dma_wait3A_874 = tpu.memref_squeeze %dma_wait3A_873 : memref<1x!tpu.dma_semaphore, #tpu.memory_space<semaphore_mem>> -> memref<!tpu.dma_semaphore, #tpu.memory_space<semaphore_mem>>
      tpu.wait_indirect_dma semaphore(%dma_wait3A_874 : memref<!tpu.dma_semaphore, #tpu.memory_space<semaphore_mem>>) src(%dma_wait3A_866 : memref<128x128xf32, #tpu.memory_space<vmem>>) dst(%dma_wait3A_872 : memref<10112x128xf32, #tpu.memory_space<vmem_shared>>)
      %dma_start3A_875 = arith.constant 6 : i32
      %dma_start3A_876 = arith.constant 0 : i32
      %dma_start3A_877 = arith.constant 0 : i32
      %dma_start3A_878 = arith.constant 0 : i32
      %dma_start3A_879 = arith.constant 0 : i32
      %dma_start3A_880 = tpu.memref_slice %arg11[%dma_start3A_876, %dma_start3A_878, %dma_start3A_879] : memref<2x128x128xf32, #tpu.memory_space<vmem>> -> memref<1x128x128xf32, #tpu.memory_space<vmem>>
      %dma_start3A_881 = tpu.memref_squeeze %dma_start3A_880 : memref<1x128x128xf32, #tpu.memory_space<vmem>> -> memref<128x128xf32, #tpu.memory_space<vmem>>
      %dma_start3A_882 = arith.constant 0 : i32
      %dma_start3A_883 = tpu.memref_slice %arg9[%dma_start3A_875, %dma_start3A_882] : memref<8x128xi32, #tpu.memory_space<vmem>> -> memref<1x128xi32, #tpu.memory_space<vmem>>
      %dma_start3A_884 = tpu.memref_squeeze %dma_start3A_883 : memref<1x128xi32, #tpu.memory_space<vmem>> -> memref<128xi32, #tpu.memory_space<vmem>>
      %dma_start3A_885 = arith.constant 0 : i32
      %dma_start3A_886 = arith.constant 0 : i32
      %dma_start3A_887 = tpu.memref_slice %arg2[%dma_start3A_885, %dma_start3A_886] : memref<10000x128xf32, #tpu.memory_space<hbm>> -> memref<10000x128xf32, #tpu.memory_space<hbm>>
      %dma_start3A_888 = tpu.memref_slice %arg12[%dma_start3A_877] : memref<2x!tpu.dma_semaphore, #tpu.memory_space<semaphore_mem>> -> memref<1x!tpu.dma_semaphore, #tpu.memory_space<semaphore_mem>>
      %dma_start3A_889 = tpu.memref_squeeze %dma_start3A_888 : memref<1x!tpu.dma_semaphore, #tpu.memory_space<semaphore_mem>> -> memref<!tpu.dma_semaphore, #tpu.memory_space<semaphore_mem>>
      tpu.enqueue_indirect_dma source(%dma_start3A_887 : memref<10000x128xf32, #tpu.memory_space<hbm>>) target(%dma_start3A_881 : memref<128x128xf32, #tpu.memory_space<vmem>>) offsets(%dma_start3A_884 : memref<128xi32, #tpu.memory_space<vmem>>) semaphore(%dma_start3A_889 : memref<!tpu.dma_semaphore, #tpu.memory_space<semaphore_mem>>)
      %dma_wait3A_890 = arith.constant 6 : i32
      %dma_wait3A_891 = arith.constant 0 : i32
      %dma_wait3A_892 = arith.constant 0 : i32
      %dma_wait3A_893 = arith.constant 0 : i32
      %dma_wait3A_894 = arith.constant 0 : i32
      %dma_wait3A_895 = tpu.memref_slice %arg11[%dma_wait3A_891, %dma_wait3A_893, %dma_wait3A_894] : memref<2x128x128xf32, #tpu.memory_space<vmem>> -> memref<1x128x128xf32, #tpu.memory_space<vmem>>
      %dma_wait3A_896 = tpu.memref_squeeze %dma_wait3A_895 : memref<1x128x128xf32, #tpu.memory_space<vmem>> -> memref<128x128xf32, #tpu.memory_space<vmem>>
      %dma_wait3A_897 = arith.constant 0 : i32
      %dma_wait3A_898 = tpu.memref_slice %arg9[%dma_wait3A_890, %dma_wait3A_897] : memref<8x128xi32, #tpu.memory_space<vmem>> -> memref<1x128xi32, #tpu.memory_space<vmem>>
      %dma_wait3A_899 = tpu.memref_squeeze %dma_wait3A_898 : memref<1x128xi32, #tpu.memory_space<vmem>> -> memref<128xi32, #tpu.memory_space<vmem>>
      %dma_wait3A_900 = arith.constant 0 : i32
      %dma_wait3A_901 = arith.constant 0 : i32
      %dma_wait3A_902 = tpu.memref_slice %arg2[%dma_wait3A_900, %dma_wait3A_901] : memref<10000x128xf32, #tpu.memory_space<hbm>> -> memref<10000x128xf32, #tpu.memory_space<hbm>>
      %dma_wait3A_903 = tpu.memref_slice %arg12[%dma_wait3A_892] : memref<2x!tpu.dma_semaphore, #tpu.memory_space<semaphore_mem>> -> memref<1x!tpu.dma_semaphore, #tpu.memory_space<semaphore_mem>>
      %dma_wait3A_904 = tpu.memref_squeeze %dma_wait3A_903 : memref<1x!tpu.dma_semaphore, #tpu.memory_space<semaphore_mem>> -> memref<!tpu.dma_semaphore, #tpu.memory_space<semaphore_mem>>
      tpu.wait_indirect_dma semaphore(%dma_wait3A_904 : memref<!tpu.dma_semaphore, #tpu.memory_space<semaphore_mem>>) src(%dma_wait3A_902 : memref<10000x128xf32, #tpu.memory_space<hbm>>) dst(%dma_wait3A_896 : memref<128x128xf32, #tpu.memory_space<vmem>>)
      %dma_start3A_905 = arith.constant 0 : i32
      %dma_start3A_906 = arith.constant 6 : i32
      %dma_start3A_907 = arith.constant 0 : i32
      %dma_start3A_908 = arith.constant 0 : i32
      %dma_start3A_909 = arith.constant 0 : i32
      %dma_start3A_910 = tpu.memref_slice %arg11[%dma_start3A_905, %dma_start3A_908, %dma_start3A_909] : memref<2x128x128xf32, #tpu.memory_space<vmem>> -> memref<1x128x128xf32, #tpu.memory_space<vmem>>
      %dma_start3A_911 = tpu.memref_squeeze %dma_start3A_910 : memref<1x128x128xf32, #tpu.memory_space<vmem>> -> memref<128x128xf32, #tpu.memory_space<vmem>>
      %dma_start3A_912 = arith.constant 0 : i32
      %dma_start3A_913 = tpu.memref_slice %arg10[%dma_start3A_906, %dma_start3A_912] : memref<8x128xi32, #tpu.memory_space<vmem>> -> memref<1x128xi32, #tpu.memory_space<vmem>>
      %dma_start3A_914 = tpu.memref_squeeze %dma_start3A_913 : memref<1x128xi32, #tpu.memory_space<vmem>> -> memref<128xi32, #tpu.memory_space<vmem>>
      %dma_start3A_915 = arith.constant 0 : i32
      %dma_start3A_916 = arith.constant 0 : i32
      %dma_start3A_917 = tpu.memref_slice %arg14[%dma_start3A_915, %dma_start3A_916] : memref<10112x128xf32, #tpu.memory_space<vmem_shared>> -> memref<10112x128xf32, #tpu.memory_space<vmem_shared>>
      %dma_start3A_918 = tpu.memref_slice %arg13[%dma_start3A_907] : memref<2x!tpu.dma_semaphore, #tpu.memory_space<semaphore_mem>> -> memref<1x!tpu.dma_semaphore, #tpu.memory_space<semaphore_mem>>
      %dma_start3A_919 = tpu.memref_squeeze %dma_start3A_918 : memref<1x!tpu.dma_semaphore, #tpu.memory_space<semaphore_mem>> -> memref<!tpu.dma_semaphore, #tpu.memory_space<semaphore_mem>>
      tpu.enqueue_indirect_dma source(%dma_start3A_911 : memref<128x128xf32, #tpu.memory_space<vmem>>) target(%dma_start3A_917 : memref<10112x128xf32, #tpu.memory_space<vmem_shared>>) offsets(%dma_start3A_914 : memref<128xi32, #tpu.memory_space<vmem>>) semaphore(%dma_start3A_919 : memref<!tpu.dma_semaphore, #tpu.memory_space<semaphore_mem>>) {add = true}
      %dma_wait3A_920 = arith.constant 1 : i32
      %dma_wait3A_921 = arith.constant 7 : i32
      %dma_wait3A_922 = arith.constant 1 : i32
      %dma_wait3A_923 = arith.constant 0 : i32
      %dma_wait3A_924 = arith.constant 0 : i32
      %dma_wait3A_925 = tpu.memref_slice %arg11[%dma_wait3A_920, %dma_wait3A_923, %dma_wait3A_924] : memref<2x128x128xf32, #tpu.memory_space<vmem>> -> memref<1x128x128xf32, #tpu.memory_space<vmem>>
      %dma_wait3A_926 = tpu.memref_squeeze %dma_wait3A_925 : memref<1x128x128xf32, #tpu.memory_space<vmem>> -> memref<128x128xf32, #tpu.memory_space<vmem>>
      %dma_wait3A_927 = arith.constant 0 : i32
      %dma_wait3A_928 = tpu.memref_slice %arg10[%dma_wait3A_921, %dma_wait3A_927] : memref<8x128xi32, #tpu.memory_space<vmem>> -> memref<1x128xi32, #tpu.memory_space<vmem>>
      %dma_wait3A_929 = tpu.memref_squeeze %dma_wait3A_928 : memref<1x128xi32, #tpu.memory_space<vmem>> -> memref<128xi32, #tpu.memory_space<vmem>>
      %dma_wait3A_930 = arith.constant 0 : i32
      %dma_wait3A_931 = arith.constant 0 : i32
      %dma_wait3A_932 = tpu.memref_slice %arg14[%dma_wait3A_930, %dma_wait3A_931] : memref<10112x128xf32, #tpu.memory_space<vmem_shared>> -> memref<10112x128xf32, #tpu.memory_space<vmem_shared>>
      %dma_wait3A_933 = tpu.memref_slice %arg13[%dma_wait3A_922] : memref<2x!tpu.dma_semaphore, #tpu.memory_space<semaphore_mem>> -> memref<1x!tpu.dma_semaphore, #tpu.memory_space<semaphore_mem>>
      %dma_wait3A_934 = tpu.memref_squeeze %dma_wait3A_933 : memref<1x!tpu.dma_semaphore, #tpu.memory_space<semaphore_mem>> -> memref<!tpu.dma_semaphore, #tpu.memory_space<semaphore_mem>>
      tpu.wait_indirect_dma semaphore(%dma_wait3A_934 : memref<!tpu.dma_semaphore, #tpu.memory_space<semaphore_mem>>) src(%dma_wait3A_926 : memref<128x128xf32, #tpu.memory_space<vmem>>) dst(%dma_wait3A_932 : memref<10112x128xf32, #tpu.memory_space<vmem_shared>>)
      %dma_start3A_935 = arith.constant 7 : i32
      %dma_start3A_936 = arith.constant 1 : i32
      %dma_start3A_937 = arith.constant 1 : i32
      %dma_start3A_938 = arith.constant 0 : i32
      %dma_start3A_939 = arith.constant 0 : i32
      %dma_start3A_940 = tpu.memref_slice %arg11[%dma_start3A_936, %dma_start3A_938, %dma_start3A_939] : memref<2x128x128xf32, #tpu.memory_space<vmem>> -> memref<1x128x128xf32, #tpu.memory_space<vmem>>
      %dma_start3A_941 = tpu.memref_squeeze %dma_start3A_940 : memref<1x128x128xf32, #tpu.memory_space<vmem>> -> memref<128x128xf32, #tpu.memory_space<vmem>>
      %dma_start3A_942 = arith.constant 0 : i32
      %dma_start3A_943 = tpu.memref_slice %arg9[%dma_start3A_935, %dma_start3A_942] : memref<8x128xi32, #tpu.memory_space<vmem>> -> memref<1x128xi32, #tpu.memory_space<vmem>>
      %dma_start3A_944 = tpu.memref_squeeze %dma_start3A_943 : memref<1x128xi32, #tpu.memory_space<vmem>> -> memref<128xi32, #tpu.memory_space<vmem>>
      %dma_start3A_945 = arith.constant 0 : i32
      %dma_start3A_946 = arith.constant 0 : i32
      %dma_start3A_947 = tpu.memref_slice %arg2[%dma_start3A_945, %dma_start3A_946] : memref<10000x128xf32, #tpu.memory_space<hbm>> -> memref<10000x128xf32, #tpu.memory_space<hbm>>
      %dma_start3A_948 = tpu.memref_slice %arg12[%dma_start3A_937] : memref<2x!tpu.dma_semaphore, #tpu.memory_space<semaphore_mem>> -> memref<1x!tpu.dma_semaphore, #tpu.memory_space<semaphore_mem>>
      %dma_start3A_949 = tpu.memref_squeeze %dma_start3A_948 : memref<1x!tpu.dma_semaphore, #tpu.memory_space<semaphore_mem>> -> memref<!tpu.dma_semaphore, #tpu.memory_space<semaphore_mem>>
      tpu.enqueue_indirect_dma source(%dma_start3A_947 : memref<10000x128xf32, #tpu.memory_space<hbm>>) target(%dma_start3A_941 : memref<128x128xf32, #tpu.memory_space<vmem>>) offsets(%dma_start3A_944 : memref<128xi32, #tpu.memory_space<vmem>>) semaphore(%dma_start3A_949 : memref<!tpu.dma_semaphore, #tpu.memory_space<semaphore_mem>>)
      %dma_wait3A_950 = arith.constant 7 : i32
      %dma_wait3A_951 = arith.constant 1 : i32
      %dma_wait3A_952 = arith.constant 1 : i32
      %dma_wait3A_953 = arith.constant 0 : i32
      %dma_wait3A_954 = arith.constant 0 : i32
      %dma_wait3A_955 = tpu.memref_slice %arg11[%dma_wait3A_951, %dma_wait3A_953, %dma_wait3A_954] : memref<2x128x128xf32, #tpu.memory_space<vmem>> -> memref<1x128x128xf32, #tpu.memory_space<vmem>>
      %dma_wait3A_956 = tpu.memref_squeeze %dma_wait3A_955 : memref<1x128x128xf32, #tpu.memory_space<vmem>> -> memref<128x128xf32, #tpu.memory_space<vmem>>
      %dma_wait3A_957 = arith.constant 0 : i32
      %dma_wait3A_958 = tpu.memref_slice %arg9[%dma_wait3A_950, %dma_wait3A_957] : memref<8x128xi32, #tpu.memory_space<vmem>> -> memref<1x128xi32, #tpu.memory_space<vmem>>
      %dma_wait3A_959 = tpu.memref_squeeze %dma_wait3A_958 : memref<1x128xi32, #tpu.memory_space<vmem>> -> memref<128xi32, #tpu.memory_space<vmem>>
      %dma_wait3A_960 = arith.constant 0 : i32
      %dma_wait3A_961 = arith.constant 0 : i32
      %dma_wait3A_962 = tpu.memref_slice %arg2[%dma_wait3A_960, %dma_wait3A_961] : memref<10000x128xf32, #tpu.memory_space<hbm>> -> memref<10000x128xf32, #tpu.memory_space<hbm>>
      %dma_wait3A_963 = tpu.memref_slice %arg12[%dma_wait3A_952] : memref<2x!tpu.dma_semaphore, #tpu.memory_space<semaphore_mem>> -> memref<1x!tpu.dma_semaphore, #tpu.memory_space<semaphore_mem>>
      %dma_wait3A_964 = tpu.memref_squeeze %dma_wait3A_963 : memref<1x!tpu.dma_semaphore, #tpu.memory_space<semaphore_mem>> -> memref<!tpu.dma_semaphore, #tpu.memory_space<semaphore_mem>>
      tpu.wait_indirect_dma semaphore(%dma_wait3A_964 : memref<!tpu.dma_semaphore, #tpu.memory_space<semaphore_mem>>) src(%dma_wait3A_962 : memref<10000x128xf32, #tpu.memory_space<hbm>>) dst(%dma_wait3A_956 : memref<128x128xf32, #tpu.memory_space<vmem>>)
      %dma_start3A_965 = arith.constant 1 : i32
      %dma_start3A_966 = arith.constant 7 : i32
      %dma_start3A_967 = arith.constant 1 : i32
      %dma_start3A_968 = arith.constant 0 : i32
      %dma_start3A_969 = arith.constant 0 : i32
      %dma_start3A_970 = tpu.memref_slice %arg11[%dma_start3A_965, %dma_start3A_968, %dma_start3A_969] : memref<2x128x128xf32, #tpu.memory_space<vmem>> -> memref<1x128x128xf32, #tpu.memory_space<vmem>>
      %dma_start3A_971 = tpu.memref_squeeze %dma_start3A_970 : memref<1x128x128xf32, #tpu.memory_space<vmem>> -> memref<128x128xf32, #tpu.memory_space<vmem>>
      %dma_start3A_972 = arith.constant 0 : i32
      %dma_start3A_973 = tpu.memref_slice %arg10[%dma_start3A_966, %dma_start3A_972] : memref<8x128xi32, #tpu.memory_space<vmem>> -> memref<1x128xi32, #tpu.memory_space<vmem>>
      %dma_start3A_974 = tpu.memref_squeeze %dma_start3A_973 : memref<1x128xi32, #tpu.memory_space<vmem>> -> memref<128xi32, #tpu.memory_space<vmem>>
      %dma_start3A_975 = arith.constant 0 : i32
      %dma_start3A_976 = arith.constant 0 : i32
      %dma_start3A_977 = tpu.memref_slice %arg14[%dma_start3A_975, %dma_start3A_976] : memref<10112x128xf32, #tpu.memory_space<vmem_shared>> -> memref<10112x128xf32, #tpu.memory_space<vmem_shared>>
      %dma_start3A_978 = tpu.memref_slice %arg13[%dma_start3A_967] : memref<2x!tpu.dma_semaphore, #tpu.memory_space<semaphore_mem>> -> memref<1x!tpu.dma_semaphore, #tpu.memory_space<semaphore_mem>>
      %dma_start3A_979 = tpu.memref_squeeze %dma_start3A_978 : memref<1x!tpu.dma_semaphore, #tpu.memory_space<semaphore_mem>> -> memref<!tpu.dma_semaphore, #tpu.memory_space<semaphore_mem>>
      tpu.enqueue_indirect_dma source(%dma_start3A_971 : memref<128x128xf32, #tpu.memory_space<vmem>>) target(%dma_start3A_977 : memref<10112x128xf32, #tpu.memory_space<vmem_shared>>) offsets(%dma_start3A_974 : memref<128xi32, #tpu.memory_space<vmem>>) semaphore(%dma_start3A_979 : memref<!tpu.dma_semaphore, #tpu.memory_space<semaphore_mem>>) {add = true}
    }
    %scan3A_6 = arith.constant 5 : i32
    %dma_wait3A = arith.constant 0 : i32
    %dma_wait3A_7 = arith.constant 6 : i32
    %dma_wait3A_8 = arith.constant 0 : i32
    %dma_wait3A_9 = arith.constant 0 : i32
    %dma_wait3A_10 = arith.constant 0 : i32
    %dma_wait3A_11 = tpu.memref_slice %arg11[%dma_wait3A, %dma_wait3A_9, %dma_wait3A_10] : memref<2x128x128xf32, #tpu.memory_space<vmem>> -> memref<1x128x128xf32, #tpu.memory_space<vmem>>
    %dma_wait3A_12 = tpu.memref_squeeze %dma_wait3A_11 : memref<1x128x128xf32, #tpu.memory_space<vmem>> -> memref<128x128xf32, #tpu.memory_space<vmem>>
    %dma_wait3A_13 = arith.constant 0 : i32
    %dma_wait3A_14 = tpu.memref_slice %arg10[%dma_wait3A_7, %dma_wait3A_13] : memref<8x128xi32, #tpu.memory_space<vmem>> -> memref<1x128xi32, #tpu.memory_space<vmem>>
    %dma_wait3A_15 = tpu.memref_squeeze %dma_wait3A_14 : memref<1x128xi32, #tpu.memory_space<vmem>> -> memref<128xi32, #tpu.memory_space<vmem>>
    %dma_wait3A_16 = arith.constant 0 : i32
    %dma_wait3A_17 = arith.constant 0 : i32
    %dma_wait3A_18 = tpu.memref_slice %arg14[%dma_wait3A_16, %dma_wait3A_17] : memref<10112x128xf32, #tpu.memory_space<vmem_shared>> -> memref<10112x128xf32, #tpu.memory_space<vmem_shared>>
    %dma_wait3A_19 = tpu.memref_slice %arg13[%dma_wait3A_8] : memref<2x!tpu.dma_semaphore, #tpu.memory_space<semaphore_mem>> -> memref<1x!tpu.dma_semaphore, #tpu.memory_space<semaphore_mem>>
    %dma_wait3A_20 = tpu.memref_squeeze %dma_wait3A_19 : memref<1x!tpu.dma_semaphore, #tpu.memory_space<semaphore_mem>> -> memref<!tpu.dma_semaphore, #tpu.memory_space<semaphore_mem>>
    tpu.wait_indirect_dma semaphore(%dma_wait3A_20 : memref<!tpu.dma_semaphore, #tpu.memory_space<semaphore_mem>>) src(%dma_wait3A_12 : memref<128x128xf32, #tpu.memory_space<vmem>>) dst(%dma_wait3A_18 : memref<10112x128xf32, #tpu.memory_space<vmem_shared>>)
    %dma_wait3A_21 = arith.constant 1 : i32
    %dma_wait3A_22 = arith.constant 7 : i32
    %dma_wait3A_23 = arith.constant 1 : i32
    %dma_wait3A_24 = arith.constant 0 : i32
    %dma_wait3A_25 = arith.constant 0 : i32
    %dma_wait3A_26 = tpu.memref_slice %arg11[%dma_wait3A_21, %dma_wait3A_24, %dma_wait3A_25] : memref<2x128x128xf32, #tpu.memory_space<vmem>> -> memref<1x128x128xf32, #tpu.memory_space<vmem>>
    %dma_wait3A_27 = tpu.memref_squeeze %dma_wait3A_26 : memref<1x128x128xf32, #tpu.memory_space<vmem>> -> memref<128x128xf32, #tpu.memory_space<vmem>>
    %dma_wait3A_28 = arith.constant 0 : i32
    %dma_wait3A_29 = tpu.memref_slice %arg10[%dma_wait3A_22, %dma_wait3A_28] : memref<8x128xi32, #tpu.memory_space<vmem>> -> memref<1x128xi32, #tpu.memory_space<vmem>>
    %dma_wait3A_30 = tpu.memref_squeeze %dma_wait3A_29 : memref<1x128xi32, #tpu.memory_space<vmem>> -> memref<128xi32, #tpu.memory_space<vmem>>
    %dma_wait3A_31 = arith.constant 0 : i32
    %dma_wait3A_32 = arith.constant 0 : i32
    %dma_wait3A_33 = tpu.memref_slice %arg14[%dma_wait3A_31, %dma_wait3A_32] : memref<10112x128xf32, #tpu.memory_space<vmem_shared>> -> memref<10112x128xf32, #tpu.memory_space<vmem_shared>>
    %dma_wait3A_34 = tpu.memref_slice %arg13[%dma_wait3A_23] : memref<2x!tpu.dma_semaphore, #tpu.memory_space<semaphore_mem>> -> memref<1x!tpu.dma_semaphore, #tpu.memory_space<semaphore_mem>>
    %dma_wait3A_35 = tpu.memref_squeeze %dma_wait3A_34 : memref<1x!tpu.dma_semaphore, #tpu.memory_space<semaphore_mem>> -> memref<!tpu.dma_semaphore, #tpu.memory_space<semaphore_mem>>
    tpu.wait_indirect_dma semaphore(%dma_wait3A_35 : memref<!tpu.dma_semaphore, #tpu.memory_space<semaphore_mem>>) src(%dma_wait3A_27 : memref<128x128xf32, #tpu.memory_space<vmem>>) dst(%dma_wait3A_33 : memref<10112x128xf32, #tpu.memory_space<vmem_shared>>)
    %barrier3A_36 = arith.constant 0 : index
    tpu.barrier barrier_id(%barrier3A_36)
    "tpu.region"() ({
      %run_scoped3A = tpu.sem_alloc : memref<!tpu.dma_semaphore, #tpu.memory_space<semaphore_mem>>
      %dma_start3A = arith.constant 0 : i32
      %dma_start3A_37 = tpu.memref_slice %arg6[%arg0, %mul3A_2, %dma_start3A] : memref<2x10112x128xf32, #tpu.memory_space<hbm>> -> memref<1x632x128xf32, #tpu.memory_space<hbm>>
      %dma_start3A_38 = tpu.memref_squeeze %dma_start3A_37 : memref<1x632x128xf32, #tpu.memory_space<hbm>> -> memref<632x128xf32, #tpu.memory_space<hbm>>
      %dma_start3A_39 = arith.constant 0 : i32
      %dma_start3A_40 = tpu.memref_slice %arg14[%mul3A_2, %dma_start3A_39] : memref<10112x128xf32, #tpu.memory_space<vmem_shared>> -> memref<632x128xf32, #tpu.memory_space<vmem_shared>>
      tpu.enqueue_dma source(%dma_start3A_40 : memref<632x128xf32, #tpu.memory_space<vmem_shared>>) target(%dma_start3A_38 : memref<632x128xf32, #tpu.memory_space<hbm>>) target_semaphore(%run_scoped3A : memref<!tpu.dma_semaphore, #tpu.memory_space<semaphore_mem>>)
      %dma_wait3A_41 = arith.constant 0 : i32
      %dma_wait3A_42 = tpu.memref_slice %arg6[%arg0, %mul3A_2, %dma_wait3A_41] : memref<2x10112x128xf32, #tpu.memory_space<hbm>> -> memref<1x632x128xf32, #tpu.memory_space<hbm>>
      %dma_wait3A_43 = tpu.memref_squeeze %dma_wait3A_42 : memref<1x632x128xf32, #tpu.memory_space<hbm>> -> memref<632x128xf32, #tpu.memory_space<hbm>>
      %dma_wait3A_44 = arith.constant 0 : i32
      %dma_wait3A_45 = tpu.memref_slice %arg14[%mul3A_2, %dma_wait3A_44] : memref<10112x128xf32, #tpu.memory_space<vmem_shared>> -> memref<632x128xf32, #tpu.memory_space<vmem_shared>>
      tpu.wait_dma2 semaphore(%run_scoped3A : memref<!tpu.dma_semaphore, #tpu.memory_space<semaphore_mem>>) src(%dma_wait3A_45 : memref<632x128xf32, #tpu.memory_space<vmem_shared>>) dst(%dma_wait3A_43 : memref<632x128xf32, #tpu.memory_space<hbm>>)
      tpu.yield
    }) : () -> ()
    return
  }
}

#map = affine_map<(d0, d1) -> (0, 0)>
#map1 = affine_map<(d0, d1) -> (0, 0, 0, 0)>
#map2 = affine_map<(d0, d1) -> (0, 0, 0)>
module attributes {stable_mosaic.version = 14 : i64} {
  func.func @k(%arg0: i32, %arg1: i32, %arg2: memref<10000x128xf32, #tpu.memory_space<hbm>>, %arg3: memref<32x10x8x128xi32, #tpu.memory_space<hbm>>, %arg4: memref<32x10x8x128xi32, #tpu.memory_space<hbm>>, %arg5: memref<10112x128xf32, #tpu.memory_space<hbm>>, %arg6: memref<2x10112x128xf32, #tpu.memory_space<hbm>>, %arg7: memref<8x128xi32, #tpu.memory_space<vmem>>, %arg8: memref<8x128xi32, #tpu.memory_space<vmem>>, %arg9: memref<8x128xi32, #tpu.memory_space<vmem>>, %arg10: memref<8x128xi32, #tpu.memory_space<vmem>>, %arg11: memref<2x128x128xf32, #tpu.memory_space<vmem>>, %arg12: memref<2x!tpu.dma_semaphore, #tpu.memory_space<semaphore_mem>>, %arg13: memref<2x!tpu.dma_semaphore, #tpu.memory_space<semaphore_mem>>, %arg14: memref<10112x128xf32, #tpu.memory_space<vmem_shared>>) attributes {dimension_semantics = [#tpu.dimension_semantics<core_parallel>, #tpu.dimension_semantics<subcore_parallel>], iteration_bounds = array<i64: 2, 16>, scalar_prefetch = 0 : i64, scratch_operands = 8 : i64, tpu.core_type = #tpu.core_type<sc_vector_subcore>, window_params = [{transform_indices = #map}, {transform_indices = #map1}, {transform_indices = #map1}, {transform_indices = #map}, {transform_indices = #map2}]} {
    %mul3A = arith.constant 16 : i32
    %mul3A_0 = arith.muli %arg0, %mul3A : i32
    %add3A = arith.addi %mul3A_0, %arg1 : i32
    %mul3A_1 = arith.constant 632 : i32
    %mul3A_2 = arith.muli %arg1, %mul3A_1 : i32
    "tpu.region"() ({
      %run_scoped3A = tpu.sem_alloc : memref<!tpu.dma_semaphore, #tpu.memory_space<semaphore_mem>>
      %dma_start3A = arith.constant 0 : i32
      %dma_start3A_37 = tpu.memref_slice %arg14[%mul3A_2, %dma_start3A] : memref<10112x128xf32, #tpu.memory_space<vmem_shared>> -> memref<632x128xf32, #tpu.memory_space<vmem_shared>>
      %dma_start3A_38 = arith.constant 0 : i32
      %dma_start3A_39 = tpu.memref_slice %arg5[%mul3A_2, %dma_start3A_38] : memref<10112x128xf32, #tpu.memory_space<hbm>> -> memref<632x128xf32, #tpu.memory_space<hbm>>
      tpu.enqueue_dma source(%dma_start3A_39 : memref<632x128xf32, #tpu.memory_space<hbm>>) target(%dma_start3A_37 : memref<632x128xf32, #tpu.memory_space<vmem_shared>>) target_semaphore(%run_scoped3A : memref<!tpu.dma_semaphore, #tpu.memory_space<semaphore_mem>>)
      %dma_wait3A_40 = arith.constant 0 : i32
      %dma_wait3A_41 = tpu.memref_slice %arg14[%mul3A_2, %dma_wait3A_40] : memref<10112x128xf32, #tpu.memory_space<vmem_shared>> -> memref<632x128xf32, #tpu.memory_space<vmem_shared>>
      %dma_wait3A_42 = arith.constant 0 : i32
      %dma_wait3A_43 = tpu.memref_slice %arg5[%mul3A_2, %dma_wait3A_42] : memref<10112x128xf32, #tpu.memory_space<hbm>> -> memref<632x128xf32, #tpu.memory_space<hbm>>
      tpu.wait_dma2 semaphore(%run_scoped3A : memref<!tpu.dma_semaphore, #tpu.memory_space<semaphore_mem>>) src(%dma_wait3A_43 : memref<632x128xf32, #tpu.memory_space<hbm>>) dst(%dma_wait3A_41 : memref<632x128xf32, #tpu.memory_space<vmem_shared>>)
      tpu.yield
    }) : () -> ()
    %barrier3A = arith.constant 0 : index
    tpu.barrier barrier_id(%barrier3A)
    %scan3A = arith.constant 0 : i32
    %scan3A_3 = arith.constant 5 : i32
    %scan3A_4 = arith.addi %scan3A, %scan3A_3 : i32
    %scan3A_5 = arith.constant 1 : i32
    scf.for %scan3A_37 = %scan3A to %scan3A_4 step %scan3A_5  : i32 {
      %mul3A_38 = arith.constant 2 : i32
      %mul3A_39 = arith.muli %mul3A_38, %scan3A_37 : i32
      "tpu.region"() ({
        %run_scoped3A = tpu.sem_alloc : memref<!tpu.dma_semaphore, #tpu.memory_space<semaphore_mem>>
        %dma_start3A_980 = arith.constant 0 : i32
        %dma_start3A_981 = arith.constant 0 : i32
        %dma_start3A_982 = tpu.memref_slice %arg3[%add3A, %mul3A_39, %dma_start3A_980, %dma_start3A_981] : memref<32x10x8x128xi32, #tpu.memory_space<hbm>> -> memref<1x1x8x128xi32, #tpu.memory_space<hbm>>
        %dma_start3A_983 = tpu.memref_squeeze %dma_start3A_982 : memref<1x1x8x128xi32, #tpu.memory_space<hbm>> -> memref<8x128xi32, #tpu.memory_space<hbm>>
        %dma_start3A_984 = arith.constant 0 : i32
        %dma_start3A_985 = arith.constant 0 : i32
        %dma_start3A_986 = tpu.memref_slice %arg3[%add3A, %mul3A_39, %dma_start3A_984, %dma_start3A_985] : memref<32x10x8x128xi32, #tpu.memory_space<hbm>> -> memref<1x1x8x128xi32, #tpu.memory_space<hbm>>
        %dma_start3A_987 = tpu.memref_squeeze %dma_start3A_986 : memref<1x1x8x128xi32, #tpu.memory_space<hbm>> -> memref<8x128xi32, #tpu.memory_space<hbm>>
        tpu.enqueue_dma source(%dma_start3A_987 : memref<8x128xi32, #tpu.memory_space<hbm>>) target(%arg7 : memref<8x128xi32, #tpu.memory_space<vmem>>) target_semaphore(%run_scoped3A : memref<!tpu.dma_semaphore, #tpu.memory_space<semaphore_mem>>)
        %dma_wait3A_988 = arith.constant 0 : i32
        %dma_wait3A_989 = arith.constant 0 : i32
        %dma_wait3A_990 = tpu.memref_slice %arg3[%add3A, %mul3A_39, %dma_wait3A_988, %dma_wait3A_989] : memref<32x10x8x128xi32, #tpu.memory_space<hbm>> -> memref<1x1x8x128xi32, #tpu.memory_space<hbm>>
        %dma_wait3A_991 = tpu.memref_squeeze %dma_wait3A_990 : memref<1x1x8x128xi32, #tpu.memory_space<hbm>> -> memref<8x128xi32, #tpu.memory_space<hbm>>
        %dma_wait3A_992 = arith.constant 0 : i32
        %dma_wait3A_993 = arith.constant 0 : i32
        %dma_wait3A_994 = tpu.memref_slice %arg3[%add3A, %mul3A_39, %dma_wait3A_992, %dma_wait3A_993] : memref<32x10x8x128xi32, #tpu.memory_space<hbm>> -> memref<1x1x8x128xi32, #tpu.memory_space<hbm>>
        %dma_wait3A_995 = tpu.memref_squeeze %dma_wait3A_994 : memref<1x1x8x128xi32, #tpu.memory_space<hbm>> -> memref<8x128xi32, #tpu.memory_space<hbm>>
        tpu.wait_dma2 semaphore(%run_scoped3A : memref<!tpu.dma_semaphore, #tpu.memory_space<semaphore_mem>>) src(%dma_wait3A_995 : memref<8x128xi32, #tpu.memory_space<hbm>>) dst(%arg7 : memref<8x128xi32, #tpu.memory_space<vmem>>)
        tpu.yield
      }) : () -> ()
      "tpu.region"() ({
        %run_scoped3A = tpu.sem_alloc : memref<!tpu.dma_semaphore, #tpu.memory_space<semaphore_mem>>
        %dma_start3A_980 = arith.constant 0 : i32
        %dma_start3A_981 = arith.constant 0 : i32
        %dma_start3A_982 = tpu.memref_slice %arg4[%add3A, %mul3A_39, %dma_start3A_980, %dma_start3A_981] : memref<32x10x8x128xi32, #tpu.memory_space<hbm>> -> memref<1x1x8x128xi32, #tpu.memory_space<hbm>>
        %dma_start3A_983 = tpu.memref_squeeze %dma_start3A_982 : memref<1x1x8x128xi32, #tpu.memory_space<hbm>> -> memref<8x128xi32, #tpu.memory_space<hbm>>
        %dma_start3A_984 = arith.constant 0 : i32
        %dma_start3A_985 = arith.constant 0 : i32
        %dma_start3A_986 = tpu.memref_slice %arg4[%add3A, %mul3A_39, %dma_start3A_984, %dma_start3A_985] : memref<32x10x8x128xi32, #tpu.memory_space<hbm>> -> memref<1x1x8x128xi32, #tpu.memory_space<hbm>>
        %dma_start3A_987 = tpu.memref_squeeze %dma_start3A_986 : memref<1x1x8x128xi32, #tpu.memory_space<hbm>> -> memref<8x128xi32, #tpu.memory_space<hbm>>
        tpu.enqueue_dma source(%dma_start3A_987 : memref<8x128xi32, #tpu.memory_space<hbm>>) target(%arg8 : memref<8x128xi32, #tpu.memory_space<vmem>>) target_semaphore(%run_scoped3A : memref<!tpu.dma_semaphore, #tpu.memory_space<semaphore_mem>>)
        %dma_wait3A_988 = arith.constant 0 : i32
        %dma_wait3A_989 = arith.constant 0 : i32
        %dma_wait3A_990 = tpu.memref_slice %arg4[%add3A, %mul3A_39, %dma_wait3A_988, %dma_wait3A_989] : memref<32x10x8x128xi32, #tpu.memory_space<hbm>> -> memref<1x1x8x128xi32, #tpu.memory_space<hbm>>
        %dma_wait3A_991 = tpu.memref_squeeze %dma_wait3A_990 : memref<1x1x8x128xi32, #tpu.memory_space<hbm>> -> memref<8x128xi32, #tpu.memory_space<hbm>>
        %dma_wait3A_992 = arith.constant 0 : i32
        %dma_wait3A_993 = arith.constant 0 : i32
        %dma_wait3A_994 = tpu.memref_slice %arg4[%add3A, %mul3A_39, %dma_wait3A_992, %dma_wait3A_993] : memref<32x10x8x128xi32, #tpu.memory_space<hbm>> -> memref<1x1x8x128xi32, #tpu.memory_space<hbm>>
        %dma_wait3A_995 = tpu.memref_squeeze %dma_wait3A_994 : memref<1x1x8x128xi32, #tpu.memory_space<hbm>> -> memref<8x128xi32, #tpu.memory_space<hbm>>
        tpu.wait_dma2 semaphore(%run_scoped3A : memref<!tpu.dma_semaphore, #tpu.memory_space<semaphore_mem>>) src(%dma_wait3A_995 : memref<8x128xi32, #tpu.memory_space<hbm>>) dst(%arg8 : memref<8x128xi32, #tpu.memory_space<vmem>>)
        tpu.yield
      }) : () -> ()
      %gt3A = arith.constant 0 : i32
      %gt3A_40 = arith.cmpi sgt, %scan3A_37, %gt3A : i32
      %convert_element_type3A = arith.extui %gt3A_40 : i1 to i32
      %cond3A = arith.constant 0 : i32
      %cond3A_41 = arith.cmpi ne, %convert_element_type3A, %cond3A : i32
      scf.if %cond3A_41 {
        %dma_wait3A_980 = arith.constant 0 : i32
        %dma_wait3A_981 = arith.constant 0 : i32
        %dma_wait3A_982 = arith.constant 0 : i32
        %dma_wait3A_983 = arith.constant 0 : i32
        %dma_wait3A_984 = arith.constant 0 : i32
        %dma_wait3A_985 = tpu.memref_slice %arg11[%dma_wait3A_980, %dma_wait3A_983, %dma_wait3A_984] : memref<2x128x128xf32, #tpu.memory_space<vmem>> -> memref<1x128x128xf32, #tpu.memory_space<vmem>>
        %dma_wait3A_986 = tpu.memref_squeeze %dma_wait3A_985 : memref<1x128x128xf32, #tpu.memory_space<vmem>> -> memref<128x128xf32, #tpu.memory_space<vmem>>
        %dma_wait3A_987 = arith.constant 0 : i32
        %dma_wait3A_988 = tpu.memref_slice %arg8[%dma_wait3A_981, %dma_wait3A_987] : memref<8x128xi32, #tpu.memory_space<vmem>> -> memref<1x128xi32, #tpu.memory_space<vmem>>
        %dma_wait3A_989 = tpu.memref_squeeze %dma_wait3A_988 : memref<1x128xi32, #tpu.memory_space<vmem>> -> memref<128xi32, #tpu.memory_space<vmem>>
        %dma_wait3A_990 = arith.constant 0 : i32
        %dma_wait3A_991 = arith.constant 0 : i32
        %dma_wait3A_992 = tpu.memref_slice %arg14[%dma_wait3A_990, %dma_wait3A_991] : memref<10112x128xf32, #tpu.memory_space<vmem_shared>> -> memref<10112x128xf32, #tpu.memory_space<vmem_shared>>
        %dma_wait3A_993 = tpu.memref_slice %arg13[%dma_wait3A_982] : memref<2x!tpu.dma_semaphore, #tpu.memory_space<semaphore_mem>> -> memref<1x!tpu.dma_semaphore, #tpu.memory_space<semaphore_mem>>
        %dma_wait3A_994 = tpu.memref_squeeze %dma_wait3A_993 : memref<1x!tpu.dma_semaphore, #tpu.memory_space<semaphore_mem>> -> memref<!tpu.dma_semaphore, #tpu.memory_space<semaphore_mem>>
        tpu.wait_indirect_dma semaphore(%dma_wait3A_994 : memref<!tpu.dma_semaphore, #tpu.memory_space<semaphore_mem>>) src(%dma_wait3A_986 : memref<128x128xf32, #tpu.memory_space<vmem>>) dst(%dma_wait3A_992 : memref<10112x128xf32, #tpu.memory_space<vmem_shared>>)
      } else {
      }
      %dma_start3A = arith.constant 0 : i32
      %dma_start3A_42 = arith.constant 0 : i32
      %dma_start3A_43 = arith.constant 0 : i32
      %dma_start3A_44 = arith.constant 0 : i32
      %dma_start3A_45 = arith.constant 0 : i32
      %dma_start3A_46 = tpu.memref_slice %arg11[%dma_start3A_42, %dma_start3A_44, %dma_start3A_45] : memref<2x128x128xf32, #tpu.memory_space<vmem>> -> memref<1x128x128xf32, #tpu.memory_space<vmem>>
      %dma_start3A_47 = tpu.memref_squeeze %dma_start3A_46 : memref<1x128x128xf32, #tpu.memory_space<vmem>> -> memref<128x128xf32, #tpu.memory_space<vmem>>
      %dma_start3A_48 = arith.constant 0 : i32
      %dma_start3A_49 = tpu.memref_slice %arg7[%dma_start3A, %dma_start3A_48] : memref<8x128xi32, #tpu.memory_space<vmem>> -> memref<1x128xi32, #tpu.memory_space<vmem>>
      %dma_start3A_50 = tpu.memref_squeeze %dma_start3A_49 : memref<1x128xi32, #tpu.memory_space<vmem>> -> memref<128xi32, #tpu.memory_space<vmem>>
      %dma_start3A_51 = arith.constant 0 : i32
      %dma_start3A_52 = arith.constant 0 : i32
      %dma_start3A_53 = tpu.memref_slice %arg2[%dma_start3A_51, %dma_start3A_52] : memref<10000x128xf32, #tpu.memory_space<hbm>> -> memref<10000x128xf32, #tpu.memory_space<hbm>>
      %dma_start3A_54 = tpu.memref_slice %arg12[%dma_start3A_43] : memref<2x!tpu.dma_semaphore, #tpu.memory_space<semaphore_mem>> -> memref<1x!tpu.dma_semaphore, #tpu.memory_space<semaphore_mem>>
      %dma_start3A_55 = tpu.memref_squeeze %dma_start3A_54 : memref<1x!tpu.dma_semaphore, #tpu.memory_space<semaphore_mem>> -> memref<!tpu.dma_semaphore, #tpu.memory_space<semaphore_mem>>
      tpu.enqueue_indirect_dma source(%dma_start3A_53 : memref<10000x128xf32, #tpu.memory_space<hbm>>) target(%dma_start3A_47 : memref<128x128xf32, #tpu.memory_space<vmem>>) offsets(%dma_start3A_50 : memref<128xi32, #tpu.memory_space<vmem>>) semaphore(%dma_start3A_55 : memref<!tpu.dma_semaphore, #tpu.memory_space<semaphore_mem>>)
      %dma_wait3A_56 = arith.constant 0 : i32
      %dma_wait3A_57 = arith.constant 0 : i32
      %dma_wait3A_58 = arith.constant 0 : i32
      %dma_wait3A_59 = arith.constant 0 : i32
      %dma_wait3A_60 = arith.constant 0 : i32
      %dma_wait3A_61 = tpu.memref_slice %arg11[%dma_wait3A_57, %dma_wait3A_59, %dma_wait3A_60] : memref<2x128x128xf32, #tpu.memory_space<vmem>> -> memref<1x128x128xf32, #tpu.memory_space<vmem>>
      %dma_wait3A_62 = tpu.memref_squeeze %dma_wait3A_61 : memref<1x128x128xf32, #tpu.memory_space<vmem>> -> memref<128x128xf32, #tpu.memory_space<vmem>>
      %dma_wait3A_63 = arith.constant 0 : i32
      %dma_wait3A_64 = tpu.memref_slice %arg7[%dma_wait3A_56, %dma_wait3A_63] : memref<8x128xi32, #tpu.memory_space<vmem>> -> memref<1x128xi32, #tpu.memory_space<vmem>>
      %dma_wait3A_65 = tpu.memref_squeeze %dma_wait3A_64 : memref<1x128xi32, #tpu.memory_space<vmem>> -> memref<128xi32, #tpu.memory_space<vmem>>
      %dma_wait3A_66 = arith.constant 0 : i32
      %dma_wait3A_67 = arith.constant 0 : i32
      %dma_wait3A_68 = tpu.memref_slice %arg2[%dma_wait3A_66, %dma_wait3A_67] : memref<10000x128xf32, #tpu.memory_space<hbm>> -> memref<10000x128xf32, #tpu.memory_space<hbm>>
      %dma_wait3A_69 = tpu.memref_slice %arg12[%dma_wait3A_58] : memref<2x!tpu.dma_semaphore, #tpu.memory_space<semaphore_mem>> -> memref<1x!tpu.dma_semaphore, #tpu.memory_space<semaphore_mem>>
      %dma_wait3A_70 = tpu.memref_squeeze %dma_wait3A_69 : memref<1x!tpu.dma_semaphore, #tpu.memory_space<semaphore_mem>> -> memref<!tpu.dma_semaphore, #tpu.memory_space<semaphore_mem>>
      tpu.wait_indirect_dma semaphore(%dma_wait3A_70 : memref<!tpu.dma_semaphore, #tpu.memory_space<semaphore_mem>>) src(%dma_wait3A_68 : memref<10000x128xf32, #tpu.memory_space<hbm>>) dst(%dma_wait3A_62 : memref<128x128xf32, #tpu.memory_space<vmem>>)
      %dma_start3A_71 = arith.constant 0 : i32
      %dma_start3A_72 = arith.constant 0 : i32
      %dma_start3A_73 = arith.constant 0 : i32
      %dma_start3A_74 = arith.constant 0 : i32
      %dma_start3A_75 = arith.constant 0 : i32
      %dma_start3A_76 = tpu.memref_slice %arg11[%dma_start3A_71, %dma_start3A_74, %dma_start3A_75] : memref<2x128x128xf32, #tpu.memory_space<vmem>> -> memref<1x128x128xf32, #tpu.memory_space<vmem>>
      %dma_start3A_77 = tpu.memref_squeeze %dma_start3A_76 : memref<1x128x128xf32, #tpu.memory_space<vmem>> -> memref<128x128xf32, #tpu.memory_space<vmem>>
      %dma_start3A_78 = arith.constant 0 : i32
      %dma_start3A_79 = tpu.memref_slice %arg8[%dma_start3A_72, %dma_start3A_78] : memref<8x128xi32, #tpu.memory_space<vmem>> -> memref<1x128xi32, #tpu.memory_space<vmem>>
      %dma_start3A_80 = tpu.memref_squeeze %dma_start3A_79 : memref<1x128xi32, #tpu.memory_space<vmem>> -> memref<128xi32, #tpu.memory_space<vmem>>
      %dma_start3A_81 = arith.constant 0 : i32
      %dma_start3A_82 = arith.constant 0 : i32
      %dma_start3A_83 = tpu.memref_slice %arg14[%dma_start3A_81, %dma_start3A_82] : memref<10112x128xf32, #tpu.memory_space<vmem_shared>> -> memref<10112x128xf32, #tpu.memory_space<vmem_shared>>
      %dma_start3A_84 = tpu.memref_slice %arg13[%dma_start3A_73] : memref<2x!tpu.dma_semaphore, #tpu.memory_space<semaphore_mem>> -> memref<1x!tpu.dma_semaphore, #tpu.memory_space<semaphore_mem>>
      %dma_start3A_85 = tpu.memref_squeeze %dma_start3A_84 : memref<1x!tpu.dma_semaphore, #tpu.memory_space<semaphore_mem>> -> memref<!tpu.dma_semaphore, #tpu.memory_space<semaphore_mem>>
      tpu.enqueue_indirect_dma source(%dma_start3A_77 : memref<128x128xf32, #tpu.memory_space<vmem>>) target(%dma_start3A_83 : memref<10112x128xf32, #tpu.memory_space<vmem_shared>>) offsets(%dma_start3A_80 : memref<128xi32, #tpu.memory_space<vmem>>) semaphore(%dma_start3A_85 : memref<!tpu.dma_semaphore, #tpu.memory_space<semaphore_mem>>) {add = true}
      %gt3A_86 = arith.constant 0 : i32
      %gt3A_87 = arith.cmpi sgt, %scan3A_37, %gt3A_86 : i32
      %convert_element_type3A_88 = arith.extui %gt3A_87 : i1 to i32
      %cond3A_89 = arith.constant 0 : i32
      %cond3A_90 = arith.cmpi ne, %convert_element_type3A_88, %cond3A_89 : i32
      scf.if %cond3A_90 {
        %dma_wait3A_980 = arith.constant 1 : i32
        %dma_wait3A_981 = arith.constant 1 : i32
        %dma_wait3A_982 = arith.constant 1 : i32
        %dma_wait3A_983 = arith.constant 0 : i32
        %dma_wait3A_984 = arith.constant 0 : i32
        %dma_wait3A_985 = tpu.memref_slice %arg11[%dma_wait3A_980, %dma_wait3A_983, %dma_wait3A_984] : memref<2x128x128xf32, #tpu.memory_space<vmem>> -> memref<1x128x128xf32, #tpu.memory_space<vmem>>
        %dma_wait3A_986 = tpu.memref_squeeze %dma_wait3A_985 : memref<1x128x128xf32, #tpu.memory_space<vmem>> -> memref<128x128xf32, #tpu.memory_space<vmem>>
        %dma_wait3A_987 = arith.constant 0 : i32
        %dma_wait3A_988 = tpu.memref_slice %arg8[%dma_wait3A_981, %dma_wait3A_987] : memref<8x128xi32, #tpu.memory_space<vmem>> -> memref<1x128xi32, #tpu.memory_space<vmem>>
        %dma_wait3A_989 = tpu.memref_squeeze %dma_wait3A_988 : memref<1x128xi32, #tpu.memory_space<vmem>> -> memref<128xi32, #tpu.memory_space<vmem>>
        %dma_wait3A_990 = arith.constant 0 : i32
        %dma_wait3A_991 = arith.constant 0 : i32
        %dma_wait3A_992 = tpu.memref_slice %arg14[%dma_wait3A_990, %dma_wait3A_991] : memref<10112x128xf32, #tpu.memory_space<vmem_shared>> -> memref<10112x128xf32, #tpu.memory_space<vmem_shared>>
        %dma_wait3A_993 = tpu.memref_slice %arg13[%dma_wait3A_982] : memref<2x!tpu.dma_semaphore, #tpu.memory_space<semaphore_mem>> -> memref<1x!tpu.dma_semaphore, #tpu.memory_space<semaphore_mem>>
        %dma_wait3A_994 = tpu.memref_squeeze %dma_wait3A_993 : memref<1x!tpu.dma_semaphore, #tpu.memory_space<semaphore_mem>> -> memref<!tpu.dma_semaphore, #tpu.memory_space<semaphore_mem>>
        tpu.wait_indirect_dma semaphore(%dma_wait3A_994 : memref<!tpu.dma_semaphore, #tpu.memory_space<semaphore_mem>>) src(%dma_wait3A_986 : memref<128x128xf32, #tpu.memory_space<vmem>>) dst(%dma_wait3A_992 : memref<10112x128xf32, #tpu.memory_space<vmem_shared>>)
      } else {
      }
      %dma_start3A_91 = arith.constant 1 : i32
      %dma_start3A_92 = arith.constant 1 : i32
      %dma_start3A_93 = arith.constant 1 : i32
      %dma_start3A_94 = arith.constant 0 : i32
      %dma_start3A_95 = arith.constant 0 : i32
      %dma_start3A_96 = tpu.memref_slice %arg11[%dma_start3A_92, %dma_start3A_94, %dma_start3A_95] : memref<2x128x128xf32, #tpu.memory_space<vmem>> -> memref<1x128x128xf32, #tpu.memory_space<vmem>>
      %dma_start3A_97 = tpu.memref_squeeze %dma_start3A_96 : memref<1x128x128xf32, #tpu.memory_space<vmem>> -> memref<128x128xf32, #tpu.memory_space<vmem>>
      %dma_start3A_98 = arith.constant 0 : i32
      %dma_start3A_99 = tpu.memref_slice %arg7[%dma_start3A_91, %dma_start3A_98] : memref<8x128xi32, #tpu.memory_space<vmem>> -> memref<1x128xi32, #tpu.memory_space<vmem>>
      %dma_start3A_100 = tpu.memref_squeeze %dma_start3A_99 : memref<1x128xi32, #tpu.memory_space<vmem>> -> memref<128xi32, #tpu.memory_space<vmem>>
      %dma_start3A_101 = arith.constant 0 : i32
      %dma_start3A_102 = arith.constant 0 : i32
      %dma_start3A_103 = tpu.memref_slice %arg2[%dma_start3A_101, %dma_start3A_102] : memref<10000x128xf32, #tpu.memory_space<hbm>> -> memref<10000x128xf32, #tpu.memory_space<hbm>>
      %dma_start3A_104 = tpu.memref_slice %arg12[%dma_start3A_93] : memref<2x!tpu.dma_semaphore, #tpu.memory_space<semaphore_mem>> -> memref<1x!tpu.dma_semaphore, #tpu.memory_space<semaphore_mem>>
      %dma_start3A_105 = tpu.memref_squeeze %dma_start3A_104 : memref<1x!tpu.dma_semaphore, #tpu.memory_space<semaphore_mem>> -> memref<!tpu.dma_semaphore, #tpu.memory_space<semaphore_mem>>
      tpu.enqueue_indirect_dma source(%dma_start3A_103 : memref<10000x128xf32, #tpu.memory_space<hbm>>) target(%dma_start3A_97 : memref<128x128xf32, #tpu.memory_space<vmem>>) offsets(%dma_start3A_100 : memref<128xi32, #tpu.memory_space<vmem>>) semaphore(%dma_start3A_105 : memref<!tpu.dma_semaphore, #tpu.memory_space<semaphore_mem>>)
      %dma_wait3A_106 = arith.constant 1 : i32
      %dma_wait3A_107 = arith.constant 1 : i32
      %dma_wait3A_108 = arith.constant 1 : i32
      %dma_wait3A_109 = arith.constant 0 : i32
      %dma_wait3A_110 = arith.constant 0 : i32
      %dma_wait3A_111 = tpu.memref_slice %arg11[%dma_wait3A_107, %dma_wait3A_109, %dma_wait3A_110] : memref<2x128x128xf32, #tpu.memory_space<vmem>> -> memref<1x128x128xf32, #tpu.memory_space<vmem>>
      %dma_wait3A_112 = tpu.memref_squeeze %dma_wait3A_111 : memref<1x128x128xf32, #tpu.memory_space<vmem>> -> memref<128x128xf32, #tpu.memory_space<vmem>>
      %dma_wait3A_113 = arith.constant 0 : i32
      %dma_wait3A_114 = tpu.memref_slice %arg7[%dma_wait3A_106, %dma_wait3A_113] : memref<8x128xi32, #tpu.memory_space<vmem>> -> memref<1x128xi32, #tpu.memory_space<vmem>>
      %dma_wait3A_115 = tpu.memref_squeeze %dma_wait3A_114 : memref<1x128xi32, #tpu.memory_space<vmem>> -> memref<128xi32, #tpu.memory_space<vmem>>
      %dma_wait3A_116 = arith.constant 0 : i32
      %dma_wait3A_117 = arith.constant 0 : i32
      %dma_wait3A_118 = tpu.memref_slice %arg2[%dma_wait3A_116, %dma_wait3A_117] : memref<10000x128xf32, #tpu.memory_space<hbm>> -> memref<10000x128xf32, #tpu.memory_space<hbm>>
      %dma_wait3A_119 = tpu.memref_slice %arg12[%dma_wait3A_108] : memref<2x!tpu.dma_semaphore, #tpu.memory_space<semaphore_mem>> -> memref<1x!tpu.dma_semaphore, #tpu.memory_space<semaphore_mem>>
      %dma_wait3A_120 = tpu.memref_squeeze %dma_wait3A_119 : memref<1x!tpu.dma_semaphore, #tpu.memory_space<semaphore_mem>> -> memref<!tpu.dma_semaphore, #tpu.memory_space<semaphore_mem>>
      tpu.wait_indirect_dma semaphore(%dma_wait3A_120 : memref<!tpu.dma_semaphore, #tpu.memory_space<semaphore_mem>>) src(%dma_wait3A_118 : memref<10000x128xf32, #tpu.memory_space<hbm>>) dst(%dma_wait3A_112 : memref<128x128xf32, #tpu.memory_space<vmem>>)
      %dma_start3A_121 = arith.constant 1 : i32
      %dma_start3A_122 = arith.constant 1 : i32
      %dma_start3A_123 = arith.constant 1 : i32
      %dma_start3A_124 = arith.constant 0 : i32
      %dma_start3A_125 = arith.constant 0 : i32
      %dma_start3A_126 = tpu.memref_slice %arg11[%dma_start3A_121, %dma_start3A_124, %dma_start3A_125] : memref<2x128x128xf32, #tpu.memory_space<vmem>> -> memref<1x128x128xf32, #tpu.memory_space<vmem>>
      %dma_start3A_127 = tpu.memref_squeeze %dma_start3A_126 : memref<1x128x128xf32, #tpu.memory_space<vmem>> -> memref<128x128xf32, #tpu.memory_space<vmem>>
      %dma_start3A_128 = arith.constant 0 : i32
      %dma_start3A_129 = tpu.memref_slice %arg8[%dma_start3A_122, %dma_start3A_128] : memref<8x128xi32, #tpu.memory_space<vmem>> -> memref<1x128xi32, #tpu.memory_space<vmem>>
      %dma_start3A_130 = tpu.memref_squeeze %dma_start3A_129 : memref<1x128xi32, #tpu.memory_space<vmem>> -> memref<128xi32, #tpu.memory_space<vmem>>
      %dma_start3A_131 = arith.constant 0 : i32
      %dma_start3A_132 = arith.constant 0 : i32
      %dma_start3A_133 = tpu.memref_slice %arg14[%dma_start3A_131, %dma_start3A_132] : memref<10112x128xf32, #tpu.memory_space<vmem_shared>> -> memref<10112x128xf32, #tpu.memory_space<vmem_shared>>
      %dma_start3A_134 = tpu.memref_slice %arg13[%dma_start3A_123] : memref<2x!tpu.dma_semaphore, #tpu.memory_space<semaphore_mem>> -> memref<1x!tpu.dma_semaphore, #tpu.memory_space<semaphore_mem>>
      %dma_start3A_135 = tpu.memref_squeeze %dma_start3A_134 : memref<1x!tpu.dma_semaphore, #tpu.memory_space<semaphore_mem>> -> memref<!tpu.dma_semaphore, #tpu.memory_space<semaphore_mem>>
      tpu.enqueue_indirect_dma source(%dma_start3A_127 : memref<128x128xf32, #tpu.memory_space<vmem>>) target(%dma_start3A_133 : memref<10112x128xf32, #tpu.memory_space<vmem_shared>>) offsets(%dma_start3A_130 : memref<128xi32, #tpu.memory_space<vmem>>) semaphore(%dma_start3A_135 : memref<!tpu.dma_semaphore, #tpu.memory_space<semaphore_mem>>) {add = true}
      %dma_wait3A_136 = arith.constant 0 : i32
      %dma_wait3A_137 = arith.constant 2 : i32
      %dma_wait3A_138 = arith.constant 0 : i32
      %dma_wait3A_139 = arith.constant 0 : i32
      %dma_wait3A_140 = arith.constant 0 : i32
      %dma_wait3A_141 = tpu.memref_slice %arg11[%dma_wait3A_136, %dma_wait3A_139, %dma_wait3A_140] : memref<2x128x128xf32, #tpu.memory_space<vmem>> -> memref<1x128x128xf32, #tpu.memory_space<vmem>>
      %dma_wait3A_142 = tpu.memref_squeeze %dma_wait3A_141 : memref<1x128x128xf32, #tpu.memory_space<vmem>> -> memref<128x128xf32, #tpu.memory_space<vmem>>
      %dma_wait3A_143 = arith.constant 0 : i32
      %dma_wait3A_144 = tpu.memref_slice %arg8[%dma_wait3A_137, %dma_wait3A_143] : memref<8x128xi32, #tpu.memory_space<vmem>> -> memref<1x128xi32, #tpu.memory_space<vmem>>
      %dma_wait3A_145 = tpu.memref_squeeze %dma_wait3A_144 : memref<1x128xi32, #tpu.memory_space<vmem>> -> memref<128xi32, #tpu.memory_space<vmem>>
      %dma_wait3A_146 = arith.constant 0 : i32
      %dma_wait3A_147 = arith.constant 0 : i32
      %dma_wait3A_148 = tpu.memref_slice %arg14[%dma_wait3A_146, %dma_wait3A_147] : memref<10112x128xf32, #tpu.memory_space<vmem_shared>> -> memref<10112x128xf32, #tpu.memory_space<vmem_shared>>
      %dma_wait3A_149 = tpu.memref_slice %arg13[%dma_wait3A_138] : memref<2x!tpu.dma_semaphore, #tpu.memory_space<semaphore_mem>> -> memref<1x!tpu.dma_semaphore, #tpu.memory_space<semaphore_mem>>
      %dma_wait3A_150 = tpu.memref_squeeze %dma_wait3A_149 : memref<1x!tpu.dma_semaphore, #tpu.memory_space<semaphore_mem>> -> memref<!tpu.dma_semaphore, #tpu.memory_space<semaphore_mem>>
      tpu.wait_indirect_dma semaphore(%dma_wait3A_150 : memref<!tpu.dma_semaphore, #tpu.memory_space<semaphore_mem>>) src(%dma_wait3A_142 : memref<128x128xf32, #tpu.memory_space<vmem>>) dst(%dma_wait3A_148 : memref<10112x128xf32, #tpu.memory_space<vmem_shared>>)
      %dma_start3A_151 = arith.constant 2 : i32
      %dma_start3A_152 = arith.constant 0 : i32
      %dma_start3A_153 = arith.constant 0 : i32
      %dma_start3A_154 = arith.constant 0 : i32
      %dma_start3A_155 = arith.constant 0 : i32
      %dma_start3A_156 = tpu.memref_slice %arg11[%dma_start3A_152, %dma_start3A_154, %dma_start3A_155] : memref<2x128x128xf32, #tpu.memory_space<vmem>> -> memref<1x128x128xf32, #tpu.memory_space<vmem>>
      %dma_start3A_157 = tpu.memref_squeeze %dma_start3A_156 : memref<1x128x128xf32, #tpu.memory_space<vmem>> -> memref<128x128xf32, #tpu.memory_space<vmem>>
      %dma_start3A_158 = arith.constant 0 : i32
      %dma_start3A_159 = tpu.memref_slice %arg7[%dma_start3A_151, %dma_start3A_158] : memref<8x128xi32, #tpu.memory_space<vmem>> -> memref<1x128xi32, #tpu.memory_space<vmem>>
      %dma_start3A_160 = tpu.memref_squeeze %dma_start3A_159 : memref<1x128xi32, #tpu.memory_space<vmem>> -> memref<128xi32, #tpu.memory_space<vmem>>
      %dma_start3A_161 = arith.constant 0 : i32
      %dma_start3A_162 = arith.constant 0 : i32
      %dma_start3A_163 = tpu.memref_slice %arg2[%dma_start3A_161, %dma_start3A_162] : memref<10000x128xf32, #tpu.memory_space<hbm>> -> memref<10000x128xf32, #tpu.memory_space<hbm>>
      %dma_start3A_164 = tpu.memref_slice %arg12[%dma_start3A_153] : memref<2x!tpu.dma_semaphore, #tpu.memory_space<semaphore_mem>> -> memref<1x!tpu.dma_semaphore, #tpu.memory_space<semaphore_mem>>
      %dma_start3A_165 = tpu.memref_squeeze %dma_start3A_164 : memref<1x!tpu.dma_semaphore, #tpu.memory_space<semaphore_mem>> -> memref<!tpu.dma_semaphore, #tpu.memory_space<semaphore_mem>>
      tpu.enqueue_indirect_dma source(%dma_start3A_163 : memref<10000x128xf32, #tpu.memory_space<hbm>>) target(%dma_start3A_157 : memref<128x128xf32, #tpu.memory_space<vmem>>) offsets(%dma_start3A_160 : memref<128xi32, #tpu.memory_space<vmem>>) semaphore(%dma_start3A_165 : memref<!tpu.dma_semaphore, #tpu.memory_space<semaphore_mem>>)
      %dma_wait3A_166 = arith.constant 2 : i32
      %dma_wait3A_167 = arith.constant 0 : i32
      %dma_wait3A_168 = arith.constant 0 : i32
      %dma_wait3A_169 = arith.constant 0 : i32
      %dma_wait3A_170 = arith.constant 0 : i32
      %dma_wait3A_171 = tpu.memref_slice %arg11[%dma_wait3A_167, %dma_wait3A_169, %dma_wait3A_170] : memref<2x128x128xf32, #tpu.memory_space<vmem>> -> memref<1x128x128xf32, #tpu.memory_space<vmem>>
      %dma_wait3A_172 = tpu.memref_squeeze %dma_wait3A_171 : memref<1x128x128xf32, #tpu.memory_space<vmem>> -> memref<128x128xf32, #tpu.memory_space<vmem>>
      %dma_wait3A_173 = arith.constant 0 : i32
      %dma_wait3A_174 = tpu.memref_slice %arg7[%dma_wait3A_166, %dma_wait3A_173] : memref<8x128xi32, #tpu.memory_space<vmem>> -> memref<1x128xi32, #tpu.memory_space<vmem>>
      %dma_wait3A_175 = tpu.memref_squeeze %dma_wait3A_174 : memref<1x128xi32, #tpu.memory_space<vmem>> -> memref<128xi32, #tpu.memory_space<vmem>>
      %dma_wait3A_176 = arith.constant 0 : i32
      %dma_wait3A_177 = arith.constant 0 : i32
      %dma_wait3A_178 = tpu.memref_slice %arg2[%dma_wait3A_176, %dma_wait3A_177] : memref<10000x128xf32, #tpu.memory_space<hbm>> -> memref<10000x128xf32, #tpu.memory_space<hbm>>
      %dma_wait3A_179 = tpu.memref_slice %arg12[%dma_wait3A_168] : memref<2x!tpu.dma_semaphore, #tpu.memory_space<semaphore_mem>> -> memref<1x!tpu.dma_semaphore, #tpu.memory_space<semaphore_mem>>
      %dma_wait3A_180 = tpu.memref_squeeze %dma_wait3A_179 : memref<1x!tpu.dma_semaphore, #tpu.memory_space<semaphore_mem>> -> memref<!tpu.dma_semaphore, #tpu.memory_space<semaphore_mem>>
      tpu.wait_indirect_dma semaphore(%dma_wait3A_180 : memref<!tpu.dma_semaphore, #tpu.memory_space<semaphore_mem>>) src(%dma_wait3A_178 : memref<10000x128xf32, #tpu.memory_space<hbm>>) dst(%dma_wait3A_172 : memref<128x128xf32, #tpu.memory_space<vmem>>)
      %dma_start3A_181 = arith.constant 0 : i32
      %dma_start3A_182 = arith.constant 2 : i32
      %dma_start3A_183 = arith.constant 0 : i32
      %dma_start3A_184 = arith.constant 0 : i32
      %dma_start3A_185 = arith.constant 0 : i32
      %dma_start3A_186 = tpu.memref_slice %arg11[%dma_start3A_181, %dma_start3A_184, %dma_start3A_185] : memref<2x128x128xf32, #tpu.memory_space<vmem>> -> memref<1x128x128xf32, #tpu.memory_space<vmem>>
      %dma_start3A_187 = tpu.memref_squeeze %dma_start3A_186 : memref<1x128x128xf32, #tpu.memory_space<vmem>> -> memref<128x128xf32, #tpu.memory_space<vmem>>
      %dma_start3A_188 = arith.constant 0 : i32
      %dma_start3A_189 = tpu.memref_slice %arg8[%dma_start3A_182, %dma_start3A_188] : memref<8x128xi32, #tpu.memory_space<vmem>> -> memref<1x128xi32, #tpu.memory_space<vmem>>
      %dma_start3A_190 = tpu.memref_squeeze %dma_start3A_189 : memref<1x128xi32, #tpu.memory_space<vmem>> -> memref<128xi32, #tpu.memory_space<vmem>>
      %dma_start3A_191 = arith.constant 0 : i32
      %dma_start3A_192 = arith.constant 0 : i32
      %dma_start3A_193 = tpu.memref_slice %arg14[%dma_start3A_191, %dma_start3A_192] : memref<10112x128xf32, #tpu.memory_space<vmem_shared>> -> memref<10112x128xf32, #tpu.memory_space<vmem_shared>>
      %dma_start3A_194 = tpu.memref_slice %arg13[%dma_start3A_183] : memref<2x!tpu.dma_semaphore, #tpu.memory_space<semaphore_mem>> -> memref<1x!tpu.dma_semaphore, #tpu.memory_space<semaphore_mem>>
      %dma_start3A_195 = tpu.memref_squeeze %dma_start3A_194 : memref<1x!tpu.dma_semaphore, #tpu.memory_space<semaphore_mem>> -> memref<!tpu.dma_semaphore, #tpu.memory_space<semaphore_mem>>
      tpu.enqueue_indirect_dma source(%dma_start3A_187 : memref<128x128xf32, #tpu.memory_space<vmem>>) target(%dma_start3A_193 : memref<10112x128xf32, #tpu.memory_space<vmem_shared>>) offsets(%dma_start3A_190 : memref<128xi32, #tpu.memory_space<vmem>>) semaphore(%dma_start3A_195 : memref<!tpu.dma_semaphore, #tpu.memory_space<semaphore_mem>>) {add = true}
      %dma_wait3A_196 = arith.constant 1 : i32
      %dma_wait3A_197 = arith.constant 3 : i32
      %dma_wait3A_198 = arith.constant 1 : i32
      %dma_wait3A_199 = arith.constant 0 : i32
      %dma_wait3A_200 = arith.constant 0 : i32
      %dma_wait3A_201 = tpu.memref_slice %arg11[%dma_wait3A_196, %dma_wait3A_199, %dma_wait3A_200] : memref<2x128x128xf32, #tpu.memory_space<vmem>> -> memref<1x128x128xf32, #tpu.memory_space<vmem>>
      %dma_wait3A_202 = tpu.memref_squeeze %dma_wait3A_201 : memref<1x128x128xf32, #tpu.memory_space<vmem>> -> memref<128x128xf32, #tpu.memory_space<vmem>>
      %dma_wait3A_203 = arith.constant 0 : i32
      %dma_wait3A_204 = tpu.memref_slice %arg8[%dma_wait3A_197, %dma_wait3A_203] : memref<8x128xi32, #tpu.memory_space<vmem>> -> memref<1x128xi32, #tpu.memory_space<vmem>>
      %dma_wait3A_205 = tpu.memref_squeeze %dma_wait3A_204 : memref<1x128xi32, #tpu.memory_space<vmem>> -> memref<128xi32, #tpu.memory_space<vmem>>
      %dma_wait3A_206 = arith.constant 0 : i32
      %dma_wait3A_207 = arith.constant 0 : i32
      %dma_wait3A_208 = tpu.memref_slice %arg14[%dma_wait3A_206, %dma_wait3A_207] : memref<10112x128xf32, #tpu.memory_space<vmem_shared>> -> memref<10112x128xf32, #tpu.memory_space<vmem_shared>>
      %dma_wait3A_209 = tpu.memref_slice %arg13[%dma_wait3A_198] : memref<2x!tpu.dma_semaphore, #tpu.memory_space<semaphore_mem>> -> memref<1x!tpu.dma_semaphore, #tpu.memory_space<semaphore_mem>>
      %dma_wait3A_210 = tpu.memref_squeeze %dma_wait3A_209 : memref<1x!tpu.dma_semaphore, #tpu.memory_space<semaphore_mem>> -> memref<!tpu.dma_semaphore, #tpu.memory_space<semaphore_mem>>
      tpu.wait_indirect_dma semaphore(%dma_wait3A_210 : memref<!tpu.dma_semaphore, #tpu.memory_space<semaphore_mem>>) src(%dma_wait3A_202 : memref<128x128xf32, #tpu.memory_space<vmem>>) dst(%dma_wait3A_208 : memref<10112x128xf32, #tpu.memory_space<vmem_shared>>)
      %dma_start3A_211 = arith.constant 3 : i32
      %dma_start3A_212 = arith.constant 1 : i32
      %dma_start3A_213 = arith.constant 1 : i32
      %dma_start3A_214 = arith.constant 0 : i32
      %dma_start3A_215 = arith.constant 0 : i32
      %dma_start3A_216 = tpu.memref_slice %arg11[%dma_start3A_212, %dma_start3A_214, %dma_start3A_215] : memref<2x128x128xf32, #tpu.memory_space<vmem>> -> memref<1x128x128xf32, #tpu.memory_space<vmem>>
      %dma_start3A_217 = tpu.memref_squeeze %dma_start3A_216 : memref<1x128x128xf32, #tpu.memory_space<vmem>> -> memref<128x128xf32, #tpu.memory_space<vmem>>
      %dma_start3A_218 = arith.constant 0 : i32
      %dma_start3A_219 = tpu.memref_slice %arg7[%dma_start3A_211, %dma_start3A_218] : memref<8x128xi32, #tpu.memory_space<vmem>> -> memref<1x128xi32, #tpu.memory_space<vmem>>
      %dma_start3A_220 = tpu.memref_squeeze %dma_start3A_219 : memref<1x128xi32, #tpu.memory_space<vmem>> -> memref<128xi32, #tpu.memory_space<vmem>>
      %dma_start3A_221 = arith.constant 0 : i32
      %dma_start3A_222 = arith.constant 0 : i32
      %dma_start3A_223 = tpu.memref_slice %arg2[%dma_start3A_221, %dma_start3A_222] : memref<10000x128xf32, #tpu.memory_space<hbm>> -> memref<10000x128xf32, #tpu.memory_space<hbm>>
      %dma_start3A_224 = tpu.memref_slice %arg12[%dma_start3A_213] : memref<2x!tpu.dma_semaphore, #tpu.memory_space<semaphore_mem>> -> memref<1x!tpu.dma_semaphore, #tpu.memory_space<semaphore_mem>>
      %dma_start3A_225 = tpu.memref_squeeze %dma_start3A_224 : memref<1x!tpu.dma_semaphore, #tpu.memory_space<semaphore_mem>> -> memref<!tpu.dma_semaphore, #tpu.memory_space<semaphore_mem>>
      tpu.enqueue_indirect_dma source(%dma_start3A_223 : memref<10000x128xf32, #tpu.memory_space<hbm>>) target(%dma_start3A_217 : memref<128x128xf32, #tpu.memory_space<vmem>>) offsets(%dma_start3A_220 : memref<128xi32, #tpu.memory_space<vmem>>) semaphore(%dma_start3A_225 : memref<!tpu.dma_semaphore, #tpu.memory_space<semaphore_mem>>)
      %dma_wait3A_226 = arith.constant 3 : i32
      %dma_wait3A_227 = arith.constant 1 : i32
      %dma_wait3A_228 = arith.constant 1 : i32
      %dma_wait3A_229 = arith.constant 0 : i32
      %dma_wait3A_230 = arith.constant 0 : i32
      %dma_wait3A_231 = tpu.memref_slice %arg11[%dma_wait3A_227, %dma_wait3A_229, %dma_wait3A_230] : memref<2x128x128xf32, #tpu.memory_space<vmem>> -> memref<1x128x128xf32, #tpu.memory_space<vmem>>
      %dma_wait3A_232 = tpu.memref_squeeze %dma_wait3A_231 : memref<1x128x128xf32, #tpu.memory_space<vmem>> -> memref<128x128xf32, #tpu.memory_space<vmem>>
      %dma_wait3A_233 = arith.constant 0 : i32
      %dma_wait3A_234 = tpu.memref_slice %arg7[%dma_wait3A_226, %dma_wait3A_233] : memref<8x128xi32, #tpu.memory_space<vmem>> -> memref<1x128xi32, #tpu.memory_space<vmem>>
      %dma_wait3A_235 = tpu.memref_squeeze %dma_wait3A_234 : memref<1x128xi32, #tpu.memory_space<vmem>> -> memref<128xi32, #tpu.memory_space<vmem>>
      %dma_wait3A_236 = arith.constant 0 : i32
      %dma_wait3A_237 = arith.constant 0 : i32
      %dma_wait3A_238 = tpu.memref_slice %arg2[%dma_wait3A_236, %dma_wait3A_237] : memref<10000x128xf32, #tpu.memory_space<hbm>> -> memref<10000x128xf32, #tpu.memory_space<hbm>>
      %dma_wait3A_239 = tpu.memref_slice %arg12[%dma_wait3A_228] : memref<2x!tpu.dma_semaphore, #tpu.memory_space<semaphore_mem>> -> memref<1x!tpu.dma_semaphore, #tpu.memory_space<semaphore_mem>>
      %dma_wait3A_240 = tpu.memref_squeeze %dma_wait3A_239 : memref<1x!tpu.dma_semaphore, #tpu.memory_space<semaphore_mem>> -> memref<!tpu.dma_semaphore, #tpu.memory_space<semaphore_mem>>
      tpu.wait_indirect_dma semaphore(%dma_wait3A_240 : memref<!tpu.dma_semaphore, #tpu.memory_space<semaphore_mem>>) src(%dma_wait3A_238 : memref<10000x128xf32, #tpu.memory_space<hbm>>) dst(%dma_wait3A_232 : memref<128x128xf32, #tpu.memory_space<vmem>>)
      %dma_start3A_241 = arith.constant 1 : i32
      %dma_start3A_242 = arith.constant 3 : i32
      %dma_start3A_243 = arith.constant 1 : i32
      %dma_start3A_244 = arith.constant 0 : i32
      %dma_start3A_245 = arith.constant 0 : i32
      %dma_start3A_246 = tpu.memref_slice %arg11[%dma_start3A_241, %dma_start3A_244, %dma_start3A_245] : memref<2x128x128xf32, #tpu.memory_space<vmem>> -> memref<1x128x128xf32, #tpu.memory_space<vmem>>
      %dma_start3A_247 = tpu.memref_squeeze %dma_start3A_246 : memref<1x128x128xf32, #tpu.memory_space<vmem>> -> memref<128x128xf32, #tpu.memory_space<vmem>>
      %dma_start3A_248 = arith.constant 0 : i32
      %dma_start3A_249 = tpu.memref_slice %arg8[%dma_start3A_242, %dma_start3A_248] : memref<8x128xi32, #tpu.memory_space<vmem>> -> memref<1x128xi32, #tpu.memory_space<vmem>>
      %dma_start3A_250 = tpu.memref_squeeze %dma_start3A_249 : memref<1x128xi32, #tpu.memory_space<vmem>> -> memref<128xi32, #tpu.memory_space<vmem>>
      %dma_start3A_251 = arith.constant 0 : i32
      %dma_start3A_252 = arith.constant 0 : i32
      %dma_start3A_253 = tpu.memref_slice %arg14[%dma_start3A_251, %dma_start3A_252] : memref<10112x128xf32, #tpu.memory_space<vmem_shared>> -> memref<10112x128xf32, #tpu.memory_space<vmem_shared>>
      %dma_start3A_254 = tpu.memref_slice %arg13[%dma_start3A_243] : memref<2x!tpu.dma_semaphore, #tpu.memory_space<semaphore_mem>> -> memref<1x!tpu.dma_semaphore, #tpu.memory_space<semaphore_mem>>
      %dma_start3A_255 = tpu.memref_squeeze %dma_start3A_254 : memref<1x!tpu.dma_semaphore, #tpu.memory_space<semaphore_mem>> -> memref<!tpu.dma_semaphore, #tpu.memory_space<semaphore_mem>>
      tpu.enqueue_indirect_dma source(%dma_start3A_247 : memref<128x128xf32, #tpu.memory_space<vmem>>) target(%dma_start3A_253 : memref<10112x128xf32, #tpu.memory_space<vmem_shared>>) offsets(%dma_start3A_250 : memref<128xi32, #tpu.memory_space<vmem>>) semaphore(%dma_start3A_255 : memref<!tpu.dma_semaphore, #tpu.memory_space<semaphore_mem>>) {add = true}
      %dma_wait3A_256 = arith.constant 0 : i32
      %dma_wait3A_257 = arith.constant 4 : i32
      %dma_wait3A_258 = arith.constant 0 : i32
      %dma_wait3A_259 = arith.constant 0 : i32
      %dma_wait3A_260 = arith.constant 0 : i32
      %dma_wait3A_261 = tpu.memref_slice %arg11[%dma_wait3A_256, %dma_wait3A_259, %dma_wait3A_260] : memref<2x128x128xf32, #tpu.memory_space<vmem>> -> memref<1x128x128xf32, #tpu.memory_space<vmem>>
      %dma_wait3A_262 = tpu.memref_squeeze %dma_wait3A_261 : memref<1x128x128xf32, #tpu.memory_space<vmem>> -> memref<128x128xf32, #tpu.memory_space<vmem>>
      %dma_wait3A_263 = arith.constant 0 : i32
      %dma_wait3A_264 = tpu.memref_slice %arg8[%dma_wait3A_257, %dma_wait3A_263] : memref<8x128xi32, #tpu.memory_space<vmem>> -> memref<1x128xi32, #tpu.memory_space<vmem>>
      %dma_wait3A_265 = tpu.memref_squeeze %dma_wait3A_264 : memref<1x128xi32, #tpu.memory_space<vmem>> -> memref<128xi32, #tpu.memory_space<vmem>>
      %dma_wait3A_266 = arith.constant 0 : i32
      %dma_wait3A_267 = arith.constant 0 : i32
      %dma_wait3A_268 = tpu.memref_slice %arg14[%dma_wait3A_266, %dma_wait3A_267] : memref<10112x128xf32, #tpu.memory_space<vmem_shared>> -> memref<10112x128xf32, #tpu.memory_space<vmem_shared>>
      %dma_wait3A_269 = tpu.memref_slice %arg13[%dma_wait3A_258] : memref<2x!tpu.dma_semaphore, #tpu.memory_space<semaphore_mem>> -> memref<1x!tpu.dma_semaphore, #tpu.memory_space<semaphore_mem>>
      %dma_wait3A_270 = tpu.memref_squeeze %dma_wait3A_269 : memref<1x!tpu.dma_semaphore, #tpu.memory_space<semaphore_mem>> -> memref<!tpu.dma_semaphore, #tpu.memory_space<semaphore_mem>>
      tpu.wait_indirect_dma semaphore(%dma_wait3A_270 : memref<!tpu.dma_semaphore, #tpu.memory_space<semaphore_mem>>) src(%dma_wait3A_262 : memref<128x128xf32, #tpu.memory_space<vmem>>) dst(%dma_wait3A_268 : memref<10112x128xf32, #tpu.memory_space<vmem_shared>>)
      %dma_start3A_271 = arith.constant 4 : i32
      %dma_start3A_272 = arith.constant 0 : i32
      %dma_start3A_273 = arith.constant 0 : i32
      %dma_start3A_274 = arith.constant 0 : i32
      %dma_start3A_275 = arith.constant 0 : i32
      %dma_start3A_276 = tpu.memref_slice %arg11[%dma_start3A_272, %dma_start3A_274, %dma_start3A_275] : memref<2x128x128xf32, #tpu.memory_space<vmem>> -> memref<1x128x128xf32, #tpu.memory_space<vmem>>
      %dma_start3A_277 = tpu.memref_squeeze %dma_start3A_276 : memref<1x128x128xf32, #tpu.memory_space<vmem>> -> memref<128x128xf32, #tpu.memory_space<vmem>>
      %dma_start3A_278 = arith.constant 0 : i32
      %dma_start3A_279 = tpu.memref_slice %arg7[%dma_start3A_271, %dma_start3A_278] : memref<8x128xi32, #tpu.memory_space<vmem>> -> memref<1x128xi32, #tpu.memory_space<vmem>>
      %dma_start3A_280 = tpu.memref_squeeze %dma_start3A_279 : memref<1x128xi32, #tpu.memory_space<vmem>> -> memref<128xi32, #tpu.memory_space<vmem>>
      %dma_start3A_281 = arith.constant 0 : i32
      %dma_start3A_282 = arith.constant 0 : i32
      %dma_start3A_283 = tpu.memref_slice %arg2[%dma_start3A_281, %dma_start3A_282] : memref<10000x128xf32, #tpu.memory_space<hbm>> -> memref<10000x128xf32, #tpu.memory_space<hbm>>
      %dma_start3A_284 = tpu.memref_slice %arg12[%dma_start3A_273] : memref<2x!tpu.dma_semaphore, #tpu.memory_space<semaphore_mem>> -> memref<1x!tpu.dma_semaphore, #tpu.memory_space<semaphore_mem>>
      %dma_start3A_285 = tpu.memref_squeeze %dma_start3A_284 : memref<1x!tpu.dma_semaphore, #tpu.memory_space<semaphore_mem>> -> memref<!tpu.dma_semaphore, #tpu.memory_space<semaphore_mem>>
      tpu.enqueue_indirect_dma source(%dma_start3A_283 : memref<10000x128xf32, #tpu.memory_space<hbm>>) target(%dma_start3A_277 : memref<128x128xf32, #tpu.memory_space<vmem>>) offsets(%dma_start3A_280 : memref<128xi32, #tpu.memory_space<vmem>>) semaphore(%dma_start3A_285 : memref<!tpu.dma_semaphore, #tpu.memory_space<semaphore_mem>>)
      %dma_wait3A_286 = arith.constant 4 : i32
      %dma_wait3A_287 = arith.constant 0 : i32
      %dma_wait3A_288 = arith.constant 0 : i32
      %dma_wait3A_289 = arith.constant 0 : i32
      %dma_wait3A_290 = arith.constant 0 : i32
      %dma_wait3A_291 = tpu.memref_slice %arg11[%dma_wait3A_287, %dma_wait3A_289, %dma_wait3A_290] : memref<2x128x128xf32, #tpu.memory_space<vmem>> -> memref<1x128x128xf32, #tpu.memory_space<vmem>>
      %dma_wait3A_292 = tpu.memref_squeeze %dma_wait3A_291 : memref<1x128x128xf32, #tpu.memory_space<vmem>> -> memref<128x128xf32, #tpu.memory_space<vmem>>
      %dma_wait3A_293 = arith.constant 0 : i32
      %dma_wait3A_294 = tpu.memref_slice %arg7[%dma_wait3A_286, %dma_wait3A_293] : memref<8x128xi32, #tpu.memory_space<vmem>> -> memref<1x128xi32, #tpu.memory_space<vmem>>
      %dma_wait3A_295 = tpu.memref_squeeze %dma_wait3A_294 : memref<1x128xi32, #tpu.memory_space<vmem>> -> memref<128xi32, #tpu.memory_space<vmem>>
      %dma_wait3A_296 = arith.constant 0 : i32
      %dma_wait3A_297 = arith.constant 0 : i32
      %dma_wait3A_298 = tpu.memref_slice %arg2[%dma_wait3A_296, %dma_wait3A_297] : memref<10000x128xf32, #tpu.memory_space<hbm>> -> memref<10000x128xf32, #tpu.memory_space<hbm>>
      %dma_wait3A_299 = tpu.memref_slice %arg12[%dma_wait3A_288] : memref<2x!tpu.dma_semaphore, #tpu.memory_space<semaphore_mem>> -> memref<1x!tpu.dma_semaphore, #tpu.memory_space<semaphore_mem>>
      %dma_wait3A_300 = tpu.memref_squeeze %dma_wait3A_299 : memref<1x!tpu.dma_semaphore, #tpu.memory_space<semaphore_mem>> -> memref<!tpu.dma_semaphore, #tpu.memory_space<semaphore_mem>>
      tpu.wait_indirect_dma semaphore(%dma_wait3A_300 : memref<!tpu.dma_semaphore, #tpu.memory_space<semaphore_mem>>) src(%dma_wait3A_298 : memref<10000x128xf32, #tpu.memory_space<hbm>>) dst(%dma_wait3A_292 : memref<128x128xf32, #tpu.memory_space<vmem>>)
      %dma_start3A_301 = arith.constant 0 : i32
      %dma_start3A_302 = arith.constant 4 : i32
      %dma_start3A_303 = arith.constant 0 : i32
      %dma_start3A_304 = arith.constant 0 : i32
      %dma_start3A_305 = arith.constant 0 : i32
      %dma_start3A_306 = tpu.memref_slice %arg11[%dma_start3A_301, %dma_start3A_304, %dma_start3A_305] : memref<2x128x128xf32, #tpu.memory_space<vmem>> -> memref<1x128x128xf32, #tpu.memory_space<vmem>>
      %dma_start3A_307 = tpu.memref_squeeze %dma_start3A_306 : memref<1x128x128xf32, #tpu.memory_space<vmem>> -> memref<128x128xf32, #tpu.memory_space<vmem>>
      %dma_start3A_308 = arith.constant 0 : i32
      %dma_start3A_309 = tpu.memref_slice %arg8[%dma_start3A_302, %dma_start3A_308] : memref<8x128xi32, #tpu.memory_space<vmem>> -> memref<1x128xi32, #tpu.memory_space<vmem>>
      %dma_start3A_310 = tpu.memref_squeeze %dma_start3A_309 : memref<1x128xi32, #tpu.memory_space<vmem>> -> memref<128xi32, #tpu.memory_space<vmem>>
      %dma_start3A_311 = arith.constant 0 : i32
      %dma_start3A_312 = arith.constant 0 : i32
      %dma_start3A_313 = tpu.memref_slice %arg14[%dma_start3A_311, %dma_start3A_312] : memref<10112x128xf32, #tpu.memory_space<vmem_shared>> -> memref<10112x128xf32, #tpu.memory_space<vmem_shared>>
      %dma_start3A_314 = tpu.memref_slice %arg13[%dma_start3A_303] : memref<2x!tpu.dma_semaphore, #tpu.memory_space<semaphore_mem>> -> memref<1x!tpu.dma_semaphore, #tpu.memory_space<semaphore_mem>>
      %dma_start3A_315 = tpu.memref_squeeze %dma_start3A_314 : memref<1x!tpu.dma_semaphore, #tpu.memory_space<semaphore_mem>> -> memref<!tpu.dma_semaphore, #tpu.memory_space<semaphore_mem>>
      tpu.enqueue_indirect_dma source(%dma_start3A_307 : memref<128x128xf32, #tpu.memory_space<vmem>>) target(%dma_start3A_313 : memref<10112x128xf32, #tpu.memory_space<vmem_shared>>) offsets(%dma_start3A_310 : memref<128xi32, #tpu.memory_space<vmem>>) semaphore(%dma_start3A_315 : memref<!tpu.dma_semaphore, #tpu.memory_space<semaphore_mem>>) {add = true}
      %dma_wait3A_316 = arith.constant 1 : i32
      %dma_wait3A_317 = arith.constant 5 : i32
      %dma_wait3A_318 = arith.constant 1 : i32
      %dma_wait3A_319 = arith.constant 0 : i32
      %dma_wait3A_320 = arith.constant 0 : i32
      %dma_wait3A_321 = tpu.memref_slice %arg11[%dma_wait3A_316, %dma_wait3A_319, %dma_wait3A_320] : memref<2x128x128xf32, #tpu.memory_space<vmem>> -> memref<1x128x128xf32, #tpu.memory_space<vmem>>
      %dma_wait3A_322 = tpu.memref_squeeze %dma_wait3A_321 : memref<1x128x128xf32, #tpu.memory_space<vmem>> -> memref<128x128xf32, #tpu.memory_space<vmem>>
      %dma_wait3A_323 = arith.constant 0 : i32
      %dma_wait3A_324 = tpu.memref_slice %arg8[%dma_wait3A_317, %dma_wait3A_323] : memref<8x128xi32, #tpu.memory_space<vmem>> -> memref<1x128xi32, #tpu.memory_space<vmem>>
      %dma_wait3A_325 = tpu.memref_squeeze %dma_wait3A_324 : memref<1x128xi32, #tpu.memory_space<vmem>> -> memref<128xi32, #tpu.memory_space<vmem>>
      %dma_wait3A_326 = arith.constant 0 : i32
      %dma_wait3A_327 = arith.constant 0 : i32
      %dma_wait3A_328 = tpu.memref_slice %arg14[%dma_wait3A_326, %dma_wait3A_327] : memref<10112x128xf32, #tpu.memory_space<vmem_shared>> -> memref<10112x128xf32, #tpu.memory_space<vmem_shared>>
      %dma_wait3A_329 = tpu.memref_slice %arg13[%dma_wait3A_318] : memref<2x!tpu.dma_semaphore, #tpu.memory_space<semaphore_mem>> -> memref<1x!tpu.dma_semaphore, #tpu.memory_space<semaphore_mem>>
      %dma_wait3A_330 = tpu.memref_squeeze %dma_wait3A_329 : memref<1x!tpu.dma_semaphore, #tpu.memory_space<semaphore_mem>> -> memref<!tpu.dma_semaphore, #tpu.memory_space<semaphore_mem>>
      tpu.wait_indirect_dma semaphore(%dma_wait3A_330 : memref<!tpu.dma_semaphore, #tpu.memory_space<semaphore_mem>>) src(%dma_wait3A_322 : memref<128x128xf32, #tpu.memory_space<vmem>>) dst(%dma_wait3A_328 : memref<10112x128xf32, #tpu.memory_space<vmem_shared>>)
      %dma_start3A_331 = arith.constant 5 : i32
      %dma_start3A_332 = arith.constant 1 : i32
      %dma_start3A_333 = arith.constant 1 : i32
      %dma_start3A_334 = arith.constant 0 : i32
      %dma_start3A_335 = arith.constant 0 : i32
      %dma_start3A_336 = tpu.memref_slice %arg11[%dma_start3A_332, %dma_start3A_334, %dma_start3A_335] : memref<2x128x128xf32, #tpu.memory_space<vmem>> -> memref<1x128x128xf32, #tpu.memory_space<vmem>>
      %dma_start3A_337 = tpu.memref_squeeze %dma_start3A_336 : memref<1x128x128xf32, #tpu.memory_space<vmem>> -> memref<128x128xf32, #tpu.memory_space<vmem>>
      %dma_start3A_338 = arith.constant 0 : i32
      %dma_start3A_339 = tpu.memref_slice %arg7[%dma_start3A_331, %dma_start3A_338] : memref<8x128xi32, #tpu.memory_space<vmem>> -> memref<1x128xi32, #tpu.memory_space<vmem>>
      %dma_start3A_340 = tpu.memref_squeeze %dma_start3A_339 : memref<1x128xi32, #tpu.memory_space<vmem>> -> memref<128xi32, #tpu.memory_space<vmem>>
      %dma_start3A_341 = arith.constant 0 : i32
      %dma_start3A_342 = arith.constant 0 : i32
      %dma_start3A_343 = tpu.memref_slice %arg2[%dma_start3A_341, %dma_start3A_342] : memref<10000x128xf32, #tpu.memory_space<hbm>> -> memref<10000x128xf32, #tpu.memory_space<hbm>>
      %dma_start3A_344 = tpu.memref_slice %arg12[%dma_start3A_333] : memref<2x!tpu.dma_semaphore, #tpu.memory_space<semaphore_mem>> -> memref<1x!tpu.dma_semaphore, #tpu.memory_space<semaphore_mem>>
      %dma_start3A_345 = tpu.memref_squeeze %dma_start3A_344 : memref<1x!tpu.dma_semaphore, #tpu.memory_space<semaphore_mem>> -> memref<!tpu.dma_semaphore, #tpu.memory_space<semaphore_mem>>
      tpu.enqueue_indirect_dma source(%dma_start3A_343 : memref<10000x128xf32, #tpu.memory_space<hbm>>) target(%dma_start3A_337 : memref<128x128xf32, #tpu.memory_space<vmem>>) offsets(%dma_start3A_340 : memref<128xi32, #tpu.memory_space<vmem>>) semaphore(%dma_start3A_345 : memref<!tpu.dma_semaphore, #tpu.memory_space<semaphore_mem>>)
      %dma_wait3A_346 = arith.constant 5 : i32
      %dma_wait3A_347 = arith.constant 1 : i32
      %dma_wait3A_348 = arith.constant 1 : i32
      %dma_wait3A_349 = arith.constant 0 : i32
      %dma_wait3A_350 = arith.constant 0 : i32
      %dma_wait3A_351 = tpu.memref_slice %arg11[%dma_wait3A_347, %dma_wait3A_349, %dma_wait3A_350] : memref<2x128x128xf32, #tpu.memory_space<vmem>> -> memref<1x128x128xf32, #tpu.memory_space<vmem>>
      %dma_wait3A_352 = tpu.memref_squeeze %dma_wait3A_351 : memref<1x128x128xf32, #tpu.memory_space<vmem>> -> memref<128x128xf32, #tpu.memory_space<vmem>>
      %dma_wait3A_353 = arith.constant 0 : i32
      %dma_wait3A_354 = tpu.memref_slice %arg7[%dma_wait3A_346, %dma_wait3A_353] : memref<8x128xi32, #tpu.memory_space<vmem>> -> memref<1x128xi32, #tpu.memory_space<vmem>>
      %dma_wait3A_355 = tpu.memref_squeeze %dma_wait3A_354 : memref<1x128xi32, #tpu.memory_space<vmem>> -> memref<128xi32, #tpu.memory_space<vmem>>
      %dma_wait3A_356 = arith.constant 0 : i32
      %dma_wait3A_357 = arith.constant 0 : i32
      %dma_wait3A_358 = tpu.memref_slice %arg2[%dma_wait3A_356, %dma_wait3A_357] : memref<10000x128xf32, #tpu.memory_space<hbm>> -> memref<10000x128xf32, #tpu.memory_space<hbm>>
      %dma_wait3A_359 = tpu.memref_slice %arg12[%dma_wait3A_348] : memref<2x!tpu.dma_semaphore, #tpu.memory_space<semaphore_mem>> -> memref<1x!tpu.dma_semaphore, #tpu.memory_space<semaphore_mem>>
      %dma_wait3A_360 = tpu.memref_squeeze %dma_wait3A_359 : memref<1x!tpu.dma_semaphore, #tpu.memory_space<semaphore_mem>> -> memref<!tpu.dma_semaphore, #tpu.memory_space<semaphore_mem>>
      tpu.wait_indirect_dma semaphore(%dma_wait3A_360 : memref<!tpu.dma_semaphore, #tpu.memory_space<semaphore_mem>>) src(%dma_wait3A_358 : memref<10000x128xf32, #tpu.memory_space<hbm>>) dst(%dma_wait3A_352 : memref<128x128xf32, #tpu.memory_space<vmem>>)
      %dma_start3A_361 = arith.constant 1 : i32
      %dma_start3A_362 = arith.constant 5 : i32
      %dma_start3A_363 = arith.constant 1 : i32
      %dma_start3A_364 = arith.constant 0 : i32
      %dma_start3A_365 = arith.constant 0 : i32
      %dma_start3A_366 = tpu.memref_slice %arg11[%dma_start3A_361, %dma_start3A_364, %dma_start3A_365] : memref<2x128x128xf32, #tpu.memory_space<vmem>> -> memref<1x128x128xf32, #tpu.memory_space<vmem>>
      %dma_start3A_367 = tpu.memref_squeeze %dma_start3A_366 : memref<1x128x128xf32, #tpu.memory_space<vmem>> -> memref<128x128xf32, #tpu.memory_space<vmem>>
      %dma_start3A_368 = arith.constant 0 : i32
      %dma_start3A_369 = tpu.memref_slice %arg8[%dma_start3A_362, %dma_start3A_368] : memref<8x128xi32, #tpu.memory_space<vmem>> -> memref<1x128xi32, #tpu.memory_space<vmem>>
      %dma_start3A_370 = tpu.memref_squeeze %dma_start3A_369 : memref<1x128xi32, #tpu.memory_space<vmem>> -> memref<128xi32, #tpu.memory_space<vmem>>
      %dma_start3A_371 = arith.constant 0 : i32
      %dma_start3A_372 = arith.constant 0 : i32
      %dma_start3A_373 = tpu.memref_slice %arg14[%dma_start3A_371, %dma_start3A_372] : memref<10112x128xf32, #tpu.memory_space<vmem_shared>> -> memref<10112x128xf32, #tpu.memory_space<vmem_shared>>
      %dma_start3A_374 = tpu.memref_slice %arg13[%dma_start3A_363] : memref<2x!tpu.dma_semaphore, #tpu.memory_space<semaphore_mem>> -> memref<1x!tpu.dma_semaphore, #tpu.memory_space<semaphore_mem>>
      %dma_start3A_375 = tpu.memref_squeeze %dma_start3A_374 : memref<1x!tpu.dma_semaphore, #tpu.memory_space<semaphore_mem>> -> memref<!tpu.dma_semaphore, #tpu.memory_space<semaphore_mem>>
      tpu.enqueue_indirect_dma source(%dma_start3A_367 : memref<128x128xf32, #tpu.memory_space<vmem>>) target(%dma_start3A_373 : memref<10112x128xf32, #tpu.memory_space<vmem_shared>>) offsets(%dma_start3A_370 : memref<128xi32, #tpu.memory_space<vmem>>) semaphore(%dma_start3A_375 : memref<!tpu.dma_semaphore, #tpu.memory_space<semaphore_mem>>) {add = true}
      %dma_wait3A_376 = arith.constant 0 : i32
      %dma_wait3A_377 = arith.constant 6 : i32
      %dma_wait3A_378 = arith.constant 0 : i32
      %dma_wait3A_379 = arith.constant 0 : i32
      %dma_wait3A_380 = arith.constant 0 : i32
      %dma_wait3A_381 = tpu.memref_slice %arg11[%dma_wait3A_376, %dma_wait3A_379, %dma_wait3A_380] : memref<2x128x128xf32, #tpu.memory_space<vmem>> -> memref<1x128x128xf32, #tpu.memory_space<vmem>>
      %dma_wait3A_382 = tpu.memref_squeeze %dma_wait3A_381 : memref<1x128x128xf32, #tpu.memory_space<vmem>> -> memref<128x128xf32, #tpu.memory_space<vmem>>
      %dma_wait3A_383 = arith.constant 0 : i32
      %dma_wait3A_384 = tpu.memref_slice %arg8[%dma_wait3A_377, %dma_wait3A_383] : memref<8x128xi32, #tpu.memory_space<vmem>> -> memref<1x128xi32, #tpu.memory_space<vmem>>
      %dma_wait3A_385 = tpu.memref_squeeze %dma_wait3A_384 : memref<1x128xi32, #tpu.memory_space<vmem>> -> memref<128xi32, #tpu.memory_space<vmem>>
      %dma_wait3A_386 = arith.constant 0 : i32
      %dma_wait3A_387 = arith.constant 0 : i32
      %dma_wait3A_388 = tpu.memref_slice %arg14[%dma_wait3A_386, %dma_wait3A_387] : memref<10112x128xf32, #tpu.memory_space<vmem_shared>> -> memref<10112x128xf32, #tpu.memory_space<vmem_shared>>
      %dma_wait3A_389 = tpu.memref_slice %arg13[%dma_wait3A_378] : memref<2x!tpu.dma_semaphore, #tpu.memory_space<semaphore_mem>> -> memref<1x!tpu.dma_semaphore, #tpu.memory_space<semaphore_mem>>
      %dma_wait3A_390 = tpu.memref_squeeze %dma_wait3A_389 : memref<1x!tpu.dma_semaphore, #tpu.memory_space<semaphore_mem>> -> memref<!tpu.dma_semaphore, #tpu.memory_space<semaphore_mem>>
      tpu.wait_indirect_dma semaphore(%dma_wait3A_390 : memref<!tpu.dma_semaphore, #tpu.memory_space<semaphore_mem>>) src(%dma_wait3A_382 : memref<128x128xf32, #tpu.memory_space<vmem>>) dst(%dma_wait3A_388 : memref<10112x128xf32, #tpu.memory_space<vmem_shared>>)
      %dma_start3A_391 = arith.constant 6 : i32
      %dma_start3A_392 = arith.constant 0 : i32
      %dma_start3A_393 = arith.constant 0 : i32
      %dma_start3A_394 = arith.constant 0 : i32
      %dma_start3A_395 = arith.constant 0 : i32
      %dma_start3A_396 = tpu.memref_slice %arg11[%dma_start3A_392, %dma_start3A_394, %dma_start3A_395] : memref<2x128x128xf32, #tpu.memory_space<vmem>> -> memref<1x128x128xf32, #tpu.memory_space<vmem>>
      %dma_start3A_397 = tpu.memref_squeeze %dma_start3A_396 : memref<1x128x128xf32, #tpu.memory_space<vmem>> -> memref<128x128xf32, #tpu.memory_space<vmem>>
      %dma_start3A_398 = arith.constant 0 : i32
      %dma_start3A_399 = tpu.memref_slice %arg7[%dma_start3A_391, %dma_start3A_398] : memref<8x128xi32, #tpu.memory_space<vmem>> -> memref<1x128xi32, #tpu.memory_space<vmem>>
      %dma_start3A_400 = tpu.memref_squeeze %dma_start3A_399 : memref<1x128xi32, #tpu.memory_space<vmem>> -> memref<128xi32, #tpu.memory_space<vmem>>
      %dma_start3A_401 = arith.constant 0 : i32
      %dma_start3A_402 = arith.constant 0 : i32
      %dma_start3A_403 = tpu.memref_slice %arg2[%dma_start3A_401, %dma_start3A_402] : memref<10000x128xf32, #tpu.memory_space<hbm>> -> memref<10000x128xf32, #tpu.memory_space<hbm>>
      %dma_start3A_404 = tpu.memref_slice %arg12[%dma_start3A_393] : memref<2x!tpu.dma_semaphore, #tpu.memory_space<semaphore_mem>> -> memref<1x!tpu.dma_semaphore, #tpu.memory_space<semaphore_mem>>
      %dma_start3A_405 = tpu.memref_squeeze %dma_start3A_404 : memref<1x!tpu.dma_semaphore, #tpu.memory_space<semaphore_mem>> -> memref<!tpu.dma_semaphore, #tpu.memory_space<semaphore_mem>>
      tpu.enqueue_indirect_dma source(%dma_start3A_403 : memref<10000x128xf32, #tpu.memory_space<hbm>>) target(%dma_start3A_397 : memref<128x128xf32, #tpu.memory_space<vmem>>) offsets(%dma_start3A_400 : memref<128xi32, #tpu.memory_space<vmem>>) semaphore(%dma_start3A_405 : memref<!tpu.dma_semaphore, #tpu.memory_space<semaphore_mem>>)
      %dma_wait3A_406 = arith.constant 6 : i32
      %dma_wait3A_407 = arith.constant 0 : i32
      %dma_wait3A_408 = arith.constant 0 : i32
      %dma_wait3A_409 = arith.constant 0 : i32
      %dma_wait3A_410 = arith.constant 0 : i32
      %dma_wait3A_411 = tpu.memref_slice %arg11[%dma_wait3A_407, %dma_wait3A_409, %dma_wait3A_410] : memref<2x128x128xf32, #tpu.memory_space<vmem>> -> memref<1x128x128xf32, #tpu.memory_space<vmem>>
      %dma_wait3A_412 = tpu.memref_squeeze %dma_wait3A_411 : memref<1x128x128xf32, #tpu.memory_space<vmem>> -> memref<128x128xf32, #tpu.memory_space<vmem>>
      %dma_wait3A_413 = arith.constant 0 : i32
      %dma_wait3A_414 = tpu.memref_slice %arg7[%dma_wait3A_406, %dma_wait3A_413] : memref<8x128xi32, #tpu.memory_space<vmem>> -> memref<1x128xi32, #tpu.memory_space<vmem>>
      %dma_wait3A_415 = tpu.memref_squeeze %dma_wait3A_414 : memref<1x128xi32, #tpu.memory_space<vmem>> -> memref<128xi32, #tpu.memory_space<vmem>>
      %dma_wait3A_416 = arith.constant 0 : i32
      %dma_wait3A_417 = arith.constant 0 : i32
      %dma_wait3A_418 = tpu.memref_slice %arg2[%dma_wait3A_416, %dma_wait3A_417] : memref<10000x128xf32, #tpu.memory_space<hbm>> -> memref<10000x128xf32, #tpu.memory_space<hbm>>
      %dma_wait3A_419 = tpu.memref_slice %arg12[%dma_wait3A_408] : memref<2x!tpu.dma_semaphore, #tpu.memory_space<semaphore_mem>> -> memref<1x!tpu.dma_semaphore, #tpu.memory_space<semaphore_mem>>
      %dma_wait3A_420 = tpu.memref_squeeze %dma_wait3A_419 : memref<1x!tpu.dma_semaphore, #tpu.memory_space<semaphore_mem>> -> memref<!tpu.dma_semaphore, #tpu.memory_space<semaphore_mem>>
      tpu.wait_indirect_dma semaphore(%dma_wait3A_420 : memref<!tpu.dma_semaphore, #tpu.memory_space<semaphore_mem>>) src(%dma_wait3A_418 : memref<10000x128xf32, #tpu.memory_space<hbm>>) dst(%dma_wait3A_412 : memref<128x128xf32, #tpu.memory_space<vmem>>)
      %dma_start3A_421 = arith.constant 0 : i32
      %dma_start3A_422 = arith.constant 6 : i32
      %dma_start3A_423 = arith.constant 0 : i32
      %dma_start3A_424 = arith.constant 0 : i32
      %dma_start3A_425 = arith.constant 0 : i32
      %dma_start3A_426 = tpu.memref_slice %arg11[%dma_start3A_421, %dma_start3A_424, %dma_start3A_425] : memref<2x128x128xf32, #tpu.memory_space<vmem>> -> memref<1x128x128xf32, #tpu.memory_space<vmem>>
      %dma_start3A_427 = tpu.memref_squeeze %dma_start3A_426 : memref<1x128x128xf32, #tpu.memory_space<vmem>> -> memref<128x128xf32, #tpu.memory_space<vmem>>
      %dma_start3A_428 = arith.constant 0 : i32
      %dma_start3A_429 = tpu.memref_slice %arg8[%dma_start3A_422, %dma_start3A_428] : memref<8x128xi32, #tpu.memory_space<vmem>> -> memref<1x128xi32, #tpu.memory_space<vmem>>
      %dma_start3A_430 = tpu.memref_squeeze %dma_start3A_429 : memref<1x128xi32, #tpu.memory_space<vmem>> -> memref<128xi32, #tpu.memory_space<vmem>>
      %dma_start3A_431 = arith.constant 0 : i32
      %dma_start3A_432 = arith.constant 0 : i32
      %dma_start3A_433 = tpu.memref_slice %arg14[%dma_start3A_431, %dma_start3A_432] : memref<10112x128xf32, #tpu.memory_space<vmem_shared>> -> memref<10112x128xf32, #tpu.memory_space<vmem_shared>>
      %dma_start3A_434 = tpu.memref_slice %arg13[%dma_start3A_423] : memref<2x!tpu.dma_semaphore, #tpu.memory_space<semaphore_mem>> -> memref<1x!tpu.dma_semaphore, #tpu.memory_space<semaphore_mem>>
      %dma_start3A_435 = tpu.memref_squeeze %dma_start3A_434 : memref<1x!tpu.dma_semaphore, #tpu.memory_space<semaphore_mem>> -> memref<!tpu.dma_semaphore, #tpu.memory_space<semaphore_mem>>
      tpu.enqueue_indirect_dma source(%dma_start3A_427 : memref<128x128xf32, #tpu.memory_space<vmem>>) target(%dma_start3A_433 : memref<10112x128xf32, #tpu.memory_space<vmem_shared>>) offsets(%dma_start3A_430 : memref<128xi32, #tpu.memory_space<vmem>>) semaphore(%dma_start3A_435 : memref<!tpu.dma_semaphore, #tpu.memory_space<semaphore_mem>>) {add = true}
      %dma_wait3A_436 = arith.constant 1 : i32
      %dma_wait3A_437 = arith.constant 7 : i32
      %dma_wait3A_438 = arith.constant 1 : i32
      %dma_wait3A_439 = arith.constant 0 : i32
      %dma_wait3A_440 = arith.constant 0 : i32
      %dma_wait3A_441 = tpu.memref_slice %arg11[%dma_wait3A_436, %dma_wait3A_439, %dma_wait3A_440] : memref<2x128x128xf32, #tpu.memory_space<vmem>> -> memref<1x128x128xf32, #tpu.memory_space<vmem>>
      %dma_wait3A_442 = tpu.memref_squeeze %dma_wait3A_441 : memref<1x128x128xf32, #tpu.memory_space<vmem>> -> memref<128x128xf32, #tpu.memory_space<vmem>>
      %dma_wait3A_443 = arith.constant 0 : i32
      %dma_wait3A_444 = tpu.memref_slice %arg8[%dma_wait3A_437, %dma_wait3A_443] : memref<8x128xi32, #tpu.memory_space<vmem>> -> memref<1x128xi32, #tpu.memory_space<vmem>>
      %dma_wait3A_445 = tpu.memref_squeeze %dma_wait3A_444 : memref<1x128xi32, #tpu.memory_space<vmem>> -> memref<128xi32, #tpu.memory_space<vmem>>
      %dma_wait3A_446 = arith.constant 0 : i32
      %dma_wait3A_447 = arith.constant 0 : i32
      %dma_wait3A_448 = tpu.memref_slice %arg14[%dma_wait3A_446, %dma_wait3A_447] : memref<10112x128xf32, #tpu.memory_space<vmem_shared>> -> memref<10112x128xf32, #tpu.memory_space<vmem_shared>>
      %dma_wait3A_449 = tpu.memref_slice %arg13[%dma_wait3A_438] : memref<2x!tpu.dma_semaphore, #tpu.memory_space<semaphore_mem>> -> memref<1x!tpu.dma_semaphore, #tpu.memory_space<semaphore_mem>>
      %dma_wait3A_450 = tpu.memref_squeeze %dma_wait3A_449 : memref<1x!tpu.dma_semaphore, #tpu.memory_space<semaphore_mem>> -> memref<!tpu.dma_semaphore, #tpu.memory_space<semaphore_mem>>
      tpu.wait_indirect_dma semaphore(%dma_wait3A_450 : memref<!tpu.dma_semaphore, #tpu.memory_space<semaphore_mem>>) src(%dma_wait3A_442 : memref<128x128xf32, #tpu.memory_space<vmem>>) dst(%dma_wait3A_448 : memref<10112x128xf32, #tpu.memory_space<vmem_shared>>)
      %dma_start3A_451 = arith.constant 7 : i32
      %dma_start3A_452 = arith.constant 1 : i32
      %dma_start3A_453 = arith.constant 1 : i32
      %dma_start3A_454 = arith.constant 0 : i32
      %dma_start3A_455 = arith.constant 0 : i32
      %dma_start3A_456 = tpu.memref_slice %arg11[%dma_start3A_452, %dma_start3A_454, %dma_start3A_455] : memref<2x128x128xf32, #tpu.memory_space<vmem>> -> memref<1x128x128xf32, #tpu.memory_space<vmem>>
      %dma_start3A_457 = tpu.memref_squeeze %dma_start3A_456 : memref<1x128x128xf32, #tpu.memory_space<vmem>> -> memref<128x128xf32, #tpu.memory_space<vmem>>
      %dma_start3A_458 = arith.constant 0 : i32
      %dma_start3A_459 = tpu.memref_slice %arg7[%dma_start3A_451, %dma_start3A_458] : memref<8x128xi32, #tpu.memory_space<vmem>> -> memref<1x128xi32, #tpu.memory_space<vmem>>
      %dma_start3A_460 = tpu.memref_squeeze %dma_start3A_459 : memref<1x128xi32, #tpu.memory_space<vmem>> -> memref<128xi32, #tpu.memory_space<vmem>>
      %dma_start3A_461 = arith.constant 0 : i32
      %dma_start3A_462 = arith.constant 0 : i32
      %dma_start3A_463 = tpu.memref_slice %arg2[%dma_start3A_461, %dma_start3A_462] : memref<10000x128xf32, #tpu.memory_space<hbm>> -> memref<10000x128xf32, #tpu.memory_space<hbm>>
      %dma_start3A_464 = tpu.memref_slice %arg12[%dma_start3A_453] : memref<2x!tpu.dma_semaphore, #tpu.memory_space<semaphore_mem>> -> memref<1x!tpu.dma_semaphore, #tpu.memory_space<semaphore_mem>>
      %dma_start3A_465 = tpu.memref_squeeze %dma_start3A_464 : memref<1x!tpu.dma_semaphore, #tpu.memory_space<semaphore_mem>> -> memref<!tpu.dma_semaphore, #tpu.memory_space<semaphore_mem>>
      tpu.enqueue_indirect_dma source(%dma_start3A_463 : memref<10000x128xf32, #tpu.memory_space<hbm>>) target(%dma_start3A_457 : memref<128x128xf32, #tpu.memory_space<vmem>>) offsets(%dma_start3A_460 : memref<128xi32, #tpu.memory_space<vmem>>) semaphore(%dma_start3A_465 : memref<!tpu.dma_semaphore, #tpu.memory_space<semaphore_mem>>)
      %dma_wait3A_466 = arith.constant 7 : i32
      %dma_wait3A_467 = arith.constant 1 : i32
      %dma_wait3A_468 = arith.constant 1 : i32
      %dma_wait3A_469 = arith.constant 0 : i32
      %dma_wait3A_470 = arith.constant 0 : i32
      %dma_wait3A_471 = tpu.memref_slice %arg11[%dma_wait3A_467, %dma_wait3A_469, %dma_wait3A_470] : memref<2x128x128xf32, #tpu.memory_space<vmem>> -> memref<1x128x128xf32, #tpu.memory_space<vmem>>
      %dma_wait3A_472 = tpu.memref_squeeze %dma_wait3A_471 : memref<1x128x128xf32, #tpu.memory_space<vmem>> -> memref<128x128xf32, #tpu.memory_space<vmem>>
      %dma_wait3A_473 = arith.constant 0 : i32
      %dma_wait3A_474 = tpu.memref_slice %arg7[%dma_wait3A_466, %dma_wait3A_473] : memref<8x128xi32, #tpu.memory_space<vmem>> -> memref<1x128xi32, #tpu.memory_space<vmem>>
      %dma_wait3A_475 = tpu.memref_squeeze %dma_wait3A_474 : memref<1x128xi32, #tpu.memory_space<vmem>> -> memref<128xi32, #tpu.memory_space<vmem>>
      %dma_wait3A_476 = arith.constant 0 : i32
      %dma_wait3A_477 = arith.constant 0 : i32
      %dma_wait3A_478 = tpu.memref_slice %arg2[%dma_wait3A_476, %dma_wait3A_477] : memref<10000x128xf32, #tpu.memory_space<hbm>> -> memref<10000x128xf32, #tpu.memory_space<hbm>>
      %dma_wait3A_479 = tpu.memref_slice %arg12[%dma_wait3A_468] : memref<2x!tpu.dma_semaphore, #tpu.memory_space<semaphore_mem>> -> memref<1x!tpu.dma_semaphore, #tpu.memory_space<semaphore_mem>>
      %dma_wait3A_480 = tpu.memref_squeeze %dma_wait3A_479 : memref<1x!tpu.dma_semaphore, #tpu.memory_space<semaphore_mem>> -> memref<!tpu.dma_semaphore, #tpu.memory_space<semaphore_mem>>
      tpu.wait_indirect_dma semaphore(%dma_wait3A_480 : memref<!tpu.dma_semaphore, #tpu.memory_space<semaphore_mem>>) src(%dma_wait3A_478 : memref<10000x128xf32, #tpu.memory_space<hbm>>) dst(%dma_wait3A_472 : memref<128x128xf32, #tpu.memory_space<vmem>>)
      %dma_start3A_481 = arith.constant 1 : i32
      %dma_start3A_482 = arith.constant 7 : i32
      %dma_start3A_483 = arith.constant 1 : i32
      %dma_start3A_484 = arith.constant 0 : i32
      %dma_start3A_485 = arith.constant 0 : i32
      %dma_start3A_486 = tpu.memref_slice %arg11[%dma_start3A_481, %dma_start3A_484, %dma_start3A_485] : memref<2x128x128xf32, #tpu.memory_space<vmem>> -> memref<1x128x128xf32, #tpu.memory_space<vmem>>
      %dma_start3A_487 = tpu.memref_squeeze %dma_start3A_486 : memref<1x128x128xf32, #tpu.memory_space<vmem>> -> memref<128x128xf32, #tpu.memory_space<vmem>>
      %dma_start3A_488 = arith.constant 0 : i32
      %dma_start3A_489 = tpu.memref_slice %arg8[%dma_start3A_482, %dma_start3A_488] : memref<8x128xi32, #tpu.memory_space<vmem>> -> memref<1x128xi32, #tpu.memory_space<vmem>>
      %dma_start3A_490 = tpu.memref_squeeze %dma_start3A_489 : memref<1x128xi32, #tpu.memory_space<vmem>> -> memref<128xi32, #tpu.memory_space<vmem>>
      %dma_start3A_491 = arith.constant 0 : i32
      %dma_start3A_492 = arith.constant 0 : i32
      %dma_start3A_493 = tpu.memref_slice %arg14[%dma_start3A_491, %dma_start3A_492] : memref<10112x128xf32, #tpu.memory_space<vmem_shared>> -> memref<10112x128xf32, #tpu.memory_space<vmem_shared>>
      %dma_start3A_494 = tpu.memref_slice %arg13[%dma_start3A_483] : memref<2x!tpu.dma_semaphore, #tpu.memory_space<semaphore_mem>> -> memref<1x!tpu.dma_semaphore, #tpu.memory_space<semaphore_mem>>
      %dma_start3A_495 = tpu.memref_squeeze %dma_start3A_494 : memref<1x!tpu.dma_semaphore, #tpu.memory_space<semaphore_mem>> -> memref<!tpu.dma_semaphore, #tpu.memory_space<semaphore_mem>>
      tpu.enqueue_indirect_dma source(%dma_start3A_487 : memref<128x128xf32, #tpu.memory_space<vmem>>) target(%dma_start3A_493 : memref<10112x128xf32, #tpu.memory_space<vmem_shared>>) offsets(%dma_start3A_490 : memref<128xi32, #tpu.memory_space<vmem>>) semaphore(%dma_start3A_495 : memref<!tpu.dma_semaphore, #tpu.memory_space<semaphore_mem>>) {add = true}
      %add3A_496 = arith.constant 1 : i32
      %add3A_497 = arith.addi %mul3A_39, %add3A_496 : i32
      "tpu.region"() ({
        %run_scoped3A = tpu.sem_alloc : memref<!tpu.dma_semaphore, #tpu.memory_space<semaphore_mem>>
        %dma_start3A_980 = arith.constant 0 : i32
        %dma_start3A_981 = arith.constant 0 : i32
        %dma_start3A_982 = tpu.memref_slice %arg3[%add3A, %add3A_497, %dma_start3A_980, %dma_start3A_981] : memref<32x10x8x128xi32, #tpu.memory_space<hbm>> -> memref<1x1x8x128xi32, #tpu.memory_space<hbm>>
        %dma_start3A_983 = tpu.memref_squeeze %dma_start3A_982 : memref<1x1x8x128xi32, #tpu.memory_space<hbm>> -> memref<8x128xi32, #tpu.memory_space<hbm>>
        %dma_start3A_984 = arith.constant 0 : i32
        %dma_start3A_985 = arith.constant 0 : i32
        %dma_start3A_986 = tpu.memref_slice %arg3[%add3A, %add3A_497, %dma_start3A_984, %dma_start3A_985] : memref<32x10x8x128xi32, #tpu.memory_space<hbm>> -> memref<1x1x8x128xi32, #tpu.memory_space<hbm>>
        %dma_start3A_987 = tpu.memref_squeeze %dma_start3A_986 : memref<1x1x8x128xi32, #tpu.memory_space<hbm>> -> memref<8x128xi32, #tpu.memory_space<hbm>>
        tpu.enqueue_dma source(%dma_start3A_987 : memref<8x128xi32, #tpu.memory_space<hbm>>) target(%arg9 : memref<8x128xi32, #tpu.memory_space<vmem>>) target_semaphore(%run_scoped3A : memref<!tpu.dma_semaphore, #tpu.memory_space<semaphore_mem>>)
        %dma_wait3A_988 = arith.constant 0 : i32
        %dma_wait3A_989 = arith.constant 0 : i32
        %dma_wait3A_990 = tpu.memref_slice %arg3[%add3A, %add3A_497, %dma_wait3A_988, %dma_wait3A_989] : memref<32x10x8x128xi32, #tpu.memory_space<hbm>> -> memref<1x1x8x128xi32, #tpu.memory_space<hbm>>
        %dma_wait3A_991 = tpu.memref_squeeze %dma_wait3A_990 : memref<1x1x8x128xi32, #tpu.memory_space<hbm>> -> memref<8x128xi32, #tpu.memory_space<hbm>>
        %dma_wait3A_992 = arith.constant 0 : i32
        %dma_wait3A_993 = arith.constant 0 : i32
        %dma_wait3A_994 = tpu.memref_slice %arg3[%add3A, %add3A_497, %dma_wait3A_992, %dma_wait3A_993] : memref<32x10x8x128xi32, #tpu.memory_space<hbm>> -> memref<1x1x8x128xi32, #tpu.memory_space<hbm>>
        %dma_wait3A_995 = tpu.memref_squeeze %dma_wait3A_994 : memref<1x1x8x128xi32, #tpu.memory_space<hbm>> -> memref<8x128xi32, #tpu.memory_space<hbm>>
        tpu.wait_dma2 semaphore(%run_scoped3A : memref<!tpu.dma_semaphore, #tpu.memory_space<semaphore_mem>>) src(%dma_wait3A_995 : memref<8x128xi32, #tpu.memory_space<hbm>>) dst(%arg9 : memref<8x128xi32, #tpu.memory_space<vmem>>)
        tpu.yield
      }) : () -> ()
      %add3A_498 = arith.constant 1 : i32
      %add3A_499 = arith.addi %mul3A_39, %add3A_498 : i32
      "tpu.region"() ({
        %run_scoped3A = tpu.sem_alloc : memref<!tpu.dma_semaphore, #tpu.memory_space<semaphore_mem>>
        %dma_start3A_980 = arith.constant 0 : i32
        %dma_start3A_981 = arith.constant 0 : i32
        %dma_start3A_982 = tpu.memref_slice %arg4[%add3A, %add3A_499, %dma_start3A_980, %dma_start3A_981] : memref<32x10x8x128xi32, #tpu.memory_space<hbm>> -> memref<1x1x8x128xi32, #tpu.memory_space<hbm>>
        %dma_start3A_983 = tpu.memref_squeeze %dma_start3A_982 : memref<1x1x8x128xi32, #tpu.memory_space<hbm>> -> memref<8x128xi32, #tpu.memory_space<hbm>>
        %dma_start3A_984 = arith.constant 0 : i32
        %dma_start3A_985 = arith.constant 0 : i32
        %dma_start3A_986 = tpu.memref_slice %arg4[%add3A, %add3A_499, %dma_start3A_984, %dma_start3A_985] : memref<32x10x8x128xi32, #tpu.memory_space<hbm>> -> memref<1x1x8x128xi32, #tpu.memory_space<hbm>>
        %dma_start3A_987 = tpu.memref_squeeze %dma_start3A_986 : memref<1x1x8x128xi32, #tpu.memory_space<hbm>> -> memref<8x128xi32, #tpu.memory_space<hbm>>
        tpu.enqueue_dma source(%dma_start3A_987 : memref<8x128xi32, #tpu.memory_space<hbm>>) target(%arg10 : memref<8x128xi32, #tpu.memory_space<vmem>>) target_semaphore(%run_scoped3A : memref<!tpu.dma_semaphore, #tpu.memory_space<semaphore_mem>>)
        %dma_wait3A_988 = arith.constant 0 : i32
        %dma_wait3A_989 = arith.constant 0 : i32
        %dma_wait3A_990 = tpu.memref_slice %arg4[%add3A, %add3A_499, %dma_wait3A_988, %dma_wait3A_989] : memref<32x10x8x128xi32, #tpu.memory_space<hbm>> -> memref<1x1x8x128xi32, #tpu.memory_space<hbm>>
        %dma_wait3A_991 = tpu.memref_squeeze %dma_wait3A_990 : memref<1x1x8x128xi32, #tpu.memory_space<hbm>> -> memref<8x128xi32, #tpu.memory_space<hbm>>
        %dma_wait3A_992 = arith.constant 0 : i32
        %dma_wait3A_993 = arith.constant 0 : i32
        %dma_wait3A_994 = tpu.memref_slice %arg4[%add3A, %add3A_499, %dma_wait3A_992, %dma_wait3A_993] : memref<32x10x8x128xi32, #tpu.memory_space<hbm>> -> memref<1x1x8x128xi32, #tpu.memory_space<hbm>>
        %dma_wait3A_995 = tpu.memref_squeeze %dma_wait3A_994 : memref<1x1x8x128xi32, #tpu.memory_space<hbm>> -> memref<8x128xi32, #tpu.memory_space<hbm>>
        tpu.wait_dma2 semaphore(%run_scoped3A : memref<!tpu.dma_semaphore, #tpu.memory_space<semaphore_mem>>) src(%dma_wait3A_995 : memref<8x128xi32, #tpu.memory_space<hbm>>) dst(%arg10 : memref<8x128xi32, #tpu.memory_space<vmem>>)
        tpu.yield
      }) : () -> ()
      %dma_wait3A_500 = arith.constant 0 : i32
      %dma_wait3A_501 = arith.constant 0 : i32
      %dma_wait3A_502 = arith.constant 0 : i32
      %dma_wait3A_503 = arith.constant 0 : i32
      %dma_wait3A_504 = arith.constant 0 : i32
      %dma_wait3A_505 = tpu.memref_slice %arg11[%dma_wait3A_500, %dma_wait3A_503, %dma_wait3A_504] : memref<2x128x128xf32, #tpu.memory_space<vmem>> -> memref<1x128x128xf32, #tpu.memory_space<vmem>>
      %dma_wait3A_506 = tpu.memref_squeeze %dma_wait3A_505 : memref<1x128x128xf32, #tpu.memory_space<vmem>> -> memref<128x128xf32, #tpu.memory_space<vmem>>
      %dma_wait3A_507 = arith.constant 0 : i32
      %dma_wait3A_508 = tpu.memref_slice %arg10[%dma_wait3A_501, %dma_wait3A_507] : memref<8x128xi32, #tpu.memory_space<vmem>> -> memref<1x128xi32, #tpu.memory_space<vmem>>
      %dma_wait3A_509 = tpu.memref_squeeze %dma_wait3A_508 : memref<1x128xi32, #tpu.memory_space<vmem>> -> memref<128xi32, #tpu.memory_space<vmem>>
      %dma_wait3A_510 = arith.constant 0 : i32
      %dma_wait3A_511 = arith.constant 0 : i32
      %dma_wait3A_512 = tpu.memref_slice %arg14[%dma_wait3A_510, %dma_wait3A_511] : memref<10112x128xf32, #tpu.memory_space<vmem_shared>> -> memref<10112x128xf32, #tpu.memory_space<vmem_shared>>
      %dma_wait3A_513 = tpu.memref_slice %arg13[%dma_wait3A_502] : memref<2x!tpu.dma_semaphore, #tpu.memory_space<semaphore_mem>> -> memref<1x!tpu.dma_semaphore, #tpu.memory_space<semaphore_mem>>
      %dma_wait3A_514 = tpu.memref_squeeze %dma_wait3A_513 : memref<1x!tpu.dma_semaphore, #tpu.memory_space<semaphore_mem>> -> memref<!tpu.dma_semaphore, #tpu.memory_space<semaphore_mem>>
      tpu.wait_indirect_dma semaphore(%dma_wait3A_514 : memref<!tpu.dma_semaphore, #tpu.memory_space<semaphore_mem>>) src(%dma_wait3A_506 : memref<128x128xf32, #tpu.memory_space<vmem>>) dst(%dma_wait3A_512 : memref<10112x128xf32, #tpu.memory_space<vmem_shared>>)
      %dma_start3A_515 = arith.constant 0 : i32
      %dma_start3A_516 = arith.constant 0 : i32
      %dma_start3A_517 = arith.constant 0 : i32
      %dma_start3A_518 = arith.constant 0 : i32
      %dma_start3A_519 = arith.constant 0 : i32
      %dma_start3A_520 = tpu.memref_slice %arg11[%dma_start3A_516, %dma_start3A_518, %dma_start3A_519] : memref<2x128x128xf32, #tpu.memory_space<vmem>> -> memref<1x128x128xf32, #tpu.memory_space<vmem>>
      %dma_start3A_521 = tpu.memref_squeeze %dma_start3A_520 : memref<1x128x128xf32, #tpu.memory_space<vmem>> -> memref<128x128xf32, #tpu.memory_space<vmem>>
      %dma_start3A_522 = arith.constant 0 : i32
      %dma_start3A_523 = tpu.memref_slice %arg9[%dma_start3A_515, %dma_start3A_522] : memref<8x128xi32, #tpu.memory_space<vmem>> -> memref<1x128xi32, #tpu.memory_space<vmem>>
      %dma_start3A_524 = tpu.memref_squeeze %dma_start3A_523 : memref<1x128xi32, #tpu.memory_space<vmem>> -> memref<128xi32, #tpu.memory_space<vmem>>
      %dma_start3A_525 = arith.constant 0 : i32
      %dma_start3A_526 = arith.constant 0 : i32
      %dma_start3A_527 = tpu.memref_slice %arg2[%dma_start3A_525, %dma_start3A_526] : memref<10000x128xf32, #tpu.memory_space<hbm>> -> memref<10000x128xf32, #tpu.memory_space<hbm>>
      %dma_start3A_528 = tpu.memref_slice %arg12[%dma_start3A_517] : memref<2x!tpu.dma_semaphore, #tpu.memory_space<semaphore_mem>> -> memref<1x!tpu.dma_semaphore, #tpu.memory_space<semaphore_mem>>
      %dma_start3A_529 = tpu.memref_squeeze %dma_start3A_528 : memref<1x!tpu.dma_semaphore, #tpu.memory_space<semaphore_mem>> -> memref<!tpu.dma_semaphore, #tpu.memory_space<semaphore_mem>>
      tpu.enqueue_indirect_dma source(%dma_start3A_527 : memref<10000x128xf32, #tpu.memory_space<hbm>>) target(%dma_start3A_521 : memref<128x128xf32, #tpu.memory_space<vmem>>) offsets(%dma_start3A_524 : memref<128xi32, #tpu.memory_space<vmem>>) semaphore(%dma_start3A_529 : memref<!tpu.dma_semaphore, #tpu.memory_space<semaphore_mem>>)
      %dma_wait3A_530 = arith.constant 0 : i32
      %dma_wait3A_531 = arith.constant 0 : i32
      %dma_wait3A_532 = arith.constant 0 : i32
      %dma_wait3A_533 = arith.constant 0 : i32
      %dma_wait3A_534 = arith.constant 0 : i32
      %dma_wait3A_535 = tpu.memref_slice %arg11[%dma_wait3A_531, %dma_wait3A_533, %dma_wait3A_534] : memref<2x128x128xf32, #tpu.memory_space<vmem>> -> memref<1x128x128xf32, #tpu.memory_space<vmem>>
      %dma_wait3A_536 = tpu.memref_squeeze %dma_wait3A_535 : memref<1x128x128xf32, #tpu.memory_space<vmem>> -> memref<128x128xf32, #tpu.memory_space<vmem>>
      %dma_wait3A_537 = arith.constant 0 : i32
      %dma_wait3A_538 = tpu.memref_slice %arg9[%dma_wait3A_530, %dma_wait3A_537] : memref<8x128xi32, #tpu.memory_space<vmem>> -> memref<1x128xi32, #tpu.memory_space<vmem>>
      %dma_wait3A_539 = tpu.memref_squeeze %dma_wait3A_538 : memref<1x128xi32, #tpu.memory_space<vmem>> -> memref<128xi32, #tpu.memory_space<vmem>>
      %dma_wait3A_540 = arith.constant 0 : i32
      %dma_wait3A_541 = arith.constant 0 : i32
      %dma_wait3A_542 = tpu.memref_slice %arg2[%dma_wait3A_540, %dma_wait3A_541] : memref<10000x128xf32, #tpu.memory_space<hbm>> -> memref<10000x128xf32, #tpu.memory_space<hbm>>
      %dma_wait3A_543 = tpu.memref_slice %arg12[%dma_wait3A_532] : memref<2x!tpu.dma_semaphore, #tpu.memory_space<semaphore_mem>> -> memref<1x!tpu.dma_semaphore, #tpu.memory_space<semaphore_mem>>
      %dma_wait3A_544 = tpu.memref_squeeze %dma_wait3A_543 : memref<1x!tpu.dma_semaphore, #tpu.memory_space<semaphore_mem>> -> memref<!tpu.dma_semaphore, #tpu.memory_space<semaphore_mem>>
      tpu.wait_indirect_dma semaphore(%dma_wait3A_544 : memref<!tpu.dma_semaphore, #tpu.memory_space<semaphore_mem>>) src(%dma_wait3A_542 : memref<10000x128xf32, #tpu.memory_space<hbm>>) dst(%dma_wait3A_536 : memref<128x128xf32, #tpu.memory_space<vmem>>)
      %dma_start3A_545 = arith.constant 0 : i32
      %dma_start3A_546 = arith.constant 0 : i32
      %dma_start3A_547 = arith.constant 0 : i32
      %dma_start3A_548 = arith.constant 0 : i32
      %dma_start3A_549 = arith.constant 0 : i32
      %dma_start3A_550 = tpu.memref_slice %arg11[%dma_start3A_545, %dma_start3A_548, %dma_start3A_549] : memref<2x128x128xf32, #tpu.memory_space<vmem>> -> memref<1x128x128xf32, #tpu.memory_space<vmem>>
      %dma_start3A_551 = tpu.memref_squeeze %dma_start3A_550 : memref<1x128x128xf32, #tpu.memory_space<vmem>> -> memref<128x128xf32, #tpu.memory_space<vmem>>
      %dma_start3A_552 = arith.constant 0 : i32
      %dma_start3A_553 = tpu.memref_slice %arg10[%dma_start3A_546, %dma_start3A_552] : memref<8x128xi32, #tpu.memory_space<vmem>> -> memref<1x128xi32, #tpu.memory_space<vmem>>
      %dma_start3A_554 = tpu.memref_squeeze %dma_start3A_553 : memref<1x128xi32, #tpu.memory_space<vmem>> -> memref<128xi32, #tpu.memory_space<vmem>>
      %dma_start3A_555 = arith.constant 0 : i32
      %dma_start3A_556 = arith.constant 0 : i32
      %dma_start3A_557 = tpu.memref_slice %arg14[%dma_start3A_555, %dma_start3A_556] : memref<10112x128xf32, #tpu.memory_space<vmem_shared>> -> memref<10112x128xf32, #tpu.memory_space<vmem_shared>>
      %dma_start3A_558 = tpu.memref_slice %arg13[%dma_start3A_547] : memref<2x!tpu.dma_semaphore, #tpu.memory_space<semaphore_mem>> -> memref<1x!tpu.dma_semaphore, #tpu.memory_space<semaphore_mem>>
      %dma_start3A_559 = tpu.memref_squeeze %dma_start3A_558 : memref<1x!tpu.dma_semaphore, #tpu.memory_space<semaphore_mem>> -> memref<!tpu.dma_semaphore, #tpu.memory_space<semaphore_mem>>
      tpu.enqueue_indirect_dma source(%dma_start3A_551 : memref<128x128xf32, #tpu.memory_space<vmem>>) target(%dma_start3A_557 : memref<10112x128xf32, #tpu.memory_space<vmem_shared>>) offsets(%dma_start3A_554 : memref<128xi32, #tpu.memory_space<vmem>>) semaphore(%dma_start3A_559 : memref<!tpu.dma_semaphore, #tpu.memory_space<semaphore_mem>>) {add = true}
      %dma_wait3A_560 = arith.constant 1 : i32
      %dma_wait3A_561 = arith.constant 1 : i32
      %dma_wait3A_562 = arith.constant 1 : i32
      %dma_wait3A_563 = arith.constant 0 : i32
      %dma_wait3A_564 = arith.constant 0 : i32
      %dma_wait3A_565 = tpu.memref_slice %arg11[%dma_wait3A_560, %dma_wait3A_563, %dma_wait3A_564] : memref<2x128x128xf32, #tpu.memory_space<vmem>> -> memref<1x128x128xf32, #tpu.memory_space<vmem>>
      %dma_wait3A_566 = tpu.memref_squeeze %dma_wait3A_565 : memref<1x128x128xf32, #tpu.memory_space<vmem>> -> memref<128x128xf32, #tpu.memory_space<vmem>>
      %dma_wait3A_567 = arith.constant 0 : i32
      %dma_wait3A_568 = tpu.memref_slice %arg10[%dma_wait3A_561, %dma_wait3A_567] : memref<8x128xi32, #tpu.memory_space<vmem>> -> memref<1x128xi32, #tpu.memory_space<vmem>>
      %dma_wait3A_569 = tpu.memref_squeeze %dma_wait3A_568 : memref<1x128xi32, #tpu.memory_space<vmem>> -> memref<128xi32, #tpu.memory_space<vmem>>
      %dma_wait3A_570 = arith.constant 0 : i32
      %dma_wait3A_571 = arith.constant 0 : i32
      %dma_wait3A_572 = tpu.memref_slice %arg14[%dma_wait3A_570, %dma_wait3A_571] : memref<10112x128xf32, #tpu.memory_space<vmem_shared>> -> memref<10112x128xf32, #tpu.memory_space<vmem_shared>>
      %dma_wait3A_573 = tpu.memref_slice %arg13[%dma_wait3A_562] : memref<2x!tpu.dma_semaphore, #tpu.memory_space<semaphore_mem>> -> memref<1x!tpu.dma_semaphore, #tpu.memory_space<semaphore_mem>>
      %dma_wait3A_574 = tpu.memref_squeeze %dma_wait3A_573 : memref<1x!tpu.dma_semaphore, #tpu.memory_space<semaphore_mem>> -> memref<!tpu.dma_semaphore, #tpu.memory_space<semaphore_mem>>
      tpu.wait_indirect_dma semaphore(%dma_wait3A_574 : memref<!tpu.dma_semaphore, #tpu.memory_space<semaphore_mem>>) src(%dma_wait3A_566 : memref<128x128xf32, #tpu.memory_space<vmem>>) dst(%dma_wait3A_572 : memref<10112x128xf32, #tpu.memory_space<vmem_shared>>)
      %dma_start3A_575 = arith.constant 1 : i32
      %dma_start3A_576 = arith.constant 1 : i32
      %dma_start3A_577 = arith.constant 1 : i32
      %dma_start3A_578 = arith.constant 0 : i32
      %dma_start3A_579 = arith.constant 0 : i32
      %dma_start3A_580 = tpu.memref_slice %arg11[%dma_start3A_576, %dma_start3A_578, %dma_start3A_579] : memref<2x128x128xf32, #tpu.memory_space<vmem>> -> memref<1x128x128xf32, #tpu.memory_space<vmem>>
      %dma_start3A_581 = tpu.memref_squeeze %dma_start3A_580 : memref<1x128x128xf32, #tpu.memory_space<vmem>> -> memref<128x128xf32, #tpu.memory_space<vmem>>
      %dma_start3A_582 = arith.constant 0 : i32
      %dma_start3A_583 = tpu.memref_slice %arg9[%dma_start3A_575, %dma_start3A_582] : memref<8x128xi32, #tpu.memory_space<vmem>> -> memref<1x128xi32, #tpu.memory_space<vmem>>
      %dma_start3A_584 = tpu.memref_squeeze %dma_start3A_583 : memref<1x128xi32, #tpu.memory_space<vmem>> -> memref<128xi32, #tpu.memory_space<vmem>>
      %dma_start3A_585 = arith.constant 0 : i32
      %dma_start3A_586 = arith.constant 0 : i32
      %dma_start3A_587 = tpu.memref_slice %arg2[%dma_start3A_585, %dma_start3A_586] : memref<10000x128xf32, #tpu.memory_space<hbm>> -> memref<10000x128xf32, #tpu.memory_space<hbm>>
      %dma_start3A_588 = tpu.memref_slice %arg12[%dma_start3A_577] : memref<2x!tpu.dma_semaphore, #tpu.memory_space<semaphore_mem>> -> memref<1x!tpu.dma_semaphore, #tpu.memory_space<semaphore_mem>>
      %dma_start3A_589 = tpu.memref_squeeze %dma_start3A_588 : memref<1x!tpu.dma_semaphore, #tpu.memory_space<semaphore_mem>> -> memref<!tpu.dma_semaphore, #tpu.memory_space<semaphore_mem>>
      tpu.enqueue_indirect_dma source(%dma_start3A_587 : memref<10000x128xf32, #tpu.memory_space<hbm>>) target(%dma_start3A_581 : memref<128x128xf32, #tpu.memory_space<vmem>>) offsets(%dma_start3A_584 : memref<128xi32, #tpu.memory_space<vmem>>) semaphore(%dma_start3A_589 : memref<!tpu.dma_semaphore, #tpu.memory_space<semaphore_mem>>)
      %dma_wait3A_590 = arith.constant 1 : i32
      %dma_wait3A_591 = arith.constant 1 : i32
      %dma_wait3A_592 = arith.constant 1 : i32
      %dma_wait3A_593 = arith.constant 0 : i32
      %dma_wait3A_594 = arith.constant 0 : i32
      %dma_wait3A_595 = tpu.memref_slice %arg11[%dma_wait3A_591, %dma_wait3A_593, %dma_wait3A_594] : memref<2x128x128xf32, #tpu.memory_space<vmem>> -> memref<1x128x128xf32, #tpu.memory_space<vmem>>
      %dma_wait3A_596 = tpu.memref_squeeze %dma_wait3A_595 : memref<1x128x128xf32, #tpu.memory_space<vmem>> -> memref<128x128xf32, #tpu.memory_space<vmem>>
      %dma_wait3A_597 = arith.constant 0 : i32
      %dma_wait3A_598 = tpu.memref_slice %arg9[%dma_wait3A_590, %dma_wait3A_597] : memref<8x128xi32, #tpu.memory_space<vmem>> -> memref<1x128xi32, #tpu.memory_space<vmem>>
      %dma_wait3A_599 = tpu.memref_squeeze %dma_wait3A_598 : memref<1x128xi32, #tpu.memory_space<vmem>> -> memref<128xi32, #tpu.memory_space<vmem>>
      %dma_wait3A_600 = arith.constant 0 : i32
      %dma_wait3A_601 = arith.constant 0 : i32
      %dma_wait3A_602 = tpu.memref_slice %arg2[%dma_wait3A_600, %dma_wait3A_601] : memref<10000x128xf32, #tpu.memory_space<hbm>> -> memref<10000x128xf32, #tpu.memory_space<hbm>>
      %dma_wait3A_603 = tpu.memref_slice %arg12[%dma_wait3A_592] : memref<2x!tpu.dma_semaphore, #tpu.memory_space<semaphore_mem>> -> memref<1x!tpu.dma_semaphore, #tpu.memory_space<semaphore_mem>>
      %dma_wait3A_604 = tpu.memref_squeeze %dma_wait3A_603 : memref<1x!tpu.dma_semaphore, #tpu.memory_space<semaphore_mem>> -> memref<!tpu.dma_semaphore, #tpu.memory_space<semaphore_mem>>
      tpu.wait_indirect_dma semaphore(%dma_wait3A_604 : memref<!tpu.dma_semaphore, #tpu.memory_space<semaphore_mem>>) src(%dma_wait3A_602 : memref<10000x128xf32, #tpu.memory_space<hbm>>) dst(%dma_wait3A_596 : memref<128x128xf32, #tpu.memory_space<vmem>>)
      %dma_start3A_605 = arith.constant 1 : i32
      %dma_start3A_606 = arith.constant 1 : i32
      %dma_start3A_607 = arith.constant 1 : i32
      %dma_start3A_608 = arith.constant 0 : i32
      %dma_start3A_609 = arith.constant 0 : i32
      %dma_start3A_610 = tpu.memref_slice %arg11[%dma_start3A_605, %dma_start3A_608, %dma_start3A_609] : memref<2x128x128xf32, #tpu.memory_space<vmem>> -> memref<1x128x128xf32, #tpu.memory_space<vmem>>
      %dma_start3A_611 = tpu.memref_squeeze %dma_start3A_610 : memref<1x128x128xf32, #tpu.memory_space<vmem>> -> memref<128x128xf32, #tpu.memory_space<vmem>>
      %dma_start3A_612 = arith.constant 0 : i32
      %dma_start3A_613 = tpu.memref_slice %arg10[%dma_start3A_606, %dma_start3A_612] : memref<8x128xi32, #tpu.memory_space<vmem>> -> memref<1x128xi32, #tpu.memory_space<vmem>>
      %dma_start3A_614 = tpu.memref_squeeze %dma_start3A_613 : memref<1x128xi32, #tpu.memory_space<vmem>> -> memref<128xi32, #tpu.memory_space<vmem>>
      %dma_start3A_615 = arith.constant 0 : i32
      %dma_start3A_616 = arith.constant 0 : i32
      %dma_start3A_617 = tpu.memref_slice %arg14[%dma_start3A_615, %dma_start3A_616] : memref<10112x128xf32, #tpu.memory_space<vmem_shared>> -> memref<10112x128xf32, #tpu.memory_space<vmem_shared>>
      %dma_start3A_618 = tpu.memref_slice %arg13[%dma_start3A_607] : memref<2x!tpu.dma_semaphore, #tpu.memory_space<semaphore_mem>> -> memref<1x!tpu.dma_semaphore, #tpu.memory_space<semaphore_mem>>
      %dma_start3A_619 = tpu.memref_squeeze %dma_start3A_618 : memref<1x!tpu.dma_semaphore, #tpu.memory_space<semaphore_mem>> -> memref<!tpu.dma_semaphore, #tpu.memory_space<semaphore_mem>>
      tpu.enqueue_indirect_dma source(%dma_start3A_611 : memref<128x128xf32, #tpu.memory_space<vmem>>) target(%dma_start3A_617 : memref<10112x128xf32, #tpu.memory_space<vmem_shared>>) offsets(%dma_start3A_614 : memref<128xi32, #tpu.memory_space<vmem>>) semaphore(%dma_start3A_619 : memref<!tpu.dma_semaphore, #tpu.memory_space<semaphore_mem>>) {add = true}
      %dma_wait3A_620 = arith.constant 0 : i32
      %dma_wait3A_621 = arith.constant 2 : i32
      %dma_wait3A_622 = arith.constant 0 : i32
      %dma_wait3A_623 = arith.constant 0 : i32
      %dma_wait3A_624 = arith.constant 0 : i32
      %dma_wait3A_625 = tpu.memref_slice %arg11[%dma_wait3A_620, %dma_wait3A_623, %dma_wait3A_624] : memref<2x128x128xf32, #tpu.memory_space<vmem>> -> memref<1x128x128xf32, #tpu.memory_space<vmem>>
      %dma_wait3A_626 = tpu.memref_squeeze %dma_wait3A_625 : memref<1x128x128xf32, #tpu.memory_space<vmem>> -> memref<128x128xf32, #tpu.memory_space<vmem>>
      %dma_wait3A_627 = arith.constant 0 : i32
      %dma_wait3A_628 = tpu.memref_slice %arg10[%dma_wait3A_621, %dma_wait3A_627] : memref<8x128xi32, #tpu.memory_space<vmem>> -> memref<1x128xi32, #tpu.memory_space<vmem>>
      %dma_wait3A_629 = tpu.memref_squeeze %dma_wait3A_628 : memref<1x128xi32, #tpu.memory_space<vmem>> -> memref<128xi32, #tpu.memory_space<vmem>>
      %dma_wait3A_630 = arith.constant 0 : i32
      %dma_wait3A_631 = arith.constant 0 : i32
      %dma_wait3A_632 = tpu.memref_slice %arg14[%dma_wait3A_630, %dma_wait3A_631] : memref<10112x128xf32, #tpu.memory_space<vmem_shared>> -> memref<10112x128xf32, #tpu.memory_space<vmem_shared>>
      %dma_wait3A_633 = tpu.memref_slice %arg13[%dma_wait3A_622] : memref<2x!tpu.dma_semaphore, #tpu.memory_space<semaphore_mem>> -> memref<1x!tpu.dma_semaphore, #tpu.memory_space<semaphore_mem>>
      %dma_wait3A_634 = tpu.memref_squeeze %dma_wait3A_633 : memref<1x!tpu.dma_semaphore, #tpu.memory_space<semaphore_mem>> -> memref<!tpu.dma_semaphore, #tpu.memory_space<semaphore_mem>>
      tpu.wait_indirect_dma semaphore(%dma_wait3A_634 : memref<!tpu.dma_semaphore, #tpu.memory_space<semaphore_mem>>) src(%dma_wait3A_626 : memref<128x128xf32, #tpu.memory_space<vmem>>) dst(%dma_wait3A_632 : memref<10112x128xf32, #tpu.memory_space<vmem_shared>>)
      %dma_start3A_635 = arith.constant 2 : i32
      %dma_start3A_636 = arith.constant 0 : i32
      %dma_start3A_637 = arith.constant 0 : i32
      %dma_start3A_638 = arith.constant 0 : i32
      %dma_start3A_639 = arith.constant 0 : i32
      %dma_start3A_640 = tpu.memref_slice %arg11[%dma_start3A_636, %dma_start3A_638, %dma_start3A_639] : memref<2x128x128xf32, #tpu.memory_space<vmem>> -> memref<1x128x128xf32, #tpu.memory_space<vmem>>
      %dma_start3A_641 = tpu.memref_squeeze %dma_start3A_640 : memref<1x128x128xf32, #tpu.memory_space<vmem>> -> memref<128x128xf32, #tpu.memory_space<vmem>>
      %dma_start3A_642 = arith.constant 0 : i32
      %dma_start3A_643 = tpu.memref_slice %arg9[%dma_start3A_635, %dma_start3A_642] : memref<8x128xi32, #tpu.memory_space<vmem>> -> memref<1x128xi32, #tpu.memory_space<vmem>>
      %dma_start3A_644 = tpu.memref_squeeze %dma_start3A_643 : memref<1x128xi32, #tpu.memory_space<vmem>> -> memref<128xi32, #tpu.memory_space<vmem>>
      %dma_start3A_645 = arith.constant 0 : i32
      %dma_start3A_646 = arith.constant 0 : i32
      %dma_start3A_647 = tpu.memref_slice %arg2[%dma_start3A_645, %dma_start3A_646] : memref<10000x128xf32, #tpu.memory_space<hbm>> -> memref<10000x128xf32, #tpu.memory_space<hbm>>
      %dma_start3A_648 = tpu.memref_slice %arg12[%dma_start3A_637] : memref<2x!tpu.dma_semaphore, #tpu.memory_space<semaphore_mem>> -> memref<1x!tpu.dma_semaphore, #tpu.memory_space<semaphore_mem>>
      %dma_start3A_649 = tpu.memref_squeeze %dma_start3A_648 : memref<1x!tpu.dma_semaphore, #tpu.memory_space<semaphore_mem>> -> memref<!tpu.dma_semaphore, #tpu.memory_space<semaphore_mem>>
      tpu.enqueue_indirect_dma source(%dma_start3A_647 : memref<10000x128xf32, #tpu.memory_space<hbm>>) target(%dma_start3A_641 : memref<128x128xf32, #tpu.memory_space<vmem>>) offsets(%dma_start3A_644 : memref<128xi32, #tpu.memory_space<vmem>>) semaphore(%dma_start3A_649 : memref<!tpu.dma_semaphore, #tpu.memory_space<semaphore_mem>>)
      %dma_wait3A_650 = arith.constant 2 : i32
      %dma_wait3A_651 = arith.constant 0 : i32
      %dma_wait3A_652 = arith.constant 0 : i32
      %dma_wait3A_653 = arith.constant 0 : i32
      %dma_wait3A_654 = arith.constant 0 : i32
      %dma_wait3A_655 = tpu.memref_slice %arg11[%dma_wait3A_651, %dma_wait3A_653, %dma_wait3A_654] : memref<2x128x128xf32, #tpu.memory_space<vmem>> -> memref<1x128x128xf32, #tpu.memory_space<vmem>>
      %dma_wait3A_656 = tpu.memref_squeeze %dma_wait3A_655 : memref<1x128x128xf32, #tpu.memory_space<vmem>> -> memref<128x128xf32, #tpu.memory_space<vmem>>
      %dma_wait3A_657 = arith.constant 0 : i32
      %dma_wait3A_658 = tpu.memref_slice %arg9[%dma_wait3A_650, %dma_wait3A_657] : memref<8x128xi32, #tpu.memory_space<vmem>> -> memref<1x128xi32, #tpu.memory_space<vmem>>
      %dma_wait3A_659 = tpu.memref_squeeze %dma_wait3A_658 : memref<1x128xi32, #tpu.memory_space<vmem>> -> memref<128xi32, #tpu.memory_space<vmem>>
      %dma_wait3A_660 = arith.constant 0 : i32
      %dma_wait3A_661 = arith.constant 0 : i32
      %dma_wait3A_662 = tpu.memref_slice %arg2[%dma_wait3A_660, %dma_wait3A_661] : memref<10000x128xf32, #tpu.memory_space<hbm>> -> memref<10000x128xf32, #tpu.memory_space<hbm>>
      %dma_wait3A_663 = tpu.memref_slice %arg12[%dma_wait3A_652] : memref<2x!tpu.dma_semaphore, #tpu.memory_space<semaphore_mem>> -> memref<1x!tpu.dma_semaphore, #tpu.memory_space<semaphore_mem>>
      %dma_wait3A_664 = tpu.memref_squeeze %dma_wait3A_663 : memref<1x!tpu.dma_semaphore, #tpu.memory_space<semaphore_mem>> -> memref<!tpu.dma_semaphore, #tpu.memory_space<semaphore_mem>>
      tpu.wait_indirect_dma semaphore(%dma_wait3A_664 : memref<!tpu.dma_semaphore, #tpu.memory_space<semaphore_mem>>) src(%dma_wait3A_662 : memref<10000x128xf32, #tpu.memory_space<hbm>>) dst(%dma_wait3A_656 : memref<128x128xf32, #tpu.memory_space<vmem>>)
      %dma_start3A_665 = arith.constant 0 : i32
      %dma_start3A_666 = arith.constant 2 : i32
      %dma_start3A_667 = arith.constant 0 : i32
      %dma_start3A_668 = arith.constant 0 : i32
      %dma_start3A_669 = arith.constant 0 : i32
      %dma_start3A_670 = tpu.memref_slice %arg11[%dma_start3A_665, %dma_start3A_668, %dma_start3A_669] : memref<2x128x128xf32, #tpu.memory_space<vmem>> -> memref<1x128x128xf32, #tpu.memory_space<vmem>>
      %dma_start3A_671 = tpu.memref_squeeze %dma_start3A_670 : memref<1x128x128xf32, #tpu.memory_space<vmem>> -> memref<128x128xf32, #tpu.memory_space<vmem>>
      %dma_start3A_672 = arith.constant 0 : i32
      %dma_start3A_673 = tpu.memref_slice %arg10[%dma_start3A_666, %dma_start3A_672] : memref<8x128xi32, #tpu.memory_space<vmem>> -> memref<1x128xi32, #tpu.memory_space<vmem>>
      %dma_start3A_674 = tpu.memref_squeeze %dma_start3A_673 : memref<1x128xi32, #tpu.memory_space<vmem>> -> memref<128xi32, #tpu.memory_space<vmem>>
      %dma_start3A_675 = arith.constant 0 : i32
      %dma_start3A_676 = arith.constant 0 : i32
      %dma_start3A_677 = tpu.memref_slice %arg14[%dma_start3A_675, %dma_start3A_676] : memref<10112x128xf32, #tpu.memory_space<vmem_shared>> -> memref<10112x128xf32, #tpu.memory_space<vmem_shared>>
      %dma_start3A_678 = tpu.memref_slice %arg13[%dma_start3A_667] : memref<2x!tpu.dma_semaphore, #tpu.memory_space<semaphore_mem>> -> memref<1x!tpu.dma_semaphore, #tpu.memory_space<semaphore_mem>>
      %dma_start3A_679 = tpu.memref_squeeze %dma_start3A_678 : memref<1x!tpu.dma_semaphore, #tpu.memory_space<semaphore_mem>> -> memref<!tpu.dma_semaphore, #tpu.memory_space<semaphore_mem>>
      tpu.enqueue_indirect_dma source(%dma_start3A_671 : memref<128x128xf32, #tpu.memory_space<vmem>>) target(%dma_start3A_677 : memref<10112x128xf32, #tpu.memory_space<vmem_shared>>) offsets(%dma_start3A_674 : memref<128xi32, #tpu.memory_space<vmem>>) semaphore(%dma_start3A_679 : memref<!tpu.dma_semaphore, #tpu.memory_space<semaphore_mem>>) {add = true}
      %dma_wait3A_680 = arith.constant 1 : i32
      %dma_wait3A_681 = arith.constant 3 : i32
      %dma_wait3A_682 = arith.constant 1 : i32
      %dma_wait3A_683 = arith.constant 0 : i32
      %dma_wait3A_684 = arith.constant 0 : i32
      %dma_wait3A_685 = tpu.memref_slice %arg11[%dma_wait3A_680, %dma_wait3A_683, %dma_wait3A_684] : memref<2x128x128xf32, #tpu.memory_space<vmem>> -> memref<1x128x128xf32, #tpu.memory_space<vmem>>
      %dma_wait3A_686 = tpu.memref_squeeze %dma_wait3A_685 : memref<1x128x128xf32, #tpu.memory_space<vmem>> -> memref<128x128xf32, #tpu.memory_space<vmem>>
      %dma_wait3A_687 = arith.constant 0 : i32
      %dma_wait3A_688 = tpu.memref_slice %arg10[%dma_wait3A_681, %dma_wait3A_687] : memref<8x128xi32, #tpu.memory_space<vmem>> -> memref<1x128xi32, #tpu.memory_space<vmem>>
      %dma_wait3A_689 = tpu.memref_squeeze %dma_wait3A_688 : memref<1x128xi32, #tpu.memory_space<vmem>> -> memref<128xi32, #tpu.memory_space<vmem>>
      %dma_wait3A_690 = arith.constant 0 : i32
      %dma_wait3A_691 = arith.constant 0 : i32
      %dma_wait3A_692 = tpu.memref_slice %arg14[%dma_wait3A_690, %dma_wait3A_691] : memref<10112x128xf32, #tpu.memory_space<vmem_shared>> -> memref<10112x128xf32, #tpu.memory_space<vmem_shared>>
      %dma_wait3A_693 = tpu.memref_slice %arg13[%dma_wait3A_682] : memref<2x!tpu.dma_semaphore, #tpu.memory_space<semaphore_mem>> -> memref<1x!tpu.dma_semaphore, #tpu.memory_space<semaphore_mem>>
      %dma_wait3A_694 = tpu.memref_squeeze %dma_wait3A_693 : memref<1x!tpu.dma_semaphore, #tpu.memory_space<semaphore_mem>> -> memref<!tpu.dma_semaphore, #tpu.memory_space<semaphore_mem>>
      tpu.wait_indirect_dma semaphore(%dma_wait3A_694 : memref<!tpu.dma_semaphore, #tpu.memory_space<semaphore_mem>>) src(%dma_wait3A_686 : memref<128x128xf32, #tpu.memory_space<vmem>>) dst(%dma_wait3A_692 : memref<10112x128xf32, #tpu.memory_space<vmem_shared>>)
      %dma_start3A_695 = arith.constant 3 : i32
      %dma_start3A_696 = arith.constant 1 : i32
      %dma_start3A_697 = arith.constant 1 : i32
      %dma_start3A_698 = arith.constant 0 : i32
      %dma_start3A_699 = arith.constant 0 : i32
      %dma_start3A_700 = tpu.memref_slice %arg11[%dma_start3A_696, %dma_start3A_698, %dma_start3A_699] : memref<2x128x128xf32, #tpu.memory_space<vmem>> -> memref<1x128x128xf32, #tpu.memory_space<vmem>>
      %dma_start3A_701 = tpu.memref_squeeze %dma_start3A_700 : memref<1x128x128xf32, #tpu.memory_space<vmem>> -> memref<128x128xf32, #tpu.memory_space<vmem>>
      %dma_start3A_702 = arith.constant 0 : i32
      %dma_start3A_703 = tpu.memref_slice %arg9[%dma_start3A_695, %dma_start3A_702] : memref<8x128xi32, #tpu.memory_space<vmem>> -> memref<1x128xi32, #tpu.memory_space<vmem>>
      %dma_start3A_704 = tpu.memref_squeeze %dma_start3A_703 : memref<1x128xi32, #tpu.memory_space<vmem>> -> memref<128xi32, #tpu.memory_space<vmem>>
      %dma_start3A_705 = arith.constant 0 : i32
      %dma_start3A_706 = arith.constant 0 : i32
      %dma_start3A_707 = tpu.memref_slice %arg2[%dma_start3A_705, %dma_start3A_706] : memref<10000x128xf32, #tpu.memory_space<hbm>> -> memref<10000x128xf32, #tpu.memory_space<hbm>>
      %dma_start3A_708 = tpu.memref_slice %arg12[%dma_start3A_697] : memref<2x!tpu.dma_semaphore, #tpu.memory_space<semaphore_mem>> -> memref<1x!tpu.dma_semaphore, #tpu.memory_space<semaphore_mem>>
      %dma_start3A_709 = tpu.memref_squeeze %dma_start3A_708 : memref<1x!tpu.dma_semaphore, #tpu.memory_space<semaphore_mem>> -> memref<!tpu.dma_semaphore, #tpu.memory_space<semaphore_mem>>
      tpu.enqueue_indirect_dma source(%dma_start3A_707 : memref<10000x128xf32, #tpu.memory_space<hbm>>) target(%dma_start3A_701 : memref<128x128xf32, #tpu.memory_space<vmem>>) offsets(%dma_start3A_704 : memref<128xi32, #tpu.memory_space<vmem>>) semaphore(%dma_start3A_709 : memref<!tpu.dma_semaphore, #tpu.memory_space<semaphore_mem>>)
      %dma_wait3A_710 = arith.constant 3 : i32
      %dma_wait3A_711 = arith.constant 1 : i32
      %dma_wait3A_712 = arith.constant 1 : i32
      %dma_wait3A_713 = arith.constant 0 : i32
      %dma_wait3A_714 = arith.constant 0 : i32
      %dma_wait3A_715 = tpu.memref_slice %arg11[%dma_wait3A_711, %dma_wait3A_713, %dma_wait3A_714] : memref<2x128x128xf32, #tpu.memory_space<vmem>> -> memref<1x128x128xf32, #tpu.memory_space<vmem>>
      %dma_wait3A_716 = tpu.memref_squeeze %dma_wait3A_715 : memref<1x128x128xf32, #tpu.memory_space<vmem>> -> memref<128x128xf32, #tpu.memory_space<vmem>>
      %dma_wait3A_717 = arith.constant 0 : i32
      %dma_wait3A_718 = tpu.memref_slice %arg9[%dma_wait3A_710, %dma_wait3A_717] : memref<8x128xi32, #tpu.memory_space<vmem>> -> memref<1x128xi32, #tpu.memory_space<vmem>>
      %dma_wait3A_719 = tpu.memref_squeeze %dma_wait3A_718 : memref<1x128xi32, #tpu.memory_space<vmem>> -> memref<128xi32, #tpu.memory_space<vmem>>
      %dma_wait3A_720 = arith.constant 0 : i32
      %dma_wait3A_721 = arith.constant 0 : i32
      %dma_wait3A_722 = tpu.memref_slice %arg2[%dma_wait3A_720, %dma_wait3A_721] : memref<10000x128xf32, #tpu.memory_space<hbm>> -> memref<10000x128xf32, #tpu.memory_space<hbm>>
      %dma_wait3A_723 = tpu.memref_slice %arg12[%dma_wait3A_712] : memref<2x!tpu.dma_semaphore, #tpu.memory_space<semaphore_mem>> -> memref<1x!tpu.dma_semaphore, #tpu.memory_space<semaphore_mem>>
      %dma_wait3A_724 = tpu.memref_squeeze %dma_wait3A_723 : memref<1x!tpu.dma_semaphore, #tpu.memory_space<semaphore_mem>> -> memref<!tpu.dma_semaphore, #tpu.memory_space<semaphore_mem>>
      tpu.wait_indirect_dma semaphore(%dma_wait3A_724 : memref<!tpu.dma_semaphore, #tpu.memory_space<semaphore_mem>>) src(%dma_wait3A_722 : memref<10000x128xf32, #tpu.memory_space<hbm>>) dst(%dma_wait3A_716 : memref<128x128xf32, #tpu.memory_space<vmem>>)
      %dma_start3A_725 = arith.constant 1 : i32
      %dma_start3A_726 = arith.constant 3 : i32
      %dma_start3A_727 = arith.constant 1 : i32
      %dma_start3A_728 = arith.constant 0 : i32
      %dma_start3A_729 = arith.constant 0 : i32
      %dma_start3A_730 = tpu.memref_slice %arg11[%dma_start3A_725, %dma_start3A_728, %dma_start3A_729] : memref<2x128x128xf32, #tpu.memory_space<vmem>> -> memref<1x128x128xf32, #tpu.memory_space<vmem>>
      %dma_start3A_731 = tpu.memref_squeeze %dma_start3A_730 : memref<1x128x128xf32, #tpu.memory_space<vmem>> -> memref<128x128xf32, #tpu.memory_space<vmem>>
      %dma_start3A_732 = arith.constant 0 : i32
      %dma_start3A_733 = tpu.memref_slice %arg10[%dma_start3A_726, %dma_start3A_732] : memref<8x128xi32, #tpu.memory_space<vmem>> -> memref<1x128xi32, #tpu.memory_space<vmem>>
      %dma_start3A_734 = tpu.memref_squeeze %dma_start3A_733 : memref<1x128xi32, #tpu.memory_space<vmem>> -> memref<128xi32, #tpu.memory_space<vmem>>
      %dma_start3A_735 = arith.constant 0 : i32
      %dma_start3A_736 = arith.constant 0 : i32
      %dma_start3A_737 = tpu.memref_slice %arg14[%dma_start3A_735, %dma_start3A_736] : memref<10112x128xf32, #tpu.memory_space<vmem_shared>> -> memref<10112x128xf32, #tpu.memory_space<vmem_shared>>
      %dma_start3A_738 = tpu.memref_slice %arg13[%dma_start3A_727] : memref<2x!tpu.dma_semaphore, #tpu.memory_space<semaphore_mem>> -> memref<1x!tpu.dma_semaphore, #tpu.memory_space<semaphore_mem>>
      %dma_start3A_739 = tpu.memref_squeeze %dma_start3A_738 : memref<1x!tpu.dma_semaphore, #tpu.memory_space<semaphore_mem>> -> memref<!tpu.dma_semaphore, #tpu.memory_space<semaphore_mem>>
      tpu.enqueue_indirect_dma source(%dma_start3A_731 : memref<128x128xf32, #tpu.memory_space<vmem>>) target(%dma_start3A_737 : memref<10112x128xf32, #tpu.memory_space<vmem_shared>>) offsets(%dma_start3A_734 : memref<128xi32, #tpu.memory_space<vmem>>) semaphore(%dma_start3A_739 : memref<!tpu.dma_semaphore, #tpu.memory_space<semaphore_mem>>) {add = true}
      %dma_wait3A_740 = arith.constant 0 : i32
      %dma_wait3A_741 = arith.constant 4 : i32
      %dma_wait3A_742 = arith.constant 0 : i32
      %dma_wait3A_743 = arith.constant 0 : i32
      %dma_wait3A_744 = arith.constant 0 : i32
      %dma_wait3A_745 = tpu.memref_slice %arg11[%dma_wait3A_740, %dma_wait3A_743, %dma_wait3A_744] : memref<2x128x128xf32, #tpu.memory_space<vmem>> -> memref<1x128x128xf32, #tpu.memory_space<vmem>>
      %dma_wait3A_746 = tpu.memref_squeeze %dma_wait3A_745 : memref<1x128x128xf32, #tpu.memory_space<vmem>> -> memref<128x128xf32, #tpu.memory_space<vmem>>
      %dma_wait3A_747 = arith.constant 0 : i32
      %dma_wait3A_748 = tpu.memref_slice %arg10[%dma_wait3A_741, %dma_wait3A_747] : memref<8x128xi32, #tpu.memory_space<vmem>> -> memref<1x128xi32, #tpu.memory_space<vmem>>
      %dma_wait3A_749 = tpu.memref_squeeze %dma_wait3A_748 : memref<1x128xi32, #tpu.memory_space<vmem>> -> memref<128xi32, #tpu.memory_space<vmem>>
      %dma_wait3A_750 = arith.constant 0 : i32
      %dma_wait3A_751 = arith.constant 0 : i32
      %dma_wait3A_752 = tpu.memref_slice %arg14[%dma_wait3A_750, %dma_wait3A_751] : memref<10112x128xf32, #tpu.memory_space<vmem_shared>> -> memref<10112x128xf32, #tpu.memory_space<vmem_shared>>
      %dma_wait3A_753 = tpu.memref_slice %arg13[%dma_wait3A_742] : memref<2x!tpu.dma_semaphore, #tpu.memory_space<semaphore_mem>> -> memref<1x!tpu.dma_semaphore, #tpu.memory_space<semaphore_mem>>
      %dma_wait3A_754 = tpu.memref_squeeze %dma_wait3A_753 : memref<1x!tpu.dma_semaphore, #tpu.memory_space<semaphore_mem>> -> memref<!tpu.dma_semaphore, #tpu.memory_space<semaphore_mem>>
      tpu.wait_indirect_dma semaphore(%dma_wait3A_754 : memref<!tpu.dma_semaphore, #tpu.memory_space<semaphore_mem>>) src(%dma_wait3A_746 : memref<128x128xf32, #tpu.memory_space<vmem>>) dst(%dma_wait3A_752 : memref<10112x128xf32, #tpu.memory_space<vmem_shared>>)
      %dma_start3A_755 = arith.constant 4 : i32
      %dma_start3A_756 = arith.constant 0 : i32
      %dma_start3A_757 = arith.constant 0 : i32
      %dma_start3A_758 = arith.constant 0 : i32
      %dma_start3A_759 = arith.constant 0 : i32
      %dma_start3A_760 = tpu.memref_slice %arg11[%dma_start3A_756, %dma_start3A_758, %dma_start3A_759] : memref<2x128x128xf32, #tpu.memory_space<vmem>> -> memref<1x128x128xf32, #tpu.memory_space<vmem>>
      %dma_start3A_761 = tpu.memref_squeeze %dma_start3A_760 : memref<1x128x128xf32, #tpu.memory_space<vmem>> -> memref<128x128xf32, #tpu.memory_space<vmem>>
      %dma_start3A_762 = arith.constant 0 : i32
      %dma_start3A_763 = tpu.memref_slice %arg9[%dma_start3A_755, %dma_start3A_762] : memref<8x128xi32, #tpu.memory_space<vmem>> -> memref<1x128xi32, #tpu.memory_space<vmem>>
      %dma_start3A_764 = tpu.memref_squeeze %dma_start3A_763 : memref<1x128xi32, #tpu.memory_space<vmem>> -> memref<128xi32, #tpu.memory_space<vmem>>
      %dma_start3A_765 = arith.constant 0 : i32
      %dma_start3A_766 = arith.constant 0 : i32
      %dma_start3A_767 = tpu.memref_slice %arg2[%dma_start3A_765, %dma_start3A_766] : memref<10000x128xf32, #tpu.memory_space<hbm>> -> memref<10000x128xf32, #tpu.memory_space<hbm>>
      %dma_start3A_768 = tpu.memref_slice %arg12[%dma_start3A_757] : memref<2x!tpu.dma_semaphore, #tpu.memory_space<semaphore_mem>> -> memref<1x!tpu.dma_semaphore, #tpu.memory_space<semaphore_mem>>
      %dma_start3A_769 = tpu.memref_squeeze %dma_start3A_768 : memref<1x!tpu.dma_semaphore, #tpu.memory_space<semaphore_mem>> -> memref<!tpu.dma_semaphore, #tpu.memory_space<semaphore_mem>>
      tpu.enqueue_indirect_dma source(%dma_start3A_767 : memref<10000x128xf32, #tpu.memory_space<hbm>>) target(%dma_start3A_761 : memref<128x128xf32, #tpu.memory_space<vmem>>) offsets(%dma_start3A_764 : memref<128xi32, #tpu.memory_space<vmem>>) semaphore(%dma_start3A_769 : memref<!tpu.dma_semaphore, #tpu.memory_space<semaphore_mem>>)
      %dma_wait3A_770 = arith.constant 4 : i32
      %dma_wait3A_771 = arith.constant 0 : i32
      %dma_wait3A_772 = arith.constant 0 : i32
      %dma_wait3A_773 = arith.constant 0 : i32
      %dma_wait3A_774 = arith.constant 0 : i32
      %dma_wait3A_775 = tpu.memref_slice %arg11[%dma_wait3A_771, %dma_wait3A_773, %dma_wait3A_774] : memref<2x128x128xf32, #tpu.memory_space<vmem>> -> memref<1x128x128xf32, #tpu.memory_space<vmem>>
      %dma_wait3A_776 = tpu.memref_squeeze %dma_wait3A_775 : memref<1x128x128xf32, #tpu.memory_space<vmem>> -> memref<128x128xf32, #tpu.memory_space<vmem>>
      %dma_wait3A_777 = arith.constant 0 : i32
      %dma_wait3A_778 = tpu.memref_slice %arg9[%dma_wait3A_770, %dma_wait3A_777] : memref<8x128xi32, #tpu.memory_space<vmem>> -> memref<1x128xi32, #tpu.memory_space<vmem>>
      %dma_wait3A_779 = tpu.memref_squeeze %dma_wait3A_778 : memref<1x128xi32, #tpu.memory_space<vmem>> -> memref<128xi32, #tpu.memory_space<vmem>>
      %dma_wait3A_780 = arith.constant 0 : i32
      %dma_wait3A_781 = arith.constant 0 : i32
      %dma_wait3A_782 = tpu.memref_slice %arg2[%dma_wait3A_780, %dma_wait3A_781] : memref<10000x128xf32, #tpu.memory_space<hbm>> -> memref<10000x128xf32, #tpu.memory_space<hbm>>
      %dma_wait3A_783 = tpu.memref_slice %arg12[%dma_wait3A_772] : memref<2x!tpu.dma_semaphore, #tpu.memory_space<semaphore_mem>> -> memref<1x!tpu.dma_semaphore, #tpu.memory_space<semaphore_mem>>
      %dma_wait3A_784 = tpu.memref_squeeze %dma_wait3A_783 : memref<1x!tpu.dma_semaphore, #tpu.memory_space<semaphore_mem>> -> memref<!tpu.dma_semaphore, #tpu.memory_space<semaphore_mem>>
      tpu.wait_indirect_dma semaphore(%dma_wait3A_784 : memref<!tpu.dma_semaphore, #tpu.memory_space<semaphore_mem>>) src(%dma_wait3A_782 : memref<10000x128xf32, #tpu.memory_space<hbm>>) dst(%dma_wait3A_776 : memref<128x128xf32, #tpu.memory_space<vmem>>)
      %dma_start3A_785 = arith.constant 0 : i32
      %dma_start3A_786 = arith.constant 4 : i32
      %dma_start3A_787 = arith.constant 0 : i32
      %dma_start3A_788 = arith.constant 0 : i32
      %dma_start3A_789 = arith.constant 0 : i32
      %dma_start3A_790 = tpu.memref_slice %arg11[%dma_start3A_785, %dma_start3A_788, %dma_start3A_789] : memref<2x128x128xf32, #tpu.memory_space<vmem>> -> memref<1x128x128xf32, #tpu.memory_space<vmem>>
      %dma_start3A_791 = tpu.memref_squeeze %dma_start3A_790 : memref<1x128x128xf32, #tpu.memory_space<vmem>> -> memref<128x128xf32, #tpu.memory_space<vmem>>
      %dma_start3A_792 = arith.constant 0 : i32
      %dma_start3A_793 = tpu.memref_slice %arg10[%dma_start3A_786, %dma_start3A_792] : memref<8x128xi32, #tpu.memory_space<vmem>> -> memref<1x128xi32, #tpu.memory_space<vmem>>
      %dma_start3A_794 = tpu.memref_squeeze %dma_start3A_793 : memref<1x128xi32, #tpu.memory_space<vmem>> -> memref<128xi32, #tpu.memory_space<vmem>>
      %dma_start3A_795 = arith.constant 0 : i32
      %dma_start3A_796 = arith.constant 0 : i32
      %dma_start3A_797 = tpu.memref_slice %arg14[%dma_start3A_795, %dma_start3A_796] : memref<10112x128xf32, #tpu.memory_space<vmem_shared>> -> memref<10112x128xf32, #tpu.memory_space<vmem_shared>>
      %dma_start3A_798 = tpu.memref_slice %arg13[%dma_start3A_787] : memref<2x!tpu.dma_semaphore, #tpu.memory_space<semaphore_mem>> -> memref<1x!tpu.dma_semaphore, #tpu.memory_space<semaphore_mem>>
      %dma_start3A_799 = tpu.memref_squeeze %dma_start3A_798 : memref<1x!tpu.dma_semaphore, #tpu.memory_space<semaphore_mem>> -> memref<!tpu.dma_semaphore, #tpu.memory_space<semaphore_mem>>
      tpu.enqueue_indirect_dma source(%dma_start3A_791 : memref<128x128xf32, #tpu.memory_space<vmem>>) target(%dma_start3A_797 : memref<10112x128xf32, #tpu.memory_space<vmem_shared>>) offsets(%dma_start3A_794 : memref<128xi32, #tpu.memory_space<vmem>>) semaphore(%dma_start3A_799 : memref<!tpu.dma_semaphore, #tpu.memory_space<semaphore_mem>>) {add = true}
      %dma_wait3A_800 = arith.constant 1 : i32
      %dma_wait3A_801 = arith.constant 5 : i32
      %dma_wait3A_802 = arith.constant 1 : i32
      %dma_wait3A_803 = arith.constant 0 : i32
      %dma_wait3A_804 = arith.constant 0 : i32
      %dma_wait3A_805 = tpu.memref_slice %arg11[%dma_wait3A_800, %dma_wait3A_803, %dma_wait3A_804] : memref<2x128x128xf32, #tpu.memory_space<vmem>> -> memref<1x128x128xf32, #tpu.memory_space<vmem>>
      %dma_wait3A_806 = tpu.memref_squeeze %dma_wait3A_805 : memref<1x128x128xf32, #tpu.memory_space<vmem>> -> memref<128x128xf32, #tpu.memory_space<vmem>>
      %dma_wait3A_807 = arith.constant 0 : i32
      %dma_wait3A_808 = tpu.memref_slice %arg10[%dma_wait3A_801, %dma_wait3A_807] : memref<8x128xi32, #tpu.memory_space<vmem>> -> memref<1x128xi32, #tpu.memory_space<vmem>>
      %dma_wait3A_809 = tpu.memref_squeeze %dma_wait3A_808 : memref<1x128xi32, #tpu.memory_space<vmem>> -> memref<128xi32, #tpu.memory_space<vmem>>
      %dma_wait3A_810 = arith.constant 0 : i32
      %dma_wait3A_811 = arith.constant 0 : i32
      %dma_wait3A_812 = tpu.memref_slice %arg14[%dma_wait3A_810, %dma_wait3A_811] : memref<10112x128xf32, #tpu.memory_space<vmem_shared>> -> memref<10112x128xf32, #tpu.memory_space<vmem_shared>>
      %dma_wait3A_813 = tpu.memref_slice %arg13[%dma_wait3A_802] : memref<2x!tpu.dma_semaphore, #tpu.memory_space<semaphore_mem>> -> memref<1x!tpu.dma_semaphore, #tpu.memory_space<semaphore_mem>>
      %dma_wait3A_814 = tpu.memref_squeeze %dma_wait3A_813 : memref<1x!tpu.dma_semaphore, #tpu.memory_space<semaphore_mem>> -> memref<!tpu.dma_semaphore, #tpu.memory_space<semaphore_mem>>
      tpu.wait_indirect_dma semaphore(%dma_wait3A_814 : memref<!tpu.dma_semaphore, #tpu.memory_space<semaphore_mem>>) src(%dma_wait3A_806 : memref<128x128xf32, #tpu.memory_space<vmem>>) dst(%dma_wait3A_812 : memref<10112x128xf32, #tpu.memory_space<vmem_shared>>)
      %dma_start3A_815 = arith.constant 5 : i32
      %dma_start3A_816 = arith.constant 1 : i32
      %dma_start3A_817 = arith.constant 1 : i32
      %dma_start3A_818 = arith.constant 0 : i32
      %dma_start3A_819 = arith.constant 0 : i32
      %dma_start3A_820 = tpu.memref_slice %arg11[%dma_start3A_816, %dma_start3A_818, %dma_start3A_819] : memref<2x128x128xf32, #tpu.memory_space<vmem>> -> memref<1x128x128xf32, #tpu.memory_space<vmem>>
      %dma_start3A_821 = tpu.memref_squeeze %dma_start3A_820 : memref<1x128x128xf32, #tpu.memory_space<vmem>> -> memref<128x128xf32, #tpu.memory_space<vmem>>
      %dma_start3A_822 = arith.constant 0 : i32
      %dma_start3A_823 = tpu.memref_slice %arg9[%dma_start3A_815, %dma_start3A_822] : memref<8x128xi32, #tpu.memory_space<vmem>> -> memref<1x128xi32, #tpu.memory_space<vmem>>
      %dma_start3A_824 = tpu.memref_squeeze %dma_start3A_823 : memref<1x128xi32, #tpu.memory_space<vmem>> -> memref<128xi32, #tpu.memory_space<vmem>>
      %dma_start3A_825 = arith.constant 0 : i32
      %dma_start3A_826 = arith.constant 0 : i32
      %dma_start3A_827 = tpu.memref_slice %arg2[%dma_start3A_825, %dma_start3A_826] : memref<10000x128xf32, #tpu.memory_space<hbm>> -> memref<10000x128xf32, #tpu.memory_space<hbm>>
      %dma_start3A_828 = tpu.memref_slice %arg12[%dma_start3A_817] : memref<2x!tpu.dma_semaphore, #tpu.memory_space<semaphore_mem>> -> memref<1x!tpu.dma_semaphore, #tpu.memory_space<semaphore_mem>>
      %dma_start3A_829 = tpu.memref_squeeze %dma_start3A_828 : memref<1x!tpu.dma_semaphore, #tpu.memory_space<semaphore_mem>> -> memref<!tpu.dma_semaphore, #tpu.memory_space<semaphore_mem>>
      tpu.enqueue_indirect_dma source(%dma_start3A_827 : memref<10000x128xf32, #tpu.memory_space<hbm>>) target(%dma_start3A_821 : memref<128x128xf32, #tpu.memory_space<vmem>>) offsets(%dma_start3A_824 : memref<128xi32, #tpu.memory_space<vmem>>) semaphore(%dma_start3A_829 : memref<!tpu.dma_semaphore, #tpu.memory_space<semaphore_mem>>)
      %dma_wait3A_830 = arith.constant 5 : i32
      %dma_wait3A_831 = arith.constant 1 : i32
      %dma_wait3A_832 = arith.constant 1 : i32
      %dma_wait3A_833 = arith.constant 0 : i32
      %dma_wait3A_834 = arith.constant 0 : i32
      %dma_wait3A_835 = tpu.memref_slice %arg11[%dma_wait3A_831, %dma_wait3A_833, %dma_wait3A_834] : memref<2x128x128xf32, #tpu.memory_space<vmem>> -> memref<1x128x128xf32, #tpu.memory_space<vmem>>
      %dma_wait3A_836 = tpu.memref_squeeze %dma_wait3A_835 : memref<1x128x128xf32, #tpu.memory_space<vmem>> -> memref<128x128xf32, #tpu.memory_space<vmem>>
      %dma_wait3A_837 = arith.constant 0 : i32
      %dma_wait3A_838 = tpu.memref_slice %arg9[%dma_wait3A_830, %dma_wait3A_837] : memref<8x128xi32, #tpu.memory_space<vmem>> -> memref<1x128xi32, #tpu.memory_space<vmem>>
      %dma_wait3A_839 = tpu.memref_squeeze %dma_wait3A_838 : memref<1x128xi32, #tpu.memory_space<vmem>> -> memref<128xi32, #tpu.memory_space<vmem>>
      %dma_wait3A_840 = arith.constant 0 : i32
      %dma_wait3A_841 = arith.constant 0 : i32
      %dma_wait3A_842 = tpu.memref_slice %arg2[%dma_wait3A_840, %dma_wait3A_841] : memref<10000x128xf32, #tpu.memory_space<hbm>> -> memref<10000x128xf32, #tpu.memory_space<hbm>>
      %dma_wait3A_843 = tpu.memref_slice %arg12[%dma_wait3A_832] : memref<2x!tpu.dma_semaphore, #tpu.memory_space<semaphore_mem>> -> memref<1x!tpu.dma_semaphore, #tpu.memory_space<semaphore_mem>>
      %dma_wait3A_844 = tpu.memref_squeeze %dma_wait3A_843 : memref<1x!tpu.dma_semaphore, #tpu.memory_space<semaphore_mem>> -> memref<!tpu.dma_semaphore, #tpu.memory_space<semaphore_mem>>
      tpu.wait_indirect_dma semaphore(%dma_wait3A_844 : memref<!tpu.dma_semaphore, #tpu.memory_space<semaphore_mem>>) src(%dma_wait3A_842 : memref<10000x128xf32, #tpu.memory_space<hbm>>) dst(%dma_wait3A_836 : memref<128x128xf32, #tpu.memory_space<vmem>>)
      %dma_start3A_845 = arith.constant 1 : i32
      %dma_start3A_846 = arith.constant 5 : i32
      %dma_start3A_847 = arith.constant 1 : i32
      %dma_start3A_848 = arith.constant 0 : i32
      %dma_start3A_849 = arith.constant 0 : i32
      %dma_start3A_850 = tpu.memref_slice %arg11[%dma_start3A_845, %dma_start3A_848, %dma_start3A_849] : memref<2x128x128xf32, #tpu.memory_space<vmem>> -> memref<1x128x128xf32, #tpu.memory_space<vmem>>
      %dma_start3A_851 = tpu.memref_squeeze %dma_start3A_850 : memref<1x128x128xf32, #tpu.memory_space<vmem>> -> memref<128x128xf32, #tpu.memory_space<vmem>>
      %dma_start3A_852 = arith.constant 0 : i32
      %dma_start3A_853 = tpu.memref_slice %arg10[%dma_start3A_846, %dma_start3A_852] : memref<8x128xi32, #tpu.memory_space<vmem>> -> memref<1x128xi32, #tpu.memory_space<vmem>>
      %dma_start3A_854 = tpu.memref_squeeze %dma_start3A_853 : memref<1x128xi32, #tpu.memory_space<vmem>> -> memref<128xi32, #tpu.memory_space<vmem>>
      %dma_start3A_855 = arith.constant 0 : i32
      %dma_start3A_856 = arith.constant 0 : i32
      %dma_start3A_857 = tpu.memref_slice %arg14[%dma_start3A_855, %dma_start3A_856] : memref<10112x128xf32, #tpu.memory_space<vmem_shared>> -> memref<10112x128xf32, #tpu.memory_space<vmem_shared>>
      %dma_start3A_858 = tpu.memref_slice %arg13[%dma_start3A_847] : memref<2x!tpu.dma_semaphore, #tpu.memory_space<semaphore_mem>> -> memref<1x!tpu.dma_semaphore, #tpu.memory_space<semaphore_mem>>
      %dma_start3A_859 = tpu.memref_squeeze %dma_start3A_858 : memref<1x!tpu.dma_semaphore, #tpu.memory_space<semaphore_mem>> -> memref<!tpu.dma_semaphore, #tpu.memory_space<semaphore_mem>>
      tpu.enqueue_indirect_dma source(%dma_start3A_851 : memref<128x128xf32, #tpu.memory_space<vmem>>) target(%dma_start3A_857 : memref<10112x128xf32, #tpu.memory_space<vmem_shared>>) offsets(%dma_start3A_854 : memref<128xi32, #tpu.memory_space<vmem>>) semaphore(%dma_start3A_859 : memref<!tpu.dma_semaphore, #tpu.memory_space<semaphore_mem>>) {add = true}
      %dma_wait3A_860 = arith.constant 0 : i32
      %dma_wait3A_861 = arith.constant 6 : i32
      %dma_wait3A_862 = arith.constant 0 : i32
      %dma_wait3A_863 = arith.constant 0 : i32
      %dma_wait3A_864 = arith.constant 0 : i32
      %dma_wait3A_865 = tpu.memref_slice %arg11[%dma_wait3A_860, %dma_wait3A_863, %dma_wait3A_864] : memref<2x128x128xf32, #tpu.memory_space<vmem>> -> memref<1x128x128xf32, #tpu.memory_space<vmem>>
      %dma_wait3A_866 = tpu.memref_squeeze %dma_wait3A_865 : memref<1x128x128xf32, #tpu.memory_space<vmem>> -> memref<128x128xf32, #tpu.memory_space<vmem>>
      %dma_wait3A_867 = arith.constant 0 : i32
      %dma_wait3A_868 = tpu.memref_slice %arg10[%dma_wait3A_861, %dma_wait3A_867] : memref<8x128xi32, #tpu.memory_space<vmem>> -> memref<1x128xi32, #tpu.memory_space<vmem>>
      %dma_wait3A_869 = tpu.memref_squeeze %dma_wait3A_868 : memref<1x128xi32, #tpu.memory_space<vmem>> -> memref<128xi32, #tpu.memory_space<vmem>>
      %dma_wait3A_870 = arith.constant 0 : i32
      %dma_wait3A_871 = arith.constant 0 : i32
      %dma_wait3A_872 = tpu.memref_slice %arg14[%dma_wait3A_870, %dma_wait3A_871] : memref<10112x128xf32, #tpu.memory_space<vmem_shared>> -> memref<10112x128xf32, #tpu.memory_space<vmem_shared>>
      %dma_wait3A_873 = tpu.memref_slice %arg13[%dma_wait3A_862] : memref<2x!tpu.dma_semaphore, #tpu.memory_space<semaphore_mem>> -> memref<1x!tpu.dma_semaphore, #tpu.memory_space<semaphore_mem>>
      %dma_wait3A_874 = tpu.memref_squeeze %dma_wait3A_873 : memref<1x!tpu.dma_semaphore, #tpu.memory_space<semaphore_mem>> -> memref<!tpu.dma_semaphore, #tpu.memory_space<semaphore_mem>>
      tpu.wait_indirect_dma semaphore(%dma_wait3A_874 : memref<!tpu.dma_semaphore, #tpu.memory_space<semaphore_mem>>) src(%dma_wait3A_866 : memref<128x128xf32, #tpu.memory_space<vmem>>) dst(%dma_wait3A_872 : memref<10112x128xf32, #tpu.memory_space<vmem_shared>>)
      %dma_start3A_875 = arith.constant 6 : i32
      %dma_start3A_876 = arith.constant 0 : i32
      %dma_start3A_877 = arith.constant 0 : i32
      %dma_start3A_878 = arith.constant 0 : i32
      %dma_start3A_879 = arith.constant 0 : i32
      %dma_start3A_880 = tpu.memref_slice %arg11[%dma_start3A_876, %dma_start3A_878, %dma_start3A_879] : memref<2x128x128xf32, #tpu.memory_space<vmem>> -> memref<1x128x128xf32, #tpu.memory_space<vmem>>
      %dma_start3A_881 = tpu.memref_squeeze %dma_start3A_880 : memref<1x128x128xf32, #tpu.memory_space<vmem>> -> memref<128x128xf32, #tpu.memory_space<vmem>>
      %dma_start3A_882 = arith.constant 0 : i32
      %dma_start3A_883 = tpu.memref_slice %arg9[%dma_start3A_875, %dma_start3A_882] : memref<8x128xi32, #tpu.memory_space<vmem>> -> memref<1x128xi32, #tpu.memory_space<vmem>>
      %dma_start3A_884 = tpu.memref_squeeze %dma_start3A_883 : memref<1x128xi32, #tpu.memory_space<vmem>> -> memref<128xi32, #tpu.memory_space<vmem>>
      %dma_start3A_885 = arith.constant 0 : i32
      %dma_start3A_886 = arith.constant 0 : i32
      %dma_start3A_887 = tpu.memref_slice %arg2[%dma_start3A_885, %dma_start3A_886] : memref<10000x128xf32, #tpu.memory_space<hbm>> -> memref<10000x128xf32, #tpu.memory_space<hbm>>
      %dma_start3A_888 = tpu.memref_slice %arg12[%dma_start3A_877] : memref<2x!tpu.dma_semaphore, #tpu.memory_space<semaphore_mem>> -> memref<1x!tpu.dma_semaphore, #tpu.memory_space<semaphore_mem>>
      %dma_start3A_889 = tpu.memref_squeeze %dma_start3A_888 : memref<1x!tpu.dma_semaphore, #tpu.memory_space<semaphore_mem>> -> memref<!tpu.dma_semaphore, #tpu.memory_space<semaphore_mem>>
      tpu.enqueue_indirect_dma source(%dma_start3A_887 : memref<10000x128xf32, #tpu.memory_space<hbm>>) target(%dma_start3A_881 : memref<128x128xf32, #tpu.memory_space<vmem>>) offsets(%dma_start3A_884 : memref<128xi32, #tpu.memory_space<vmem>>) semaphore(%dma_start3A_889 : memref<!tpu.dma_semaphore, #tpu.memory_space<semaphore_mem>>)
      %dma_wait3A_890 = arith.constant 6 : i32
      %dma_wait3A_891 = arith.constant 0 : i32
      %dma_wait3A_892 = arith.constant 0 : i32
      %dma_wait3A_893 = arith.constant 0 : i32
      %dma_wait3A_894 = arith.constant 0 : i32
      %dma_wait3A_895 = tpu.memref_slice %arg11[%dma_wait3A_891, %dma_wait3A_893, %dma_wait3A_894] : memref<2x128x128xf32, #tpu.memory_space<vmem>> -> memref<1x128x128xf32, #tpu.memory_space<vmem>>
      %dma_wait3A_896 = tpu.memref_squeeze %dma_wait3A_895 : memref<1x128x128xf32, #tpu.memory_space<vmem>> -> memref<128x128xf32, #tpu.memory_space<vmem>>
      %dma_wait3A_897 = arith.constant 0 : i32
      %dma_wait3A_898 = tpu.memref_slice %arg9[%dma_wait3A_890, %dma_wait3A_897] : memref<8x128xi32, #tpu.memory_space<vmem>> -> memref<1x128xi32, #tpu.memory_space<vmem>>
      %dma_wait3A_899 = tpu.memref_squeeze %dma_wait3A_898 : memref<1x128xi32, #tpu.memory_space<vmem>> -> memref<128xi32, #tpu.memory_space<vmem>>
      %dma_wait3A_900 = arith.constant 0 : i32
      %dma_wait3A_901 = arith.constant 0 : i32
      %dma_wait3A_902 = tpu.memref_slice %arg2[%dma_wait3A_900, %dma_wait3A_901] : memref<10000x128xf32, #tpu.memory_space<hbm>> -> memref<10000x128xf32, #tpu.memory_space<hbm>>
      %dma_wait3A_903 = tpu.memref_slice %arg12[%dma_wait3A_892] : memref<2x!tpu.dma_semaphore, #tpu.memory_space<semaphore_mem>> -> memref<1x!tpu.dma_semaphore, #tpu.memory_space<semaphore_mem>>
      %dma_wait3A_904 = tpu.memref_squeeze %dma_wait3A_903 : memref<1x!tpu.dma_semaphore, #tpu.memory_space<semaphore_mem>> -> memref<!tpu.dma_semaphore, #tpu.memory_space<semaphore_mem>>
      tpu.wait_indirect_dma semaphore(%dma_wait3A_904 : memref<!tpu.dma_semaphore, #tpu.memory_space<semaphore_mem>>) src(%dma_wait3A_902 : memref<10000x128xf32, #tpu.memory_space<hbm>>) dst(%dma_wait3A_896 : memref<128x128xf32, #tpu.memory_space<vmem>>)
      %dma_start3A_905 = arith.constant 0 : i32
      %dma_start3A_906 = arith.constant 6 : i32
      %dma_start3A_907 = arith.constant 0 : i32
      %dma_start3A_908 = arith.constant 0 : i32
      %dma_start3A_909 = arith.constant 0 : i32
      %dma_start3A_910 = tpu.memref_slice %arg11[%dma_start3A_905, %dma_start3A_908, %dma_start3A_909] : memref<2x128x128xf32, #tpu.memory_space<vmem>> -> memref<1x128x128xf32, #tpu.memory_space<vmem>>
      %dma_start3A_911 = tpu.memref_squeeze %dma_start3A_910 : memref<1x128x128xf32, #tpu.memory_space<vmem>> -> memref<128x128xf32, #tpu.memory_space<vmem>>
      %dma_start3A_912 = arith.constant 0 : i32
      %dma_start3A_913 = tpu.memref_slice %arg10[%dma_start3A_906, %dma_start3A_912] : memref<8x128xi32, #tpu.memory_space<vmem>> -> memref<1x128xi32, #tpu.memory_space<vmem>>
      %dma_start3A_914 = tpu.memref_squeeze %dma_start3A_913 : memref<1x128xi32, #tpu.memory_space<vmem>> -> memref<128xi32, #tpu.memory_space<vmem>>
      %dma_start3A_915 = arith.constant 0 : i32
      %dma_start3A_916 = arith.constant 0 : i32
      %dma_start3A_917 = tpu.memref_slice %arg14[%dma_start3A_915, %dma_start3A_916] : memref<10112x128xf32, #tpu.memory_space<vmem_shared>> -> memref<10112x128xf32, #tpu.memory_space<vmem_shared>>
      %dma_start3A_918 = tpu.memref_slice %arg13[%dma_start3A_907] : memref<2x!tpu.dma_semaphore, #tpu.memory_space<semaphore_mem>> -> memref<1x!tpu.dma_semaphore, #tpu.memory_space<semaphore_mem>>
      %dma_start3A_919 = tpu.memref_squeeze %dma_start3A_918 : memref<1x!tpu.dma_semaphore, #tpu.memory_space<semaphore_mem>> -> memref<!tpu.dma_semaphore, #tpu.memory_space<semaphore_mem>>
      tpu.enqueue_indirect_dma source(%dma_start3A_911 : memref<128x128xf32, #tpu.memory_space<vmem>>) target(%dma_start3A_917 : memref<10112x128xf32, #tpu.memory_space<vmem_shared>>) offsets(%dma_start3A_914 : memref<128xi32, #tpu.memory_space<vmem>>) semaphore(%dma_start3A_919 : memref<!tpu.dma_semaphore, #tpu.memory_space<semaphore_mem>>) {add = true}
      %dma_wait3A_920 = arith.constant 1 : i32
      %dma_wait3A_921 = arith.constant 7 : i32
      %dma_wait3A_922 = arith.constant 1 : i32
      %dma_wait3A_923 = arith.constant 0 : i32
      %dma_wait3A_924 = arith.constant 0 : i32
      %dma_wait3A_925 = tpu.memref_slice %arg11[%dma_wait3A_920, %dma_wait3A_923, %dma_wait3A_924] : memref<2x128x128xf32, #tpu.memory_space<vmem>> -> memref<1x128x128xf32, #tpu.memory_space<vmem>>
      %dma_wait3A_926 = tpu.memref_squeeze %dma_wait3A_925 : memref<1x128x128xf32, #tpu.memory_space<vmem>> -> memref<128x128xf32, #tpu.memory_space<vmem>>
      %dma_wait3A_927 = arith.constant 0 : i32
      %dma_wait3A_928 = tpu.memref_slice %arg10[%dma_wait3A_921, %dma_wait3A_927] : memref<8x128xi32, #tpu.memory_space<vmem>> -> memref<1x128xi32, #tpu.memory_space<vmem>>
      %dma_wait3A_929 = tpu.memref_squeeze %dma_wait3A_928 : memref<1x128xi32, #tpu.memory_space<vmem>> -> memref<128xi32, #tpu.memory_space<vmem>>
      %dma_wait3A_930 = arith.constant 0 : i32
      %dma_wait3A_931 = arith.constant 0 : i32
      %dma_wait3A_932 = tpu.memref_slice %arg14[%dma_wait3A_930, %dma_wait3A_931] : memref<10112x128xf32, #tpu.memory_space<vmem_shared>> -> memref<10112x128xf32, #tpu.memory_space<vmem_shared>>
      %dma_wait3A_933 = tpu.memref_slice %arg13[%dma_wait3A_922] : memref<2x!tpu.dma_semaphore, #tpu.memory_space<semaphore_mem>> -> memref<1x!tpu.dma_semaphore, #tpu.memory_space<semaphore_mem>>
      %dma_wait3A_934 = tpu.memref_squeeze %dma_wait3A_933 : memref<1x!tpu.dma_semaphore, #tpu.memory_space<semaphore_mem>> -> memref<!tpu.dma_semaphore, #tpu.memory_space<semaphore_mem>>
      tpu.wait_indirect_dma semaphore(%dma_wait3A_934 : memref<!tpu.dma_semaphore, #tpu.memory_space<semaphore_mem>>) src(%dma_wait3A_926 : memref<128x128xf32, #tpu.memory_space<vmem>>) dst(%dma_wait3A_932 : memref<10112x128xf32, #tpu.memory_space<vmem_shared>>)
      %dma_start3A_935 = arith.constant 7 : i32
      %dma_start3A_936 = arith.constant 1 : i32
      %dma_start3A_937 = arith.constant 1 : i32
      %dma_start3A_938 = arith.constant 0 : i32
      %dma_start3A_939 = arith.constant 0 : i32
      %dma_start3A_940 = tpu.memref_slice %arg11[%dma_start3A_936, %dma_start3A_938, %dma_start3A_939] : memref<2x128x128xf32, #tpu.memory_space<vmem>> -> memref<1x128x128xf32, #tpu.memory_space<vmem>>
      %dma_start3A_941 = tpu.memref_squeeze %dma_start3A_940 : memref<1x128x128xf32, #tpu.memory_space<vmem>> -> memref<128x128xf32, #tpu.memory_space<vmem>>
      %dma_start3A_942 = arith.constant 0 : i32
      %dma_start3A_943 = tpu.memref_slice %arg9[%dma_start3A_935, %dma_start3A_942] : memref<8x128xi32, #tpu.memory_space<vmem>> -> memref<1x128xi32, #tpu.memory_space<vmem>>
      %dma_start3A_944 = tpu.memref_squeeze %dma_start3A_943 : memref<1x128xi32, #tpu.memory_space<vmem>> -> memref<128xi32, #tpu.memory_space<vmem>>
      %dma_start3A_945 = arith.constant 0 : i32
      %dma_start3A_946 = arith.constant 0 : i32
      %dma_start3A_947 = tpu.memref_slice %arg2[%dma_start3A_945, %dma_start3A_946] : memref<10000x128xf32, #tpu.memory_space<hbm>> -> memref<10000x128xf32, #tpu.memory_space<hbm>>
      %dma_start3A_948 = tpu.memref_slice %arg12[%dma_start3A_937] : memref<2x!tpu.dma_semaphore, #tpu.memory_space<semaphore_mem>> -> memref<1x!tpu.dma_semaphore, #tpu.memory_space<semaphore_mem>>
      %dma_start3A_949 = tpu.memref_squeeze %dma_start3A_948 : memref<1x!tpu.dma_semaphore, #tpu.memory_space<semaphore_mem>> -> memref<!tpu.dma_semaphore, #tpu.memory_space<semaphore_mem>>
      tpu.enqueue_indirect_dma source(%dma_start3A_947 : memref<10000x128xf32, #tpu.memory_space<hbm>>) target(%dma_start3A_941 : memref<128x128xf32, #tpu.memory_space<vmem>>) offsets(%dma_start3A_944 : memref<128xi32, #tpu.memory_space<vmem>>) semaphore(%dma_start3A_949 : memref<!tpu.dma_semaphore, #tpu.memory_space<semaphore_mem>>)
      %dma_wait3A_950 = arith.constant 7 : i32
      %dma_wait3A_951 = arith.constant 1 : i32
      %dma_wait3A_952 = arith.constant 1 : i32
      %dma_wait3A_953 = arith.constant 0 : i32
      %dma_wait3A_954 = arith.constant 0 : i32
      %dma_wait3A_955 = tpu.memref_slice %arg11[%dma_wait3A_951, %dma_wait3A_953, %dma_wait3A_954] : memref<2x128x128xf32, #tpu.memory_space<vmem>> -> memref<1x128x128xf32, #tpu.memory_space<vmem>>
      %dma_wait3A_956 = tpu.memref_squeeze %dma_wait3A_955 : memref<1x128x128xf32, #tpu.memory_space<vmem>> -> memref<128x128xf32, #tpu.memory_space<vmem>>
      %dma_wait3A_957 = arith.constant 0 : i32
      %dma_wait3A_958 = tpu.memref_slice %arg9[%dma_wait3A_950, %dma_wait3A_957] : memref<8x128xi32, #tpu.memory_space<vmem>> -> memref<1x128xi32, #tpu.memory_space<vmem>>
      %dma_wait3A_959 = tpu.memref_squeeze %dma_wait3A_958 : memref<1x128xi32, #tpu.memory_space<vmem>> -> memref<128xi32, #tpu.memory_space<vmem>>
      %dma_wait3A_960 = arith.constant 0 : i32
      %dma_wait3A_961 = arith.constant 0 : i32
      %dma_wait3A_962 = tpu.memref_slice %arg2[%dma_wait3A_960, %dma_wait3A_961] : memref<10000x128xf32, #tpu.memory_space<hbm>> -> memref<10000x128xf32, #tpu.memory_space<hbm>>
      %dma_wait3A_963 = tpu.memref_slice %arg12[%dma_wait3A_952] : memref<2x!tpu.dma_semaphore, #tpu.memory_space<semaphore_mem>> -> memref<1x!tpu.dma_semaphore, #tpu.memory_space<semaphore_mem>>
      %dma_wait3A_964 = tpu.memref_squeeze %dma_wait3A_963 : memref<1x!tpu.dma_semaphore, #tpu.memory_space<semaphore_mem>> -> memref<!tpu.dma_semaphore, #tpu.memory_space<semaphore_mem>>
      tpu.wait_indirect_dma semaphore(%dma_wait3A_964 : memref<!tpu.dma_semaphore, #tpu.memory_space<semaphore_mem>>) src(%dma_wait3A_962 : memref<10000x128xf32, #tpu.memory_space<hbm>>) dst(%dma_wait3A_956 : memref<128x128xf32, #tpu.memory_space<vmem>>)
      %dma_start3A_965 = arith.constant 1 : i32
      %dma_start3A_966 = arith.constant 7 : i32
      %dma_start3A_967 = arith.constant 1 : i32
      %dma_start3A_968 = arith.constant 0 : i32
      %dma_start3A_969 = arith.constant 0 : i32
      %dma_start3A_970 = tpu.memref_slice %arg11[%dma_start3A_965, %dma_start3A_968, %dma_start3A_969] : memref<2x128x128xf32, #tpu.memory_space<vmem>> -> memref<1x128x128xf32, #tpu.memory_space<vmem>>
      %dma_start3A_971 = tpu.memref_squeeze %dma_start3A_970 : memref<1x128x128xf32, #tpu.memory_space<vmem>> -> memref<128x128xf32, #tpu.memory_space<vmem>>
      %dma_start3A_972 = arith.constant 0 : i32
      %dma_start3A_973 = tpu.memref_slice %arg10[%dma_start3A_966, %dma_start3A_972] : memref<8x128xi32, #tpu.memory_space<vmem>> -> memref<1x128xi32, #tpu.memory_space<vmem>>
      %dma_start3A_974 = tpu.memref_squeeze %dma_start3A_973 : memref<1x128xi32, #tpu.memory_space<vmem>> -> memref<128xi32, #tpu.memory_space<vmem>>
      %dma_start3A_975 = arith.constant 0 : i32
      %dma_start3A_976 = arith.constant 0 : i32
      %dma_start3A_977 = tpu.memref_slice %arg14[%dma_start3A_975, %dma_start3A_976] : memref<10112x128xf32, #tpu.memory_space<vmem_shared>> -> memref<10112x128xf32, #tpu.memory_space<vmem_shared>>
      %dma_start3A_978 = tpu.memref_slice %arg13[%dma_start3A_967] : memref<2x!tpu.dma_semaphore, #tpu.memory_space<semaphore_mem>> -> memref<1x!tpu.dma_semaphore, #tpu.memory_space<semaphore_mem>>
      %dma_start3A_979 = tpu.memref_squeeze %dma_start3A_978 : memref<1x!tpu.dma_semaphore, #tpu.memory_space<semaphore_mem>> -> memref<!tpu.dma_semaphore, #tpu.memory_space<semaphore_mem>>
      tpu.enqueue_indirect_dma source(%dma_start3A_971 : memref<128x128xf32, #tpu.memory_space<vmem>>) target(%dma_start3A_977 : memref<10112x128xf32, #tpu.memory_space<vmem_shared>>) offsets(%dma_start3A_974 : memref<128xi32, #tpu.memory_space<vmem>>) semaphore(%dma_start3A_979 : memref<!tpu.dma_semaphore, #tpu.memory_space<semaphore_mem>>) {add = true}
    }
    %scan3A_6 = arith.constant 5 : i32
    %dma_wait3A = arith.constant 0 : i32
    %dma_wait3A_7 = arith.constant 6 : i32
    %dma_wait3A_8 = arith.constant 0 : i32
    %dma_wait3A_9 = arith.constant 0 : i32
    %dma_wait3A_10 = arith.constant 0 : i32
    %dma_wait3A_11 = tpu.memref_slice %arg11[%dma_wait3A, %dma_wait3A_9, %dma_wait3A_10] : memref<2x128x128xf32, #tpu.memory_space<vmem>> -> memref<1x128x128xf32, #tpu.memory_space<vmem>>
    %dma_wait3A_12 = tpu.memref_squeeze %dma_wait3A_11 : memref<1x128x128xf32, #tpu.memory_space<vmem>> -> memref<128x128xf32, #tpu.memory_space<vmem>>
    %dma_wait3A_13 = arith.constant 0 : i32
    %dma_wait3A_14 = tpu.memref_slice %arg10[%dma_wait3A_7, %dma_wait3A_13] : memref<8x128xi32, #tpu.memory_space<vmem>> -> memref<1x128xi32, #tpu.memory_space<vmem>>
    %dma_wait3A_15 = tpu.memref_squeeze %dma_wait3A_14 : memref<1x128xi32, #tpu.memory_space<vmem>> -> memref<128xi32, #tpu.memory_space<vmem>>
    %dma_wait3A_16 = arith.constant 0 : i32
    %dma_wait3A_17 = arith.constant 0 : i32
    %dma_wait3A_18 = tpu.memref_slice %arg14[%dma_wait3A_16, %dma_wait3A_17] : memref<10112x128xf32, #tpu.memory_space<vmem_shared>> -> memref<10112x128xf32, #tpu.memory_space<vmem_shared>>
    %dma_wait3A_19 = tpu.memref_slice %arg13[%dma_wait3A_8] : memref<2x!tpu.dma_semaphore, #tpu.memory_space<semaphore_mem>> -> memref<1x!tpu.dma_semaphore, #tpu.memory_space<semaphore_mem>>
    %dma_wait3A_20 = tpu.memref_squeeze %dma_wait3A_19 : memref<1x!tpu.dma_semaphore, #tpu.memory_space<semaphore_mem>> -> memref<!tpu.dma_semaphore, #tpu.memory_space<semaphore_mem>>
    tpu.wait_indirect_dma semaphore(%dma_wait3A_20 : memref<!tpu.dma_semaphore, #tpu.memory_space<semaphore_mem>>) src(%dma_wait3A_12 : memref<128x128xf32, #tpu.memory_space<vmem>>) dst(%dma_wait3A_18 : memref<10112x128xf32, #tpu.memory_space<vmem_shared>>)
    %dma_wait3A_21 = arith.constant 1 : i32
    %dma_wait3A_22 = arith.constant 7 : i32
    %dma_wait3A_23 = arith.constant 1 : i32
    %dma_wait3A_24 = arith.constant 0 : i32
    %dma_wait3A_25 = arith.constant 0 : i32
    %dma_wait3A_26 = tpu.memref_slice %arg11[%dma_wait3A_21, %dma_wait3A_24, %dma_wait3A_25] : memref<2x128x128xf32, #tpu.memory_space<vmem>> -> memref<1x128x128xf32, #tpu.memory_space<vmem>>
    %dma_wait3A_27 = tpu.memref_squeeze %dma_wait3A_26 : memref<1x128x128xf32, #tpu.memory_space<vmem>> -> memref<128x128xf32, #tpu.memory_space<vmem>>
    %dma_wait3A_28 = arith.constant 0 : i32
    %dma_wait3A_29 = tpu.memref_slice %arg10[%dma_wait3A_22, %dma_wait3A_28] : memref<8x128xi32, #tpu.memory_space<vmem>> -> memref<1x128xi32, #tpu.memory_space<vmem>>
    %dma_wait3A_30 = tpu.memref_squeeze %dma_wait3A_29 : memref<1x128xi32, #tpu.memory_space<vmem>> -> memref<128xi32, #tpu.memory_space<vmem>>
    %dma_wait3A_31 = arith.constant 0 : i32
    %dma_wait3A_32 = arith.constant 0 : i32
    %dma_wait3A_33 = tpu.memref_slice %arg14[%dma_wait3A_31, %dma_wait3A_32] : memref<10112x128xf32, #tpu.memory_space<vmem_shared>> -> memref<10112x128xf32, #tpu.memory_space<vmem_shared>>
    %dma_wait3A_34 = tpu.memref_slice %arg13[%dma_wait3A_23] : memref<2x!tpu.dma_semaphore, #tpu.memory_space<semaphore_mem>> -> memref<1x!tpu.dma_semaphore, #tpu.memory_space<semaphore_mem>>
    %dma_wait3A_35 = tpu.memref_squeeze %dma_wait3A_34 : memref<1x!tpu.dma_semaphore, #tpu.memory_space<semaphore_mem>> -> memref<!tpu.dma_semaphore, #tpu.memory_space<semaphore_mem>>
    tpu.wait_indirect_dma semaphore(%dma_wait3A_35 : memref<!tpu.dma_semaphore, #tpu.memory_space<semaphore_mem>>) src(%dma_wait3A_27 : memref<128x128xf32, #tpu.memory_space<vmem>>) dst(%dma_wait3A_33 : memref<10112x128xf32, #tpu.memory_space<vmem_shared>>)
    %barrier3A_36 = arith.constant 0 : index
    tpu.barrier barrier_id(%barrier3A_36)
    "tpu.region"() ({
      %run_scoped3A = tpu.sem_alloc : memref<!tpu.dma_semaphore, #tpu.memory_space<semaphore_mem>>
      %dma_start3A = arith.constant 0 : i32
      %dma_start3A_37 = tpu.memref_slice %arg6[%arg0, %mul3A_2, %dma_start3A] : memref<2x10112x128xf32, #tpu.memory_space<hbm>> -> memref<1x632x128xf32, #tpu.memory_space<hbm>>
      %dma_start3A_38 = tpu.memref_squeeze %dma_start3A_37 : memref<1x632x128xf32, #tpu.memory_space<hbm>> -> memref<632x128xf32, #tpu.memory_space<hbm>>
      %dma_start3A_39 = arith.constant 0 : i32
      %dma_start3A_40 = tpu.memref_slice %arg14[%mul3A_2, %dma_start3A_39] : memref<10112x128xf32, #tpu.memory_space<vmem_shared>> -> memref<632x128xf32, #tpu.memory_space<vmem_shared>>
      tpu.enqueue_dma source(%dma_start3A_40 : memref<632x128xf32, #tpu.memory_space<vmem_shared>>) target(%dma_start3A_38 : memref<632x128xf32, #tpu.memory_space<hbm>>) target_semaphore(%run_scoped3A : memref<!tpu.dma_semaphore, #tpu.memory_space<semaphore_mem>>)
      %dma_wait3A_41 = arith.constant 0 : i32
      %dma_wait3A_42 = tpu.memref_slice %arg6[%arg0, %mul3A_2, %dma_wait3A_41] : memref<2x10112x128xf32, #tpu.memory_space<hbm>> -> memref<1x632x128xf32, #tpu.memory_space<hbm>>
      %dma_wait3A_43 = tpu.memref_squeeze %dma_wait3A_42 : memref<1x632x128xf32, #tpu.memory_space<hbm>> -> memref<632x128xf32, #tpu.memory_space<hbm>>
      %dma_wait3A_44 = arith.constant 0 : i32
      %dma_wait3A_45 = tpu.memref_slice %arg14[%mul3A_2, %dma_wait3A_44] : memref<10112x128xf32, #tpu.memory_space<vmem_shared>> -> memref<632x128xf32, #tpu.memory_space<vmem_shared>>
      tpu.wait_dma2 semaphore(%run_scoped3A : memref<!tpu.dma_semaphore, #tpu.memory_space<semaphore_mem>>) src(%dma_wait3A_45 : memref<632x128xf32, #tpu.memory_space<vmem_shared>>) dst(%dma_wait3A_43 : memref<632x128xf32, #tpu.memory_space<hbm>>)
      tpu.yield
    }) : () -> ()
    return
  }
}

module attributes {stable_mosaic.version = 14 : i64} {
  func.func @body(%arg0: i32, %arg1: memref<2000x128xf32, #tpu.memory_space<vmem>>, %arg2: memref<128x128xf32, #tpu.memory_space<vmem>>, %arg3: memref<2x2000x1xf32, #tpu.memory_space<vmem>>, %arg4: memref<2000x128xf32, #tpu.memory_space<vmem>>, %arg5: memref<2000x1xf32, #tpu.memory_space<vmem>>) attributes {dimension_semantics = [#tpu.dimension_semantics<arbitrary>], iteration_bounds = array<i64: 5>, scalar_prefetch = 0 : i64, scratch_operands = 0 : i64, tpu.core_type = #tpu.core_type<tc>, window_params = [{transform_indices = @transform_0, window_bounds = array<i64: 2000, 128>}, {pipeline_mode = #tpu.pipeline_mode<synchronous>, transform_indices = @transform_1, window_bounds = array<i64: 128, 128>}, {transform_indices = @transform_2, window_bounds = array<i64: 2, 2000, 1>}, {transform_indices = @transform_3, window_bounds = array<i64: 2000, 128>}, {transform_indices = @transform_4, window_bounds = array<i64: 2000, 1>}]} {
    %get3A = arith.constant 0 : index
    %get3A_0 = arith.constant 0 : index
    %get3A_1 = arith.constant 0 : index
    %get3A_2 = vector.load %arg3[%get3A, %get3A_0, %get3A_1] : memref<2x2000x1xf32, #tpu.memory_space<vmem>>, vector<1x2000x1xf32>
    %get3A_3 = vector.shape_cast %get3A_2 : vector<1x2000x1xf32> to vector<2000x1xf32>
    %get3A_4 = arith.constant 1 : index
    %get3A_5 = arith.constant 0 : index
    %get3A_6 = arith.constant 0 : index
    %get3A_7 = vector.load %arg3[%get3A_4, %get3A_5, %get3A_6] : memref<2x2000x1xf32, #tpu.memory_space<vmem>>, vector<1x2000x1xf32>
    %get3A_8 = vector.shape_cast %get3A_7 : vector<1x2000x1xf32> to vector<2000x1xf32>
    %add3A = arith.addf %get3A_3, %get3A_8 : vector<2000x1xf32>
    %add3A_9 = arith.constant 1.000000e+00 : f32
    %add3A_10 = vector.broadcast %add3A_9 : f32 to vector<2000x1xf32>
    %add3A_11 = arith.addf %add3A, %add3A_10 : vector<2000x1xf32>
    %rsqrt3A = math.rsqrt %add3A_11 : vector<2000x1xf32>
    %get3A_12 = arith.constant 0 : index
    %get3A_13 = arith.constant 0 : index
    %get3A_14 = vector.load %arg1[%get3A_12, %get3A_13] : memref<2000x128xf32, #tpu.memory_space<vmem>>, vector<2000x128xf32>
    %get3A_15 = arith.constant 0 : index
    %get3A_16 = arith.constant 0 : index
    %get3A_17 = vector.load %arg2[%get3A_15, %get3A_16] : memref<128x128xf32, #tpu.memory_space<vmem>>, vector<128x128xf32>
    %dot_general3A = arith.constant dense<0.000000e+00> : vector<2000x128xf32>
    %dot_general3A_18 = tpu.matmul %get3A_14, %get3A_17, %dot_general3A {dimension_numbers = #tpu.dot_dimension_numbers<[1], [0], [0], [1], [0, 0, 1, 1], [], []>, transpose_lhs_hint = false} : vector<2000x128xf32>, vector<128x128xf32>, vector<2000x128xf32> -> vector<2000x128xf32>
    %mul3A = vector.broadcast %rsqrt3A : vector<2000x1xf32> to vector<2000x128xf32>
    %mul3A_19 = arith.mulf %dot_general3A_18, %mul3A : vector<2000x128xf32>
    %swap3A = arith.constant 0 : index
    %swap3A_20 = arith.constant 0 : index
    %swap3A_21 = vector.load %arg4[%swap3A, %swap3A_20] : memref<2000x128xf32, #tpu.memory_space<vmem>>, vector<2000x128xf32>
    tpu.vector_store %arg4[%swap3A, %swap3A_20], %mul3A_19 {strides = array<i32>} : memref<2000x128xf32, #tpu.memory_space<vmem>>, vector<2000x128xf32>,
    %swap3A_22 = arith.constant 0 : index
    %swap3A_23 = arith.constant 0 : index
    %swap3A_24 = vector.load %arg5[%swap3A_22, %swap3A_23] : memref<2000x1xf32, #tpu.memory_space<vmem>>, vector<2000x1xf32>
    tpu.vector_store %arg5[%swap3A_22, %swap3A_23], %rsqrt3A {strides = array<i32>} : memref<2000x1xf32, #tpu.memory_space<vmem>>, vector<2000x1xf32>,
    return
  }
  func.func @transform_0(%arg0: i32) -> (i32, i32) {
    %c0_i32 = arith.constant 0 : i32
    %c0_i32_0 = arith.constant 0 : i32
    return %arg0, %c0_i32 : i32, i32
  }
  func.func @transform_1(%arg0: i32) -> (i32, i32) {
    %c0_i32 = arith.constant 0 : i32
    %c0_i32_0 = arith.constant 0 : i32
    %c0_i32_1 = arith.constant 0 : i32
    return %c0_i32, %c0_i32_0 : i32, i32
  }
  func.func @transform_2(%arg0: i32) -> (i32, i32, i32) {
    %c0_i32 = arith.constant 0 : i32
    %c0_i32_0 = arith.constant 0 : i32
    %c0_i32_1 = arith.constant 0 : i32
    return %c0_i32, %arg0, %c0_i32_0 : i32, i32, i32
  }
  func.func @transform_3(%arg0: i32) -> (i32, i32) {
    %c0_i32 = arith.constant 0 : i32
    %c0_i32_0 = arith.constant 0 : i32
    return %arg0, %c0_i32 : i32, i32
  }
  func.func @transform_4(%arg0: i32) -> (i32, i32) {
    %c0_i32 = arith.constant 0 : i32
    %c0_i32_0 = arith.constant 0 : i32
    return %arg0, %c0_i32 : i32, i32
  }
}

module attributes {stable_mosaic.version = 14 : i64} {
  func.func @body(%arg0: i32, %arg1: memref<2x2000x128xf32, #tpu.memory_space<vmem>>, %arg2: memref<2000x128xf32, #tpu.memory_space<vmem>>, %arg3: memref<2000x1xf32, #tpu.memory_space<vmem>>, %arg4: memref<1x128xf32, #tpu.memory_space<vmem>>, %arg5: memref<128x128xf32, #tpu.memory_space<vmem>>, %arg6: memref<2000x128xf32, #tpu.memory_space<vmem>>) attributes {dimension_semantics = [#tpu.dimension_semantics<arbitrary>], iteration_bounds = array<i64: 5>, scalar_prefetch = 0 : i64, scratch_operands = 0 : i64, tpu.core_type = #tpu.core_type<tc>, window_params = [{transform_indices = @transform_0, window_bounds = array<i64: 2, 2000, 128>}, {transform_indices = @transform_1, window_bounds = array<i64: 2000, 128>}, {transform_indices = @transform_2, window_bounds = array<i64: 2000, 1>}, {pipeline_mode = #tpu.pipeline_mode<synchronous>, transform_indices = @transform_3, window_bounds = array<i64: 1, 128>}, {pipeline_mode = #tpu.pipeline_mode<synchronous>, transform_indices = @transform_4, window_bounds = array<i64: 128, 128>}, {transform_indices = @transform_5, window_bounds = array<i64: 2000, 128>}]} {
    %get3A = arith.constant 0 : index
    %get3A_0 = arith.constant 0 : index
    %get3A_1 = arith.constant 0 : index
    %get3A_2 = vector.load %arg1[%get3A, %get3A_0, %get3A_1] : memref<2x2000x128xf32, #tpu.memory_space<vmem>>, vector<1x2000x128xf32>
    %get3A_3 = vector.shape_cast %get3A_2 : vector<1x2000x128xf32> to vector<2000x128xf32>
    %get3A_4 = arith.constant 1 : index
    %get3A_5 = arith.constant 0 : index
    %get3A_6 = arith.constant 0 : index
    %get3A_7 = vector.load %arg1[%get3A_4, %get3A_5, %get3A_6] : memref<2x2000x128xf32, #tpu.memory_space<vmem>>, vector<1x2000x128xf32>
    %get3A_8 = vector.shape_cast %get3A_7 : vector<1x2000x128xf32> to vector<2000x128xf32>
    %add3A = arith.addf %get3A_3, %get3A_8 : vector<2000x128xf32>
    %get3A_9 = arith.constant 0 : index
    %get3A_10 = arith.constant 0 : index
    %get3A_11 = vector.load %arg2[%get3A_9, %get3A_10] : memref<2000x128xf32, #tpu.memory_space<vmem>>, vector<2000x128xf32>
    %add3A_12 = arith.addf %add3A, %get3A_11 : vector<2000x128xf32>
    %get3A_13 = arith.constant 0 : index
    %get3A_14 = arith.constant 0 : index
    %get3A_15 = vector.load %arg3[%get3A_13, %get3A_14] : memref<2000x1xf32, #tpu.memory_space<vmem>>, vector<2000x1xf32>
    %mul3A = vector.broadcast %get3A_15 : vector<2000x1xf32> to vector<2000x128xf32>
    %mul3A_16 = arith.mulf %add3A_12, %mul3A : vector<2000x128xf32>
    %get3A_17 = arith.constant 0 : index
    %get3A_18 = arith.constant 0 : index
    %get3A_19 = vector.load %arg4[%get3A_17, %get3A_18] : memref<1x128xf32, #tpu.memory_space<vmem>>, vector<1x128xf32>
    %add3A_20 = vector.broadcast %get3A_19 : vector<1x128xf32> to vector<2000x128xf32>
    %add3A_21 = arith.addf %mul3A_16, %add3A_20 : vector<2000x128xf32>
    %max3A = arith.constant 0.000000e+00 : f32
    %max3A_22 = vector.broadcast %max3A : f32 to vector<2000x128xf32>
    %max3A_23 = arith.maximumf %add3A_21, %max3A_22 : vector<2000x128xf32>
    %get3A_24 = arith.constant 0 : index
    %get3A_25 = arith.constant 0 : index
    %get3A_26 = vector.load %arg5[%get3A_24, %get3A_25] : memref<128x128xf32, #tpu.memory_space<vmem>>, vector<128x128xf32>
    %dot_general3A = arith.constant dense<0.000000e+00> : vector<2000x128xf32>
    %dot_general3A_27 = tpu.matmul %max3A_23, %get3A_26, %dot_general3A {dimension_numbers = #tpu.dot_dimension_numbers<[1], [0], [0], [1], [0, 0, 1, 1], [], []>, transpose_lhs_hint = false} : vector<2000x128xf32>, vector<128x128xf32>, vector<2000x128xf32> -> vector<2000x128xf32>
    %get3A_28 = arith.constant 0 : index
    %get3A_29 = arith.constant 0 : index
    %get3A_30 = vector.load %arg3[%get3A_28, %get3A_29] : memref<2000x1xf32, #tpu.memory_space<vmem>>, vector<2000x1xf32>
    %mul3A_31 = vector.broadcast %get3A_30 : vector<2000x1xf32> to vector<2000x128xf32>
    %mul3A_32 = arith.mulf %dot_general3A_27, %mul3A_31 : vector<2000x128xf32>
    %swap3A = arith.constant 0 : index
    %swap3A_33 = arith.constant 0 : index
    %swap3A_34 = vector.load %arg6[%swap3A, %swap3A_33] : memref<2000x128xf32, #tpu.memory_space<vmem>>, vector<2000x128xf32>
    tpu.vector_store %arg6[%swap3A, %swap3A_33], %mul3A_32 {strides = array<i32>} : memref<2000x128xf32, #tpu.memory_space<vmem>>, vector<2000x128xf32>,
    return
  }
  func.func @transform_0(%arg0: i32) -> (i32, i32, i32) {
    %c0_i32 = arith.constant 0 : i32
    %c0_i32_0 = arith.constant 0 : i32
    %c0_i32_1 = arith.constant 0 : i32
    return %c0_i32, %arg0, %c0_i32_0 : i32, i32, i32
  }
  func.func @transform_1(%arg0: i32) -> (i32, i32) {
    %c0_i32 = arith.constant 0 : i32
    %c0_i32_0 = arith.constant 0 : i32
    return %arg0, %c0_i32 : i32, i32
  }
  func.func @transform_2(%arg0: i32) -> (i32, i32) {
    %c0_i32 = arith.constant 0 : i32
    %c0_i32_0 = arith.constant 0 : i32
    return %arg0, %c0_i32 : i32, i32
  }
  func.func @transform_3(%arg0: i32) -> (i32, i32) {
    %c0_i32 = arith.constant 0 : i32
    %c0_i32_0 = arith.constant 0 : i32
    %c0_i32_1 = arith.constant 0 : i32
    return %c0_i32, %c0_i32_0 : i32, i32
  }
  func.func @transform_4(%arg0: i32) -> (i32, i32) {
    %c0_i32 = arith.constant 0 : i32
    %c0_i32_0 = arith.constant 0 : i32
    %c0_i32_1 = arith.constant 0 : i32
    return %c0_i32, %c0_i32_0 : i32, i32
  }
  func.func @transform_5(%arg0: i32) -> (i32, i32) {
    %c0_i32 = arith.constant 0 : i32
    %c0_i32_0 = arith.constant 0 : i32
    return %arg0, %c0_i32 : i32, i32
  }
}

module attributes {stable_mosaic.version = 14 : i64} {
  func.func @body(%arg0: i32, %arg1: memref<2x2000x128xf32, #tpu.memory_space<vmem>>, %arg2: memref<2000x128xf32, #tpu.memory_space<vmem>>, %arg3: memref<2000x1xf32, #tpu.memory_space<vmem>>, %arg4: memref<1x128xf32, #tpu.memory_space<vmem>>, %arg5: memref<128x10xf32, #tpu.memory_space<vmem>>, %arg6: memref<1x10xf32, #tpu.memory_space<vmem>>, %arg7: memref<2000x10xf32, #tpu.memory_space<vmem>>) attributes {dimension_semantics = [#tpu.dimension_semantics<arbitrary>], iteration_bounds = array<i64: 5>, scalar_prefetch = 0 : i64, scratch_operands = 0 : i64, tpu.core_type = #tpu.core_type<tc>, window_params = [{transform_indices = @transform_0, window_bounds = array<i64: 2, 2000, 128>}, {transform_indices = @transform_1, window_bounds = array<i64: 2000, 128>}, {transform_indices = @transform_2, window_bounds = array<i64: 2000, 1>}, {pipeline_mode = #tpu.pipeline_mode<synchronous>, transform_indices = @transform_3, window_bounds = array<i64: 1, 128>}, {pipeline_mode = #tpu.pipeline_mode<synchronous>, transform_indices = @transform_4, window_bounds = array<i64: 128, 10>}, {pipeline_mode = #tpu.pipeline_mode<synchronous>, transform_indices = @transform_5, window_bounds = array<i64: 1, 10>}, {transform_indices = @transform_6, window_bounds = array<i64: 2000, 10>}]} {
    %get3A = arith.constant 0 : index
    %get3A_0 = arith.constant 0 : index
    %get3A_1 = arith.constant 0 : index
    %get3A_2 = vector.load %arg1[%get3A, %get3A_0, %get3A_1] : memref<2x2000x128xf32, #tpu.memory_space<vmem>>, vector<1x2000x128xf32>
    %get3A_3 = vector.shape_cast %get3A_2 : vector<1x2000x128xf32> to vector<2000x128xf32>
    %get3A_4 = arith.constant 1 : index
    %get3A_5 = arith.constant 0 : index
    %get3A_6 = arith.constant 0 : index
    %get3A_7 = vector.load %arg1[%get3A_4, %get3A_5, %get3A_6] : memref<2x2000x128xf32, #tpu.memory_space<vmem>>, vector<1x2000x128xf32>
    %get3A_8 = vector.shape_cast %get3A_7 : vector<1x2000x128xf32> to vector<2000x128xf32>
    %add3A = arith.addf %get3A_3, %get3A_8 : vector<2000x128xf32>
    %get3A_9 = arith.constant 0 : index
    %get3A_10 = arith.constant 0 : index
    %get3A_11 = vector.load %arg2[%get3A_9, %get3A_10] : memref<2000x128xf32, #tpu.memory_space<vmem>>, vector<2000x128xf32>
    %add3A_12 = arith.addf %add3A, %get3A_11 : vector<2000x128xf32>
    %get3A_13 = arith.constant 0 : index
    %get3A_14 = arith.constant 0 : index
    %get3A_15 = vector.load %arg3[%get3A_13, %get3A_14] : memref<2000x1xf32, #tpu.memory_space<vmem>>, vector<2000x1xf32>
    %mul3A = vector.broadcast %get3A_15 : vector<2000x1xf32> to vector<2000x128xf32>
    %mul3A_16 = arith.mulf %add3A_12, %mul3A : vector<2000x128xf32>
    %get3A_17 = arith.constant 0 : index
    %get3A_18 = arith.constant 0 : index
    %get3A_19 = vector.load %arg4[%get3A_17, %get3A_18] : memref<1x128xf32, #tpu.memory_space<vmem>>, vector<1x128xf32>
    %add3A_20 = vector.broadcast %get3A_19 : vector<1x128xf32> to vector<2000x128xf32>
    %add3A_21 = arith.addf %mul3A_16, %add3A_20 : vector<2000x128xf32>
    %max3A = arith.constant 0.000000e+00 : f32
    %max3A_22 = vector.broadcast %max3A : f32 to vector<2000x128xf32>
    %max3A_23 = arith.maximumf %add3A_21, %max3A_22 : vector<2000x128xf32>
    %get3A_24 = arith.constant 0 : index
    %get3A_25 = arith.constant 0 : index
    %get3A_26 = vector.load %arg5[%get3A_24, %get3A_25] : memref<128x10xf32, #tpu.memory_space<vmem>>, vector<128x10xf32>
    %dot_general3A = arith.constant dense<0.000000e+00> : vector<2000x10xf32>
    %dot_general3A_27 = tpu.matmul %max3A_23, %get3A_26, %dot_general3A {dimension_numbers = #tpu.dot_dimension_numbers<[1], [0], [0], [1], [0, 0, 1, 1], [], []>, transpose_lhs_hint = false} : vector<2000x128xf32>, vector<128x10xf32>, vector<2000x10xf32> -> vector<2000x10xf32>
    %get3A_28 = arith.constant 0 : index
    %get3A_29 = arith.constant 0 : index
    %get3A_30 = vector.load %arg6[%get3A_28, %get3A_29] : memref<1x10xf32, #tpu.memory_space<vmem>>, vector<1x10xf32>
    %add3A_31 = vector.broadcast %get3A_30 : vector<1x10xf32> to vector<2000x10xf32>
    %add3A_32 = arith.addf %dot_general3A_27, %add3A_31 : vector<2000x10xf32>
    %swap3A = arith.constant 0 : index
    %swap3A_33 = arith.constant 0 : index
    %swap3A_34 = vector.load %arg7[%swap3A, %swap3A_33] : memref<2000x10xf32, #tpu.memory_space<vmem>>, vector<2000x10xf32>
    tpu.vector_store %arg7[%swap3A, %swap3A_33], %add3A_32 {strides = array<i32>} : memref<2000x10xf32, #tpu.memory_space<vmem>>, vector<2000x10xf32>,
    return
  }
  func.func @transform_0(%arg0: i32) -> (i32, i32, i32) {
    %c0_i32 = arith.constant 0 : i32
    %c0_i32_0 = arith.constant 0 : i32
    %c0_i32_1 = arith.constant 0 : i32
    return %c0_i32, %arg0, %c0_i32_0 : i32, i32, i32
  }
  func.func @transform_1(%arg0: i32) -> (i32, i32) {
    %c0_i32 = arith.constant 0 : i32
    %c0_i32_0 = arith.constant 0 : i32
    return %arg0, %c0_i32 : i32, i32
  }
  func.func @transform_2(%arg0: i32) -> (i32, i32) {
    %c0_i32 = arith.constant 0 : i32
    %c0_i32_0 = arith.constant 0 : i32
    return %arg0, %c0_i32 : i32, i32
  }
  func.func @transform_3(%arg0: i32) -> (i32, i32) {
    %c0_i32 = arith.constant 0 : i32
    %c0_i32_0 = arith.constant 0 : i32
    %c0_i32_1 = arith.constant 0 : i32
    return %c0_i32, %c0_i32_0 : i32, i32
  }
  func.func @transform_4(%arg0: i32) -> (i32, i32) {
    %c0_i32 = arith.constant 0 : i32
    %c0_i32_0 = arith.constant 0 : i32
    %c0_i32_1 = arith.constant 0 : i32
    return %c0_i32, %c0_i32_0 : i32, i32
  }
  func.func @transform_5(%arg0: i32) -> (i32, i32) {
    %c0_i32 = arith.constant 0 : i32
    %c0_i32_0 = arith.constant 0 : i32
    %c0_i32_1 = arith.constant 0 : i32
    return %c0_i32, %c0_i32_0 : i32, i32
  }
  func.func @transform_6(%arg0: i32) -> (i32, i32) {
    %c0_i32 = arith.constant 0 : i32
    %c0_i32_0 = arith.constant 0 : i32
    return %arg0, %c0_i32 : i32, i32
  }
}

</mosaic_0001>

<sc_bundles>
// kernel: kernel.11.cloned.1.call-start
scs
__scs_entry_jumppad:
0x0: {  	(pc) =	sbr.rel $0x88, $3  }
0x1: {  	(tag) =	ssettag $0x0;
	lr =	simm.s32 $0x1  }
0x2: {  	[smem:$0x3F99] =	sst lr;
	_ =	strace $0xD0000000  }
0x3: {  	_ = 	snop  }
0x4: {  	_ = 	snop  }
0x5: {  	_ = 	snop  }
0x6: {  	_ = 	snop  }
0x7: {  	_ = 	snop  }
__scs_overlays_trampoline_lowered:
0x8: {  	[smem:$0x3FA8] =	sst s0  }
0x9: {  	[smem:$0x3FA9] =	sst s1  }
0xa: {  	[smem:$0x3FAA] =	sst s2  }
0xb: {  	[smem:$0x3FAB] =	sst s3  }
0xc: {  	[smem:$0x3FAC] =	sst s4  }
0xd: {  	[smem:$0x3FAD] =	sst s5  }
0xe: {  	[smem:$0x3FAE] =	sst s6  }
0xf: {  	[smem:$0x3FAF] =	sst s7  }
0x10: {  	[smem:$0x3FB0] =	sst s8  }
0x11: {  	[smem:$0x3FB1] =	sst s9;
	s0 =	simm.s32 @!p0 $0x0  }
0x12: {  	s1 =	sld [smem:$0x3F97];
	s0 =	simm.s32 @p0 $0x1  }
0x13: {  	[smem:$0x3FB2] =	sst s0;
	s0 =	simm.s32 @!p1 $0x0  }
0x14: {  	s2 =	sld [smem:$0x3F96];
	s0 =	simm.s32 @p1 $0x1  }
0x15: {  	[smem:$0x3FB3] =	sst s0;
	s0 =	simm.s32 @!p2 $0x0  }
0x16: {  	s3 =	sld [smem:$0x3FDB];
	s0 =	simm.s32 @p2 $0x1  }
0x17: {  	s4 =	simm.s32 $0x1BF5;
	[smem:$0x3FB5] =	sst s0  }
0x18: {  	s0 =	sld [smem:$0x3F98];
	_ =	swait.ge [sflag:s4], $0x0  }
0x19: {  	s7 =	sld [smem:$0x3F99]  }
0x1a: {  	s8 =	sadd.s32 $0xFFFFE003, lr  }
0x1b: {  	s9 =	sadd.s32 $0xFFFFFEF7, lr;
	s5 =	simm.s32 $0xFFFFFFFF;
	p2 =	slt.u32 s8, $0xFFFFF086  }
0x1c: {  	p1 =	slt.u32 s9, $0xF7A;
	s5 =	simm.s32 @!p2 $0x0  }
0x1d: {  	s5 =	simm.s32 @p1 $0x1;
	p0 =	seq.s32 s7, s2  }
0x1e: {  	s7 =	smul.u32 @!p0 $0xF7A, s2;
	p2 =	seq.s32 @!p0 s5, $0x0  }
0x1f: {  	s9 =	smul.u32 $0xF7A, s1;
	s8 =	simm.s32 @!p0 $0x1BF5;
	p2 =	por !p2, p0  }
0x20: {  	[sflag:s8] =	ssyncset.s32 @!p0 $0xFFFFF086;
	s6 =	sadd.s32 @!p0 s3, s7;
	s7 =	simm.s32 @!p0 $0x108  }
0x21: {  	s3 =	sadd.s32 s3, s9;
	s6 =	sadd.s32 @!p0 $0x88, s6;
	s7 =	simm.s32 @p2 $0x1082  }
0x22: {  	[simem:s7], [sflag:s8] =	dma.local @!p0 [hbm:s6], $0xF7A  }
0x23: {  	s9 =	sor.u32 $0xD0000000, s2;
	s6 =	simm.s32 $0x108;
	_ =	swait.ge @!p0 [sflag:s8], $0x0  }
0x24: {  	s3 =	sadd.s32 $0x88, s3;
	s6 =	simm.s32 @!p1 $0x1082;
	[sflag:s4] =	ssyncset.s32 $0xFFFFF086  }
0x25: {  	[simem:s6], [sflag:s4] =	dma.local [hbm:s3], $0xF7A  }
0x26: {  	[smem:$0x3F99] =	sst s1;
	(tag) =	ssettag s2;
	_ =	strace s9  }
0x27: {  	s1 =	sld [smem:$0x3FA9]  }
0x28: {  	s2 =	sld [smem:$0x3FAA]  }
0x29: {  	s4 =	sld [smem:$0x3FAC]  }
0x2a: {  	p0 =	seq.s32 s5, $0x0;
	s5 =	sld [smem:$0x3FAD]  }
0x2b: {  	s6 =	sld [smem:$0x3FAE]  }
0x2c: {  	s7 =	sld [smem:$0x3FAF]  }
0x2d: {  	s3 =	simm.s32 $0x108;
	s8 =	sld [smem:$0x3FB0]  }
0x2e: {  	s3 =	simm.s32 @!p0 $0x1082;
	s9 =	sld [smem:$0x3FB1]  }
0x2f: {  	lr =	sadd.s32 s0, s3;
	s0 =	sld [smem:$0x3FA8]  }
0x30: {  	s3 =	sld [smem:$0x3FAB]  }
0x31: {  	[smem:$0x3FB4] =	sst s10  }
0x32: {  	s10 =	sld [smem:$0x3FB2];
	_ =	sdelay $0x3  }
0x33: {  	p0 =	seq.s32 s10, $0x1;
	s10 =	sld [smem:$0x3FB4];
	_ =	sdelay $0x3  }
0x34: {  	[smem:$0x3FB4] =	sst s10  }
0x35: {  	s10 =	sld [smem:$0x3FB3];
	_ =	sdelay $0x3  }
0x36: {  	p1 =	seq.s32 s10, $0x1;
	s10 =	sld [smem:$0x3FB4];
	_ =	sdelay $0x3  }
0x37: {  	[smem:$0x3FB4] =	sst s10  }
0x38: {  	s10 =	sld [smem:$0x3FB5]  }
0x39: {  	_ = 	snop;
	(pc) =	sbr.ind lr, $3  }
0x3a: {  	_ = 	snop  }
0x3b: {  	_ = 	snop  }
0x3c: {  	p2 =	seq.s32 s10, $0x1;
	s10 =	sld [smem:$0x3FB4]  }
0x3d: {  	_ =	shalt  }
0x3e: {  	_ =	shalt  }
0x3f: {  	_ =	shalt  }
0x40: {  	_ =	shalt  }
0x41: {  	_ =	shalt  }
0x42: {  	_ =	shalt  }
0x43: {  	_ =	shalt  }
0x44: {  	_ =	shalt  }
0x45: {  	_ =	shalt  }
0x46: {  	_ =	shalt  }
0x47: {  	_ =	shalt  }
0x48: {  	_ =	shalt  }
0x49: {  	_ =	shalt  }
0x4a: {  	_ =	shalt  }
0x4b: {  	_ =	shalt  }
0x4c: {  	_ =	shalt  }
0x4d: {  	_ =	shalt  }
0x4e: {  	_ =	shalt  }
0x4f: {  	_ =	shalt  }
0x50: {  	_ =	shalt  }
0x51: {  	_ =	shalt  }
0x52: {  	_ =	shalt  }
0x53: {  	_ =	shalt  }
0x54: {  	_ =	shalt  }
0x55: {  	_ =	shalt  }
0x56: {  	_ =	shalt  }
0x57: {  	_ =	shalt  }
0x58: {  	_ =	shalt  }
0x59: {  	_ =	shalt  }
0x5a: {  	_ =	shalt  }
0x5b: {  	_ =	shalt  }
0x5c: {  	_ =	shalt  }
0x5d: {  	_ =	shalt  }
0x5e: {  	_ =	shalt  }
0x5f: {  	_ =	shalt  }
0x60: {  	_ =	shalt  }
0x61: {  	_ =	shalt  }
0x62: {  	_ =	shalt  }
0x63: {  	_ =	shalt  }
0x64: {  	_ =	shalt  }
0x65: {  	_ =	shalt  }
0x66: {  	_ =	shalt  }
0x67: {  	_ =	shalt  }
0x68: {  	_ =	shalt  }
0x69: {  	_ =	shalt  }
0x6a: {  	_ =	shalt  }
0x6b: {  	_ =	shalt  }
0x6c: {  	_ =	shalt  }
0x6d: {  	_ =	shalt  }
0x6e: {  	_ =	shalt  }
0x6f: {  	_ =	shalt  }
0x70: {  	_ =	shalt  }
0x71: {  	_ =	shalt  }
0x72: {  	_ =	shalt  }
0x73: {  	_ =	shalt  }
0x74: {  	_ =	shalt  }
0x75: {  	_ =	shalt  }
0x76: {  	_ =	shalt  }
0x77: {  	_ =	shalt  }
0x78: {  	_ =	shalt  }
0x79: {  	_ =	shalt  }
0x7a: {  	_ =	shalt  }
0x7b: {  	_ =	shalt  }
0x7c: {  	_ =	shalt  }
0x7d: {  	_ =	shalt  }
0x7e: {  	_ =	shalt  }
0x7f: {  	_ =	shalt  }
0x80: {  	_ =	shalt  }
0x81: {  	_ =	shalt  }
0x82: {  	_ =	shalt  }
0x83: {  	_ =	shalt  }
0x84: {  	_ =	shalt  }
0x85: {  	_ =	shalt  }
0x86: {  	_ =	shalt  }
0x87: {  	_ =	shalt  }
.Lfunc_end0:
.L_simem_size_0:
called_computation.1_lowered:
.L_overlay_start_0:
0x88: {  	s2 =	sld [smem:$0x3FD9]  }
0x89: {  	s3 =	sld [smem:$0x3FFE];
	_ =	sdelay $0x1  }
0x8a: {  	s1 =	srdreg.scid  }
0x8b: {  	s0 =	sand.u32 $0x1, s1  }
0x8c: {  	s16 =	sshll.u32 s0, $0xA;
	s2 =	sadd.s32 s3, s2  }
0x8d: {  	s2 =	sadd.s32 s2, s16  }
0x8e: {  	[smem:$0x3FC0] =	sst s2  }
0x8f: {  	_ = 	snop  }
0x90: {  	(tm) =	ssettm $0x1  }
0x91: {  	s17 =	sld [smem:$0x3FFB];
	_ =	sdelay $0x3  }
0x92: {  	_ =	strace s17  }
0x93: {  	s2 =	sld [smem:$0x3FFC];
	_ =	sdelay $0x3  }
0x94: {  	_ =	strace s2  }
0x95: {  	s2 =	sld [smem:$0x3FFD];
	_ =	sdelay $0x3  }
0x96: {  	_ =	strace s2  }
0x97: {  	_ =	strace $0x8FFFFFFF  }
0x98: {  	s18 =	sld [smem:$0x3FDB];
	_ =	sdelay $0x1  }
0x99: {  	s19 =	simm.s32 $_scs_section_size  }
0x9a: {  	s4 =	simm.s32 $_size__tile_overlayer_lowered;
	s5 =	simm.s32 $_tile_overlayer_lowered  }
0x9b: {  	s22 =	simm.s32 $0x1BFF;
	s21 =	sshll.u32 s5, $0x1;
	s2 =	sadd.s32 s19, s18  }
0x9c: {  	s6 =	simm.s32 $0x0;
	s20 =	sshll.u32 s4, $0x1;
	s4 =	sadd.s32 s21, s2  }
0x9d: {  	[timem:s6], [sflag:s22] =	dma.local [hbm:s4], s20  }
0x9e: {  	_ =	swait.ge [sflag:s22], s20  }
0x9f: {  	s3 =	ssub.s32 $0x0, s20;
	[sflag:s22] =	ssyncset.done $0x0  }
0xa0: {  	[sflag:s22] =	ssyncadd.s32 s3;
	_ =	sdelay $0x1  }
0xa1: {  	s23 =	simm.s32 $0x1B8B  }
0xa2: {  	_ =	swait.ge [sflag:s23], $0x1  }
0xa3: {  	[sflag:s23] =	ssyncset.done $0x0  }
0xa4: {  	s25 =	simm.s32 $0x1B8E;
	s24 =	sld [smem:$0x3FFE];
	[sflag:s23] =	ssyncadd.s32 $0xFFFFFFFF  }
0xa5: {  	s26 =	simm.s32 $execute0_lowered;
	[smem:$0x3FD2] =	sst s25  }
0xa6: {  	s4 =	sshll.u32 s26, $0x1;
	_ =	strace $0x80000049;
	[dreg:$0x1] =	wrdreg $0xFFFFFFFF  }
0xa7: {  	s28 =	simm.s32 $_size_execute0_lowered;
	s2 =	sadd.s32 s2, s4;
	[dreg:$0x0] =	wrdreg $0x0  }
0xa8: {  	s4 =	sshll.u32 s28, $0x1;
	[dreg:$0x2] =	wrdreg s2  }
0xa9: {  	[dreg:$0x3] =	wrdreg s4  }
0xaa: {  	[dreg:$0x4] =	wrdreg $0xC0  }
0xab: {  	_ =	task [dreg:s6], $0x5FFFF  }
0xac: {  	[dreg:$0x1] =	wrdreg $0xFFFFFFFF  }
0xad: {  	[dreg:$0x0] =	wrdreg $0x60  }
0xae: {  	[dreg:$0x2] =	wrdreg s24  }
0xaf: {  	[dreg:$0x3] =	wrdreg $0x90000  }
0xb0: {  	[dreg:$0x4] =	wrdreg $0x9  }
0xb1: {  	_ =	task.clear_ibuf [dreg:s6], $0x5FFFF;
	_ =	strace $0x90000049  }
0xb2: {  	s29 =	simm.s32 $0x9;
	_ =	strace $0x8000004B  }
0xb3: {  	_ =	swait.ge [sflag:s29], $0x1  }
0xb4: {  	[sflag:s29] =	ssyncadd.s32 $0xFFFFFFFF  }
0xb5: {  	_ =	strace $0x9000004B  }
0xb6: {  	_ =	sfence  }
0xb7: {  	s30 =	sld [smem:$0x0];
	_ =	sdelay $0x2  }
0xb8: {  	s31 =	sshll.u32 s1, $0xD;
	s1 =	sshrl.u32 s1, $0x2  }
0xb9: {  	s3 =	sand.u32 $0x4000, s31;
	s1 =	sadd.s32 s1, s30  }
0xba: {  	s0 =	sor.u32 s3, s0;
	s1 =	sshll.u32 s1, $0x11  }
0xbb: {  	s0 =	sor.u32 s1, s0  }
0xbc: {  	s0 =	sadd.s32 $0x8F2B, s0  }
0xbd: {  	[sflag:s0] =	ssyncadd.remote.s32 $0x1  }
0xbe: {  	_ =	sfence.sel $0xFFFF  }
0xbf: {  	[dreg:$0x0] =	wrdreg $0xFFFFFFFF;
	(pc) =	sbr.abs _section_cstart, $3  }
0xc0: {  	[dreg:$0x1] =	wrdreg $0xFFFFFFFF  }
0xc1: {  	_ =	task.clear_ibuf [dreg:s6], $0x2FFFF;
	_ =	strace $0x9FFFFFFF  }
0xc2: {  	(tm) =	ssettm $0x7FFFFFFF  }
0xc3: {  	_ =	shalt  }
tec
execute0_lowered:
.L_overlay_start_1:
0x0: {  	(tag) =	ssettag $0x1  }
0x1: {  	s5 =	rddreg [dreg:$0x0]  }
0x2: {  	s2 =	rddreg [dreg:$0x1]  }
0x3: {  	s0 =	srdreg.scid;
	s1 =	rddreg [dreg:$0x2]  }
0x4: {  	s3 =	simm.s32 $0x0;
	s31 =	simm.s32 $0x400;
	s13 =	simm.s32 $0x180  }
0x5: {  	s15 =	simm.s32 $0x580;
	s17 =	simm.s32 $0x200;
	[smem:$0x7FF] =	sst s3  }
0x6: {  	s19 =	simm.s32 $0x600;
	_ =	strace $0x8000004A;
	[dreg:$0x7] =	wrdreg s31  }
0x7: {  	s21 =	simm.s32 $0x280;
	s22 =	simm.s32 $0x680;
	[dreg:$0xb] =	wrdreg s13  }
0x8: {  	s6 =	sand.u32 $0x1, s0;
	s0 =	stileid.u32;
	[dreg:$0xc] =	wrdreg s15  }
0x9: {  	s23 =	simm.s32 $0x300;
	s4 =	smul.u32 $0x28000, s6;
	[dreg:$0xd] =	wrdreg s17  }
0xa: {  	s25 =	simm.s32 $0x700;
	s7 =	smul.u32 $0x2800, s0;
	[dreg:$0xe] =	wrdreg s19  }
0xb: {  	s9 =	sadd.s32 $0x2400, s5;
	s11 =	smul.u32 $0x13C00, s0;
	[dreg:$0xf] =	wrdreg s21  }
0xc: {  	s10 =	sadd.s32 $0xC400, s5;
	s29 =	smul.u32 $0x13C000, s6;
	[dreg:$0x10] =	wrdreg s22  }
0xd: {  	s6 =	ssub.s32 $0x2, s6;
	s16 =	smul.u32 $0x4F000, s0;
	[dreg:$0x11] =	wrdreg s23  }
0xe: {  	s24 =	sshll.u32 s0, $0x6;
	[dreg:$0x12] =	wrdreg s25;
	s31 =	simm.s32 $0x900  }
0xf: {  	s13 =	simm.s32 $0xD00;
	s15 =	simm.s32 $0xD80;
	s17 =	simm.s32 $0xE00  }
0x10: {  	s19 =	simm.s32 $0xE80;
	s21 =	simm.s32 $0xB80;
	[dreg:$0x17] =	wrdreg s31  }
0x11: {  	s22 =	simm.s32 $0xF80;
	s23 =	simm.s32 $0x0;
	[dreg:$0x18] =	wrdreg s13  }
0x12: {  	s14 =	sshrl.u32 s6, $0x1;
	s13 =	simm.s32 $0x2;
	[dreg:$0x1a] =	wrdreg s15  }
0x13: {  	s15 =	simm.s32 $0x1000;
	[dreg:$0x1c] =	wrdreg s17;
	s17 =	simm.s32 $0x4  }
0x14: {  	[dreg:$0x1e] =	wrdreg s19;
	s19 =	simm.s32 $0xC00;
	s7 =	sadd.s32 s7, s4  }
0x15: {  	s4 =	sadd.s32 $0x16400, s5;
	s26 =	sshrl.u32 s11, $0x3;
	s18 =	ssub.s32 s6, s14  }
0x16: {  	s20 =	sshrl.u32 s16, $0x2;
	s14 =	simm.s32 $0x980;
	s16 =	simm.s32 $0xA00  }
0x17: {  	s8 =	sor.u32 $0x400, s7;
	s7 =	sshrl.u32 s7, $0x3;
	[dreg:$0x19] =	wrdreg s14  }
0x18: {  	s30 =	sadd.s32 s26, s5;
	s26 =	simm.s32 $0x380;
	[dreg:$0x1b] =	wrdreg s16  }
0x19: {  	s6 =	sor.u32 $0x1C05, s24;
	s28 =	sadd.s32 s7, s9;
	[dreg:$0x13] =	wrdreg s26  }
0x1a: {  	s8 =	sshrl.u32 s8, $0x3;
	s7 =	sadd.s32 s7, s10;
	[dreg:$0x5] =	wrdreg s28  }
0x1b: {  	s14 =	simm.s32 $0x3;
	s12 =	sadd.s32 s8, s9;
	[dreg:$0x6] =	wrdreg s7  }
0x1c: {  	s16 =	simm.s32 $0x1;
	s8 =	sadd.s32 s8, s10;
	[dreg:$0x3] =	wrdreg s12  }
0x1d: {  	s9 =	sadd.s32 s11, s29;
	s10 =	simm.s32 $0x480;
	[dreg:$0x4] =	wrdreg s8  }
0x1e: {  	s11 =	simm.s32 $0x100;
	s28 =	simm.s32 $0x780;
	[dreg:$0x8] =	wrdreg s10  }
0x1f: {  	s29 =	simm.s32 $0x880;
	s9 =	sshrl.u32 s9, $0x3;
	[dreg:$0x9] =	wrdreg s11  }
0x20: {  	s12 =	simm.s32 $0x500;
	s10 =	sadd.s32 s20, s2;
	[dreg:$0x14] =	wrdreg s28  }
0x21: {  	s8 =	smax.u32 s18, $0x1;
	[dreg:$0x15] =	wrdreg s29;
	s11 =	simm.s32 $0x80  }
0x22: {  	s18 =	simm.s32 $0xA80;
	s20 =	simm.s32 $0xB00;
	s9 =	sadd.s32 s9, s5  }
0x23: {  	[dreg:$0xa] =	wrdreg s12;
	s5 =	sadd.s32 $0x3D600, s30;
	s30 =	simm.s32 $0xC80  }
0x24: {  	s12 =	simm.s32 $0x5000;
	[dreg:$0x1d] =	wrdreg s18;
	s18 =	simm.s32 $0x800  }
0x25: {  	[dreg:$0x1f] =	wrdreg s20;
	s20 =	simm.s32 $0xF00;
	s7 =	sadd.s32 $0x64E00, s9  }
0x26: {  	s9 =	sshrl.u32 s10, $0x3;
	s10 =	simm.s32 $0x5;
	[dreg:$0x16] =	wrdreg s30  }
.LBB2_1:
0x27: {  	[spmem:s9], [sflag:s6] =	dma.local [hbm:s5], $0x2780  }
0x28: {  	_ =	swait.ge [sflag:s10], $0x2780  }
0x29: {  	[sflag:s10] =	ssyncset.done $0x0  }
0x2a: {  	[sflag:s10] =	ssyncadd.s32 $0xFFFFD880  }
0x2b: {  	[bflag:$0x0] =	sbarrier.arrive $0xFFFF  }
0x2c: {  	s24 =	rddreg [dreg:$0x6]  }
0x2d: {  	s24 =	sadd.s32 $0x0, s24  }
0x2e: {  	[tilespmem:s3], [sflag:$0x5] =	stream.linear.gather [hbm4b:s24+s3], $0x400, $0x38;
	[tilespmem:$0x1CC00] =	vst v63  }
0x2f: {  	_ =	swait.ge [sflag:s10], $0x400  }
0x30: {  	s29 =	rddreg [dreg:$0x5];
	[sflag:s10] =	ssyncset.done $0x0  }
0x31: {  	s25 =	rddreg [dreg:$0x7];
	[sflag:s10] =	ssyncadd.s32 $0xFFFFFC00;
	s24 =	sadd.s32 $0x0, s29  }
0x32: {  	[tilespmem:s25], [sflag:$0x5] =	stream.linear.gather [hbm4b:s24+s3], $0x400, $0x38;
	[tilespmem:$0x1CC00] =	vst v63  }
0x33: {  	p0 =	por $0x1, $0x1;
	_ =	swait.ge [sflag:s10], $0x400  }
0x34: {  	s26 =	simm.s32 @p0 $0x1000;
	s28 =	simm.s32 @p0 $0x1;
	[sflag:s10] =	ssyncset.done $0x0  }
0x35: {  	s24 =	simm.s32 @p0 $0x80;
	s25 =	simm.s32 @p0 $0x0;
	[sflag:s10] =	ssyncadd.s32 $0xFFFFFC00  }
0x36: {  	[tilespmem:s26], [sflag:$0x1] =	stream.indirect.gather @p0 [hbm4b:s4+s24], $0x80, s25, s24, $0xb8;
	[tilespmem:$0x1CC00] =	vst v63  }
0x37: {  	_ =	swait.ge @p0 [sflag:s28], $0x4000  }
0x38: {  	[sflag:s28] =	ssyncset.done @p0 $0x0  }
0x39: {  	s25 =	simm.s32 @p0 $0x400;
	[sflag:s28] =	ssyncadd.s32 @p0 $0xFFFFC000;
	s28 =	simm.s32 @!p0 $0x3  }
0x3a: {  	[spmem:s2] =	stream.indirect.scatter.add.f32 @p0 [tilespmem:s26], [sflag:$0x3], $0x80, s25, s24, $0xb8;
	[tilespmem:$0x1CC00] =	vst v63  }
0x3b: {  	_ =	swait.ge @!p0 [sflag:s28], $0x4000  }
0x3c: {  	s24 =	simm.s32 @!p0 $0x1000;
	s25 =	simm.s32 @!p0 $0x80;
	[sflag:s28] =	ssyncset.done @!p0 $0x0  }
0x3d: {  	s26 =	simm.s32 @!p0 $0x0;
	[sflag:s28] =	ssyncadd.s32 @!p0 $0xFFFFC000;
	s28 =	simm.s32 @!p0 $0x1  }
0x3e: {  	[tilespmem:s24], [sflag:$0x1] =	stream.indirect.gather @!p0 [hbm4b:s4+s25], $0x80, s26, s25, $0xb8;
	[tilespmem:$0x1CC00] =	vst v63  }
0x3f: {  	_ =	swait.ge @!p0 [sflag:s28], $0x4000  }
0x40: {  	[sflag:s28] =	ssyncset.done @!p0 $0x0  }
0x41: {  	s26 =	simm.s32 @!p0 $0x400;
	[sflag:s28] =	ssyncadd.s32 @!p0 $0xFFFFC000;
	s28 =	simm.s32 @!p0 $0x4  }
0x42: {  	[spmem:s2] =	stream.indirect.scatter.add.f32 @!p0 [tilespmem:s24], [sflag:$0x3], $0x80, s26, s25, $0xb8;
	[tilespmem:$0x1CC00] =	vst v63  }
0x43: {  	_ =	swait.ge @!p0 [sflag:s28], $0x4000  }
0x44: {  	[sflag:s28] =	ssyncset.done @!p0 $0x0  }
0x45: {  	[sflag:s28] =	ssyncadd.s32 @!p0 $0xFFFFC000  }
0x46: {  	[tilespmem:s12], [sflag:$0x2] =	stream.indirect.gather [hbm4b:s4+s11], $0x80, s11, s11, $0xb8;
	[tilespmem:$0x1CC00] =	vst v63  }
0x47: {  	_ =	swait.ge [sflag:s13], $0x4000  }
0x48: {  	[sflag:s13] =	ssyncset.done $0x0  }
0x49: {  	s30 =	rddreg [dreg:$0x8];
	[sflag:s13] =	ssyncadd.s32 $0xFFFFC000  }
0x4a: {  	[spmem:s2] =	stream.indirect.scatter.add.f32 [tilespmem:s12], [sflag:$0x4], $0x80, s30, s11, $0xb8;
	[tilespmem:$0x1CC00] =	vst v63  }
0x4b: {  	_ =	swait.ge [sflag:s14], $0x4000  }
0x4c: {  	[sflag:s14] =	ssyncset.done $0x0  }
0x4d: {  	s31 =	rddreg [dreg:$0x9];
	[sflag:s14] =	ssyncadd.s32 $0xFFFFC000  }
0x4e: {  	[tilespmem:s15], [sflag:$0x1] =	stream.indirect.gather [hbm4b:s4+s11], $0x80, s31, s11, $0xb8;
	[tilespmem:$0x1CC00] =	vst v63  }
0x4f: {  	_ =	swait.ge [sflag:s16], $0x4000  }
0x50: {  	[sflag:s16] =	ssyncset.done $0x0  }
0x51: {  	s25 =	rddreg [dreg:$0xa];
	[sflag:s16] =	ssyncadd.s32 $0xFFFFC000  }
0x52: {  	[spmem:s2] =	stream.indirect.scatter.add.f32 [tilespmem:s15], [sflag:$0x3], $0x80, s25, s11, $0xb8;
	[tilespmem:$0x1CC00] =	vst v63  }
0x53: {  	_ =	swait.ge [sflag:s17], $0x4000  }
0x54: {  	[sflag:s17] =	ssyncset.done $0x0  }
0x55: {  	s26 =	rddreg [dreg:$0xb];
	[sflag:s17] =	ssyncadd.s32 $0xFFFFC000  }
0x56: {  	[tilespmem:s12], [sflag:$0x2] =	stream.indirect.gather [hbm4b:s4+s11], $0x80, s26, s11, $0xb8;
	[tilespmem:$0x1CC00] =	vst v63  }
0x57: {  	_ =	swait.ge [sflag:s13], $0x4000  }
0x58: {  	[sflag:s13] =	ssyncset.done $0x0  }
0x59: {  	s29 =	rddreg [dreg:$0xc];
	[sflag:s13] =	ssyncadd.s32 $0xFFFFC000  }
0x5a: {  	[spmem:s2] =	stream.indirect.scatter.add.f32 [tilespmem:s12], [sflag:$0x4], $0x80, s29, s11, $0xb8;
	[tilespmem:$0x1CC00] =	vst v63  }
0x5b: {  	_ =	swait.ge [sflag:s14], $0x4000  }
0x5c: {  	[sflag:s14] =	ssyncset.done $0x0  }
0x5d: {  	s30 =	rddreg [dreg:$0xd];
	[sflag:s14] =	ssyncadd.s32 $0xFFFFC000  }
0x5e: {  	[tilespmem:s15], [sflag:$0x1] =	stream.indirect.gather [hbm4b:s4+s11], $0x80, s30, s11, $0xb8;
	[tilespmem:$0x1CC00] =	vst v63  }
0x5f: {  	_ =	swait.ge [sflag:s16], $0x4000  }
0x60: {  	[sflag:s16] =	ssyncset.done $0x0  }
0x61: {  	s31 =	rddreg [dreg:$0xe];
	[sflag:s16] =	ssyncadd.s32 $0xFFFFC000  }
0x62: {  	[spmem:s2] =	stream.indirect.scatter.add.f32 [tilespmem:s15], [sflag:$0x3], $0x80, s31, s11, $0xb8;
	[tilespmem:$0x1CC00] =	vst v63  }
0x63: {  	_ =	swait.ge [sflag:s17], $0x4000  }
0x64: {  	[sflag:s17] =	ssyncset.done $0x0  }
0x65: {  	s25 =	rddreg [dreg:$0xf];
	[sflag:s17] =	ssyncadd.s32 $0xFFFFC000  }
0x66: {  	[tilespmem:s12], [sflag:$0x2] =	stream.indirect.gather [hbm4b:s4+s11], $0x80, s25, s11, $0xb8;
	[tilespmem:$0x1CC00] =	vst v63  }
0x67: {  	_ =	swait.ge [sflag:s13], $0x4000  }
0x68: {  	[sflag:s13] =	ssyncset.done $0x0  }
0x69: {  	s26 =	rddreg [dreg:$0x10];
	[sflag:s13] =	ssyncadd.s32 $0xFFFFC000  }
0x6a: {  	[spmem:s2] =	stream.indirect.scatter.add.f32 [tilespmem:s12], [sflag:$0x4], $0x80, s26, s11, $0xb8;
	[tilespmem:$0x1CC00] =	vst v63  }
0x6b: {  	_ =	swait.ge [sflag:s14], $0x4000  }
0x6c: {  	[sflag:s14] =	ssyncset.done $0x0  }
0x6d: {  	s29 =	rddreg [dreg:$0x11];
	[sflag:s14] =	ssyncadd.s32 $0xFFFFC000  }
0x6e: {  	[tilespmem:s15], [sflag:$0x1] =	stream.indirect.gather [hbm4b:s4+s11], $0x80, s29, s11, $0xb8;
	[tilespmem:$0x1CC00] =	vst v63  }
0x6f: {  	_ =	swait.ge [sflag:s16], $0x4000  }
0x70: {  	[sflag:s16] =	ssyncset.done $0x0  }
0x71: {  	s30 =	rddreg [dreg:$0x12];
	[sflag:s16] =	ssyncadd.s32 $0xFFFFC000  }
0x72: {  	[spmem:s2] =	stream.indirect.scatter.add.f32 [tilespmem:s15], [sflag:$0x3], $0x80, s30, s11, $0xb8;
	[tilespmem:$0x1CC00] =	vst v63  }
0x73: {  	_ =	swait.ge [sflag:s17], $0x4000  }
0x74: {  	[sflag:s17] =	ssyncset.done $0x0  }
0x75: {  	s31 =	rddreg [dreg:$0x13];
	[sflag:s17] =	ssyncadd.s32 $0xFFFFC000  }
0x76: {  	[tilespmem:s12], [sflag:$0x2] =	stream.indirect.gather [hbm4b:s4+s11], $0x80, s31, s11, $0xb8;
	[tilespmem:$0x1CC00] =	vst v63  }
0x77: {  	_ =	swait.ge [sflag:s13], $0x4000  }
0x78: {  	s25 =	rddreg [dreg:$0x14];
	[sflag:s13] =	ssyncset.done $0x0  }
0x79: {  	s26 =	rddreg [dreg:$0x4];
	[sflag:s13] =	ssyncadd.s32 $0xFFFFC000  }
0x7a: {  	[spmem:s2] =	stream.indirect.scatter.add.f32 [tilespmem:s12], [sflag:$0x4], $0x80, s25, s11, $0xb8;
	[tilespmem:$0x1CC00] =	vst v63  }
0x7b: {  	s29 =	sadd.s32 $0x0, s26  }
0x7c: {  	[tilespmem:s18], [sflag:$0x5] =	stream.linear.gather [hbm4b:s29+s3], $0x400, $0x38;
	[tilespmem:$0x1CC00] =	vst v63  }
0x7d: {  	_ =	swait.ge [sflag:s10], $0x400  }
0x7e: {  	s30 =	rddreg [dreg:$0x3];
	[sflag:s10] =	ssyncset.done $0x0  }
0x7f: {  	[sflag:s10] =	ssyncadd.s32 $0xFFFFFC00;
	s24 =	sadd.s32 $0x0, s30  }
0x80: {  	[tilespmem:s19], [sflag:$0x5] =	stream.linear.gather [hbm4b:s24+s3], $0x400, $0x38;
	[tilespmem:$0x1CC00] =	vst v63  }
0x81: {  	_ =	swait.ge [sflag:s10], $0x400  }
0x82: {  	[sflag:s10] =	ssyncset.done $0x0  }
0x83: {  	[sflag:s10] =	ssyncadd.s32 $0xFFFFFC00  }
0x84: {  	_ =	swait.ge [sflag:s14], $0x4000  }
0x85: {  	[sflag:s14] =	ssyncset.done $0x0  }
0x86: {  	[sflag:s14] =	ssyncadd.s32 $0xFFFFC000  }
0x87: {  	[tilespmem:s15], [sflag:$0x1] =	stream.indirect.gather [hbm4b:s4+s11], $0x80, s18, s11, $0xb8;
	[tilespmem:$0x1CC00] =	vst v63  }
0x88: {  	_ =	swait.ge [sflag:s16], $0x4000  }
0x89: {  	[sflag:s16] =	ssyncset.done $0x0  }
0x8a: {  	[sflag:s16] =	ssyncadd.s32 $0xFFFFC000  }
0x8b: {  	[spmem:s2] =	stream.indirect.scatter.add.f32 [tilespmem:s15], [sflag:$0x3], $0x80, s19, s11, $0xb8;
	[tilespmem:$0x1CC00] =	vst v63  }
0x8c: {  	_ =	swait.ge [sflag:s17], $0x4000  }
0x8d: {  	[sflag:s17] =	ssyncset.done $0x0  }
0x8e: {  	s31 =	rddreg [dreg:$0x15];
	[sflag:s17] =	ssyncadd.s32 $0xFFFFC000  }
0x8f: {  	[tilespmem:s12], [sflag:$0x2] =	stream.indirect.gather [hbm4b:s4+s11], $0x80, s31, s11, $0xb8;
	[tilespmem:$0x1CC00] =	vst v63  }
0x90: {  	_ =	swait.ge [sflag:s13], $0x4000  }
0x91: {  	[sflag:s13] =	ssyncset.done $0x0  }
0x92: {  	s25 =	rddreg [dreg:$0x16];
	[sflag:s13] =	ssyncadd.s32 $0xFFFFC000  }
0x93: {  	[spmem:s2] =	stream.indirect.scatter.add.f32 [tilespmem:s12], [sflag:$0x4], $0x80, s25, s11, $0xb8;
	[tilespmem:$0x1CC00] =	vst v63  }
0x94: {  	_ =	swait.ge [sflag:s14], $0x4000  }
0x95: {  	[sflag:s14] =	ssyncset.done $0x0  }
0x96: {  	s26 =	rddreg [dreg:$0x17];
	[sflag:s14] =	ssyncadd.s32 $0xFFFFC000  }
0x97: {  	[tilespmem:s15], [sflag:$0x1] =	stream.indirect.gather [hbm4b:s4+s11], $0x80, s26, s11, $0xb8;
	[tilespmem:$0x1CC00] =	vst v63  }
0x98: {  	_ =	swait.ge [sflag:s16], $0x4000  }
0x99: {  	[sflag:s16] =	ssyncset.done $0x0  }
0x9a: {  	s29 =	rddreg [dreg:$0x18];
	[sflag:s16] =	ssyncadd.s32 $0xFFFFC000  }
0x9b: {  	[spmem:s2] =	stream.indirect.scatter.add.f32 [tilespmem:s15], [sflag:$0x3], $0x80, s29, s11, $0xb8;
	[tilespmem:$0x1CC00] =	vst v63  }
0x9c: {  	_ =	swait.ge [sflag:s17], $0x4000  }
0x9d: {  	[sflag:s17] =	ssyncset.done $0x0  }
0x9e: {  	s30 =	rddreg [dreg:$0x19];
	[sflag:s17] =	ssyncadd.s32 $0xFFFFC000  }
0x9f: {  	[tilespmem:s12], [sflag:$0x2] =	stream.indirect.gather [hbm4b:s4+s11], $0x80, s30, s11, $0xb8;
	[tilespmem:$0x1CC00] =	vst v63  }
0xa0: {  	_ =	swait.ge [sflag:s13], $0x4000  }
0xa1: {  	[sflag:s13] =	ssyncset.done $0x0  }
0xa2: {  	s31 =	rddreg [dreg:$0x1a];
	[sflag:s13] =	ssyncadd.s32 $0xFFFFC000  }
0xa3: {  	[spmem:s2] =	stream.indirect.scatter.add.f32 [tilespmem:s12], [sflag:$0x4], $0x80, s31, s11, $0xb8;
	[tilespmem:$0x1CC00] =	vst v63  }
0xa4: {  	_ =	swait.ge [sflag:s14], $0x4000  }
0xa5: {  	[sflag:s14] =	ssyncset.done $0x0  }
0xa6: {  	s25 =	rddreg [dreg:$0x1b];
	[sflag:s14] =	ssyncadd.s32 $0xFFFFC000  }
0xa7: {  	[tilespmem:s15], [sflag:$0x1] =	stream.indirect.gather [hbm4b:s4+s11], $0x80, s25, s11, $0xb8;
	[tilespmem:$0x1CC00] =	vst v63  }
0xa8: {  	_ =	swait.ge [sflag:s16], $0x4000  }
0xa9: {  	[sflag:s16] =	ssyncset.done $0x0  }
0xaa: {  	s26 =	rddreg [dreg:$0x1c];
	[sflag:s16] =	ssyncadd.s32 $0xFFFFC000  }
0xab: {  	[spmem:s2] =	stream.indirect.scatter.add.f32 [tilespmem:s15], [sflag:$0x3], $0x80, s26, s11, $0xb8;
	[tilespmem:$0x1CC00] =	vst v63  }
0xac: {  	_ =	swait.ge [sflag:s17], $0x4000  }
0xad: {  	[sflag:s17] =	ssyncset.done $0x0  }
0xae: {  	s29 =	rddreg [dreg:$0x1d];
	[sflag:s17] =	ssyncadd.s32 $0xFFFFC000  }
0xaf: {  	[tilespmem:s12], [sflag:$0x2] =	stream.indirect.gather [hbm4b:s4+s11], $0x80, s29, s11, $0xb8;
	[tilespmem:$0x1CC00] =	vst v63  }
0xb0: {  	_ =	swait.ge [sflag:s13], $0x4000  }
0xb1: {  	[sflag:s13] =	ssyncset.done $0x0  }
0xb2: {  	s30 =	rddreg [dreg:$0x1e];
	[sflag:s13] =	ssyncadd.s32 $0xFFFFC000  }
0xb3: {  	[spmem:s2] =	stream.indirect.scatter.add.f32 [tilespmem:s12], [sflag:$0x4], $0x80, s30, s11, $0xb8;
	[tilespmem:$0x1CC00] =	vst v63  }
0xb4: {  	_ =	swait.ge [sflag:s14], $0x4000  }
0xb5: {  	[sflag:s14] =	ssyncset.done $0x0  }
0xb6: {  	s31 =	rddreg [dreg:$0x1f];
	[sflag:s14] =	ssyncadd.s32 $0xFFFFC000  }
0xb7: {  	[tilespmem:s15], [sflag:$0x1] =	stream.indirect.gather [hbm4b:s4+s11], $0x80, s31, s11, $0xb8;
	[tilespmem:$0x1CC00] =	vst v63  }
0xb8: {  	_ =	swait.ge [sflag:s16], $0x4000  }
0xb9: {  	[sflag:s16] =	ssyncset.done $0x0  }
0xba: {  	[sflag:s16] =	ssyncadd.s32 $0xFFFFC000  }
0xbb: {  	[spmem:s2] =	stream.indirect.scatter.add.f32 [tilespmem:s15], [sflag:$0x3], $0x80, s20, s11, $0xb8;
	[tilespmem:$0x1CC00] =	vst v63  }
0xbc: {  	_ =	swait.ge [sflag:s17], $0x4000  }
0xbd: {  	[sflag:s17] =	ssyncset.done $0x0  }
0xbe: {  	[sflag:s17] =	ssyncadd.s32 $0xFFFFC000  }
0xbf: {  	[tilespmem:s12], [sflag:$0x2] =	stream.indirect.gather [hbm4b:s4+s11], $0x80, s21, s11, $0xb8;
	[tilespmem:$0x1CC00] =	vst v63  }
0xc0: {  	s24 =	simm.s32 $0x100;
	_ =	swait.ge [sflag:s13], $0x4000  }
0xc1: {  	s25 =	simm.s32 $0x200;
	s28 =	rddreg [dreg:$0x6];
	[sflag:s13] =	ssyncset.done $0x0  }
.LBB2_2:
0xc2: {  	[sflag:s13] =	ssyncadd.s32 $0xFFFFC000  }
0xc3: {  	[spmem:s2] =	stream.indirect.scatter.add.f32 [tilespmem:s12], [sflag:$0x4], $0x80, s22, s11, $0xb8;
	[tilespmem:$0x1CC00] =	vst v63  }
0xc4: {  	s28 =	sadd.s32 s24, s28  }
0xc5: {  	[tilespmem:s3], [sflag:$0x5] =	stream.linear.gather [hbm4b:s28+s3], $0x400, $0x38;
	[tilespmem:$0x1CC00] =	vst v63  }
0xc6: {  	_ =	swait.ge [sflag:s10], $0x400  }
0xc7: {  	s28 =	rddreg [dreg:$0x5];
	[sflag:s10] =	ssyncset.done $0x0  }
0xc8: {  	s29 =	rddreg [dreg:$0x7];
	[sflag:s10] =	ssyncadd.s32 $0xFFFFFC00;
	s28 =	sadd.s32 s24, s28  }
0xc9: {  	[tilespmem:s29], [sflag:$0x5] =	stream.linear.gather [hbm4b:s28+s3], $0x400, $0x38;
	[tilespmem:$0x1CC00] =	vst v63  }
0xca: {  	p1 =	seq.s32 s24, $0x0;
	_ =	swait.ge [sflag:s10], $0x400  }
0xcb: {  	s30 =	simm.s32 @p1 $0x1000;
	s31 =	simm.s32 @p1 $0x1;
	[sflag:s10] =	ssyncset.done $0x0  }
0xcc: {  	s28 =	simm.s32 @p1 $0x80;
	s29 =	simm.s32 @p1 $0x0;
	[sflag:s10] =	ssyncadd.s32 $0xFFFFFC00  }
0xcd: {  	[tilespmem:s30], [sflag:$0x1] =	stream.indirect.gather @p1 [hbm4b:s4+s28], $0x80, s29, s28, $0xb8;
	[tilespmem:$0x1CC00] =	vst v63  }
0xce: {  	_ =	swait.ge @p1 [sflag:s31], $0x4000  }
0xcf: {  	[sflag:s31] =	ssyncset.done @p1 $0x0  }
0xd0: {  	s29 =	simm.s32 @p1 $0x400;
	[sflag:s31] =	ssyncadd.s32 @p1 $0xFFFFC000;
	s31 =	simm.s32 @!p1 $0x3  }
0xd1: {  	[spmem:s2] =	stream.indirect.scatter.add.f32 @p1 [tilespmem:s30], [sflag:$0x3], $0x80, s29, s28, $0xb8;
	[tilespmem:$0x1CC00] =	vst v63  }
0xd2: {  	_ =	swait.ge @!p1 [sflag:s31], $0x4000  }
0xd3: {  	s28 =	simm.s32 @!p1 $0x1000;
	s29 =	simm.s32 @!p1 $0x80;
	[sflag:s31] =	ssyncset.done @!p1 $0x0  }
0xd4: {  	s30 =	simm.s32 @!p1 $0x0;
	[sflag:s31] =	ssyncadd.s32 @!p1 $0xFFFFC000;
	s31 =	simm.s32 @!p1 $0x1  }
0xd5: {  	[tilespmem:s28], [sflag:$0x1] =	stream.indirect.gather @!p1 [hbm4b:s4+s29], $0x80, s30, s29, $0xb8;
	[tilespmem:$0x1CC00] =	vst v63  }
0xd6: {  	_ =	swait.ge @!p1 [sflag:s31], $0x4000  }
0xd7: {  	[sflag:s31] =	ssyncset.done @!p1 $0x0  }
0xd8: {  	s30 =	simm.s32 @!p1 $0x400;
	[sflag:s31] =	ssyncadd.s32 @!p1 $0xFFFFC000;
	s31 =	simm.s32 @!p1 $0x4  }
0xd9: {  	[spmem:s2] =	stream.indirect.scatter.add.f32 @!p1 [tilespmem:s28], [sflag:$0x3], $0x80, s30, s29, $0xb8;
	[tilespmem:$0x1CC00] =	vst v63  }
0xda: {  	_ =	swait.ge @!p1 [sflag:s31], $0x4000  }
0xdb: {  	[sflag:s31] =	ssyncset.done @!p1 $0x0  }
0xdc: {  	[sflag:s31] =	ssyncadd.s32 @!p1 $0xFFFFC000  }
0xdd: {  	[tilespmem:s12], [sflag:$0x2] =	stream.indirect.gather [hbm4b:s4+s11], $0x80, s11, s11, $0xb8;
	[tilespmem:$0x1CC00] =	vst v63  }
0xde: {  	_ =	swait.ge [sflag:s13], $0x4000  }
0xdf: {  	[sflag:s13] =	ssyncset.done $0x0  }
0xe0: {  	s28 =	rddreg [dreg:$0x8];
	[sflag:s13] =	ssyncadd.s32 $0xFFFFC000  }
0xe1: {  	[spmem:s2] =	stream.indirect.scatter.add.f32 [tilespmem:s12], [sflag:$0x4], $0x80, s28, s11, $0xb8;
	[tilespmem:$0x1CC00] =	vst v63  }
0xe2: {  	_ =	swait.ge [sflag:s14], $0x4000  }
0xe3: {  	[sflag:s14] =	ssyncset.done $0x0  }
0xe4: {  	s28 =	rddreg [dreg:$0x9];
	[sflag:s14] =	ssyncadd.s32 $0xFFFFC000  }
0xe5: {  	[tilespmem:s15], [sflag:$0x1] =	stream.indirect.gather [hbm4b:s4+s11], $0x80, s28, s11, $0xb8;
	[tilespmem:$0x1CC00] =	vst v63  }
0xe6: {  	_ =	swait.ge [sflag:s16], $0x4000  }
0xe7: {  	[sflag:s16] =	ssyncset.done $0x0  }
0xe8: {  	s28 =	rddreg [dreg:$0xa];
	[sflag:s16] =	ssyncadd.s32 $0xFFFFC000  }
0xe9: {  	[spmem:s2] =	stream.indirect.scatter.add.f32 [tilespmem:s15], [sflag:$0x3], $0x80, s28, s11, $0xb8;
	[tilespmem:$0x1CC00] =	vst v63  }
0xea: {  	_ =	swait.ge [sflag:s17], $0x4000  }
0xeb: {  	[sflag:s17] =	ssyncset.done $0x0  }
0xec: {  	s28 =	rddreg [dreg:$0xb];
	[sflag:s17] =	ssyncadd.s32 $0xFFFFC000  }
0xed: {  	[tilespmem:s12], [sflag:$0x2] =	stream.indirect.gather [hbm4b:s4+s11], $0x80, s28, s11, $0xb8;
	[tilespmem:$0x1CC00] =	vst v63  }
0xee: {  	_ =	swait.ge [sflag:s13], $0x4000  }
0xef: {  	[sflag:s13] =	ssyncset.done $0x0  }
0xf0: {  	s28 =	rddreg [dreg:$0xc];
	[sflag:s13] =	ssyncadd.s32 $0xFFFFC000  }
0xf1: {  	[spmem:s2] =	stream.indirect.scatter.add.f32 [tilespmem:s12], [sflag:$0x4], $0x80, s28, s11, $0xb8;
	[tilespmem:$0x1CC00] =	vst v63  }
0xf2: {  	_ =	swait.ge [sflag:s14], $0x4000  }
0xf3: {  	[sflag:s14] =	ssyncset.done $0x0  }
0xf4: {  	s28 =	rddreg [dreg:$0xd];
	[sflag:s14] =	ssyncadd.s32 $0xFFFFC000  }
0xf5: {  	[tilespmem:s15], [sflag:$0x1] =	stream.indirect.gather [hbm4b:s4+s11], $0x80, s28, s11, $0xb8;
	[tilespmem:$0x1CC00] =	vst v63  }
0xf6: {  	_ =	swait.ge [sflag:s16], $0x4000  }
0xf7: {  	[sflag:s16] =	ssyncset.done $0x0  }
0xf8: {  	s28 =	rddreg [dreg:$0xe];
	[sflag:s16] =	ssyncadd.s32 $0xFFFFC000  }
0xf9: {  	[spmem:s2] =	stream.indirect.scatter.add.f32 [tilespmem:s15], [sflag:$0x3], $0x80, s28, s11, $0xb8;
	[tilespmem:$0x1CC00] =	vst v63  }
0xfa: {  	_ =	swait.ge [sflag:s17], $0x4000  }
0xfb: {  	[sflag:s17] =	ssyncset.done $0x0  }
0xfc: {  	s28 =	rddreg [dreg:$0xf];
	[sflag:s17] =	ssyncadd.s32 $0xFFFFC000  }
0xfd: {  	[tilespmem:s12], [sflag:$0x2] =	stream.indirect.gather [hbm4b:s4+s11], $0x80, s28, s11, $0xb8;
	[tilespmem:$0x1CC00] =	vst v63  }
0xfe: {  	_ =	swait.ge [sflag:s13], $0x4000  }
0xff: {  	[sflag:s13] =	ssyncset.done $0x0  }
0x100: {  	s28 =	rddreg [dreg:$0x10];
	[sflag:s13] =	ssyncadd.s32 $0xFFFFC000  }
0x101: {  	[spmem:s2] =	stream.indirect.scatter.add.f32 [tilespmem:s12], [sflag:$0x4], $0x80, s28, s11, $0xb8;
	[tilespmem:$0x1CC00] =	vst v63  }
0x102: {  	_ =	swait.ge [sflag:s14], $0x4000  }
0x103: {  	[sflag:s14] =	ssyncset.done $0x0  }
0x104: {  	s28 =	rddreg [dreg:$0x11];
	[sflag:s14] =	ssyncadd.s32 $0xFFFFC000  }
0x105: {  	[tilespmem:s15], [sflag:$0x1] =	stream.indirect.gather [hbm4b:s4+s11], $0x80, s28, s11, $0xb8;
	[tilespmem:$0x1CC00] =	vst v63  }
0x106: {  	_ =	swait.ge [sflag:s16], $0x4000  }
0x107: {  	[sflag:s16] =	ssyncset.done $0x0  }
0x108: {  	s28 =	rddreg [dreg:$0x12];
	[sflag:s16] =	ssyncadd.s32 $0xFFFFC000  }
0x109: {  	[spmem:s2] =	stream.indirect.scatter.add.f32 [tilespmem:s15], [sflag:$0x3], $0x80, s28, s11, $0xb8;
	[tilespmem:$0x1CC00] =	vst v63  }
0x10a: {  	_ =	swait.ge [sflag:s17], $0x4000  }
0x10b: {  	[sflag:s17] =	ssyncset.done $0x0  }
0x10c: {  	s28 =	rddreg [dreg:$0x13];
	[sflag:s17] =	ssyncadd.s32 $0xFFFFC000  }
0x10d: {  	[tilespmem:s12], [sflag:$0x2] =	stream.indirect.gather [hbm4b:s4+s11], $0x80, s28, s11, $0xb8;
	[tilespmem:$0x1CC00] =	vst v63  }
0x10e: {  	_ =	swait.ge [sflag:s13], $0x4000  }
0x10f: {  	[sflag:s13] =	ssyncset.done $0x0;
	s28 =	rddreg [dreg:$0x14]  }
0x110: {  	s31 =	rddreg [dreg:$0x4];
	[sflag:s13] =	ssyncadd.s32 $0xFFFFC000  }
0x111: {  	[spmem:s2] =	stream.indirect.scatter.add.f32 [tilespmem:s12], [sflag:$0x4], $0x80, s28, s11, $0xb8;
	[tilespmem:$0x1CC00] =	vst v63  }
0x112: {  	s28 =	sadd.s32 s24, s31  }
0x113: {  	[tilespmem:s18], [sflag:$0x5] =	stream.linear.gather [hbm4b:s28+s3], $0x400, $0x38;
	[tilespmem:$0x1CC00] =	vst v63  }
0x114: {  	_ =	swait.ge [sflag:s10], $0x400  }
0x115: {  	s28 =	rddreg [dreg:$0x3];
	[sflag:s10] =	ssyncset.done $0x0  }
0x116: {  	[sflag:s10] =	ssyncadd.s32 $0xFFFFFC00;
	s28 =	sadd.s32 s24, s28  }
0x117: {  	[tilespmem:s19], [sflag:$0x5] =	stream.linear.gather [hbm4b:s28+s3], $0x400, $0x38;
	[tilespmem:$0x1CC00] =	vst v63  }
0x118: {  	_ =	swait.ge [sflag:s10], $0x400  }
0x119: {  	[sflag:s10] =	ssyncset.done $0x0  }
0x11a: {  	[sflag:s10] =	ssyncadd.s32 $0xFFFFFC00  }
0x11b: {  	_ =	swait.ge [sflag:s14], $0x4000  }
0x11c: {  	[sflag:s14] =	ssyncset.done $0x0  }
0x11d: {  	[sflag:s14] =	ssyncadd.s32 $0xFFFFC000  }
0x11e: {  	[tilespmem:s15], [sflag:$0x1] =	stream.indirect.gather [hbm4b:s4+s11], $0x80, s18, s11, $0xb8;
	[tilespmem:$0x1CC00] =	vst v63  }
0x11f: {  	_ =	swait.ge [sflag:s16], $0x4000  }
0x120: {  	[sflag:s16] =	ssyncset.done $0x0  }
0x121: {  	[sflag:s16] =	ssyncadd.s32 $0xFFFFC000  }
0x122: {  	[spmem:s2] =	stream.indirect.scatter.add.f32 [tilespmem:s15], [sflag:$0x3], $0x80, s19, s11, $0xb8;
	[tilespmem:$0x1CC00] =	vst v63  }
0x123: {  	_ =	swait.ge [sflag:s17], $0x4000  }
0x124: {  	[sflag:s17] =	ssyncset.done $0x0  }
0x125: {  	s30 =	rddreg [dreg:$0x15];
	[sflag:s17] =	ssyncadd.s32 $0xFFFFC000  }
0x126: {  	[tilespmem:s12], [sflag:$0x2] =	stream.indirect.gather [hbm4b:s4+s11], $0x80, s30, s11, $0xb8;
	[tilespmem:$0x1CC00] =	vst v63  }
0x127: {  	_ =	swait.ge [sflag:s13], $0x4000  }
0x128: {  	[sflag:s13] =	ssyncset.done $0x0  }
0x129: {  	s31 =	rddreg [dreg:$0x16];
	[sflag:s13] =	ssyncadd.s32 $0xFFFFC000  }
0x12a: {  	[spmem:s2] =	stream.indirect.scatter.add.f32 [tilespmem:s12], [sflag:$0x4], $0x80, s31, s11, $0xb8;
	[tilespmem:$0x1CC00] =	vst v63  }
0x12b: {  	_ =	swait.ge [sflag:s14], $0x4000  }
0x12c: {  	[sflag:s14] =	ssyncset.done $0x0  }
0x12d: {  	s29 =	rddreg [dreg:$0x17];
	[sflag:s14] =	ssyncadd.s32 $0xFFFFC000  }
0x12e: {  	[tilespmem:s15], [sflag:$0x1] =	stream.indirect.gather [hbm4b:s4+s11], $0x80, s29, s11, $0xb8;
	[tilespmem:$0x1CC00] =	vst v63  }
0x12f: {  	_ =	swait.ge [sflag:s16], $0x4000  }
0x130: {  	[sflag:s16] =	ssyncset.done $0x0  }
0x131: {  	s30 =	rddreg [dreg:$0x18];
	[sflag:s16] =	ssyncadd.s32 $0xFFFFC000  }
0x132: {  	[spmem:s2] =	stream.indirect.scatter.add.f32 [tilespmem:s15], [sflag:$0x3], $0x80, s30, s11, $0xb8;
	[tilespmem:$0x1CC00] =	vst v63  }
0x133: {  	_ =	swait.ge [sflag:s17], $0x4000  }
0x134: {  	[sflag:s17] =	ssyncset.done $0x0  }
0x135: {  	s31 =	rddreg [dreg:$0x19];
	[sflag:s17] =	ssyncadd.s32 $0xFFFFC000  }
0x136: {  	[tilespmem:s12], [sflag:$0x2] =	stream.indirect.gather [hbm4b:s4+s11], $0x80, s31, s11, $0xb8;
	[tilespmem:$0x1CC00] =	vst v63  }
0x137: {  	_ =	swait.ge [sflag:s13], $0x4000  }
0x138: {  	[sflag:s13] =	ssyncset.done $0x0  }
0x139: {  	s29 =	rddreg [dreg:$0x1a];
	[sflag:s13] =	ssyncadd.s32 $0xFFFFC000  }
0x13a: {  	[spmem:s2] =	stream.indirect.scatter.add.f32 [tilespmem:s12], [sflag:$0x4], $0x80, s29, s11, $0xb8;
	[tilespmem:$0x1CC00] =	vst v63  }
0x13b: {  	_ =	swait.ge [sflag:s14], $0x4000  }
0x13c: {  	[sflag:s14] =	ssyncset.done $0x0  }
0x13d: {  	s30 =	rddreg [dreg:$0x1b];
	[sflag:s14] =	ssyncadd.s32 $0xFFFFC000  }
0x13e: {  	[tilespmem:s15], [sflag:$0x1] =	stream.indirect.gather [hbm4b:s4+s11], $0x80, s30, s11, $0xb8;
	[tilespmem:$0x1CC00] =	vst v63  }
0x13f: {  	_ =	swait.ge [sflag:s16], $0x4000  }
0x140: {  	[sflag:s16] =	ssyncset.done $0x0  }
0x141: {  	s31 =	rddreg [dreg:$0x1c];
	[sflag:s16] =	ssyncadd.s32 $0xFFFFC000  }
0x142: {  	[spmem:s2] =	stream.indirect.scatter.add.f32 [tilespmem:s15], [sflag:$0x3], $0x80, s31, s11, $0xb8;
	[tilespmem:$0x1CC00] =	vst v63  }
0x143: {  	_ =	swait.ge [sflag:s17], $0x4000  }
0x144: {  	[sflag:s17] =	ssyncset.done $0x0  }
0x145: {  	s29 =	rddreg [dreg:$0x1d];
	[sflag:s17] =	ssyncadd.s32 $0xFFFFC000  }
0x146: {  	[tilespmem:s12], [sflag:$0x2] =	stream.indirect.gather [hbm4b:s4+s11], $0x80, s29, s11, $0xb8;
	[tilespmem:$0x1CC00] =	vst v63  }
0x147: {  	_ =	swait.ge [sflag:s13], $0x4000  }
0x148: {  	[sflag:s13] =	ssyncset.done $0x0  }
0x149: {  	s30 =	rddreg [dreg:$0x1e];
	[sflag:s13] =	ssyncadd.s32 $0xFFFFC000  }
0x14a: {  	[spmem:s2] =	stream.indirect.scatter.add.f32 [tilespmem:s12], [sflag:$0x4], $0x80, s30, s11, $0xb8;
	[tilespmem:$0x1CC00] =	vst v63  }
0x14b: {  	_ =	swait.ge [sflag:s14], $0x4000  }
0x14c: {  	[sflag:s14] =	ssyncset.done $0x0  }
0x14d: {  	s31 =	rddreg [dreg:$0x1f];
	[sflag:s14] =	ssyncadd.s32 $0xFFFFC000  }
0x14e: {  	[tilespmem:s15], [sflag:$0x1] =	stream.indirect.gather [hbm4b:s4+s11], $0x80, s31, s11, $0xb8;
	[tilespmem:$0x1CC00] =	vst v63  }
0x14f: {  	_ =	swait.ge [sflag:s16], $0x4000  }
0x150: {  	[sflag:s16] =	ssyncset.done $0x0  }
0x151: {  	s26 =	smov.u32 s25;
	s25 =	sadd.s32 $0x100, s25;
	[sflag:s16] =	ssyncadd.s32 $0xFFFFC000  }
0x152: {  	[spmem:s2] =	stream.indirect.scatter.add.f32 [tilespmem:s15], [sflag:$0x3], $0x80, s20, s11, $0xb8;
	[tilespmem:$0x1CC00] =	vst v63  }
0x153: {  	p0 =	sne.s32 s25, $0x500;
	_ =	swait.ge [sflag:s17], $0x4000  }
.Ltmp0:
0x154: {  	[sflag:s17] =	ssyncset.done $0x0;
	(pc) =	sbr.rel @p0 .LBB2_2-.Ltmp0, $4  }
0x155: {  	[sflag:s17] =	ssyncadd.s32 $0xFFFFC000  }
0x156: {  	[tilespmem:s12], [sflag:$0x2] =	stream.indirect.gather [hbm4b:s4+s11], $0x80, s21, s11, $0xb8;
	[tilespmem:$0x1CC00] =	vst v63  }
0x157: {  	_ =	swait.ge [sflag:s13], $0x4000  }
0x158: {  	s24 =	smov.u32 s26;
	s28 =	rddreg [dreg:$0x6];
	[sflag:s13] =	ssyncset.done $0x0  }
0x159: {  	[sflag:s13] =	ssyncadd.s32 $0xFFFFC000  }
0x15a: {  	[spmem:s2] =	stream.indirect.scatter.add.f32 [tilespmem:s12], [sflag:$0x4], $0x80, s22, s11, $0xb8;
	[tilespmem:$0x1CC00] =	vst v63  }
0x15b: {  	s25 =	sadd.s32 s24, s28  }
0x15c: {  	[tilespmem:s3], [sflag:$0x5] =	stream.linear.gather [hbm4b:s25+s3], $0x400, $0x38;
	[tilespmem:$0x1CC00] =	vst v63  }
0x15d: {  	_ =	swait.ge [sflag:s10], $0x400  }
0x15e: {  	s30 =	rddreg [dreg:$0x5];
	[sflag:s10] =	ssyncset.done $0x0  }
0x15f: {  	s26 =	rddreg [dreg:$0x7];
	[sflag:s10] =	ssyncadd.s32 $0xFFFFFC00;
	s25 =	sadd.s32 s24, s30  }
0x160: {  	[tilespmem:s26], [sflag:$0x5] =	stream.linear.gather [hbm4b:s25+s3], $0x400, $0x38;
	[tilespmem:$0x1CC00] =	vst v63  }
0x161: {  	p0 =	seq.s32 s24, $0x0;
	_ =	swait.ge [sflag:s10], $0x400  }
0x162: {  	s28 =	simm.s32 @p0 $0x1000;
	s29 =	simm.s32 @p0 $0x1;
	[sflag:s10] =	ssyncset.done $0x0  }
0x163: {  	s25 =	simm.s32 @p0 $0x80;
	s26 =	simm.s32 @p0 $0x0;
	[sflag:s10] =	ssyncadd.s32 $0xFFFFFC00  }
0x164: {  	[tilespmem:s28], [sflag:$0x1] =	stream.indirect.gather @p0 [hbm4b:s4+s25], $0x80, s26, s25, $0xb8;
	[tilespmem:$0x1CC00] =	vst v63  }
0x165: {  	_ =	swait.ge @p0 [sflag:s29], $0x4000  }
0x166: {  	[sflag:s29] =	ssyncset.done @p0 $0x0  }
0x167: {  	s26 =	simm.s32 @p0 $0x400;
	[sflag:s29] =	ssyncadd.s32 @p0 $0xFFFFC000;
	s29 =	simm.s32 @!p0 $0x3  }
0x168: {  	[spmem:s2] =	stream.indirect.scatter.add.f32 @p0 [tilespmem:s28], [sflag:$0x3], $0x80, s26, s25, $0xb8;
	[tilespmem:$0x1CC00] =	vst v63  }
0x169: {  	_ =	swait.ge @!p0 [sflag:s29], $0x4000  }
0x16a: {  	s25 =	simm.s32 @!p0 $0x1000;
	s26 =	simm.s32 @!p0 $0x80;
	[sflag:s29] =	ssyncset.done @!p0 $0x0  }
0x16b: {  	s28 =	simm.s32 @!p0 $0x0;
	[sflag:s29] =	ssyncadd.s32 @!p0 $0xFFFFC000;
	s29 =	simm.s32 @!p0 $0x1  }
0x16c: {  	[tilespmem:s25], [sflag:$0x1] =	stream.indirect.gather @!p0 [hbm4b:s4+s26], $0x80, s28, s26, $0xb8;
	[tilespmem:$0x1CC00] =	vst v63  }
0x16d: {  	_ =	swait.ge @!p0 [sflag:s29], $0x4000  }
0x16e: {  	[sflag:s29] =	ssyncset.done @!p0 $0x0  }
0x16f: {  	s28 =	simm.s32 @!p0 $0x400;
	[sflag:s29] =	ssyncadd.s32 @!p0 $0xFFFFC000;
	s29 =	simm.s32 @!p0 $0x4  }
0x170: {  	[spmem:s2] =	stream.indirect.scatter.add.f32 @!p0 [tilespmem:s25], [sflag:$0x3], $0x80, s28, s26, $0xb8;
	[tilespmem:$0x1CC00] =	vst v63  }
0x171: {  	_ =	swait.ge @!p0 [sflag:s29], $0x4000  }
0x172: {  	[sflag:s29] =	ssyncset.done @!p0 $0x0  }
0x173: {  	[sflag:s29] =	ssyncadd.s32 @!p0 $0xFFFFC000  }
0x174: {  	[tilespmem:s12], [sflag:$0x2] =	stream.indirect.gather [hbm4b:s4+s11], $0x80, s11, s11, $0xb8;
	[tilespmem:$0x1CC00] =	vst v63  }
0x175: {  	_ =	swait.ge [sflag:s13], $0x4000  }
0x176: {  	[sflag:s13] =	ssyncset.done $0x0  }
0x177: {  	s31 =	rddreg [dreg:$0x8];
	[sflag:s13] =	ssyncadd.s32 $0xFFFFC000  }
0x178: {  	[spmem:s2] =	stream.indirect.scatter.add.f32 [tilespmem:s12], [sflag:$0x4], $0x80, s31, s11, $0xb8;
	[tilespmem:$0x1CC00] =	vst v63  }
0x179: {  	_ =	swait.ge [sflag:s14], $0x4000  }
0x17a: {  	[sflag:s14] =	ssyncset.done $0x0  }
0x17b: {  	s26 =	rddreg [dreg:$0x9];
	[sflag:s14] =	ssyncadd.s32 $0xFFFFC000  }
0x17c: {  	[tilespmem:s15], [sflag:$0x1] =	stream.indirect.gather [hbm4b:s4+s11], $0x80, s26, s11, $0xb8;
	[tilespmem:$0x1CC00] =	vst v63  }
0x17d: {  	_ =	swait.ge [sflag:s16], $0x4000  }
0x17e: {  	[sflag:s16] =	ssyncset.done $0x0  }
0x17f: {  	s28 =	rddreg [dreg:$0xa];
	[sflag:s16] =	ssyncadd.s32 $0xFFFFC000  }
0x180: {  	[spmem:s2] =	stream.indirect.scatter.add.f32 [tilespmem:s15], [sflag:$0x3], $0x80, s28, s11, $0xb8;
	[tilespmem:$0x1CC00] =	vst v63  }
0x181: {  	_ =	swait.ge [sflag:s17], $0x4000  }
0x182: {  	[sflag:s17] =	ssyncset.done $0x0  }
0x183: {  	s29 =	rddreg [dreg:$0xb];
	[sflag:s17] =	ssyncadd.s32 $0xFFFFC000  }
0x184: {  	[tilespmem:s12], [sflag:$0x2] =	stream.indirect.gather [hbm4b:s4+s11], $0x80, s29, s11, $0xb8;
	[tilespmem:$0x1CC00] =	vst v63  }
0x185: {  	_ =	swait.ge [sflag:s13], $0x4000  }
0x186: {  	[sflag:s13] =	ssyncset.done $0x0  }
0x187: {  	s30 =	rddreg [dreg:$0xc];
	[sflag:s13] =	ssyncadd.s32 $0xFFFFC000  }
0x188: {  	[spmem:s2] =	stream.indirect.scatter.add.f32 [tilespmem:s12], [sflag:$0x4], $0x80, s30, s11, $0xb8;
	[tilespmem:$0x1CC00] =	vst v63  }
0x189: {  	_ =	swait.ge [sflag:s14], $0x4000  }
0x18a: {  	[sflag:s14] =	ssyncset.done $0x0  }
0x18b: {  	s31 =	rddreg [dreg:$0xd];
	[sflag:s14] =	ssyncadd.s32 $0xFFFFC000  }
0x18c: {  	[tilespmem:s15], [sflag:$0x1] =	stream.indirect.gather [hbm4b:s4+s11], $0x80, s31, s11, $0xb8;
	[tilespmem:$0x1CC00] =	vst v63  }
0x18d: {  	_ =	swait.ge [sflag:s16], $0x4000  }
0x18e: {  	[sflag:s16] =	ssyncset.done $0x0  }
0x18f: {  	s26 =	rddreg [dreg:$0xe];
	[sflag:s16] =	ssyncadd.s32 $0xFFFFC000  }
0x190: {  	[spmem:s2] =	stream.indirect.scatter.add.f32 [tilespmem:s15], [sflag:$0x3], $0x80, s26, s11, $0xb8;
	[tilespmem:$0x1CC00] =	vst v63  }
0x191: {  	_ =	swait.ge [sflag:s17], $0x4000  }
0x192: {  	[sflag:s17] =	ssyncset.done $0x0  }
0x193: {  	s28 =	rddreg [dreg:$0xf];
	[sflag:s17] =	ssyncadd.s32 $0xFFFFC000  }
0x194: {  	[tilespmem:s12], [sflag:$0x2] =	stream.indirect.gather [hbm4b:s4+s11], $0x80, s28, s11, $0xb8;
	[tilespmem:$0x1CC00] =	vst v63  }
0x195: {  	_ =	swait.ge [sflag:s13], $0x4000  }
0x196: {  	[sflag:s13] =	ssyncset.done $0x0  }
0x197: {  	s29 =	rddreg [dreg:$0x10];
	[sflag:s13] =	ssyncadd.s32 $0xFFFFC000  }
0x198: {  	[spmem:s2] =	stream.indirect.scatter.add.f32 [tilespmem:s12], [sflag:$0x4], $0x80, s29, s11, $0xb8;
	[tilespmem:$0x1CC00] =	vst v63  }
0x199: {  	_ =	swait.ge [sflag:s14], $0x4000  }
0x19a: {  	[sflag:s14] =	ssyncset.done $0x0  }
0x19b: {  	s30 =	rddreg [dreg:$0x11];
	[sflag:s14] =	ssyncadd.s32 $0xFFFFC000  }
0x19c: {  	[tilespmem:s15], [sflag:$0x1] =	stream.indirect.gather [hbm4b:s4+s11], $0x80, s30, s11, $0xb8;
	[tilespmem:$0x1CC00] =	vst v63  }
0x19d: {  	_ =	swait.ge [sflag:s16], $0x4000  }
0x19e: {  	[sflag:s16] =	ssyncset.done $0x0  }
0x19f: {  	s31 =	rddreg [dreg:$0x12];
	[sflag:s16] =	ssyncadd.s32 $0xFFFFC000  }
0x1a0: {  	[spmem:s2] =	stream.indirect.scatter.add.f32 [tilespmem:s15], [sflag:$0x3], $0x80, s31, s11, $0xb8;
	[tilespmem:$0x1CC00] =	vst v63  }
0x1a1: {  	_ =	swait.ge [sflag:s17], $0x4000  }
0x1a2: {  	[sflag:s17] =	ssyncset.done $0x0  }
0x1a3: {  	s26 =	rddreg [dreg:$0x13];
	[sflag:s17] =	ssyncadd.s32 $0xFFFFC000  }
0x1a4: {  	[tilespmem:s12], [sflag:$0x2] =	stream.indirect.gather [hbm4b:s4+s11], $0x80, s26, s11, $0xb8;
	[tilespmem:$0x1CC00] =	vst v63  }
0x1a5: {  	_ =	swait.ge [sflag:s13], $0x4000  }
0x1a6: {  	s28 =	rddreg [dreg:$0x14];
	[sflag:s13] =	ssyncset.done $0x0  }
0x1a7: {  	s29 =	rddreg [dreg:$0x4];
	[sflag:s13] =	ssyncadd.s32 $0xFFFFC000  }
0x1a8: {  	[spmem:s2] =	stream.indirect.scatter.add.f32 [tilespmem:s12], [sflag:$0x4], $0x80, s28, s11, $0xb8;
	[tilespmem:$0x1CC00] =	vst v63  }
0x1a9: {  	s30 =	sadd.s32 s24, s29  }
0x1aa: {  	[tilespmem:s18], [sflag:$0x5] =	stream.linear.gather [hbm4b:s30+s3], $0x400, $0x38;
	[tilespmem:$0x1CC00] =	vst v63  }
0x1ab: {  	_ =	swait.ge [sflag:s10], $0x400  }
0x1ac: {  	s31 =	rddreg [dreg:$0x3];
	[sflag:s10] =	ssyncset.done $0x0  }
0x1ad: {  	[sflag:s10] =	ssyncadd.s32 $0xFFFFFC00;
	s25 =	sadd.s32 s24, s31  }
0x1ae: {  	[tilespmem:s19], [sflag:$0x5] =	stream.linear.gather [hbm4b:s25+s3], $0x400, $0x38;
	[tilespmem:$0x1CC00] =	vst v63  }
0x1af: {  	_ =	swait.ge [sflag:s10], $0x400  }
0x1b0: {  	[sflag:s10] =	ssyncset.done $0x0  }
0x1b1: {  	[sflag:s10] =	ssyncadd.s32 $0xFFFFFC00  }
0x1b2: {  	_ =	swait.ge [sflag:s14], $0x4000  }
0x1b3: {  	[sflag:s14] =	ssyncset.done $0x0  }
0x1b4: {  	[sflag:s14] =	ssyncadd.s32 $0xFFFFC000  }
0x1b5: {  	[tilespmem:s15], [sflag:$0x1] =	stream.indirect.gather [hbm4b:s4+s11], $0x80, s18, s11, $0xb8;
	[tilespmem:$0x1CC00] =	vst v63  }
0x1b6: {  	_ =	swait.ge [sflag:s16], $0x4000  }
0x1b7: {  	[sflag:s16] =	ssyncset.done $0x0  }
0x1b8: {  	[sflag:s16] =	ssyncadd.s32 $0xFFFFC000  }
0x1b9: {  	[spmem:s2] =	stream.indirect.scatter.add.f32 [tilespmem:s15], [sflag:$0x3], $0x80, s19, s11, $0xb8;
	[tilespmem:$0x1CC00] =	vst v63  }
0x1ba: {  	_ =	swait.ge [sflag:s17], $0x4000  }
0x1bb: {  	[sflag:s17] =	ssyncset.done $0x0  }
0x1bc: {  	s26 =	rddreg [dreg:$0x15];
	[sflag:s17] =	ssyncadd.s32 $0xFFFFC000  }
0x1bd: {  	[tilespmem:s12], [sflag:$0x2] =	stream.indirect.gather [hbm4b:s4+s11], $0x80, s26, s11, $0xb8;
	[tilespmem:$0x1CC00] =	vst v63  }
0x1be: {  	_ =	swait.ge [sflag:s13], $0x4000  }
0x1bf: {  	[sflag:s13] =	ssyncset.done $0x0  }
0x1c0: {  	s28 =	rddreg [dreg:$0x16];
	[sflag:s13] =	ssyncadd.s32 $0xFFFFC000  }
0x1c1: {  	[spmem:s2] =	stream.indirect.scatter.add.f32 [tilespmem:s12], [sflag:$0x4], $0x80, s28, s11, $0xb8;
	[tilespmem:$0x1CC00] =	vst v63  }
0x1c2: {  	_ =	swait.ge [sflag:s14], $0x4000  }
0x1c3: {  	[sflag:s14] =	ssyncset.done $0x0  }
0x1c4: {  	s29 =	rddreg [dreg:$0x17];
	[sflag:s14] =	ssyncadd.s32 $0xFFFFC000  }
0x1c5: {  	[tilespmem:s15], [sflag:$0x1] =	stream.indirect.gather [hbm4b:s4+s11], $0x80, s29, s11, $0xb8;
	[tilespmem:$0x1CC00] =	vst v63  }
0x1c6: {  	_ =	swait.ge [sflag:s16], $0x4000  }
0x1c7: {  	[sflag:s16] =	ssyncset.done $0x0  }
0x1c8: {  	s30 =	rddreg [dreg:$0x18];
	[sflag:s16] =	ssyncadd.s32 $0xFFFFC000  }
0x1c9: {  	[spmem:s2] =	stream.indirect.scatter.add.f32 [tilespmem:s15], [sflag:$0x3], $0x80, s30, s11, $0xb8;
	[tilespmem:$0x1CC00] =	vst v63  }
0x1ca: {  	_ =	swait.ge [sflag:s17], $0x4000  }
0x1cb: {  	[sflag:s17] =	ssyncset.done $0x0  }
0x1cc: {  	s31 =	rddreg [dreg:$0x19];
	[sflag:s17] =	ssyncadd.s32 $0xFFFFC000  }
0x1cd: {  	[tilespmem:s12], [sflag:$0x2] =	stream.indirect.gather [hbm4b:s4+s11], $0x80, s31, s11, $0xb8;
	[tilespmem:$0x1CC00] =	vst v63  }
0x1ce: {  	_ =	swait.ge [sflag:s13], $0x4000  }
0x1cf: {  	[sflag:s13] =	ssyncset.done $0x0  }
0x1d0: {  	s25 =	rddreg [dreg:$0x1a];
	[sflag:s13] =	ssyncadd.s32 $0xFFFFC000  }
0x1d1: {  	[spmem:s2] =	stream.indirect.scatter.add.f32 [tilespmem:s12], [sflag:$0x4], $0x80, s25, s11, $0xb8;
	[tilespmem:$0x1CC00] =	vst v63  }
0x1d2: {  	_ =	swait.ge [sflag:s14], $0x4000  }
0x1d3: {  	[sflag:s14] =	ssyncset.done $0x0  }
0x1d4: {  	s26 =	rddreg [dreg:$0x1b];
	[sflag:s14] =	ssyncadd.s32 $0xFFFFC000  }
0x1d5: {  	[tilespmem:s15], [sflag:$0x1] =	stream.indirect.gather [hbm4b:s4+s11], $0x80, s26, s11, $0xb8;
	[tilespmem:$0x1CC00] =	vst v63  }
0x1d6: {  	_ =	swait.ge [sflag:s16], $0x4000  }
0x1d7: {  	[sflag:s16] =	ssyncset.done $0x0  }
0x1d8: {  	s28 =	rddreg [dreg:$0x1c];
	[sflag:s16] =	ssyncadd.s32 $0xFFFFC000  }
0x1d9: {  	[spmem:s2] =	stream.indirect.scatter.add.f32 [tilespmem:s15], [sflag:$0x3], $0x80, s28, s11, $0xb8;
	[tilespmem:$0x1CC00] =	vst v63  }
0x1da: {  	_ =	swait.ge [sflag:s17], $0x4000  }
0x1db: {  	[sflag:s17] =	ssyncset.done $0x0  }
0x1dc: {  	s29 =	rddreg [dreg:$0x1d];
	[sflag:s17] =	ssyncadd.s32 $0xFFFFC000  }
0x1dd: {  	[tilespmem:s12], [sflag:$0x2] =	stream.indirect.gather [hbm4b:s4+s11], $0x80, s29, s11, $0xb8;
	[tilespmem:$0x1CC00] =	vst v63  }
0x1de: {  	_ =	swait.ge [sflag:s13], $0x4000  }
0x1df: {  	[sflag:s13] =	ssyncset.done $0x0  }
0x1e0: {  	s30 =	rddreg [dreg:$0x1e];
	[sflag:s13] =	ssyncadd.s32 $0xFFFFC000  }
0x1e1: {  	[spmem:s2] =	stream.indirect.scatter.add.f32 [tilespmem:s12], [sflag:$0x4], $0x80, s30, s11, $0xb8;
	[tilespmem:$0x1CC00] =	vst v63  }
0x1e2: {  	_ =	swait.ge [sflag:s14], $0x4000  }
0x1e3: {  	[sflag:s14] =	ssyncset.done $0x0  }
0x1e4: {  	s31 =	rddreg [dreg:$0x1f];
	[sflag:s14] =	ssyncadd.s32 $0xFFFFC000  }
0x1e5: {  	[tilespmem:s15], [sflag:$0x1] =	stream.indirect.gather [hbm4b:s4+s11], $0x80, s31, s11, $0xb8;
	[tilespmem:$0x1CC00] =	vst v63  }
0x1e6: {  	_ =	swait.ge [sflag:s16], $0x4000  }
0x1e7: {  	[sflag:s16] =	ssyncset.done $0x0  }
0x1e8: {  	[sflag:s16] =	ssyncadd.s32 $0xFFFFC000  }
0x1e9: {  	[spmem:s2] =	stream.indirect.scatter.add.f32 [tilespmem:s15], [sflag:$0x3], $0x80, s20, s11, $0xb8;
	[tilespmem:$0x1CC00] =	vst v63  }
0x1ea: {  	_ =	swait.ge [sflag:s17], $0x4000  }
0x1eb: {  	[sflag:s17] =	ssyncset.done $0x0  }
0x1ec: {  	[sflag:s17] =	ssyncadd.s32 $0xFFFFC000  }
0x1ed: {  	[tilespmem:s12], [sflag:$0x2] =	stream.indirect.gather [hbm4b:s4+s11], $0x80, s21, s11, $0xb8;
	[tilespmem:$0x1CC00] =	vst v63  }
0x1ee: {  	_ =	swait.ge [sflag:s13], $0x4000  }
0x1ef: {  	[sflag:s13] =	ssyncset.done $0x0  }
0x1f0: {  	[sflag:s13] =	ssyncadd.s32 $0xFFFFC000  }
0x1f1: {  	[spmem:s2] =	stream.indirect.scatter.add.f32 [tilespmem:s12], [sflag:$0x4], $0x80, s22, s11, $0xb8;
	[tilespmem:$0x1CC00] =	vst v63  }
0x1f2: {  	_ =	swait.ge [sflag:s14], $0x4000  }
0x1f3: {  	[sflag:s14] =	ssyncset.done $0x0  }
0x1f4: {  	[sflag:s14] =	ssyncadd.s32 $0xFFFFC000  }
0x1f5: {  	_ =	swait.ge [sflag:s17], $0x4000  }
0x1f6: {  	s23 =	sadd.s32 $0x1, s23;
	[sflag:s17] =	ssyncset.done $0x0  }
0x1f7: {  	p0 =	sne.s32 s23, s8;
	[sflag:s17] =	ssyncadd.s32 $0xFFFFC000  }
.Ltmp1:
0x1f8: {  	[bflag:$0x0] =	sbarrier.arrive $0xFFFF;
	(pc) =	sbr.rel @p0 .LBB2_1-.Ltmp1, $4  }
0x1f9: {  	[hbm:s7], [sflag:s6] =	dma.local [spmem:s9], $0x2780  }
0x1fa: {  	_ =	swait.ge [sflag:s10], $0x2780  }
0x1fb: {  	[sflag:s10] =	ssyncset.done $0x0  }
0x1fc: {  	[sflag:s10] =	ssyncadd.s32 $0xFFFFD880  }
0x1fd: {  	_ =	sfence.sel $0x180000  }
0x1fe: {  	[bflag:$0x0] =	sbarrier.arrive $0xFFFF  }
0x1ff: {  	p0 =	sne.s32 s0, $0x0;
	_ =	strace $0x9000004A  }
0x200: {  	s0 =	sadd.s32 @!p0 $0x100000, s1;
	[bflag:$0x2] =	sbarrier.arrive $0xFFFF  }
0x201: {  	[sflag:s0] =	ssyncadd.tile.s32 @!p0 $0x1;
	_ =	shalt  }
.Lfunc_end2:
_tile_overlayer_lowered:
.L_overlay_start_2:
0x202: {  	(tag) =	ssettag $0x2  }
0x203: {  	s0 =	rddreg [dreg:$0x0];
	s2 =	stileid.u32  }
0x204: {  	s1 =	rddreg [dreg:$0x1];
	p0 =	sne.s32 s2, $0x0  }
0x205: {  	s3 =	rddreg [dreg:$0x2];
	[bflag:$0x3] =	sbarrier.arrive $0xFFFF;
	s2 =	simm.s32 @!p0 $0x1C05  }
0x206: {  	[timem:s3], [sflag:s2] =	dma.local @!p0 [hbm:s0], s1  }
0x207: {  	s0 =	simm.s32 @!p0 $0x5  }
0x208: {  	_ =	swait.ge @!p0 [sflag:s0], s1  }
0x209: {  	s1 =	ssub.s32 @!p0 $0x0, s1;
	[sflag:s0] =	ssyncset.done @!p0 $0x0  }
0x20a: {  	[sflag:s0] =	ssyncadd.s32 @!p0 s1  }
0x20b: {  	[bflag:$0x3] =	sbarrier.arrive $0xFFFF  }
0x20c: {  	_ =	shalt  }

// kernel: kernel.14.cloned.1.call-start
scs
__scs_entry_jumppad:
0x0: {  	(pc) =	sbr.rel $0x88, $3  }
0x1: {  	(tag) =	ssettag $0x0;
	lr =	simm.s32 $0x1  }
0x2: {  	[smem:$0x3F99] =	sst lr;
	_ =	strace $0xD0000000  }
0x3: {  	_ = 	snop  }
0x4: {  	_ = 	snop  }
0x5: {  	_ = 	snop  }
0x6: {  	_ = 	snop  }
0x7: {  	_ = 	snop  }
__scs_overlays_trampoline_lowered:
0x8: {  	[smem:$0x3FA8] =	sst s0  }
0x9: {  	[smem:$0x3FA9] =	sst s1  }
0xa: {  	[smem:$0x3FAA] =	sst s2  }
0xb: {  	[smem:$0x3FAB] =	sst s3  }
0xc: {  	[smem:$0x3FAC] =	sst s4  }
0xd: {  	[smem:$0x3FAD] =	sst s5  }
0xe: {  	[smem:$0x3FAE] =	sst s6  }
0xf: {  	[smem:$0x3FAF] =	sst s7  }
0x10: {  	[smem:$0x3FB0] =	sst s8  }
0x11: {  	[smem:$0x3FB1] =	sst s9;
	s0 =	simm.s32 @!p0 $0x0  }
0x12: {  	s1 =	sld [smem:$0x3F97];
	s0 =	simm.s32 @p0 $0x1  }
0x13: {  	[smem:$0x3FB2] =	sst s0;
	s0 =	simm.s32 @!p1 $0x0  }
0x14: {  	s2 =	sld [smem:$0x3F96];
	s0 =	simm.s32 @p1 $0x1  }
0x15: {  	[smem:$0x3FB3] =	sst s0;
	s0 =	simm.s32 @!p2 $0x0  }
0x16: {  	s3 =	sld [smem:$0x3FDB];
	s0 =	simm.s32 @p2 $0x1  }
0x17: {  	s4 =	simm.s32 $0x1BF5;
	[smem:$0x3FB5] =	sst s0  }
0x18: {  	s0 =	sld [smem:$0x3F98];
	_ =	swait.ge [sflag:s4], $0x0  }
0x19: {  	s7 =	sld [smem:$0x3F99]  }
0x1a: {  	s8 =	sadd.s32 $0xFFFFE003, lr  }
0x1b: {  	s9 =	sadd.s32 $0xFFFFFEF7, lr;
	s5 =	simm.s32 $0xFFFFFFFF;
	p2 =	slt.u32 s8, $0xFFFFF086  }
0x1c: {  	p1 =	slt.u32 s9, $0xF7A;
	s5 =	simm.s32 @!p2 $0x0  }
0x1d: {  	s5 =	simm.s32 @p1 $0x1;
	p0 =	seq.s32 s7, s2  }
0x1e: {  	s7 =	smul.u32 @!p0 $0xF7A, s2;
	p2 =	seq.s32 @!p0 s5, $0x0  }
0x1f: {  	s9 =	smul.u32 $0xF7A, s1;
	s8 =	simm.s32 @!p0 $0x1BF5;
	p2 =	por !p2, p0  }
0x20: {  	[sflag:s8] =	ssyncset.s32 @!p0 $0xFFFFF086;
	s6 =	sadd.s32 @!p0 s3, s7;
	s7 =	simm.s32 @!p0 $0x108  }
0x21: {  	s3 =	sadd.s32 s3, s9;
	s6 =	sadd.s32 @!p0 $0x88, s6;
	s7 =	simm.s32 @p2 $0x1082  }
0x22: {  	[simem:s7], [sflag:s8] =	dma.local @!p0 [hbm:s6], $0xF7A  }
0x23: {  	s9 =	sor.u32 $0xD0000000, s2;
	s6 =	simm.s32 $0x108;
	_ =	swait.ge @!p0 [sflag:s8], $0x0  }
0x24: {  	s3 =	sadd.s32 $0x88, s3;
	s6 =	simm.s32 @!p1 $0x1082;
	[sflag:s4] =	ssyncset.s32 $0xFFFFF086  }
0x25: {  	[simem:s6], [sflag:s4] =	dma.local [hbm:s3], $0xF7A  }
0x26: {  	[smem:$0x3F99] =	sst s1;
	(tag) =	ssettag s2;
	_ =	strace s9  }
0x27: {  	s1 =	sld [smem:$0x3FA9]  }
0x28: {  	s2 =	sld [smem:$0x3FAA]  }
0x29: {  	s4 =	sld [smem:$0x3FAC]  }
0x2a: {  	p0 =	seq.s32 s5, $0x0;
	s5 =	sld [smem:$0x3FAD]  }
0x2b: {  	s6 =	sld [smem:$0x3FAE]  }
0x2c: {  	s7 =	sld [smem:$0x3FAF]  }
0x2d: {  	s3 =	simm.s32 $0x108;
	s8 =	sld [smem:$0x3FB0]  }
0x2e: {  	s3 =	simm.s32 @!p0 $0x1082;
	s9 =	sld [smem:$0x3FB1]  }
0x2f: {  	lr =	sadd.s32 s0, s3;
	s0 =	sld [smem:$0x3FA8]  }
0x30: {  	s3 =	sld [smem:$0x3FAB]  }
0x31: {  	[smem:$0x3FB4] =	sst s10  }
0x32: {  	s10 =	sld [smem:$0x3FB2];
	_ =	sdelay $0x3  }
0x33: {  	p0 =	seq.s32 s10, $0x1;
	s10 =	sld [smem:$0x3FB4];
	_ =	sdelay $0x3  }
0x34: {  	[smem:$0x3FB4] =	sst s10  }
0x35: {  	s10 =	sld [smem:$0x3FB3];
	_ =	sdelay $0x3  }
0x36: {  	p1 =	seq.s32 s10, $0x1;
	s10 =	sld [smem:$0x3FB4];
	_ =	sdelay $0x3  }
0x37: {  	[smem:$0x3FB4] =	sst s10  }
0x38: {  	s10 =	sld [smem:$0x3FB5]  }
0x39: {  	_ = 	snop;
	(pc) =	sbr.ind lr, $3  }
0x3a: {  	_ = 	snop  }
0x3b: {  	_ = 	snop  }
0x3c: {  	p2 =	seq.s32 s10, $0x1;
	s10 =	sld [smem:$0x3FB4]  }
0x3d: {  	_ =	shalt  }
0x3e: {  	_ =	shalt  }
0x3f: {  	_ =	shalt  }
0x40: {  	_ =	shalt  }
0x41: {  	_ =	shalt  }
0x42: {  	_ =	shalt  }
0x43: {  	_ =	shalt  }
0x44: {  	_ =	shalt  }
0x45: {  	_ =	shalt  }
0x46: {  	_ =	shalt  }
0x47: {  	_ =	shalt  }
0x48: {  	_ =	shalt  }
0x49: {  	_ =	shalt  }
0x4a: {  	_ =	shalt  }
0x4b: {  	_ =	shalt  }
0x4c: {  	_ =	shalt  }
0x4d: {  	_ =	shalt  }
0x4e: {  	_ =	shalt  }
0x4f: {  	_ =	shalt  }
0x50: {  	_ =	shalt  }
0x51: {  	_ =	shalt  }
0x52: {  	_ =	shalt  }
0x53: {  	_ =	shalt  }
0x54: {  	_ =	shalt  }
0x55: {  	_ =	shalt  }
0x56: {  	_ =	shalt  }
0x57: {  	_ =	shalt  }
0x58: {  	_ =	shalt  }
0x59: {  	_ =	shalt  }
0x5a: {  	_ =	shalt  }
0x5b: {  	_ =	shalt  }
0x5c: {  	_ =	shalt  }
0x5d: {  	_ =	shalt  }
0x5e: {  	_ =	shalt  }
0x5f: {  	_ =	shalt  }
0x60: {  	_ =	shalt  }
0x61: {  	_ =	shalt  }
0x62: {  	_ =	shalt  }
0x63: {  	_ =	shalt  }
0x64: {  	_ =	shalt  }
0x65: {  	_ =	shalt  }
0x66: {  	_ =	shalt  }
0x67: {  	_ =	shalt  }
0x68: {  	_ =	shalt  }
0x69: {  	_ =	shalt  }
0x6a: {  	_ =	shalt  }
0x6b: {  	_ =	shalt  }
0x6c: {  	_ =	shalt  }
0x6d: {  	_ =	shalt  }
0x6e: {  	_ =	shalt  }
0x6f: {  	_ =	shalt  }
0x70: {  	_ =	shalt  }
0x71: {  	_ =	shalt  }
0x72: {  	_ =	shalt  }
0x73: {  	_ =	shalt  }
0x74: {  	_ =	shalt  }
0x75: {  	_ =	shalt  }
0x76: {  	_ =	shalt  }
0x77: {  	_ =	shalt  }
0x78: {  	_ =	shalt  }
0x79: {  	_ =	shalt  }
0x7a: {  	_ =	shalt  }
0x7b: {  	_ =	shalt  }
0x7c: {  	_ =	shalt  }
0x7d: {  	_ =	shalt  }
0x7e: {  	_ =	shalt  }
0x7f: {  	_ =	shalt  }
0x80: {  	_ =	shalt  }
0x81: {  	_ =	shalt  }
0x82: {  	_ =	shalt  }
0x83: {  	_ =	shalt  }
0x84: {  	_ =	shalt  }
0x85: {  	_ =	shalt  }
0x86: {  	_ =	shalt  }
0x87: {  	_ =	shalt  }
.Lfunc_end0:
.L_simem_size_0:
called_computation.2_lowered:
.L_overlay_start_0:
0x88: {  	s2 =	sld [smem:$0x3FD9]  }
0x89: {  	s3 =	sld [smem:$0x3FFE];
	_ =	sdelay $0x1  }
0x8a: {  	s1 =	srdreg.scid  }
0x8b: {  	s0 =	sand.u32 $0x1, s1  }
0x8c: {  	s16 =	sshll.u32 s0, $0xA;
	s2 =	sadd.s32 s3, s2  }
0x8d: {  	s2 =	sadd.s32 s2, s16  }
0x8e: {  	[smem:$0x3FC0] =	sst s2  }
0x8f: {  	_ = 	snop  }
0x90: {  	(tm) =	ssettm $0x1  }
0x91: {  	s17 =	sld [smem:$0x3FFB];
	_ =	sdelay $0x3  }
0x92: {  	_ =	strace s17  }
0x93: {  	s2 =	sld [smem:$0x3FFC];
	_ =	sdelay $0x3  }
0x94: {  	_ =	strace s2  }
0x95: {  	s2 =	sld [smem:$0x3FFD];
	_ =	sdelay $0x3  }
0x96: {  	_ =	strace s2  }
0x97: {  	_ =	strace $0x8FFFFFFF  }
0x98: {  	s18 =	sld [smem:$0x3FDB];
	_ =	sdelay $0x1  }
0x99: {  	s19 =	simm.s32 $_scs_section_size  }
0x9a: {  	s4 =	simm.s32 $_size__tile_overlayer_lowered;
	s5 =	simm.s32 $_tile_overlayer_lowered  }
0x9b: {  	s22 =	simm.s32 $0x1BFF;
	s21 =	sshll.u32 s5, $0x1;
	s2 =	sadd.s32 s19, s18  }
0x9c: {  	s6 =	simm.s32 $0x0;
	s20 =	sshll.u32 s4, $0x1;
	s4 =	sadd.s32 s21, s2  }
0x9d: {  	[timem:s6], [sflag:s22] =	dma.local [hbm:s4], s20  }
0x9e: {  	_ =	swait.ge [sflag:s22], s20  }
0x9f: {  	s3 =	ssub.s32 $0x0, s20;
	[sflag:s22] =	ssyncset.done $0x0  }
0xa0: {  	[sflag:s22] =	ssyncadd.s32 s3;
	_ =	sdelay $0x1  }
0xa1: {  	s23 =	simm.s32 $0x1B8B  }
0xa2: {  	_ =	swait.ge [sflag:s23], $0x1  }
0xa3: {  	[sflag:s23] =	ssyncset.done $0x0  }
0xa4: {  	s25 =	simm.s32 $0x1B8E;
	s24 =	sld [smem:$0x3FFE];
	[sflag:s23] =	ssyncadd.s32 $0xFFFFFFFF  }
0xa5: {  	s26 =	simm.s32 $execute0_lowered;
	[smem:$0x3FD2] =	sst s25  }
0xa6: {  	s4 =	sshll.u32 s26, $0x1;
	_ =	strace $0x8000004C;
	[dreg:$0x1] =	wrdreg $0xFFFFFFFF  }
0xa7: {  	s28 =	simm.s32 $_size_execute0_lowered;
	s2 =	sadd.s32 s2, s4;
	[dreg:$0x0] =	wrdreg $0x0  }
0xa8: {  	s4 =	sshll.u32 s28, $0x1;
	[dreg:$0x2] =	wrdreg s2  }
0xa9: {  	[dreg:$0x3] =	wrdreg s4  }
0xaa: {  	[dreg:$0x4] =	wrdreg $0xC0  }
0xab: {  	_ =	task [dreg:s6], $0x5FFFF  }
0xac: {  	[dreg:$0x1] =	wrdreg $0xFFFFFFFF  }
0xad: {  	[dreg:$0x0] =	wrdreg $0x60  }
0xae: {  	[dreg:$0x2] =	wrdreg s24  }
0xaf: {  	[dreg:$0x3] =	wrdreg $0x90000  }
0xb0: {  	[dreg:$0x4] =	wrdreg $0x9  }
0xb1: {  	_ =	task.clear_ibuf [dreg:s6], $0x5FFFF;
	_ =	strace $0x9000004C  }
0xb2: {  	s29 =	simm.s32 $0x9;
	_ =	strace $0x8000004E  }
0xb3: {  	_ =	swait.ge [sflag:s29], $0x1  }
0xb4: {  	[sflag:s29] =	ssyncadd.s32 $0xFFFFFFFF  }
0xb5: {  	_ =	strace $0x9000004E  }
0xb6: {  	_ =	sfence  }
0xb7: {  	s30 =	sld [smem:$0x0];
	_ =	sdelay $0x2  }
0xb8: {  	s31 =	sshll.u32 s1, $0xD;
	s1 =	sshrl.u32 s1, $0x2  }
0xb9: {  	s3 =	sand.u32 $0x4000, s31;
	s1 =	sadd.s32 s1, s30  }
0xba: {  	s0 =	sor.u32 s3, s0;
	s1 =	sshll.u32 s1, $0x11  }
0xbb: {  	s0 =	sor.u32 s1, s0  }
0xbc: {  	s0 =	sadd.s32 $0x8F2B, s0  }
0xbd: {  	[sflag:s0] =	ssyncadd.remote.s32 $0x1  }
0xbe: {  	_ =	sfence.sel $0xFFFF  }
0xbf: {  	[dreg:$0x0] =	wrdreg $0xFFFFFFFF;
	(pc) =	sbr.abs _section_cstart, $3  }
0xc0: {  	[dreg:$0x1] =	wrdreg $0xFFFFFFFF  }
0xc1: {  	_ =	task.clear_ibuf [dreg:s6], $0x2FFFF;
	_ =	strace $0x9FFFFFFF  }
0xc2: {  	(tm) =	ssettm $0x7FFFFFFF  }
0xc3: {  	_ =	shalt  }
tec
execute0_lowered:
.L_overlay_start_1:
0x0: {  	(tag) =	ssettag $0x1  }
0x1: {  	s5 =	rddreg [dreg:$0x0]  }
0x2: {  	s2 =	rddreg [dreg:$0x1]  }
0x3: {  	s0 =	srdreg.scid;
	s1 =	rddreg [dreg:$0x2]  }
0x4: {  	s3 =	simm.s32 $0x0;
	s31 =	simm.s32 $0x400;
	s13 =	simm.s32 $0x180  }
0x5: {  	s15 =	simm.s32 $0x580;
	s17 =	simm.s32 $0x200;
	[smem:$0x7FF] =	sst s3  }
0x6: {  	s19 =	simm.s32 $0x600;
	_ =	strace $0x8000004D;
	[dreg:$0x7] =	wrdreg s31  }
0x7: {  	s21 =	simm.s32 $0x280;
	s22 =	simm.s32 $0x680;
	[dreg:$0xb] =	wrdreg s13  }
0x8: {  	s6 =	sand.u32 $0x1, s0;
	s0 =	stileid.u32;
	[dreg:$0xc] =	wrdreg s15  }
0x9: {  	s23 =	simm.s32 $0x300;
	s4 =	smul.u32 $0x28000, s6;
	[dreg:$0xd] =	wrdreg s17  }
0xa: {  	s25 =	simm.s32 $0x700;
	s7 =	smul.u32 $0x2800, s0;
	[dreg:$0xe] =	wrdreg s19  }
0xb: {  	s9 =	sadd.s32 $0x2400, s5;
	s11 =	smul.u32 $0x13C00, s0;
	[dreg:$0xf] =	wrdreg s21  }
0xc: {  	s10 =	sadd.s32 $0xC400, s5;
	s29 =	smul.u32 $0x13C000, s6;
	[dreg:$0x10] =	wrdreg s22  }
0xd: {  	s6 =	ssub.s32 $0x2, s6;
	s16 =	smul.u32 $0x4F000, s0;
	[dreg:$0x11] =	wrdreg s23  }
0xe: {  	s24 =	sshll.u32 s0, $0x6;
	[dreg:$0x12] =	wrdreg s25;
	s31 =	simm.s32 $0x900  }
0xf: {  	s13 =	simm.s32 $0xD00;
	s15 =	simm.s32 $0xD80;
	s17 =	simm.s32 $0xE00  }
0x10: {  	s19 =	simm.s32 $0xE80;
	s21 =	simm.s32 $0xB80;
	[dreg:$0x17] =	wrdreg s31  }
0x11: {  	s22 =	simm.s32 $0xF80;
	s23 =	simm.s32 $0x0;
	[dreg:$0x18] =	wrdreg s13  }
0x12: {  	s14 =	sshrl.u32 s6, $0x1;
	s13 =	simm.s32 $0x2;
	[dreg:$0x1a] =	wrdreg s15  }
0x13: {  	s15 =	simm.s32 $0x1000;
	[dreg:$0x1c] =	wrdreg s17;
	s17 =	simm.s32 $0x4  }
0x14: {  	[dreg:$0x1e] =	wrdreg s19;
	s19 =	simm.s32 $0xC00;
	s7 =	sadd.s32 s7, s4  }
0x15: {  	s4 =	sadd.s32 $0x16400, s5;
	s26 =	sshrl.u32 s11, $0x3;
	s18 =	ssub.s32 s6, s14  }
0x16: {  	s20 =	sshrl.u32 s16, $0x2;
	s14 =	simm.s32 $0x980;
	s16 =	simm.s32 $0xA00  }
0x17: {  	s8 =	sor.u32 $0x400, s7;
	s7 =	sshrl.u32 s7, $0x3;
	[dreg:$0x19] =	wrdreg s14  }
0x18: {  	s30 =	sadd.s32 s26, s5;
	s26 =	simm.s32 $0x380;
	[dreg:$0x1b] =	wrdreg s16  }
0x19: {  	s6 =	sor.u32 $0x1C05, s24;
	s28 =	sadd.s32 s7, s9;
	[dreg:$0x13] =	wrdreg s26  }
0x1a: {  	s8 =	sshrl.u32 s8, $0x3;
	s7 =	sadd.s32 s7, s10;
	[dreg:$0x5] =	wrdreg s28  }
0x1b: {  	s14 =	simm.s32 $0x3;
	s12 =	sadd.s32 s8, s9;
	[dreg:$0x6] =	wrdreg s7  }
0x1c: {  	s16 =	simm.s32 $0x1;
	s8 =	sadd.s32 s8, s10;
	[dreg:$0x3] =	wrdreg s12  }
0x1d: {  	s9 =	sadd.s32 s11, s29;
	s10 =	simm.s32 $0x480;
	[dreg:$0x4] =	wrdreg s8  }
0x1e: {  	s11 =	simm.s32 $0x100;
	s28 =	simm.s32 $0x780;
	[dreg:$0x8] =	wrdreg s10  }
0x1f: {  	s29 =	simm.s32 $0x880;
	s9 =	sshrl.u32 s9, $0x3;
	[dreg:$0x9] =	wrdreg s11  }
0x20: {  	s12 =	simm.s32 $0x500;
	s10 =	sadd.s32 s20, s2;
	[dreg:$0x14] =	wrdreg s28  }
0x21: {  	s8 =	smax.u32 s18, $0x1;
	[dreg:$0x15] =	wrdreg s29;
	s11 =	simm.s32 $0x80  }
0x22: {  	s18 =	simm.s32 $0xA80;
	s20 =	simm.s32 $0xB00;
	s9 =	sadd.s32 s9, s5  }
0x23: {  	[dreg:$0xa] =	wrdreg s12;
	s5 =	sadd.s32 $0x3D600, s30;
	s30 =	simm.s32 $0xC80  }
0x24: {  	s12 =	simm.s32 $0x5000;
	[dreg:$0x1d] =	wrdreg s18;
	s18 =	simm.s32 $0x800  }
0x25: {  	[dreg:$0x1f] =	wrdreg s20;
	s20 =	simm.s32 $0xF00;
	s7 =	sadd.s32 $0x64E00, s9  }
0x26: {  	s9 =	sshrl.u32 s10, $0x3;
	s10 =	simm.s32 $0x5;
	[dreg:$0x16] =	wrdreg s30  }
.LBB2_1:
0x27: {  	[spmem:s9], [sflag:s6] =	dma.local [hbm:s5], $0x2780  }
0x28: {  	_ =	swait.ge [sflag:s10], $0x2780  }
0x29: {  	[sflag:s10] =	ssyncset.done $0x0  }
0x2a: {  	[sflag:s10] =	ssyncadd.s32 $0xFFFFD880  }
0x2b: {  	[bflag:$0x0] =	sbarrier.arrive $0xFFFF  }
0x2c: {  	s24 =	rddreg [dreg:$0x6]  }
0x2d: {  	s24 =	sadd.s32 $0x0, s24  }
0x2e: {  	[tilespmem:s3], [sflag:$0x5] =	stream.linear.gather [hbm4b:s24+s3], $0x400, $0x38;
	[tilespmem:$0x1CC00] =	vst v63  }
0x2f: {  	_ =	swait.ge [sflag:s10], $0x400  }
0x30: {  	s29 =	rddreg [dreg:$0x5];
	[sflag:s10] =	ssyncset.done $0x0  }
0x31: {  	s25 =	rddreg [dreg:$0x7];
	[sflag:s10] =	ssyncadd.s32 $0xFFFFFC00;
	s24 =	sadd.s32 $0x0, s29  }
0x32: {  	[tilespmem:s25], [sflag:$0x5] =	stream.linear.gather [hbm4b:s24+s3], $0x400, $0x38;
	[tilespmem:$0x1CC00] =	vst v63  }
0x33: {  	p0 =	por $0x1, $0x1;
	_ =	swait.ge [sflag:s10], $0x400  }
0x34: {  	s26 =	simm.s32 @p0 $0x1000;
	s28 =	simm.s32 @p0 $0x1;
	[sflag:s10] =	ssyncset.done $0x0  }
0x35: {  	s24 =	simm.s32 @p0 $0x80;
	s25 =	simm.s32 @p0 $0x0;
	[sflag:s10] =	ssyncadd.s32 $0xFFFFFC00  }
0x36: {  	[tilespmem:s26], [sflag:$0x1] =	stream.indirect.gather @p0 [hbm4b:s4+s24], $0x80, s25, s24, $0xb8;
	[tilespmem:$0x1CC00] =	vst v63  }
0x37: {  	_ =	swait.ge @p0 [sflag:s28], $0x4000  }
0x38: {  	[sflag:s28] =	ssyncset.done @p0 $0x0  }
0x39: {  	s25 =	simm.s32 @p0 $0x400;
	[sflag:s28] =	ssyncadd.s32 @p0 $0xFFFFC000;
	s28 =	simm.s32 @!p0 $0x3  }
0x3a: {  	[spmem:s2] =	stream.indirect.scatter.add.f32 @p0 [tilespmem:s26], [sflag:$0x3], $0x80, s25, s24, $0xb8;
	[tilespmem:$0x1CC00] =	vst v63  }
0x3b: {  	_ =	swait.ge @!p0 [sflag:s28], $0x4000  }
0x3c: {  	s24 =	simm.s32 @!p0 $0x1000;
	s25 =	simm.s32 @!p0 $0x80;
	[sflag:s28] =	ssyncset.done @!p0 $0x0  }
0x3d: {  	s26 =	simm.s32 @!p0 $0x0;
	[sflag:s28] =	ssyncadd.s32 @!p0 $0xFFFFC000;
	s28 =	simm.s32 @!p0 $0x1  }
0x3e: {  	[tilespmem:s24], [sflag:$0x1] =	stream.indirect.gather @!p0 [hbm4b:s4+s25], $0x80, s26, s25, $0xb8;
	[tilespmem:$0x1CC00] =	vst v63  }
0x3f: {  	_ =	swait.ge @!p0 [sflag:s28], $0x4000  }
0x40: {  	[sflag:s28] =	ssyncset.done @!p0 $0x0  }
0x41: {  	s26 =	simm.s32 @!p0 $0x400;
	[sflag:s28] =	ssyncadd.s32 @!p0 $0xFFFFC000;
	s28 =	simm.s32 @!p0 $0x4  }
0x42: {  	[spmem:s2] =	stream.indirect.scatter.add.f32 @!p0 [tilespmem:s24], [sflag:$0x3], $0x80, s26, s25, $0xb8;
	[tilespmem:$0x1CC00] =	vst v63  }
0x43: {  	_ =	swait.ge @!p0 [sflag:s28], $0x4000  }
0x44: {  	[sflag:s28] =	ssyncset.done @!p0 $0x0  }
0x45: {  	[sflag:s28] =	ssyncadd.s32 @!p0 $0xFFFFC000  }
0x46: {  	[tilespmem:s12], [sflag:$0x2] =	stream.indirect.gather [hbm4b:s4+s11], $0x80, s11, s11, $0xb8;
	[tilespmem:$0x1CC00] =	vst v63  }
0x47: {  	_ =	swait.ge [sflag:s13], $0x4000  }
0x48: {  	[sflag:s13] =	ssyncset.done $0x0  }
0x49: {  	s30 =	rddreg [dreg:$0x8];
	[sflag:s13] =	ssyncadd.s32 $0xFFFFC000  }
0x4a: {  	[spmem:s2] =	stream.indirect.scatter.add.f32 [tilespmem:s12], [sflag:$0x4], $0x80, s30, s11, $0xb8;
	[tilespmem:$0x1CC00] =	vst v63  }
0x4b: {  	_ =	swait.ge [sflag:s14], $0x4000  }
0x4c: {  	[sflag:s14] =	ssyncset.done $0x0  }
0x4d: {  	s31 =	rddreg [dreg:$0x9];
	[sflag:s14] =	ssyncadd.s32 $0xFFFFC000  }
0x4e: {  	[tilespmem:s15], [sflag:$0x1] =	stream.indirect.gather [hbm4b:s4+s11], $0x80, s31, s11, $0xb8;
	[tilespmem:$0x1CC00] =	vst v63  }
0x4f: {  	_ =	swait.ge [sflag:s16], $0x4000  }
0x50: {  	[sflag:s16] =	ssyncset.done $0x0  }
0x51: {  	s25 =	rddreg [dreg:$0xa];
	[sflag:s16] =	ssyncadd.s32 $0xFFFFC000  }
0x52: {  	[spmem:s2] =	stream.indirect.scatter.add.f32 [tilespmem:s15], [sflag:$0x3], $0x80, s25, s11, $0xb8;
	[tilespmem:$0x1CC00] =	vst v63  }
0x53: {  	_ =	swait.ge [sflag:s17], $0x4000  }
0x54: {  	[sflag:s17] =	ssyncset.done $0x0  }
0x55: {  	s26 =	rddreg [dreg:$0xb];
	[sflag:s17] =	ssyncadd.s32 $0xFFFFC000  }
0x56: {  	[tilespmem:s12], [sflag:$0x2] =	stream.indirect.gather [hbm4b:s4+s11], $0x80, s26, s11, $0xb8;
	[tilespmem:$0x1CC00] =	vst v63  }
0x57: {  	_ =	swait.ge [sflag:s13], $0x4000  }
0x58: {  	[sflag:s13] =	ssyncset.done $0x0  }
0x59: {  	s29 =	rddreg [dreg:$0xc];
	[sflag:s13] =	ssyncadd.s32 $0xFFFFC000  }
0x5a: {  	[spmem:s2] =	stream.indirect.scatter.add.f32 [tilespmem:s12], [sflag:$0x4], $0x80, s29, s11, $0xb8;
	[tilespmem:$0x1CC00] =	vst v63  }
0x5b: {  	_ =	swait.ge [sflag:s14], $0x4000  }
0x5c: {  	[sflag:s14] =	ssyncset.done $0x0  }
0x5d: {  	s30 =	rddreg [dreg:$0xd];
	[sflag:s14] =	ssyncadd.s32 $0xFFFFC000  }
0x5e: {  	[tilespmem:s15], [sflag:$0x1] =	stream.indirect.gather [hbm4b:s4+s11], $0x80, s30, s11, $0xb8;
	[tilespmem:$0x1CC00] =	vst v63  }
0x5f: {  	_ =	swait.ge [sflag:s16], $0x4000  }
0x60: {  	[sflag:s16] =	ssyncset.done $0x0  }
0x61: {  	s31 =	rddreg [dreg:$0xe];
	[sflag:s16] =	ssyncadd.s32 $0xFFFFC000  }
0x62: {  	[spmem:s2] =	stream.indirect.scatter.add.f32 [tilespmem:s15], [sflag:$0x3], $0x80, s31, s11, $0xb8;
	[tilespmem:$0x1CC00] =	vst v63  }
0x63: {  	_ =	swait.ge [sflag:s17], $0x4000  }
0x64: {  	[sflag:s17] =	ssyncset.done $0x0  }
0x65: {  	s25 =	rddreg [dreg:$0xf];
	[sflag:s17] =	ssyncadd.s32 $0xFFFFC000  }
0x66: {  	[tilespmem:s12], [sflag:$0x2] =	stream.indirect.gather [hbm4b:s4+s11], $0x80, s25, s11, $0xb8;
	[tilespmem:$0x1CC00] =	vst v63  }
0x67: {  	_ =	swait.ge [sflag:s13], $0x4000  }
0x68: {  	[sflag:s13] =	ssyncset.done $0x0  }
0x69: {  	s26 =	rddreg [dreg:$0x10];
	[sflag:s13] =	ssyncadd.s32 $0xFFFFC000  }
0x6a: {  	[spmem:s2] =	stream.indirect.scatter.add.f32 [tilespmem:s12], [sflag:$0x4], $0x80, s26, s11, $0xb8;
	[tilespmem:$0x1CC00] =	vst v63  }
0x6b: {  	_ =	swait.ge [sflag:s14], $0x4000  }
0x6c: {  	[sflag:s14] =	ssyncset.done $0x0  }
0x6d: {  	s29 =	rddreg [dreg:$0x11];
	[sflag:s14] =	ssyncadd.s32 $0xFFFFC000  }
0x6e: {  	[tilespmem:s15], [sflag:$0x1] =	stream.indirect.gather [hbm4b:s4+s11], $0x80, s29, s11, $0xb8;
	[tilespmem:$0x1CC00] =	vst v63  }
0x6f: {  	_ =	swait.ge [sflag:s16], $0x4000  }
0x70: {  	[sflag:s16] =	ssyncset.done $0x0  }
0x71: {  	s30 =	rddreg [dreg:$0x12];
	[sflag:s16] =	ssyncadd.s32 $0xFFFFC000  }
0x72: {  	[spmem:s2] =	stream.indirect.scatter.add.f32 [tilespmem:s15], [sflag:$0x3], $0x80, s30, s11, $0xb8;
	[tilespmem:$0x1CC00] =	vst v63  }
0x73: {  	_ =	swait.ge [sflag:s17], $0x4000  }
0x74: {  	[sflag:s17] =	ssyncset.done $0x0  }
0x75: {  	s31 =	rddreg [dreg:$0x13];
	[sflag:s17] =	ssyncadd.s32 $0xFFFFC000  }
0x76: {  	[tilespmem:s12], [sflag:$0x2] =	stream.indirect.gather [hbm4b:s4+s11], $0x80, s31, s11, $0xb8;
	[tilespmem:$0x1CC00] =	vst v63  }
0x77: {  	_ =	swait.ge [sflag:s13], $0x4000  }
0x78: {  	s25 =	rddreg [dreg:$0x14];
	[sflag:s13] =	ssyncset.done $0x0  }
0x79: {  	s26 =	rddreg [dreg:$0x4];
	[sflag:s13] =	ssyncadd.s32 $0xFFFFC000  }
0x7a: {  	[spmem:s2] =	stream.indirect.scatter.add.f32 [tilespmem:s12], [sflag:$0x4], $0x80, s25, s11, $0xb8;
	[tilespmem:$0x1CC00] =	vst v63  }
0x7b: {  	s29 =	sadd.s32 $0x0, s26  }
0x7c: {  	[tilespmem:s18], [sflag:$0x5] =	stream.linear.gather [hbm4b:s29+s3], $0x400, $0x38;
	[tilespmem:$0x1CC00] =	vst v63  }
0x7d: {  	_ =	swait.ge [sflag:s10], $0x400  }
0x7e: {  	s30 =	rddreg [dreg:$0x3];
	[sflag:s10] =	ssyncset.done $0x0  }
0x7f: {  	[sflag:s10] =	ssyncadd.s32 $0xFFFFFC00;
	s24 =	sadd.s32 $0x0, s30  }
0x80: {  	[tilespmem:s19], [sflag:$0x5] =	stream.linear.gather [hbm4b:s24+s3], $0x400, $0x38;
	[tilespmem:$0x1CC00] =	vst v63  }
0x81: {  	_ =	swait.ge [sflag:s10], $0x400  }
0x82: {  	[sflag:s10] =	ssyncset.done $0x0  }
0x83: {  	[sflag:s10] =	ssyncadd.s32 $0xFFFFFC00  }
0x84: {  	_ =	swait.ge [sflag:s14], $0x4000  }
0x85: {  	[sflag:s14] =	ssyncset.done $0x0  }
0x86: {  	[sflag:s14] =	ssyncadd.s32 $0xFFFFC000  }
0x87: {  	[tilespmem:s15], [sflag:$0x1] =	stream.indirect.gather [hbm4b:s4+s11], $0x80, s18, s11, $0xb8;
	[tilespmem:$0x1CC00] =	vst v63  }
0x88: {  	_ =	swait.ge [sflag:s16], $0x4000  }
0x89: {  	[sflag:s16] =	ssyncset.done $0x0  }
0x8a: {  	[sflag:s16] =	ssyncadd.s32 $0xFFFFC000  }
0x8b: {  	[spmem:s2] =	stream.indirect.scatter.add.f32 [tilespmem:s15], [sflag:$0x3], $0x80, s19, s11, $0xb8;
	[tilespmem:$0x1CC00] =	vst v63  }
0x8c: {  	_ =	swait.ge [sflag:s17], $0x4000  }
0x8d: {  	[sflag:s17] =	ssyncset.done $0x0  }
0x8e: {  	s31 =	rddreg [dreg:$0x15];
	[sflag:s17] =	ssyncadd.s32 $0xFFFFC000  }
0x8f: {  	[tilespmem:s12], [sflag:$0x2] =	stream.indirect.gather [hbm4b:s4+s11], $0x80, s31, s11, $0xb8;
	[tilespmem:$0x1CC00] =	vst v63  }
0x90: {  	_ =	swait.ge [sflag:s13], $0x4000  }
0x91: {  	[sflag:s13] =	ssyncset.done $0x0  }
0x92: {  	s25 =	rddreg [dreg:$0x16];
	[sflag:s13] =	ssyncadd.s32 $0xFFFFC000  }
0x93: {  	[spmem:s2] =	stream.indirect.scatter.add.f32 [tilespmem:s12], [sflag:$0x4], $0x80, s25, s11, $0xb8;
	[tilespmem:$0x1CC00] =	vst v63  }
0x94: {  	_ =	swait.ge [sflag:s14], $0x4000  }
0x95: {  	[sflag:s14] =	ssyncset.done $0x0  }
0x96: {  	s26 =	rddreg [dreg:$0x17];
	[sflag:s14] =	ssyncadd.s32 $0xFFFFC000  }
0x97: {  	[tilespmem:s15], [sflag:$0x1] =	stream.indirect.gather [hbm4b:s4+s11], $0x80, s26, s11, $0xb8;
	[tilespmem:$0x1CC00] =	vst v63  }
0x98: {  	_ =	swait.ge [sflag:s16], $0x4000  }
0x99: {  	[sflag:s16] =	ssyncset.done $0x0  }
0x9a: {  	s29 =	rddreg [dreg:$0x18];
	[sflag:s16] =	ssyncadd.s32 $0xFFFFC000  }
0x9b: {  	[spmem:s2] =	stream.indirect.scatter.add.f32 [tilespmem:s15], [sflag:$0x3], $0x80, s29, s11, $0xb8;
	[tilespmem:$0x1CC00] =	vst v63  }
0x9c: {  	_ =	swait.ge [sflag:s17], $0x4000  }
0x9d: {  	[sflag:s17] =	ssyncset.done $0x0  }
0x9e: {  	s30 =	rddreg [dreg:$0x19];
	[sflag:s17] =	ssyncadd.s32 $0xFFFFC000  }
0x9f: {  	[tilespmem:s12], [sflag:$0x2] =	stream.indirect.gather [hbm4b:s4+s11], $0x80, s30, s11, $0xb8;
	[tilespmem:$0x1CC00] =	vst v63  }
0xa0: {  	_ =	swait.ge [sflag:s13], $0x4000  }
0xa1: {  	[sflag:s13] =	ssyncset.done $0x0  }
0xa2: {  	s31 =	rddreg [dreg:$0x1a];
	[sflag:s13] =	ssyncadd.s32 $0xFFFFC000  }
0xa3: {  	[spmem:s2] =	stream.indirect.scatter.add.f32 [tilespmem:s12], [sflag:$0x4], $0x80, s31, s11, $0xb8;
	[tilespmem:$0x1CC00] =	vst v63  }
0xa4: {  	_ =	swait.ge [sflag:s14], $0x4000  }
0xa5: {  	[sflag:s14] =	ssyncset.done $0x0  }
0xa6: {  	s25 =	rddreg [dreg:$0x1b];
	[sflag:s14] =	ssyncadd.s32 $0xFFFFC000  }
0xa7: {  	[tilespmem:s15], [sflag:$0x1] =	stream.indirect.gather [hbm4b:s4+s11], $0x80, s25, s11, $0xb8;
	[tilespmem:$0x1CC00] =	vst v63  }
0xa8: {  	_ =	swait.ge [sflag:s16], $0x4000  }
0xa9: {  	[sflag:s16] =	ssyncset.done $0x0  }
0xaa: {  	s26 =	rddreg [dreg:$0x1c];
	[sflag:s16] =	ssyncadd.s32 $0xFFFFC000  }
0xab: {  	[spmem:s2] =	stream.indirect.scatter.add.f32 [tilespmem:s15], [sflag:$0x3], $0x80, s26, s11, $0xb8;
	[tilespmem:$0x1CC00] =	vst v63  }
0xac: {  	_ =	swait.ge [sflag:s17], $0x4000  }
0xad: {  	[sflag:s17] =	ssyncset.done $0x0  }
0xae: {  	s29 =	rddreg [dreg:$0x1d];
	[sflag:s17] =	ssyncadd.s32 $0xFFFFC000  }
0xaf: {  	[tilespmem:s12], [sflag:$0x2] =	stream.indirect.gather [hbm4b:s4+s11], $0x80, s29, s11, $0xb8;
	[tilespmem:$0x1CC00] =	vst v63  }
0xb0: {  	_ =	swait.ge [sflag:s13], $0x4000  }
0xb1: {  	[sflag:s13] =	ssyncset.done $0x0  }
0xb2: {  	s30 =	rddreg [dreg:$0x1e];
	[sflag:s13] =	ssyncadd.s32 $0xFFFFC000  }
0xb3: {  	[spmem:s2] =	stream.indirect.scatter.add.f32 [tilespmem:s12], [sflag:$0x4], $0x80, s30, s11, $0xb8;
	[tilespmem:$0x1CC00] =	vst v63  }
0xb4: {  	_ =	swait.ge [sflag:s14], $0x4000  }
0xb5: {  	[sflag:s14] =	ssyncset.done $0x0  }
0xb6: {  	s31 =	rddreg [dreg:$0x1f];
	[sflag:s14] =	ssyncadd.s32 $0xFFFFC000  }
0xb7: {  	[tilespmem:s15], [sflag:$0x1] =	stream.indirect.gather [hbm4b:s4+s11], $0x80, s31, s11, $0xb8;
	[tilespmem:$0x1CC00] =	vst v63  }
0xb8: {  	_ =	swait.ge [sflag:s16], $0x4000  }
0xb9: {  	[sflag:s16] =	ssyncset.done $0x0  }
0xba: {  	[sflag:s16] =	ssyncadd.s32 $0xFFFFC000  }
0xbb: {  	[spmem:s2] =	stream.indirect.scatter.add.f32 [tilespmem:s15], [sflag:$0x3], $0x80, s20, s11, $0xb8;
	[tilespmem:$0x1CC00] =	vst v63  }
0xbc: {  	_ =	swait.ge [sflag:s17], $0x4000  }
0xbd: {  	[sflag:s17] =	ssyncset.done $0x0  }
0xbe: {  	[sflag:s17] =	ssyncadd.s32 $0xFFFFC000  }
0xbf: {  	[tilespmem:s12], [sflag:$0x2] =	stream.indirect.gather [hbm4b:s4+s11], $0x80, s21, s11, $0xb8;
	[tilespmem:$0x1CC00] =	vst v63  }
0xc0: {  	s24 =	simm.s32 $0x100;
	_ =	swait.ge [sflag:s13], $0x4000  }
0xc1: {  	s25 =	simm.s32 $0x200;
	s28 =	rddreg [dreg:$0x6];
	[sflag:s13] =	ssyncset.done $0x0  }
.LBB2_2:
0xc2: {  	[sflag:s13] =	ssyncadd.s32 $0xFFFFC000  }
0xc3: {  	[spmem:s2] =	stream.indirect.scatter.add.f32 [tilespmem:s12], [sflag:$0x4], $0x80, s22, s11, $0xb8;
	[tilespmem:$0x1CC00] =	vst v63  }
0xc4: {  	s28 =	sadd.s32 s24, s28  }
0xc5: {  	[tilespmem:s3], [sflag:$0x5] =	stream.linear.gather [hbm4b:s28+s3], $0x400, $0x38;
	[tilespmem:$0x1CC00] =	vst v63  }
0xc6: {  	_ =	swait.ge [sflag:s10], $0x400  }
0xc7: {  	s28 =	rddreg [dreg:$0x5];
	[sflag:s10] =	ssyncset.done $0x0  }
0xc8: {  	s29 =	rddreg [dreg:$0x7];
	[sflag:s10] =	ssyncadd.s32 $0xFFFFFC00;
	s28 =	sadd.s32 s24, s28  }
0xc9: {  	[tilespmem:s29], [sflag:$0x5] =	stream.linear.gather [hbm4b:s28+s3], $0x400, $0x38;
	[tilespmem:$0x1CC00] =	vst v63  }
0xca: {  	p1 =	seq.s32 s24, $0x0;
	_ =	swait.ge [sflag:s10], $0x400  }
0xcb: {  	s30 =	simm.s32 @p1 $0x1000;
	s31 =	simm.s32 @p1 $0x1;
	[sflag:s10] =	ssyncset.done $0x0  }
0xcc: {  	s28 =	simm.s32 @p1 $0x80;
	s29 =	simm.s32 @p1 $0x0;
	[sflag:s10] =	ssyncadd.s32 $0xFFFFFC00  }
0xcd: {  	[tilespmem:s30], [sflag:$0x1] =	stream.indirect.gather @p1 [hbm4b:s4+s28], $0x80, s29, s28, $0xb8;
	[tilespmem:$0x1CC00] =	vst v63  }
0xce: {  	_ =	swait.ge @p1 [sflag:s31], $0x4000  }
0xcf: {  	[sflag:s31] =	ssyncset.done @p1 $0x0  }
0xd0: {  	s29 =	simm.s32 @p1 $0x400;
	[sflag:s31] =	ssyncadd.s32 @p1 $0xFFFFC000;
	s31 =	simm.s32 @!p1 $0x3  }
0xd1: {  	[spmem:s2] =	stream.indirect.scatter.add.f32 @p1 [tilespmem:s30], [sflag:$0x3], $0x80, s29, s28, $0xb8;
	[tilespmem:$0x1CC00] =	vst v63  }
0xd2: {  	_ =	swait.ge @!p1 [sflag:s31], $0x4000  }
0xd3: {  	s28 =	simm.s32 @!p1 $0x1000;
	s29 =	simm.s32 @!p1 $0x80;
	[sflag:s31] =	ssyncset.done @!p1 $0x0  }
0xd4: {  	s30 =	simm.s32 @!p1 $0x0;
	[sflag:s31] =	ssyncadd.s32 @!p1 $0xFFFFC000;
	s31 =	simm.s32 @!p1 $0x1  }
0xd5: {  	[tilespmem:s28], [sflag:$0x1] =	stream.indirect.gather @!p1 [hbm4b:s4+s29], $0x80, s30, s29, $0xb8;
	[tilespmem:$0x1CC00] =	vst v63  }
0xd6: {  	_ =	swait.ge @!p1 [sflag:s31], $0x4000  }
0xd7: {  	[sflag:s31] =	ssyncset.done @!p1 $0x0  }
0xd8: {  	s30 =	simm.s32 @!p1 $0x400;
	[sflag:s31] =	ssyncadd.s32 @!p1 $0xFFFFC000;
	s31 =	simm.s32 @!p1 $0x4  }
0xd9: {  	[spmem:s2] =	stream.indirect.scatter.add.f32 @!p1 [tilespmem:s28], [sflag:$0x3], $0x80, s30, s29, $0xb8;
	[tilespmem:$0x1CC00] =	vst v63  }
0xda: {  	_ =	swait.ge @!p1 [sflag:s31], $0x4000  }
0xdb: {  	[sflag:s31] =	ssyncset.done @!p1 $0x0  }
0xdc: {  	[sflag:s31] =	ssyncadd.s32 @!p1 $0xFFFFC000  }
0xdd: {  	[tilespmem:s12], [sflag:$0x2] =	stream.indirect.gather [hbm4b:s4+s11], $0x80, s11, s11, $0xb8;
	[tilespmem:$0x1CC00] =	vst v63  }
0xde: {  	_ =	swait.ge [sflag:s13], $0x4000  }
0xdf: {  	[sflag:s13] =	ssyncset.done $0x0  }
0xe0: {  	s28 =	rddreg [dreg:$0x8];
	[sflag:s13] =	ssyncadd.s32 $0xFFFFC000  }
0xe1: {  	[spmem:s2] =	stream.indirect.scatter.add.f32 [tilespmem:s12], [sflag:$0x4], $0x80, s28, s11, $0xb8;
	[tilespmem:$0x1CC00] =	vst v63  }
0xe2: {  	_ =	swait.ge [sflag:s14], $0x4000  }
0xe3: {  	[sflag:s14] =	ssyncset.done $0x0  }
0xe4: {  	s28 =	rddreg [dreg:$0x9];
	[sflag:s14] =	ssyncadd.s32 $0xFFFFC000  }
0xe5: {  	[tilespmem:s15], [sflag:$0x1] =	stream.indirect.gather [hbm4b:s4+s11], $0x80, s28, s11, $0xb8;
	[tilespmem:$0x1CC00] =	vst v63  }
0xe6: {  	_ =	swait.ge [sflag:s16], $0x4000  }
0xe7: {  	[sflag:s16] =	ssyncset.done $0x0  }
0xe8: {  	s28 =	rddreg [dreg:$0xa];
	[sflag:s16] =	ssyncadd.s32 $0xFFFFC000  }
0xe9: {  	[spmem:s2] =	stream.indirect.scatter.add.f32 [tilespmem:s15], [sflag:$0x3], $0x80, s28, s11, $0xb8;
	[tilespmem:$0x1CC00] =	vst v63  }
0xea: {  	_ =	swait.ge [sflag:s17], $0x4000  }
0xeb: {  	[sflag:s17] =	ssyncset.done $0x0  }
0xec: {  	s28 =	rddreg [dreg:$0xb];
	[sflag:s17] =	ssyncadd.s32 $0xFFFFC000  }
0xed: {  	[tilespmem:s12], [sflag:$0x2] =	stream.indirect.gather [hbm4b:s4+s11], $0x80, s28, s11, $0xb8;
	[tilespmem:$0x1CC00] =	vst v63  }
0xee: {  	_ =	swait.ge [sflag:s13], $0x4000  }
0xef: {  	[sflag:s13] =	ssyncset.done $0x0  }
0xf0: {  	s28 =	rddreg [dreg:$0xc];
	[sflag:s13] =	ssyncadd.s32 $0xFFFFC000  }
0xf1: {  	[spmem:s2] =	stream.indirect.scatter.add.f32 [tilespmem:s12], [sflag:$0x4], $0x80, s28, s11, $0xb8;
	[tilespmem:$0x1CC00] =	vst v63  }
0xf2: {  	_ =	swait.ge [sflag:s14], $0x4000  }
0xf3: {  	[sflag:s14] =	ssyncset.done $0x0  }
0xf4: {  	s28 =	rddreg [dreg:$0xd];
	[sflag:s14] =	ssyncadd.s32 $0xFFFFC000  }
0xf5: {  	[tilespmem:s15], [sflag:$0x1] =	stream.indirect.gather [hbm4b:s4+s11], $0x80, s28, s11, $0xb8;
	[tilespmem:$0x1CC00] =	vst v63  }
0xf6: {  	_ =	swait.ge [sflag:s16], $0x4000  }
0xf7: {  	[sflag:s16] =	ssyncset.done $0x0  }
0xf8: {  	s28 =	rddreg [dreg:$0xe];
	[sflag:s16] =	ssyncadd.s32 $0xFFFFC000  }
0xf9: {  	[spmem:s2] =	stream.indirect.scatter.add.f32 [tilespmem:s15], [sflag:$0x3], $0x80, s28, s11, $0xb8;
	[tilespmem:$0x1CC00] =	vst v63  }
0xfa: {  	_ =	swait.ge [sflag:s17], $0x4000  }
0xfb: {  	[sflag:s17] =	ssyncset.done $0x0  }
0xfc: {  	s28 =	rddreg [dreg:$0xf];
	[sflag:s17] =	ssyncadd.s32 $0xFFFFC000  }
0xfd: {  	[tilespmem:s12], [sflag:$0x2] =	stream.indirect.gather [hbm4b:s4+s11], $0x80, s28, s11, $0xb8;
	[tilespmem:$0x1CC00] =	vst v63  }
0xfe: {  	_ =	swait.ge [sflag:s13], $0x4000  }
0xff: {  	[sflag:s13] =	ssyncset.done $0x0  }
0x100: {  	s28 =	rddreg [dreg:$0x10];
	[sflag:s13] =	ssyncadd.s32 $0xFFFFC000  }
0x101: {  	[spmem:s2] =	stream.indirect.scatter.add.f32 [tilespmem:s12], [sflag:$0x4], $0x80, s28, s11, $0xb8;
	[tilespmem:$0x1CC00] =	vst v63  }
0x102: {  	_ =	swait.ge [sflag:s14], $0x4000  }
0x103: {  	[sflag:s14] =	ssyncset.done $0x0  }
0x104: {  	s28 =	rddreg [dreg:$0x11];
	[sflag:s14] =	ssyncadd.s32 $0xFFFFC000  }
0x105: {  	[tilespmem:s15], [sflag:$0x1] =	stream.indirect.gather [hbm4b:s4+s11], $0x80, s28, s11, $0xb8;
	[tilespmem:$0x1CC00] =	vst v63  }
0x106: {  	_ =	swait.ge [sflag:s16], $0x4000  }
0x107: {  	[sflag:s16] =	ssyncset.done $0x0  }
0x108: {  	s28 =	rddreg [dreg:$0x12];
	[sflag:s16] =	ssyncadd.s32 $0xFFFFC000  }
0x109: {  	[spmem:s2] =	stream.indirect.scatter.add.f32 [tilespmem:s15], [sflag:$0x3], $0x80, s28, s11, $0xb8;
	[tilespmem:$0x1CC00] =	vst v63  }
0x10a: {  	_ =	swait.ge [sflag:s17], $0x4000  }
0x10b: {  	[sflag:s17] =	ssyncset.done $0x0  }
0x10c: {  	s28 =	rddreg [dreg:$0x13];
	[sflag:s17] =	ssyncadd.s32 $0xFFFFC000  }
0x10d: {  	[tilespmem:s12], [sflag:$0x2] =	stream.indirect.gather [hbm4b:s4+s11], $0x80, s28, s11, $0xb8;
	[tilespmem:$0x1CC00] =	vst v63  }
0x10e: {  	_ =	swait.ge [sflag:s13], $0x4000  }
0x10f: {  	[sflag:s13] =	ssyncset.done $0x0;
	s28 =	rddreg [dreg:$0x14]  }
0x110: {  	s31 =	rddreg [dreg:$0x4];
	[sflag:s13] =	ssyncadd.s32 $0xFFFFC000  }
0x111: {  	[spmem:s2] =	stream.indirect.scatter.add.f32 [tilespmem:s12], [sflag:$0x4], $0x80, s28, s11, $0xb8;
	[tilespmem:$0x1CC00] =	vst v63  }
0x112: {  	s28 =	sadd.s32 s24, s31  }
0x113: {  	[tilespmem:s18], [sflag:$0x5] =	stream.linear.gather [hbm4b:s28+s3], $0x400, $0x38;
	[tilespmem:$0x1CC00] =	vst v63  }
0x114: {  	_ =	swait.ge [sflag:s10], $0x400  }
0x115: {  	s28 =	rddreg [dreg:$0x3];
	[sflag:s10] =	ssyncset.done $0x0  }
0x116: {  	[sflag:s10] =	ssyncadd.s32 $0xFFFFFC00;
	s28 =	sadd.s32 s24, s28  }
0x117: {  	[tilespmem:s19], [sflag:$0x5] =	stream.linear.gather [hbm4b:s28+s3], $0x400, $0x38;
	[tilespmem:$0x1CC00] =	vst v63  }
0x118: {  	_ =	swait.ge [sflag:s10], $0x400  }
0x119: {  	[sflag:s10] =	ssyncset.done $0x0  }
0x11a: {  	[sflag:s10] =	ssyncadd.s32 $0xFFFFFC00  }
0x11b: {  	_ =	swait.ge [sflag:s14], $0x4000  }
0x11c: {  	[sflag:s14] =	ssyncset.done $0x0  }
0x11d: {  	[sflag:s14] =	ssyncadd.s32 $0xFFFFC000  }
0x11e: {  	[tilespmem:s15], [sflag:$0x1] =	stream.indirect.gather [hbm4b:s4+s11], $0x80, s18, s11, $0xb8;
	[tilespmem:$0x1CC00] =	vst v63  }
0x11f: {  	_ =	swait.ge [sflag:s16], $0x4000  }
0x120: {  	[sflag:s16] =	ssyncset.done $0x0  }
0x121: {  	[sflag:s16] =	ssyncadd.s32 $0xFFFFC000  }
0x122: {  	[spmem:s2] =	stream.indirect.scatter.add.f32 [tilespmem:s15], [sflag:$0x3], $0x80, s19, s11, $0xb8;
	[tilespmem:$0x1CC00] =	vst v63  }
0x123: {  	_ =	swait.ge [sflag:s17], $0x4000  }
0x124: {  	[sflag:s17] =	ssyncset.done $0x0  }
0x125: {  	s30 =	rddreg [dreg:$0x15];
	[sflag:s17] =	ssyncadd.s32 $0xFFFFC000  }
0x126: {  	[tilespmem:s12], [sflag:$0x2] =	stream.indirect.gather [hbm4b:s4+s11], $0x80, s30, s11, $0xb8;
	[tilespmem:$0x1CC00] =	vst v63  }
0x127: {  	_ =	swait.ge [sflag:s13], $0x4000  }
0x128: {  	[sflag:s13] =	ssyncset.done $0x0  }
0x129: {  	s31 =	rddreg [dreg:$0x16];
	[sflag:s13] =	ssyncadd.s32 $0xFFFFC000  }
0x12a: {  	[spmem:s2] =	stream.indirect.scatter.add.f32 [tilespmem:s12], [sflag:$0x4], $0x80, s31, s11, $0xb8;
	[tilespmem:$0x1CC00] =	vst v63  }
0x12b: {  	_ =	swait.ge [sflag:s14], $0x4000  }
0x12c: {  	[sflag:s14] =	ssyncset.done $0x0  }
0x12d: {  	s29 =	rddreg [dreg:$0x17];
	[sflag:s14] =	ssyncadd.s32 $0xFFFFC000  }
0x12e: {  	[tilespmem:s15], [sflag:$0x1] =	stream.indirect.gather [hbm4b:s4+s11], $0x80, s29, s11, $0xb8;
	[tilespmem:$0x1CC00] =	vst v63  }
0x12f: {  	_ =	swait.ge [sflag:s16], $0x4000  }
0x130: {  	[sflag:s16] =	ssyncset.done $0x0  }
0x131: {  	s30 =	rddreg [dreg:$0x18];
	[sflag:s16] =	ssyncadd.s32 $0xFFFFC000  }
0x132: {  	[spmem:s2] =	stream.indirect.scatter.add.f32 [tilespmem:s15], [sflag:$0x3], $0x80, s30, s11, $0xb8;
	[tilespmem:$0x1CC00] =	vst v63  }
0x133: {  	_ =	swait.ge [sflag:s17], $0x4000  }
0x134: {  	[sflag:s17] =	ssyncset.done $0x0  }
0x135: {  	s31 =	rddreg [dreg:$0x19];
	[sflag:s17] =	ssyncadd.s32 $0xFFFFC000  }
0x136: {  	[tilespmem:s12], [sflag:$0x2] =	stream.indirect.gather [hbm4b:s4+s11], $0x80, s31, s11, $0xb8;
	[tilespmem:$0x1CC00] =	vst v63  }
0x137: {  	_ =	swait.ge [sflag:s13], $0x4000  }
0x138: {  	[sflag:s13] =	ssyncset.done $0x0  }
0x139: {  	s29 =	rddreg [dreg:$0x1a];
	[sflag:s13] =	ssyncadd.s32 $0xFFFFC000  }
0x13a: {  	[spmem:s2] =	stream.indirect.scatter.add.f32 [tilespmem:s12], [sflag:$0x4], $0x80, s29, s11, $0xb8;
	[tilespmem:$0x1CC00] =	vst v63  }
0x13b: {  	_ =	swait.ge [sflag:s14], $0x4000  }
0x13c: {  	[sflag:s14] =	ssyncset.done $0x0  }
0x13d: {  	s30 =	rddreg [dreg:$0x1b];
	[sflag:s14] =	ssyncadd.s32 $0xFFFFC000  }
0x13e: {  	[tilespmem:s15], [sflag:$0x1] =	stream.indirect.gather [hbm4b:s4+s11], $0x80, s30, s11, $0xb8;
	[tilespmem:$0x1CC00] =	vst v63  }
0x13f: {  	_ =	swait.ge [sflag:s16], $0x4000  }
0x140: {  	[sflag:s16] =	ssyncset.done $0x0  }
0x141: {  	s31 =	rddreg [dreg:$0x1c];
	[sflag:s16] =	ssyncadd.s32 $0xFFFFC000  }
0x142: {  	[spmem:s2] =	stream.indirect.scatter.add.f32 [tilespmem:s15], [sflag:$0x3], $0x80, s31, s11, $0xb8;
	[tilespmem:$0x1CC00] =	vst v63  }
0x143: {  	_ =	swait.ge [sflag:s17], $0x4000  }
0x144: {  	[sflag:s17] =	ssyncset.done $0x0  }
0x145: {  	s29 =	rddreg [dreg:$0x1d];
	[sflag:s17] =	ssyncadd.s32 $0xFFFFC000  }
0x146: {  	[tilespmem:s12], [sflag:$0x2] =	stream.indirect.gather [hbm4b:s4+s11], $0x80, s29, s11, $0xb8;
	[tilespmem:$0x1CC00] =	vst v63  }
0x147: {  	_ =	swait.ge [sflag:s13], $0x4000  }
0x148: {  	[sflag:s13] =	ssyncset.done $0x0  }
0x149: {  	s30 =	rddreg [dreg:$0x1e];
	[sflag:s13] =	ssyncadd.s32 $0xFFFFC000  }
0x14a: {  	[spmem:s2] =	stream.indirect.scatter.add.f32 [tilespmem:s12], [sflag:$0x4], $0x80, s30, s11, $0xb8;
	[tilespmem:$0x1CC00] =	vst v63  }
0x14b: {  	_ =	swait.ge [sflag:s14], $0x4000  }
0x14c: {  	[sflag:s14] =	ssyncset.done $0x0  }
0x14d: {  	s31 =	rddreg [dreg:$0x1f];
	[sflag:s14] =	ssyncadd.s32 $0xFFFFC000  }
0x14e: {  	[tilespmem:s15], [sflag:$0x1] =	stream.indirect.gather [hbm4b:s4+s11], $0x80, s31, s11, $0xb8;
	[tilespmem:$0x1CC00] =	vst v63  }
0x14f: {  	_ =	swait.ge [sflag:s16], $0x4000  }
0x150: {  	[sflag:s16] =	ssyncset.done $0x0  }
0x151: {  	s26 =	smov.u32 s25;
	s25 =	sadd.s32 $0x100, s25;
	[sflag:s16] =	ssyncadd.s32 $0xFFFFC000  }
0x152: {  	[spmem:s2] =	stream.indirect.scatter.add.f32 [tilespmem:s15], [sflag:$0x3], $0x80, s20, s11, $0xb8;
	[tilespmem:$0x1CC00] =	vst v63  }
0x153: {  	p0 =	sne.s32 s25, $0x500;
	_ =	swait.ge [sflag:s17], $0x4000  }
.Ltmp0:
0x154: {  	[sflag:s17] =	ssyncset.done $0x0;
	(pc) =	sbr.rel @p0 .LBB2_2-.Ltmp0, $4  }
0x155: {  	[sflag:s17] =	ssyncadd.s32 $0xFFFFC000  }
0x156: {  	[tilespmem:s12], [sflag:$0x2] =	stream.indirect.gather [hbm4b:s4+s11], $0x80, s21, s11, $0xb8;
	[tilespmem:$0x1CC00] =	vst v63  }
0x157: {  	_ =	swait.ge [sflag:s13], $0x4000  }
0x158: {  	s24 =	smov.u32 s26;
	s28 =	rddreg [dreg:$0x6];
	[sflag:s13] =	ssyncset.done $0x0  }
0x159: {  	[sflag:s13] =	ssyncadd.s32 $0xFFFFC000  }
0x15a: {  	[spmem:s2] =	stream.indirect.scatter.add.f32 [tilespmem:s12], [sflag:$0x4], $0x80, s22, s11, $0xb8;
	[tilespmem:$0x1CC00] =	vst v63  }
0x15b: {  	s25 =	sadd.s32 s24, s28  }
0x15c: {  	[tilespmem:s3], [sflag:$0x5] =	stream.linear.gather [hbm4b:s25+s3], $0x400, $0x38;
	[tilespmem:$0x1CC00] =	vst v63  }
0x15d: {  	_ =	swait.ge [sflag:s10], $0x400  }
0x15e: {  	s30 =	rddreg [dreg:$0x5];
	[sflag:s10] =	ssyncset.done $0x0  }
0x15f: {  	s26 =	rddreg [dreg:$0x7];
	[sflag:s10] =	ssyncadd.s32 $0xFFFFFC00;
	s25 =	sadd.s32 s24, s30  }
0x160: {  	[tilespmem:s26], [sflag:$0x5] =	stream.linear.gather [hbm4b:s25+s3], $0x400, $0x38;
	[tilespmem:$0x1CC00] =	vst v63  }
0x161: {  	p0 =	seq.s32 s24, $0x0;
	_ =	swait.ge [sflag:s10], $0x400  }
0x162: {  	s28 =	simm.s32 @p0 $0x1000;
	s29 =	simm.s32 @p0 $0x1;
	[sflag:s10] =	ssyncset.done $0x0  }
0x163: {  	s25 =	simm.s32 @p0 $0x80;
	s26 =	simm.s32 @p0 $0x0;
	[sflag:s10] =	ssyncadd.s32 $0xFFFFFC00  }
0x164: {  	[tilespmem:s28], [sflag:$0x1] =	stream.indirect.gather @p0 [hbm4b:s4+s25], $0x80, s26, s25, $0xb8;
	[tilespmem:$0x1CC00] =	vst v63  }
0x165: {  	_ =	swait.ge @p0 [sflag:s29], $0x4000  }
0x166: {  	[sflag:s29] =	ssyncset.done @p0 $0x0  }
0x167: {  	s26 =	simm.s32 @p0 $0x400;
	[sflag:s29] =	ssyncadd.s32 @p0 $0xFFFFC000;
	s29 =	simm.s32 @!p0 $0x3  }
0x168: {  	[spmem:s2] =	stream.indirect.scatter.add.f32 @p0 [tilespmem:s28], [sflag:$0x3], $0x80, s26, s25, $0xb8;
	[tilespmem:$0x1CC00] =	vst v63  }
0x169: {  	_ =	swait.ge @!p0 [sflag:s29], $0x4000  }
0x16a: {  	s25 =	simm.s32 @!p0 $0x1000;
	s26 =	simm.s32 @!p0 $0x80;
	[sflag:s29] =	ssyncset.done @!p0 $0x0  }
0x16b: {  	s28 =	simm.s32 @!p0 $0x0;
	[sflag:s29] =	ssyncadd.s32 @!p0 $0xFFFFC000;
	s29 =	simm.s32 @!p0 $0x1  }
0x16c: {  	[tilespmem:s25], [sflag:$0x1] =	stream.indirect.gather @!p0 [hbm4b:s4+s26], $0x80, s28, s26, $0xb8;
	[tilespmem:$0x1CC00] =	vst v63  }
0x16d: {  	_ =	swait.ge @!p0 [sflag:s29], $0x4000  }
0x16e: {  	[sflag:s29] =	ssyncset.done @!p0 $0x0  }
0x16f: {  	s28 =	simm.s32 @!p0 $0x400;
	[sflag:s29] =	ssyncadd.s32 @!p0 $0xFFFFC000;
	s29 =	simm.s32 @!p0 $0x4  }
0x170: {  	[spmem:s2] =	stream.indirect.scatter.add.f32 @!p0 [tilespmem:s25], [sflag:$0x3], $0x80, s28, s26, $0xb8;
	[tilespmem:$0x1CC00] =	vst v63  }
0x171: {  	_ =	swait.ge @!p0 [sflag:s29], $0x4000  }
0x172: {  	[sflag:s29] =	ssyncset.done @!p0 $0x0  }
0x173: {  	[sflag:s29] =	ssyncadd.s32 @!p0 $0xFFFFC000  }
0x174: {  	[tilespmem:s12], [sflag:$0x2] =	stream.indirect.gather [hbm4b:s4+s11], $0x80, s11, s11, $0xb8;
	[tilespmem:$0x1CC00] =	vst v63  }
0x175: {  	_ =	swait.ge [sflag:s13], $0x4000  }
0x176: {  	[sflag:s13] =	ssyncset.done $0x0  }
0x177: {  	s31 =	rddreg [dreg:$0x8];
	[sflag:s13] =	ssyncadd.s32 $0xFFFFC000  }
0x178: {  	[spmem:s2] =	stream.indirect.scatter.add.f32 [tilespmem:s12], [sflag:$0x4], $0x80, s31, s11, $0xb8;
	[tilespmem:$0x1CC00] =	vst v63  }
0x179: {  	_ =	swait.ge [sflag:s14], $0x4000  }
0x17a: {  	[sflag:s14] =	ssyncset.done $0x0  }
0x17b: {  	s26 =	rddreg [dreg:$0x9];
	[sflag:s14] =	ssyncadd.s32 $0xFFFFC000  }
0x17c: {  	[tilespmem:s15], [sflag:$0x1] =	stream.indirect.gather [hbm4b:s4+s11], $0x80, s26, s11, $0xb8;
	[tilespmem:$0x1CC00] =	vst v63  }
0x17d: {  	_ =	swait.ge [sflag:s16], $0x4000  }
0x17e: {  	[sflag:s16] =	ssyncset.done $0x0  }
0x17f: {  	s28 =	rddreg [dreg:$0xa];
	[sflag:s16] =	ssyncadd.s32 $0xFFFFC000  }
0x180: {  	[spmem:s2] =	stream.indirect.scatter.add.f32 [tilespmem:s15], [sflag:$0x3], $0x80, s28, s11, $0xb8;
	[tilespmem:$0x1CC00] =	vst v63  }
0x181: {  	_ =	swait.ge [sflag:s17], $0x4000  }
0x182: {  	[sflag:s17] =	ssyncset.done $0x0  }
0x183: {  	s29 =	rddreg [dreg:$0xb];
	[sflag:s17] =	ssyncadd.s32 $0xFFFFC000  }
0x184: {  	[tilespmem:s12], [sflag:$0x2] =	stream.indirect.gather [hbm4b:s4+s11], $0x80, s29, s11, $0xb8;
	[tilespmem:$0x1CC00] =	vst v63  }
0x185: {  	_ =	swait.ge [sflag:s13], $0x4000  }
0x186: {  	[sflag:s13] =	ssyncset.done $0x0  }
0x187: {  	s30 =	rddreg [dreg:$0xc];
	[sflag:s13] =	ssyncadd.s32 $0xFFFFC000  }
0x188: {  	[spmem:s2] =	stream.indirect.scatter.add.f32 [tilespmem:s12], [sflag:$0x4], $0x80, s30, s11, $0xb8;
	[tilespmem:$0x1CC00] =	vst v63  }
0x189: {  	_ =	swait.ge [sflag:s14], $0x4000  }
0x18a: {  	[sflag:s14] =	ssyncset.done $0x0  }
0x18b: {  	s31 =	rddreg [dreg:$0xd];
	[sflag:s14] =	ssyncadd.s32 $0xFFFFC000  }
0x18c: {  	[tilespmem:s15], [sflag:$0x1] =	stream.indirect.gather [hbm4b:s4+s11], $0x80, s31, s11, $0xb8;
	[tilespmem:$0x1CC00] =	vst v63  }
0x18d: {  	_ =	swait.ge [sflag:s16], $0x4000  }
0x18e: {  	[sflag:s16] =	ssyncset.done $0x0  }
0x18f: {  	s26 =	rddreg [dreg:$0xe];
	[sflag:s16] =	ssyncadd.s32 $0xFFFFC000  }
0x190: {  	[spmem:s2] =	stream.indirect.scatter.add.f32 [tilespmem:s15], [sflag:$0x3], $0x80, s26, s11, $0xb8;
	[tilespmem:$0x1CC00] =	vst v63  }
0x191: {  	_ =	swait.ge [sflag:s17], $0x4000  }
0x192: {  	[sflag:s17] =	ssyncset.done $0x0  }
0x193: {  	s28 =	rddreg [dreg:$0xf];
	[sflag:s17] =	ssyncadd.s32 $0xFFFFC000  }
0x194: {  	[tilespmem:s12], [sflag:$0x2] =	stream.indirect.gather [hbm4b:s4+s11], $0x80, s28, s11, $0xb8;
	[tilespmem:$0x1CC00] =	vst v63  }
0x195: {  	_ =	swait.ge [sflag:s13], $0x4000  }
0x196: {  	[sflag:s13] =	ssyncset.done $0x0  }
0x197: {  	s29 =	rddreg [dreg:$0x10];
	[sflag:s13] =	ssyncadd.s32 $0xFFFFC000  }
0x198: {  	[spmem:s2] =	stream.indirect.scatter.add.f32 [tilespmem:s12], [sflag:$0x4], $0x80, s29, s11, $0xb8;
	[tilespmem:$0x1CC00] =	vst v63  }
0x199: {  	_ =	swait.ge [sflag:s14], $0x4000  }
0x19a: {  	[sflag:s14] =	ssyncset.done $0x0  }
0x19b: {  	s30 =	rddreg [dreg:$0x11];
	[sflag:s14] =	ssyncadd.s32 $0xFFFFC000  }
0x19c: {  	[tilespmem:s15], [sflag:$0x1] =	stream.indirect.gather [hbm4b:s4+s11], $0x80, s30, s11, $0xb8;
	[tilespmem:$0x1CC00] =	vst v63  }
0x19d: {  	_ =	swait.ge [sflag:s16], $0x4000  }
0x19e: {  	[sflag:s16] =	ssyncset.done $0x0  }
0x19f: {  	s31 =	rddreg [dreg:$0x12];
	[sflag:s16] =	ssyncadd.s32 $0xFFFFC000  }
0x1a0: {  	[spmem:s2] =	stream.indirect.scatter.add.f32 [tilespmem:s15], [sflag:$0x3], $0x80, s31, s11, $0xb8;
	[tilespmem:$0x1CC00] =	vst v63  }
0x1a1: {  	_ =	swait.ge [sflag:s17], $0x4000  }
0x1a2: {  	[sflag:s17] =	ssyncset.done $0x0  }
0x1a3: {  	s26 =	rddreg [dreg:$0x13];
	[sflag:s17] =	ssyncadd.s32 $0xFFFFC000  }
0x1a4: {  	[tilespmem:s12], [sflag:$0x2] =	stream.indirect.gather [hbm4b:s4+s11], $0x80, s26, s11, $0xb8;
	[tilespmem:$0x1CC00] =	vst v63  }
0x1a5: {  	_ =	swait.ge [sflag:s13], $0x4000  }
0x1a6: {  	s28 =	rddreg [dreg:$0x14];
	[sflag:s13] =	ssyncset.done $0x0  }
0x1a7: {  	s29 =	rddreg [dreg:$0x4];
	[sflag:s13] =	ssyncadd.s32 $0xFFFFC000  }
0x1a8: {  	[spmem:s2] =	stream.indirect.scatter.add.f32 [tilespmem:s12], [sflag:$0x4], $0x80, s28, s11, $0xb8;
	[tilespmem:$0x1CC00] =	vst v63  }
0x1a9: {  	s30 =	sadd.s32 s24, s29  }
0x1aa: {  	[tilespmem:s18], [sflag:$0x5] =	stream.linear.gather [hbm4b:s30+s3], $0x400, $0x38;
	[tilespmem:$0x1CC00] =	vst v63  }
0x1ab: {  	_ =	swait.ge [sflag:s10], $0x400  }
0x1ac: {  	s31 =	rddreg [dreg:$0x3];
	[sflag:s10] =	ssyncset.done $0x0  }
0x1ad: {  	[sflag:s10] =	ssyncadd.s32 $0xFFFFFC00;
	s25 =	sadd.s32 s24, s31  }
0x1ae: {  	[tilespmem:s19], [sflag:$0x5] =	stream.linear.gather [hbm4b:s25+s3], $0x400, $0x38;
	[tilespmem:$0x1CC00] =	vst v63  }
0x1af: {  	_ =	swait.ge [sflag:s10], $0x400  }
0x1b0: {  	[sflag:s10] =	ssyncset.done $0x0  }
0x1b1: {  	[sflag:s10] =	ssyncadd.s32 $0xFFFFFC00  }
0x1b2: {  	_ =	swait.ge [sflag:s14], $0x4000  }
0x1b3: {  	[sflag:s14] =	ssyncset.done $0x0  }
0x1b4: {  	[sflag:s14] =	ssyncadd.s32 $0xFFFFC000  }
0x1b5: {  	[tilespmem:s15], [sflag:$0x1] =	stream.indirect.gather [hbm4b:s4+s11], $0x80, s18, s11, $0xb8;
	[tilespmem:$0x1CC00] =	vst v63  }
0x1b6: {  	_ =	swait.ge [sflag:s16], $0x4000  }
0x1b7: {  	[sflag:s16] =	ssyncset.done $0x0  }
0x1b8: {  	[sflag:s16] =	ssyncadd.s32 $0xFFFFC000  }
0x1b9: {  	[spmem:s2] =	stream.indirect.scatter.add.f32 [tilespmem:s15], [sflag:$0x3], $0x80, s19, s11, $0xb8;
	[tilespmem:$0x1CC00] =	vst v63  }
0x1ba: {  	_ =	swait.ge [sflag:s17], $0x4000  }
0x1bb: {  	[sflag:s17] =	ssyncset.done $0x0  }
0x1bc: {  	s26 =	rddreg [dreg:$0x15];
	[sflag:s17] =	ssyncadd.s32 $0xFFFFC000  }
0x1bd: {  	[tilespmem:s12], [sflag:$0x2] =	stream.indirect.gather [hbm4b:s4+s11], $0x80, s26, s11, $0xb8;
	[tilespmem:$0x1CC00] =	vst v63  }
0x1be: {  	_ =	swait.ge [sflag:s13], $0x4000  }
0x1bf: {  	[sflag:s13] =	ssyncset.done $0x0  }
0x1c0: {  	s28 =	rddreg [dreg:$0x16];
	[sflag:s13] =	ssyncadd.s32 $0xFFFFC000  }
0x1c1: {  	[spmem:s2] =	stream.indirect.scatter.add.f32 [tilespmem:s12], [sflag:$0x4], $0x80, s28, s11, $0xb8;
	[tilespmem:$0x1CC00] =	vst v63  }
0x1c2: {  	_ =	swait.ge [sflag:s14], $0x4000  }
0x1c3: {  	[sflag:s14] =	ssyncset.done $0x0  }
0x1c4: {  	s29 =	rddreg [dreg:$0x17];
	[sflag:s14] =	ssyncadd.s32 $0xFFFFC000  }
0x1c5: {  	[tilespmem:s15], [sflag:$0x1] =	stream.indirect.gather [hbm4b:s4+s11], $0x80, s29, s11, $0xb8;
	[tilespmem:$0x1CC00] =	vst v63  }
0x1c6: {  	_ =	swait.ge [sflag:s16], $0x4000  }
0x1c7: {  	[sflag:s16] =	ssyncset.done $0x0  }
0x1c8: {  	s30 =	rddreg [dreg:$0x18];
	[sflag:s16] =	ssyncadd.s32 $0xFFFFC000  }
0x1c9: {  	[spmem:s2] =	stream.indirect.scatter.add.f32 [tilespmem:s15], [sflag:$0x3], $0x80, s30, s11, $0xb8;
	[tilespmem:$0x1CC00] =	vst v63  }
0x1ca: {  	_ =	swait.ge [sflag:s17], $0x4000  }
0x1cb: {  	[sflag:s17] =	ssyncset.done $0x0  }
0x1cc: {  	s31 =	rddreg [dreg:$0x19];
	[sflag:s17] =	ssyncadd.s32 $0xFFFFC000  }
0x1cd: {  	[tilespmem:s12], [sflag:$0x2] =	stream.indirect.gather [hbm4b:s4+s11], $0x80, s31, s11, $0xb8;
	[tilespmem:$0x1CC00] =	vst v63  }
0x1ce: {  	_ =	swait.ge [sflag:s13], $0x4000  }
0x1cf: {  	[sflag:s13] =	ssyncset.done $0x0  }
0x1d0: {  	s25 =	rddreg [dreg:$0x1a];
	[sflag:s13] =	ssyncadd.s32 $0xFFFFC000  }
0x1d1: {  	[spmem:s2] =	stream.indirect.scatter.add.f32 [tilespmem:s12], [sflag:$0x4], $0x80, s25, s11, $0xb8;
	[tilespmem:$0x1CC00] =	vst v63  }
0x1d2: {  	_ =	swait.ge [sflag:s14], $0x4000  }
0x1d3: {  	[sflag:s14] =	ssyncset.done $0x0  }
0x1d4: {  	s26 =	rddreg [dreg:$0x1b];
	[sflag:s14] =	ssyncadd.s32 $0xFFFFC000  }
0x1d5: {  	[tilespmem:s15], [sflag:$0x1] =	stream.indirect.gather [hbm4b:s4+s11], $0x80, s26, s11, $0xb8;
	[tilespmem:$0x1CC00] =	vst v63  }
0x1d6: {  	_ =	swait.ge [sflag:s16], $0x4000  }
0x1d7: {  	[sflag:s16] =	ssyncset.done $0x0  }
0x1d8: {  	s28 =	rddreg [dreg:$0x1c];
	[sflag:s16] =	ssyncadd.s32 $0xFFFFC000  }
0x1d9: {  	[spmem:s2] =	stream.indirect.scatter.add.f32 [tilespmem:s15], [sflag:$0x3], $0x80, s28, s11, $0xb8;
	[tilespmem:$0x1CC00] =	vst v63  }
0x1da: {  	_ =	swait.ge [sflag:s17], $0x4000  }
0x1db: {  	[sflag:s17] =	ssyncset.done $0x0  }
0x1dc: {  	s29 =	rddreg [dreg:$0x1d];
	[sflag:s17] =	ssyncadd.s32 $0xFFFFC000  }
0x1dd: {  	[tilespmem:s12], [sflag:$0x2] =	stream.indirect.gather [hbm4b:s4+s11], $0x80, s29, s11, $0xb8;
	[tilespmem:$0x1CC00] =	vst v63  }
0x1de: {  	_ =	swait.ge [sflag:s13], $0x4000  }
0x1df: {  	[sflag:s13] =	ssyncset.done $0x0  }
0x1e0: {  	s30 =	rddreg [dreg:$0x1e];
	[sflag:s13] =	ssyncadd.s32 $0xFFFFC000  }
0x1e1: {  	[spmem:s2] =	stream.indirect.scatter.add.f32 [tilespmem:s12], [sflag:$0x4], $0x80, s30, s11, $0xb8;
	[tilespmem:$0x1CC00] =	vst v63  }
0x1e2: {  	_ =	swait.ge [sflag:s14], $0x4000  }
0x1e3: {  	[sflag:s14] =	ssyncset.done $0x0  }
0x1e4: {  	s31 =	rddreg [dreg:$0x1f];
	[sflag:s14] =	ssyncadd.s32 $0xFFFFC000  }
0x1e5: {  	[tilespmem:s15], [sflag:$0x1] =	stream.indirect.gather [hbm4b:s4+s11], $0x80, s31, s11, $0xb8;
	[tilespmem:$0x1CC00] =	vst v63  }
0x1e6: {  	_ =	swait.ge [sflag:s16], $0x4000  }
0x1e7: {  	[sflag:s16] =	ssyncset.done $0x0  }
0x1e8: {  	[sflag:s16] =	ssyncadd.s32 $0xFFFFC000  }
0x1e9: {  	[spmem:s2] =	stream.indirect.scatter.add.f32 [tilespmem:s15], [sflag:$0x3], $0x80, s20, s11, $0xb8;
	[tilespmem:$0x1CC00] =	vst v63  }
0x1ea: {  	_ =	swait.ge [sflag:s17], $0x4000  }
0x1eb: {  	[sflag:s17] =	ssyncset.done $0x0  }
0x1ec: {  	[sflag:s17] =	ssyncadd.s32 $0xFFFFC000  }
0x1ed: {  	[tilespmem:s12], [sflag:$0x2] =	stream.indirect.gather [hbm4b:s4+s11], $0x80, s21, s11, $0xb8;
	[tilespmem:$0x1CC00] =	vst v63  }
0x1ee: {  	_ =	swait.ge [sflag:s13], $0x4000  }
0x1ef: {  	[sflag:s13] =	ssyncset.done $0x0  }
0x1f0: {  	[sflag:s13] =	ssyncadd.s32 $0xFFFFC000  }
0x1f1: {  	[spmem:s2] =	stream.indirect.scatter.add.f32 [tilespmem:s12], [sflag:$0x4], $0x80, s22, s11, $0xb8;
	[tilespmem:$0x1CC00] =	vst v63  }
0x1f2: {  	_ =	swait.ge [sflag:s14], $0x4000  }
0x1f3: {  	[sflag:s14] =	ssyncset.done $0x0  }
0x1f4: {  	[sflag:s14] =	ssyncadd.s32 $0xFFFFC000  }
0x1f5: {  	_ =	swait.ge [sflag:s17], $0x4000  }
0x1f6: {  	s23 =	sadd.s32 $0x1, s23;
	[sflag:s17] =	ssyncset.done $0x0  }
0x1f7: {  	p0 =	sne.s32 s23, s8;
	[sflag:s17] =	ssyncadd.s32 $0xFFFFC000  }
.Ltmp1:
0x1f8: {  	[bflag:$0x0] =	sbarrier.arrive $0xFFFF;
	(pc) =	sbr.rel @p0 .LBB2_1-.Ltmp1, $4  }
0x1f9: {  	[hbm:s7], [sflag:s6] =	dma.local [spmem:s9], $0x2780  }
0x1fa: {  	_ =	swait.ge [sflag:s10], $0x2780  }
0x1fb: {  	[sflag:s10] =	ssyncset.done $0x0  }
0x1fc: {  	[sflag:s10] =	ssyncadd.s32 $0xFFFFD880  }
0x1fd: {  	_ =	sfence.sel $0x180000  }
0x1fe: {  	[bflag:$0x0] =	sbarrier.arrive $0xFFFF  }
0x1ff: {  	p0 =	sne.s32 s0, $0x0;
	_ =	strace $0x9000004D  }
0x200: {  	s0 =	sadd.s32 @!p0 $0x100000, s1;
	[bflag:$0x2] =	sbarrier.arrive $0xFFFF  }
0x201: {  	[sflag:s0] =	ssyncadd.tile.s32 @!p0 $0x1;
	_ =	shalt  }
.Lfunc_end2:
_tile_overlayer_lowered:
.L_overlay_start_2:
0x202: {  	(tag) =	ssettag $0x2  }
0x203: {  	s0 =	rddreg [dreg:$0x0];
	s2 =	stileid.u32  }
0x204: {  	s1 =	rddreg [dreg:$0x1];
	p0 =	sne.s32 s2, $0x0  }
0x205: {  	s3 =	rddreg [dreg:$0x2];
	[bflag:$0x3] =	sbarrier.arrive $0xFFFF;
	s2 =	simm.s32 @!p0 $0x1C05  }
0x206: {  	[timem:s3], [sflag:s2] =	dma.local @!p0 [hbm:s0], s1  }
0x207: {  	s0 =	simm.s32 @!p0 $0x5  }
0x208: {  	_ =	swait.ge @!p0 [sflag:s0], s1  }
0x209: {  	s1 =	ssub.s32 @!p0 $0x0, s1;
	[sflag:s0] =	ssyncset.done @!p0 $0x0  }
0x20a: {  	[sflag:s0] =	ssyncadd.s32 @!p0 s1  }
0x20b: {  	[bflag:$0x3] =	sbarrier.arrive $0xFFFF  }
0x20c: {  	_ =	shalt  }

// kernel: kernel.8.cloned.1.call-start
scs
__scs_entry_jumppad:
0x0: {  	(pc) =	sbr.rel $0x88, $3  }
0x1: {  	(tag) =	ssettag $0x0;
	lr =	simm.s32 $0x1  }
0x2: {  	[smem:$0x3F99] =	sst lr;
	_ =	strace $0xD0000000  }
0x3: {  	_ = 	snop  }
0x4: {  	_ = 	snop  }
0x5: {  	_ = 	snop  }
0x6: {  	_ = 	snop  }
0x7: {  	_ = 	snop  }
__scs_overlays_trampoline_lowered:
0x8: {  	[smem:$0x3FA8] =	sst s0  }
0x9: {  	[smem:$0x3FA9] =	sst s1  }
0xa: {  	[smem:$0x3FAA] =	sst s2  }
0xb: {  	[smem:$0x3FAB] =	sst s3  }
0xc: {  	[smem:$0x3FAC] =	sst s4  }
0xd: {  	[smem:$0x3FAD] =	sst s5  }
0xe: {  	[smem:$0x3FAE] =	sst s6  }
0xf: {  	[smem:$0x3FAF] =	sst s7  }
0x10: {  	[smem:$0x3FB0] =	sst s8  }
0x11: {  	[smem:$0x3FB1] =	sst s9;
	s0 =	simm.s32 @!p0 $0x0  }
0x12: {  	s1 =	sld [smem:$0x3F97];
	s0 =	simm.s32 @p0 $0x1  }
0x13: {  	[smem:$0x3FB2] =	sst s0;
	s0 =	simm.s32 @!p1 $0x0  }
0x14: {  	s2 =	sld [smem:$0x3F96];
	s0 =	simm.s32 @p1 $0x1  }
0x15: {  	[smem:$0x3FB3] =	sst s0;
	s0 =	simm.s32 @!p2 $0x0  }
0x16: {  	s3 =	sld [smem:$0x3FDB];
	s0 =	simm.s32 @p2 $0x1  }
0x17: {  	s4 =	simm.s32 $0x1BF5;
	[smem:$0x3FB5] =	sst s0  }
0x18: {  	s0 =	sld [smem:$0x3F98];
	_ =	swait.ge [sflag:s4], $0x0  }
0x19: {  	s7 =	sld [smem:$0x3F99]  }
0x1a: {  	s8 =	sadd.s32 $0xFFFFE003, lr  }
0x1b: {  	s9 =	sadd.s32 $0xFFFFFEF7, lr;
	s5 =	simm.s32 $0xFFFFFFFF;
	p2 =	slt.u32 s8, $0xFFFFF086  }
0x1c: {  	p1 =	slt.u32 s9, $0xF7A;
	s5 =	simm.s32 @!p2 $0x0  }
0x1d: {  	s5 =	simm.s32 @p1 $0x1;
	p0 =	seq.s32 s7, s2  }
0x1e: {  	s7 =	smul.u32 @!p0 $0xF7A, s2;
	p2 =	seq.s32 @!p0 s5, $0x0  }
0x1f: {  	s9 =	smul.u32 $0xF7A, s1;
	s8 =	simm.s32 @!p0 $0x1BF5;
	p2 =	por !p2, p0  }
0x20: {  	[sflag:s8] =	ssyncset.s32 @!p0 $0xFFFFF086;
	s6 =	sadd.s32 @!p0 s3, s7;
	s7 =	simm.s32 @!p0 $0x108  }
0x21: {  	s3 =	sadd.s32 s3, s9;
	s6 =	sadd.s32 @!p0 $0x88, s6;
	s7 =	simm.s32 @p2 $0x1082  }
0x22: {  	[simem:s7], [sflag:s8] =	dma.local @!p0 [hbm:s6], $0xF7A  }
0x23: {  	s9 =	sor.u32 $0xD0000000, s2;
	s6 =	simm.s32 $0x108;
	_ =	swait.ge @!p0 [sflag:s8], $0x0  }
0x24: {  	s3 =	sadd.s32 $0x88, s3;
	s6 =	simm.s32 @!p1 $0x1082;
	[sflag:s4] =	ssyncset.s32 $0xFFFFF086  }
0x25: {  	[simem:s6], [sflag:s4] =	dma.local [hbm:s3], $0xF7A  }
0x26: {  	[smem:$0x3F99] =	sst s1;
	(tag) =	ssettag s2;
	_ =	strace s9  }
0x27: {  	s1 =	sld [smem:$0x3FA9]  }
0x28: {  	s2 =	sld [smem:$0x3FAA]  }
0x29: {  	s4 =	sld [smem:$0x3FAC]  }
0x2a: {  	p0 =	seq.s32 s5, $0x0;
	s5 =	sld [smem:$0x3FAD]  }
0x2b: {  	s6 =	sld [smem:$0x3FAE]  }
0x2c: {  	s7 =	sld [smem:$0x3FAF]  }
0x2d: {  	s3 =	simm.s32 $0x108;
	s8 =	sld [smem:$0x3FB0]  }
0x2e: {  	s3 =	simm.s32 @!p0 $0x1082;
	s9 =	sld [smem:$0x3FB1]  }
0x2f: {  	lr =	sadd.s32 s0, s3;
	s0 =	sld [smem:$0x3FA8]  }
0x30: {  	s3 =	sld [smem:$0x3FAB]  }
0x31: {  	[smem:$0x3FB4] =	sst s10  }
0x32: {  	s10 =	sld [smem:$0x3FB2];
	_ =	sdelay $0x3  }
0x33: {  	p0 =	seq.s32 s10, $0x1;
	s10 =	sld [smem:$0x3FB4];
	_ =	sdelay $0x3  }
0x34: {  	[smem:$0x3FB4] =	sst s10  }
0x35: {  	s10 =	sld [smem:$0x3FB3];
	_ =	sdelay $0x3  }
0x36: {  	p1 =	seq.s32 s10, $0x1;
	s10 =	sld [smem:$0x3FB4];
	_ =	sdelay $0x3  }
0x37: {  	[smem:$0x3FB4] =	sst s10  }
0x38: {  	s10 =	sld [smem:$0x3FB5]  }
0x39: {  	_ = 	snop;
	(pc) =	sbr.ind lr, $3  }
0x3a: {  	_ = 	snop  }
0x3b: {  	_ = 	snop  }
0x3c: {  	p2 =	seq.s32 s10, $0x1;
	s10 =	sld [smem:$0x3FB4]  }
0x3d: {  	_ =	shalt  }
0x3e: {  	_ =	shalt  }
0x3f: {  	_ =	shalt  }
0x40: {  	_ =	shalt  }
0x41: {  	_ =	shalt  }
0x42: {  	_ =	shalt  }
0x43: {  	_ =	shalt  }
0x44: {  	_ =	shalt  }
0x45: {  	_ =	shalt  }
0x46: {  	_ =	shalt  }
0x47: {  	_ =	shalt  }
0x48: {  	_ =	shalt  }
0x49: {  	_ =	shalt  }
0x4a: {  	_ =	shalt  }
0x4b: {  	_ =	shalt  }
0x4c: {  	_ =	shalt  }
0x4d: {  	_ =	shalt  }
0x4e: {  	_ =	shalt  }
0x4f: {  	_ =	shalt  }
0x50: {  	_ =	shalt  }
0x51: {  	_ =	shalt  }
0x52: {  	_ =	shalt  }
0x53: {  	_ =	shalt  }
0x54: {  	_ =	shalt  }
0x55: {  	_ =	shalt  }
0x56: {  	_ =	shalt  }
0x57: {  	_ =	shalt  }
0x58: {  	_ =	shalt  }
0x59: {  	_ =	shalt  }
0x5a: {  	_ =	shalt  }
0x5b: {  	_ =	shalt  }
0x5c: {  	_ =	shalt  }
0x5d: {  	_ =	shalt  }
0x5e: {  	_ =	shalt  }
0x5f: {  	_ =	shalt  }
0x60: {  	_ =	shalt  }
0x61: {  	_ =	shalt  }
0x62: {  	_ =	shalt  }
0x63: {  	_ =	shalt  }
0x64: {  	_ =	shalt  }
0x65: {  	_ =	shalt  }
0x66: {  	_ =	shalt  }
0x67: {  	_ =	shalt  }
0x68: {  	_ =	shalt  }
0x69: {  	_ =	shalt  }
0x6a: {  	_ =	shalt  }
0x6b: {  	_ =	shalt  }
0x6c: {  	_ =	shalt  }
0x6d: {  	_ =	shalt  }
0x6e: {  	_ =	shalt  }
0x6f: {  	_ =	shalt  }
0x70: {  	_ =	shalt  }
0x71: {  	_ =	shalt  }
0x72: {  	_ =	shalt  }
0x73: {  	_ =	shalt  }
0x74: {  	_ =	shalt  }
0x75: {  	_ =	shalt  }
0x76: {  	_ =	shalt  }
0x77: {  	_ =	shalt  }
0x78: {  	_ =	shalt  }
0x79: {  	_ =	shalt  }
0x7a: {  	_ =	shalt  }
0x7b: {  	_ =	shalt  }
0x7c: {  	_ =	shalt  }
0x7d: {  	_ =	shalt  }
0x7e: {  	_ =	shalt  }
0x7f: {  	_ =	shalt  }
0x80: {  	_ =	shalt  }
0x81: {  	_ =	shalt  }
0x82: {  	_ =	shalt  }
0x83: {  	_ =	shalt  }
0x84: {  	_ =	shalt  }
0x85: {  	_ =	shalt  }
0x86: {  	_ =	shalt  }
0x87: {  	_ =	shalt  }
.Lfunc_end0:
.L_simem_size_0:
called_computation_lowered:
.L_overlay_start_0:
0x88: {  	s2 =	sld [smem:$0x3FD9]  }
0x89: {  	s3 =	sld [smem:$0x3FFE];
	_ =	sdelay $0x1  }
0x8a: {  	s1 =	srdreg.scid  }
0x8b: {  	s0 =	sand.u32 $0x1, s1  }
0x8c: {  	s17 =	sshll.u32 s0, $0xA;
	s2 =	sadd.s32 s3, s2  }
0x8d: {  	s2 =	sadd.s32 s2, s17  }
0x8e: {  	[smem:$0x3FC0] =	sst s2  }
0x8f: {  	_ = 	snop  }
0x90: {  	s2 =	sld [smem:$0x3FD0];
	(tm) =	ssettm $0x1  }
0x91: {  	s18 =	sld [smem:$0x3FFB];
	_ =	sdelay $0x3  }
0x92: {  	_ =	strace s18  }
0x93: {  	s3 =	sld [smem:$0x3FFC];
	_ =	sdelay $0x3  }
0x94: {  	_ =	strace s3  }
0x95: {  	s3 =	sld [smem:$0x3FFD];
	_ =	sdelay $0x3  }
0x96: {  	_ =	strace s3  }
0x97: {  	_ =	strace $0x8FFFFFFF  }
0x98: {  	s19 =	sld [smem:$0x3FDB];
	_ =	sdelay $0x1  }
0x99: {  	s4 =	simm.s32 $_scs_section_size  }
0x9a: {  	s5 =	simm.s32 $_size__tile_overlayer_lowered;
	s6 =	simm.s32 $_tile_overlayer_lowered  }
0x9b: {  	s22 =	simm.s32 $0x1BFF;
	s21 =	sshll.u32 s6, $0x1;
	s3 =	sadd.s32 s4, s19  }
0x9c: {  	s7 =	simm.s32 $0x0;
	s20 =	sshll.u32 s5, $0x1;
	s5 =	sadd.s32 s21, s3  }
0x9d: {  	[timem:s7], [sflag:s22] =	dma.local [hbm:s5], s20  }
0x9e: {  	_ =	swait.ge [sflag:s22], s20  }
0x9f: {  	s4 =	ssub.s32 $0x0, s20;
	[sflag:s22] =	ssyncset.done $0x0  }
0xa0: {  	[sflag:s22] =	ssyncadd.s32 s4;
	_ =	sdelay $0x1  }
0xa1: {  	s23 =	simm.s32 $0x1B8B  }
0xa2: {  	_ =	swait.ge [sflag:s23], $0x1  }
0xa3: {  	[sflag:s23] =	ssyncset.done $0x0  }
0xa4: {  	s25 =	simm.s32 $0x1B8E;
	s24 =	sld [smem:$0x3FFE];
	[sflag:s23] =	ssyncadd.s32 $0xFFFFFFFF  }
0xa5: {  	s26 =	simm.s32 $execute0_lowered;
	[smem:$0x3FD2] =	sst s25  }
0xa6: {  	s5 =	sshll.u32 s26, $0x1;
	_ =	strace $0x80000046;
	[dreg:$0x1] =	wrdreg $0xFFFFFFFF  }
0xa7: {  	s28 =	simm.s32 $_size_execute0_lowered;
	s3 =	sadd.s32 s3, s5;
	[dreg:$0x0] =	wrdreg $0x0  }
0xa8: {  	s5 =	sshll.u32 s28, $0x1;
	[dreg:$0x2] =	wrdreg s3  }
0xa9: {  	[dreg:$0x3] =	wrdreg s5  }
0xaa: {  	[dreg:$0x4] =	wrdreg $0xC0  }
0xab: {  	_ =	task [dreg:s7], $0x5FFFF  }
0xac: {  	[dreg:$0x1] =	wrdreg $0xFFFFFFFF  }
0xad: {  	[dreg:$0x0] =	wrdreg $0x60  }
0xae: {  	[dreg:$0x2] =	wrdreg s24  }
0xaf: {  	[dreg:$0x3] =	wrdreg s2  }
0xb0: {  	[dreg:$0x4] =	wrdreg $0x44800  }
0xb1: {  	[dreg:$0x5] =	wrdreg $0x9  }
0xb2: {  	_ =	task.clear_ibuf [dreg:s7], $0x6FFFF;
	_ =	strace $0x90000046  }
0xb3: {  	s29 =	simm.s32 $0x9;
	_ =	strace $0x80000048  }
0xb4: {  	_ =	swait.ge [sflag:s29], $0x1  }
0xb5: {  	[sflag:s29] =	ssyncadd.s32 $0xFFFFFFFF  }
0xb6: {  	_ =	strace $0x90000048  }
0xb7: {  	_ =	sfence  }
0xb8: {  	s30 =	sld [smem:$0x0];
	_ =	sdelay $0x2  }
0xb9: {  	s31 =	sshll.u32 s1, $0xD;
	s1 =	sshrl.u32 s1, $0x2  }
0xba: {  	s3 =	sand.u32 $0x4000, s31;
	s1 =	sadd.s32 s1, s30  }
0xbb: {  	s0 =	sor.u32 s3, s0;
	s1 =	sshll.u32 s1, $0x11  }
0xbc: {  	s0 =	sor.u32 s1, s0  }
0xbd: {  	s0 =	sadd.s32 $0x8F2B, s0  }
0xbe: {  	[sflag:s0] =	ssyncadd.remote.s32 $0x1  }
0xbf: {  	_ =	sfence.sel $0xFFFF  }
0xc0: {  	[dreg:$0x0] =	wrdreg $0xFFFFFFFF;
	(pc) =	sbr.abs _section_cstart, $3  }
0xc1: {  	[dreg:$0x1] =	wrdreg $0xFFFFFFFF  }
0xc2: {  	_ =	task.clear_ibuf [dreg:s7], $0x2FFFF;
	_ =	strace $0x9FFFFFFF  }
0xc3: {  	(tm) =	ssettm $0x7FFFFFFF  }
tec
execute0_lowered:
.L_overlay_start_1:
0x0: {  	(tag) =	ssettag $0x1  }
0x1: {  	s4 =	rddreg [dreg:$0x0]  }
0x2: {  	s6 =	rddreg [dreg:$0x1]  }
0x3: {  	s2 =	rddreg [dreg:$0x2]  }
0x4: {  	s0 =	srdreg.scid;
	s1 =	rddreg [dreg:$0x3]  }
0x5: {  	s3 =	simm.s32 $0x0;
	s11 =	simm.s32 $0x80;
	s5 =	sand.u32 $0x1, s0  }
0x6: {  	s12 =	simm.s32 $0x4400;
	s0 =	stileid.u32;
	s7 =	smul.u32 $0x28000, s5  }
0x7: {  	s15 =	simm.s32 $0x0;
	[smem:$0x7FF] =	sst s3;
	s8 =	smul.u32 $0x2800, s0  }
0x8: {  	_ =	strace $0x80000047;
	s28 =	ssub.s32 $0x2, s5;
	s9 =	sshll.u32 s0, $0xA  }
0x9: {  	s5 =	sshll.u32 s5, $0xE;
	s13 =	sshll.u32 s0, $0x6;
	s29 =	sshrl.u32 s28, $0x1  }
0xa: {  	s5 =	sor.u32 s9, s5;
	s13 =	sor.u32 $0x1C01, s13;
	s7 =	sadd.s32 s8, s7  }
0xb: {  	v0 =	vlaneseq.u32;
	s30 =	ssub.s32 s28, s29;
	s31 =	sshrl.u32 s5, $0x3;
	s7 =	sshrl.u32 s7, $0x3  }
0xc: {  	v1 =	vimm.f32 $0.0e+00;
	v9 =	vimm.f32 $1.000000000e+00;
	v2 =	vor.u32 $0x10, v0;
	s5 =	sadd.s32 $0x400, s9;
	s6 =	sadd.s32 s6, s31;
	s10 =	sadd.s32 s7, s4  }
0xd: {  	v3 =	vor.u32 $0x20, v0;
	v4 =	vor.u32 $0x30, v0;
	v5 =	vor.u32 $0x40, v0;
	s4 =	sadd.s32 s9, s2;
	s7 =	smax.u32 s30, $0x1;
	s9 =	simm.s32 $0x1  }
0xe: {  	v6 =	vor.u32 $0x50, v0;
	v7 =	vor.u32 $0x60, v0;
	v8 =	vor.u32 $0x70, v0;
	s8 =	sadd.s32 $0x2400, s10;
	s10 =	simm.s32 $0x400;
	s14 =	sshrl.u32 s4, $0x3  }
.LBB2_1:
0xf: {  	s16 =	simm.s32 $0x0;
	s17 =	simm.s32 $0x200  }
.LBB2_2:
0x10: {  	p0 =	sne.s32 s17, $0xFE00;
	[tilespmem:s16+$0x470] =	vst v1  }
0x11: {  	[tilespmem:s16+$0x400] =	vst v1  }
0x12: {  	[tilespmem:s16+$0x410] =	vst v1  }
.Ltmp0:
0x13: {  	[tilespmem:s16+$0x420] =	vst v1;
	(pc) =	sbr.rel @p0 .LBB2_2-.Ltmp0, $4  }
0x14: {  	[tilespmem:s16+$0x430] =	vst v1  }
0x15: {  	[tilespmem:s16+$0x440] =	vst v1  }
0x16: {  	[tilespmem:s16+$0x450] =	vst v1  }
0x17: {  	[tilespmem:s16+$0x460] =	vst v1;
	s16 =	sshra.s32 s17, $0x2;
	s17 =	sadd.s32 $0x200, s17  }
0x18: {  	[tilespmem:s16+$0x470] =	vst v1  }
0x19: {  	[tilespmem:s16+$0x400] =	vst v1  }
0x1a: {  	[tilespmem:s16+$0x410] =	vst v1  }
0x1b: {  	[tilespmem:s16+$0x420] =	vst v1  }
0x1c: {  	[tilespmem:s16+$0x430] =	vst v1  }
0x1d: {  	[tilespmem:s16+$0x440] =	vst v1  }
0x1e: {  	[tilespmem:s16+$0x450] =	vst v1  }
0x1f: {  	[tilespmem:s16+$0x460] =	vst v1  }
0x20: {  	[tilespmem:$0x4400] =	vst v0  }
0x21: {  	[tilespmem:$0x4410] =	vst v2  }
0x22: {  	[tilespmem:$0x4420] =	vst v3  }
0x23: {  	[tilespmem:$0x4430] =	vst v4  }
0x24: {  	[tilespmem:$0x4440] =	vst v5  }
0x25: {  	[tilespmem:$0x4450] =	vst v6  }
0x26: {  	[tilespmem:$0x4460] =	vst v7  }
0x27: {  	[tilespmem:$0x4470] =	vst v8  }
0x28: {  	[spmem:s4] =	stream.linear.scatter [tilespmem:s5], [sflag:$0x1], $0x400, $0x38;
	[tilespmem:$0x4880] =	vst v63  }
0x29: {  	_ =	swait.ge [sflag:s9], $0x400  }
0x2a: {  	[sflag:s9] =	ssyncset.done $0x0  }
0x2b: {  	[sflag:s9] =	ssyncadd.s32 $0xFFFFFC00  }
0x2c: {  	s16 =	simm.s32 $0x0;
	[bflag:$0x0] =	sbarrier.arrive $0xFFFF  }
.LBB2_4:
0x2d: {  	s17 =	sadd.s32 s16, s8  }
0x2e: {  	[tilespmem:s3], [sflag:$0x1] =	stream.linear.gather [hbm4b:s17+s3], $0x400, $0x38;
	[tilespmem:$0x4880] =	vst v63  }
0x2f: {  	_ =	swait.ge [sflag:s9], $0x400  }
0x30: {  	[sflag:s9] =	ssyncset.done $0x0  }
0x31: {  	[sflag:s9] =	ssyncadd.s32 $0xFFFFFC00  }
0x32: {  	v10 =	vld [tilespmem:$0x0];
	_ =	sdelay $0x7  }
0x33: {  	[tilespmem:v10+s10+$0x0] =	vst.idx.add.f32.msk $0xffff, v9  }
0x34: {  	v10 =	vld [tilespmem:$0x10];
	_ =	sdelay $0x7  }
0x35: {  	[tilespmem:v10+s10+$0x0] =	vst.idx.add.f32.msk $0xffff, v9  }
0x36: {  	v10 =	vld [tilespmem:$0x20];
	_ =	sdelay $0x7  }
0x37: {  	[tilespmem:v10+s10+$0x0] =	vst.idx.add.f32.msk $0xffff, v9  }
0x38: {  	v10 =	vld [tilespmem:$0x30];
	_ =	sdelay $0x7  }
0x39: {  	[tilespmem:v10+s10+$0x0] =	vst.idx.add.f32.msk $0xffff, v9  }
0x3a: {  	v10 =	vld [tilespmem:$0x40];
	_ =	sdelay $0x7  }
0x3b: {  	[tilespmem:v10+s10+$0x0] =	vst.idx.add.f32.msk $0xffff, v9  }
0x3c: {  	v10 =	vld [tilespmem:$0x50];
	_ =	sdelay $0x7  }
0x3d: {  	[tilespmem:v10+s10+$0x0] =	vst.idx.add.f32.msk $0xffff, v9  }
0x3e: {  	v10 =	vld [tilespmem:$0x60];
	_ =	sdelay $0x7  }
0x3f: {  	[tilespmem:v10+s10+$0x0] =	vst.idx.add.f32.msk $0xffff, v9  }
0x40: {  	v10 =	vld [tilespmem:$0x70];
	_ =	sdelay $0x7  }
0x41: {  	[tilespmem:v10+s10+$0x0] =	vst.idx.add.f32.msk $0xffff, v9  }
0x42: {  	v10 =	vld [tilespmem:$0x80];
	_ =	sdelay $0x7  }
0x43: {  	[tilespmem:v10+s10+$0x0] =	vst.idx.add.f32.msk $0xffff, v9  }
0x44: {  	v10 =	vld [tilespmem:$0x90];
	_ =	sdelay $0x7  }
0x45: {  	[tilespmem:v10+s10+$0x0] =	vst.idx.add.f32.msk $0xffff, v9  }
0x46: {  	v10 =	vld [tilespmem:$0xA0];
	_ =	sdelay $0x7  }
0x47: {  	[tilespmem:v10+s10+$0x0] =	vst.idx.add.f32.msk $0xffff, v9  }
0x48: {  	v10 =	vld [tilespmem:$0xB0];
	_ =	sdelay $0x7  }
0x49: {  	[tilespmem:v10+s10+$0x0] =	vst.idx.add.f32.msk $0xffff, v9  }
0x4a: {  	v10 =	vld [tilespmem:$0xC0];
	_ =	sdelay $0x7  }
0x4b: {  	[tilespmem:v10+s10+$0x0] =	vst.idx.add.f32.msk $0xffff, v9  }
0x4c: {  	v10 =	vld [tilespmem:$0xD0];
	_ =	sdelay $0x7  }
0x4d: {  	[tilespmem:v10+s10+$0x0] =	vst.idx.add.f32.msk $0xffff, v9  }
0x4e: {  	v10 =	vld [tilespmem:$0xE0];
	_ =	sdelay $0x7  }
0x4f: {  	[tilespmem:v10+s10+$0x0] =	vst.idx.add.f32.msk $0xffff, v9  }
0x50: {  	v10 =	vld [tilespmem:$0xF0];
	_ =	sdelay $0x7  }
0x51: {  	[tilespmem:v10+s10+$0x0] =	vst.idx.add.f32.msk $0xffff, v9  }
0x52: {  	v10 =	vld [tilespmem:$0x100];
	_ =	sdelay $0x7  }
0x53: {  	[tilespmem:v10+s10+$0x0] =	vst.idx.add.f32.msk $0xffff, v9  }
0x54: {  	v10 =	vld [tilespmem:$0x110];
	_ =	sdelay $0x7  }
0x55: {  	[tilespmem:v10+s10+$0x0] =	vst.idx.add.f32.msk $0xffff, v9  }
0x56: {  	v10 =	vld [tilespmem:$0x120];
	_ =	sdelay $0x7  }
0x57: {  	[tilespmem:v10+s10+$0x0] =	vst.idx.add.f32.msk $0xffff, v9  }
0x58: {  	v10 =	vld [tilespmem:$0x130];
	_ =	sdelay $0x7  }
0x59: {  	[tilespmem:v10+s10+$0x0] =	vst.idx.add.f32.msk $0xffff, v9  }
0x5a: {  	v10 =	vld [tilespmem:$0x140];
	_ =	sdelay $0x7  }
0x5b: {  	[tilespmem:v10+s10+$0x0] =	vst.idx.add.f32.msk $0xffff, v9  }
0x5c: {  	v10 =	vld [tilespmem:$0x150];
	_ =	sdelay $0x7  }
0x5d: {  	[tilespmem:v10+s10+$0x0] =	vst.idx.add.f32.msk $0xffff, v9  }
0x5e: {  	v10 =	vld [tilespmem:$0x160];
	_ =	sdelay $0x7  }
0x5f: {  	[tilespmem:v10+s10+$0x0] =	vst.idx.add.f32.msk $0xffff, v9  }
0x60: {  	v10 =	vld [tilespmem:$0x170];
	_ =	sdelay $0x7  }
0x61: {  	[tilespmem:v10+s10+$0x0] =	vst.idx.add.f32.msk $0xffff, v9  }
0x62: {  	v10 =	vld [tilespmem:$0x180];
	_ =	sdelay $0x7  }
0x63: {  	[tilespmem:v10+s10+$0x0] =	vst.idx.add.f32.msk $0xffff, v9  }
0x64: {  	v10 =	vld [tilespmem:$0x190];
	_ =	sdelay $0x7  }
0x65: {  	[tilespmem:v10+s10+$0x0] =	vst.idx.add.f32.msk $0xffff, v9  }
0x66: {  	v10 =	vld [tilespmem:$0x1A0];
	_ =	sdelay $0x7  }
0x67: {  	[tilespmem:v10+s10+$0x0] =	vst.idx.add.f32.msk $0xffff, v9  }
0x68: {  	v10 =	vld [tilespmem:$0x1B0];
	_ =	sdelay $0x7  }
0x69: {  	[tilespmem:v10+s10+$0x0] =	vst.idx.add.f32.msk $0xffff, v9  }
0x6a: {  	v10 =	vld [tilespmem:$0x1C0];
	_ =	sdelay $0x7  }
0x6b: {  	[tilespmem:v10+s10+$0x0] =	vst.idx.add.f32.msk $0xffff, v9  }
0x6c: {  	v10 =	vld [tilespmem:$0x1D0];
	_ =	sdelay $0x7  }
0x6d: {  	[tilespmem:v10+s10+$0x0] =	vst.idx.add.f32.msk $0xffff, v9  }
0x6e: {  	v10 =	vld [tilespmem:$0x1E0];
	_ =	sdelay $0x7  }
0x6f: {  	[tilespmem:v10+s10+$0x0] =	vst.idx.add.f32.msk $0xffff, v9  }
0x70: {  	v10 =	vld [tilespmem:$0x1F0];
	_ =	sdelay $0x7  }
0x71: {  	[tilespmem:v10+s10+$0x0] =	vst.idx.add.f32.msk $0xffff, v9  }
0x72: {  	v10 =	vld [tilespmem:$0x200];
	_ =	sdelay $0x7  }
0x73: {  	[tilespmem:v10+s10+$0x0] =	vst.idx.add.f32.msk $0xffff, v9  }
0x74: {  	v10 =	vld [tilespmem:$0x210];
	_ =	sdelay $0x7  }
0x75: {  	[tilespmem:v10+s10+$0x0] =	vst.idx.add.f32.msk $0xffff, v9  }
0x76: {  	v10 =	vld [tilespmem:$0x220];
	_ =	sdelay $0x7  }
0x77: {  	[tilespmem:v10+s10+$0x0] =	vst.idx.add.f32.msk $0xffff, v9  }
0x78: {  	v10 =	vld [tilespmem:$0x230];
	_ =	sdelay $0x7  }
0x79: {  	[tilespmem:v10+s10+$0x0] =	vst.idx.add.f32.msk $0xffff, v9  }
0x7a: {  	v10 =	vld [tilespmem:$0x240];
	_ =	sdelay $0x7  }
0x7b: {  	[tilespmem:v10+s10+$0x0] =	vst.idx.add.f32.msk $0xffff, v9  }
0x7c: {  	v10 =	vld [tilespmem:$0x250];
	_ =	sdelay $0x7  }
0x7d: {  	[tilespmem:v10+s10+$0x0] =	vst.idx.add.f32.msk $0xffff, v9  }
0x7e: {  	v10 =	vld [tilespmem:$0x260];
	_ =	sdelay $0x7  }
0x7f: {  	[tilespmem:v10+s10+$0x0] =	vst.idx.add.f32.msk $0xffff, v9  }
0x80: {  	v10 =	vld [tilespmem:$0x270];
	_ =	sdelay $0x7  }
0x81: {  	[tilespmem:v10+s10+$0x0] =	vst.idx.add.f32.msk $0xffff, v9  }
0x82: {  	v10 =	vld [tilespmem:$0x280];
	_ =	sdelay $0x7  }
0x83: {  	[tilespmem:v10+s10+$0x0] =	vst.idx.add.f32.msk $0xffff, v9  }
0x84: {  	v10 =	vld [tilespmem:$0x290];
	_ =	sdelay $0x7  }
0x85: {  	[tilespmem:v10+s10+$0x0] =	vst.idx.add.f32.msk $0xffff, v9  }
0x86: {  	v10 =	vld [tilespmem:$0x2A0];
	_ =	sdelay $0x7  }
0x87: {  	[tilespmem:v10+s10+$0x0] =	vst.idx.add.f32.msk $0xffff, v9  }
0x88: {  	v10 =	vld [tilespmem:$0x2B0];
	_ =	sdelay $0x7  }
0x89: {  	[tilespmem:v10+s10+$0x0] =	vst.idx.add.f32.msk $0xffff, v9  }
0x8a: {  	v10 =	vld [tilespmem:$0x2C0];
	_ =	sdelay $0x7  }
0x8b: {  	[tilespmem:v10+s10+$0x0] =	vst.idx.add.f32.msk $0xffff, v9  }
0x8c: {  	v10 =	vld [tilespmem:$0x2D0];
	_ =	sdelay $0x7  }
0x8d: {  	[tilespmem:v10+s10+$0x0] =	vst.idx.add.f32.msk $0xffff, v9  }
0x8e: {  	v10 =	vld [tilespmem:$0x2E0];
	_ =	sdelay $0x7  }
0x8f: {  	[tilespmem:v10+s10+$0x0] =	vst.idx.add.f32.msk $0xffff, v9  }
0x90: {  	v10 =	vld [tilespmem:$0x2F0];
	_ =	sdelay $0x7  }
0x91: {  	[tilespmem:v10+s10+$0x0] =	vst.idx.add.f32.msk $0xffff, v9  }
0x92: {  	v10 =	vld [tilespmem:$0x300];
	_ =	sdelay $0x7  }
0x93: {  	[tilespmem:v10+s10+$0x0] =	vst.idx.add.f32.msk $0xffff, v9  }
0x94: {  	v10 =	vld [tilespmem:$0x310];
	_ =	sdelay $0x7  }
0x95: {  	[tilespmem:v10+s10+$0x0] =	vst.idx.add.f32.msk $0xffff, v9  }
0x96: {  	v10 =	vld [tilespmem:$0x320];
	_ =	sdelay $0x7  }
0x97: {  	[tilespmem:v10+s10+$0x0] =	vst.idx.add.f32.msk $0xffff, v9  }
0x98: {  	v10 =	vld [tilespmem:$0x330];
	_ =	sdelay $0x7  }
0x99: {  	[tilespmem:v10+s10+$0x0] =	vst.idx.add.f32.msk $0xffff, v9  }
0x9a: {  	v10 =	vld [tilespmem:$0x340];
	_ =	sdelay $0x7  }
0x9b: {  	[tilespmem:v10+s10+$0x0] =	vst.idx.add.f32.msk $0xffff, v9  }
0x9c: {  	v10 =	vld [tilespmem:$0x350];
	_ =	sdelay $0x7  }
0x9d: {  	[tilespmem:v10+s10+$0x0] =	vst.idx.add.f32.msk $0xffff, v9  }
0x9e: {  	v10 =	vld [tilespmem:$0x360];
	_ =	sdelay $0x7  }
0x9f: {  	[tilespmem:v10+s10+$0x0] =	vst.idx.add.f32.msk $0xffff, v9  }
0xa0: {  	v10 =	vld [tilespmem:$0x370];
	_ =	sdelay $0x7  }
0xa1: {  	[tilespmem:v10+s10+$0x0] =	vst.idx.add.f32.msk $0xffff, v9  }
0xa2: {  	v10 =	vld [tilespmem:$0x380];
	_ =	sdelay $0x7  }
0xa3: {  	[tilespmem:v10+s10+$0x0] =	vst.idx.add.f32.msk $0xffff, v9  }
0xa4: {  	v10 =	vld [tilespmem:$0x390];
	_ =	sdelay $0x7  }
0xa5: {  	[tilespmem:v10+s10+$0x0] =	vst.idx.add.f32.msk $0xffff, v9  }
0xa6: {  	v10 =	vld [tilespmem:$0x3A0];
	_ =	sdelay $0x7  }
0xa7: {  	[tilespmem:v10+s10+$0x0] =	vst.idx.add.f32.msk $0xffff, v9  }
0xa8: {  	v10 =	vld [tilespmem:$0x3B0];
	_ =	sdelay $0x7  }
0xa9: {  	[tilespmem:v10+s10+$0x0] =	vst.idx.add.f32.msk $0xffff, v9  }
0xaa: {  	v10 =	vld [tilespmem:$0x3C0];
	_ =	sdelay $0x7  }
0xab: {  	[tilespmem:v10+s10+$0x0] =	vst.idx.add.f32.msk $0xffff, v9  }
0xac: {  	v10 =	vld [tilespmem:$0x3D0];
	_ =	sdelay $0x7  }
0xad: {  	[tilespmem:v10+s10+$0x0] =	vst.idx.add.f32.msk $0xffff, v9  }
0xae: {  	v10 =	vld [tilespmem:$0x3E0];
	_ =	sdelay $0x7  }
0xaf: {  	[tilespmem:v10+s10+$0x0] =	vst.idx.add.f32.msk $0xffff, v9  }
0xb0: {  	v10 =	vld [tilespmem:$0x3F0];
	_ =	sdelay $0x2  }
0xb1: {  	p0 =	sne.s32 s16, $0x480  }
.Ltmp1:
0xb2: {  	_ = 	snop;
	(pc) =	sbr.rel @p0 .LBB2_4-.Ltmp1, $2  }
0xb3: {  	_ =	sdelay $0x2  }
0xb4: {  	s16 =	sadd.s32 $0x80, s16;
	[tilespmem:v10+s10+$0x0] =	vst.idx.add.f32.msk $0xffff, v9  }
0xb5: {  	[spmem:s2] =	stream.indirect.scatter.add.f32 [tilespmem:s10], [sflag:$0x1], $0x80, s12, s11, $0xb8;
	[tilespmem:$0x4880] =	vst v63  }
0xb6: {  	_ =	swait.ge [sflag:s9], $0x4000  }
0xb7: {  	s15 =	sadd.s32 $0x1, s15;
	[sflag:s9] =	ssyncset.done $0x0  }
0xb8: {  	p0 =	sne.s32 s15, s7;
	[sflag:s9] =	ssyncadd.s32 $0xFFFFC000  }
.Ltmp2:
0xb9: {  	[bflag:$0x0] =	sbarrier.arrive $0xFFFF;
	(pc) =	sbr.rel @p0 .LBB2_1-.Ltmp2, $4  }
0xba: {  	[hbm:s6], [sflag:s13] =	dma.local [spmem:s14], $0x80  }
0xbb: {  	_ =	swait.ge [sflag:s9], $0x80  }
0xbc: {  	[sflag:s9] =	ssyncset.done $0x0  }
0xbd: {  	[sflag:s9] =	ssyncadd.s32 $0xFFFFFF80  }
0xbe: {  	_ =	sfence.sel $0x180000  }
0xbf: {  	[bflag:$0x0] =	sbarrier.arrive $0xFFFF  }
0xc0: {  	p0 =	sne.s32 s0, $0x0;
	_ =	strace $0x90000047  }
0xc1: {  	s0 =	sadd.s32 @!p0 $0x100000, s1;
	[bflag:$0x2] =	sbarrier.arrive $0xFFFF  }
0xc2: {  	[sflag:s0] =	ssyncadd.tile.s32 @!p0 $0x1;
	_ =	shalt  }
.Lfunc_end2:
_tile_overlayer_lowered:
.L_overlay_start_2:
0xc3: {  	(tag) =	ssettag $0x2  }
0xc4: {  	s0 =	rddreg [dreg:$0x0];
	s2 =	stileid.u32  }
0xc5: {  	s1 =	rddreg [dreg:$0x1];
	p0 =	sne.s32 s2, $0x0  }
0xc6: {  	s3 =	rddreg [dreg:$0x2];
	[bflag:$0x3] =	sbarrier.arrive $0xFFFF;
	s2 =	simm.s32 @!p0 $0x1C01  }
0xc7: {  	[timem:s3], [sflag:s2] =	dma.local @!p0 [hbm:s0], s1  }
0xc8: {  	s0 =	simm.s32 @!p0 $0x1  }
0xc9: {  	_ =	swait.ge @!p0 [sflag:s0], s1  }
0xca: {  	s1 =	ssub.s32 @!p0 $0x0, s1;
	[sflag:s0] =	ssyncset.done @!p0 $0x0  }
0xcb: {  	[sflag:s0] =	ssyncadd.s32 @!p0 s1  }
0xcc: {  	[bflag:$0x3] =	sbarrier.arrive $0xFFFF  }
0xcd: {  	_ =	shalt  }

</sc_bundles>
